<compile_context>
chip_gen: v7x
topology: tpu7x:2x2x1
jax: 0.10.2.dev20260603
libtpu: 0.0.44.dev20260713+nightly
codegen_flags: <defaults>
</compile_context>

<pallas_src>
import functools

import jax
import jax.numpy as jnp
from jax import lax
from jax.experimental import pallas as pl
from jax.experimental.pallas import tpu as pltpu
from jax.experimental.pallas import tpu_sc as plsc

VOCAB = 1000000
DIM = 64
B = 1024
L = 200
ALPHA = 5.0
SCALE = ALPHA / (L ** 0.5)

N_ROWS = B * L
N_ELEMS = N_ROWS * DIM
FLAT_COLS = 128
FLAT_ROWS = N_ELEMS // FLAT_COLS

NC, NS = 2, 16
NW = NC * NS
RPW = N_ROWS // NW
CH = 128
NCHUNK = RPW // CH
NBUF = 5
CHF = CH * DIM


def _sc_body(ids_hbm, table_hbm, noise_hbm, out_hbm,
             idx_v, rows_v, noise_v, sem_g, sem_n, sem_w):
    wid = lax.axis_index("s") * NC + lax.axis_index("c")
    base = wid * RPW
    pltpu.sync_copy(ids_hbm.at[pl.ds(base, RPW)], idx_v)

    def start_gather(c, b):
        off = pl.multiple_of(c * CH, 8)
        pltpu.async_copy(
            table_hbm.at[idx_v.at[pl.ds(off, CH)]], rows_v.at[b],
            sem_g.at[b])

    def wait_gather(b):
        pltpu.make_async_copy(
            table_hbm.at[pl.ds(0, CH)], rows_v.at[b], sem_g.at[b]).wait()

    def start_noise(c, b):
        off = pl.multiple_of((base + c * CH) * DIM, CHF)
        pltpu.async_copy(
            noise_hbm.at[pl.ds(off, CHF)], noise_v.at[b], sem_n.at[b])

    def wait_noise(b):
        pltpu.make_async_copy(
            noise_hbm.at[pl.ds(0, CHF)], noise_v.at[b], sem_n.at[b]).wait()

    def add_noise(c, b):
        @pl.loop(0, CH, step=1, unroll=4)
        def _tok(t):
            for j in range(DIM // 16):
                o = pl.multiple_of(t * DIM + j * 16, 16)
                rows_v[b, t, pl.ds(j * 16, 16)] = (
                    rows_v[b, t, pl.ds(j * 16, 16)]
                    + noise_v[b, pl.ds(o, 16)])

    def start_write(c, b):
        off = pl.multiple_of(base + c * CH, 8)
        pltpu.async_copy(
            rows_v.at[b], out_hbm.at[pl.ds(off, CH)], sem_w.at[b])

    def wait_write(b):
        pltpu.make_async_copy(
            rows_v.at[b], out_hbm.at[pl.ds(0, CH)], sem_w.at[b]).wait()

    for b in range(NBUF):
        start_gather(b, b)
        start_noise(b, b)

    @pl.loop(0, NCHUNK - NBUF, step=NBUF)
    def _steady(g):
        for b in range(NBUF):
            c = g + b
            wait_gather(b)
            wait_noise(b)
            add_noise(c, b)
            start_write(c, b)
            wait_write(b)
            start_gather(c + NBUF, b)
            start_noise(c + NBUF, b)

    for b in range(NBUF):
        c = NCHUNK - NBUF + b
        wait_gather(b)
        wait_noise(b)
        add_noise(c, b)
        start_write(c, b)
        wait_write(b)


@functools.lru_cache(maxsize=None)
def _sc_gather():
    mesh = plsc.VectorSubcoreMesh(
        core_axis_name="c", subcore_axis_name="s",
        num_cores=NC, num_subcores=NS)
    return pl.kernel(
        _sc_body,
        mesh=mesh,
        out_type=jax.ShapeDtypeStruct((N_ROWS, DIM), jnp.float32),
        scratch_types=[
            pltpu.VMEM((RPW,), jnp.int32),
            pltpu.VMEM((NBUF, CH, DIM), jnp.float32),
            pltpu.VMEM((NBUF, CHF), jnp.float32),
            pltpu.SemaphoreType.DMA((NBUF,)),
            pltpu.SemaphoreType.DMA((NBUF,)),
            pltpu.SemaphoreType.DMA((NBUF,)),
        ],
        compiler_params=pltpu.CompilerParams(
            use_tc_tiling_on_sc=False, needs_layout_passes=False),
    )



NR_BLK = 2048
N_BLKS = FLAT_ROWS // NR_BLK

_ROT = ((13, 15, 26, 6), (17, 29, 16, 24))
_KS = (0, 42, 0 ^ 42 ^ 0x1BD11BDA)


def _noise_body(out_ref):
    pid = pl.program_id(0)
    flat0 = (pid * (NR_BLK * FLAT_COLS)).astype(jnp.uint32)
    r = lax.broadcasted_iota(jnp.uint32, (NR_BLK, FLAT_COLS), 0)
    c = lax.broadcasted_iota(jnp.uint32, (NR_BLK, FLAT_COLS), 1)
    i = flat0 + r * jnp.uint32(FLAT_COLS) + c
    x0 = jnp.zeros_like(i)
    x1 = i + jnp.uint32(_KS[1])
    for g in range(5):
        for rot in _ROT[g % 2]:
            x0 = x0 + x1
            x1 = (x1 << jnp.uint32(rot)) | (x1 >> jnp.uint32(32 - rot))
            x1 = x1 ^ x0
        x0 = x0 + jnp.uint32(_KS[(g + 1) % 3])
        x1 = x1 + jnp.uint32(_KS[(g + 2) % 3] + g + 1)
    bits = x0 ^ x1
    fb = (bits >> jnp.uint32(9)) | jnp.uint32(0x3F800000)
    f = lax.bitcast_convert_type(fb, jnp.float32) - jnp.float32(1.0)
    out_ref[...] = f * jnp.float32(2.0 * SCALE) + jnp.float32(-SCALE)


_noise = pl.pallas_call(
    _noise_body,
    grid=(N_BLKS,),
    out_specs=pl.BlockSpec((NR_BLK, FLAT_COLS), lambda g: (g, 0)),
    out_shape=jax.ShapeDtypeStruct((FLAT_ROWS, FLAT_COLS), jnp.float32),
)


@jax.jit
def kernel(input_ids, table):
    ids = input_ids.reshape(-1)
    noise = _noise().reshape(-1)
    out = _sc_gather()(ids, table, noise)
    return out.reshape(B, L, DIM)

# --- scband reference (transcript-rebuilt; emitter-appended) ---
"""Pipeline reference for scband-neftune-embedding-64278480552143 (READ-ONLY COPY).

The authoritative reference and input builder live on the scoring server;
editing this copy changes nothing except your own understanding.
"""

import jax, jax.numpy as jnp
import numpy as np

VOCAB = 1000000
DIM = 64
B = 1024
L = 200
ALPHA = 5.0


def setup_inputs(seed: int = 0) -> dict:
    key = jax.random.key(seed)
    k_ids, k_tab = jax.random.split(key)
    input_ids = jax.random.randint(k_ids, (B, L), 0, VOCAB, dtype=jnp.int32)
    table = jax.random.normal(k_tab, (VOCAB, DIM), dtype=jnp.float32) * 0.02
    return {"input_ids": input_ids, "table": table}


def reference(input_ids, table):
    # Embedding lookup: gather rows of the table (SparseCore-friendly gather)
    embeddings = jnp.take(table, input_ids, axis=0)  # [B, L, DIM]
    # NEFTune training-mode noise: e' = e + U(-alpha/sqrt(L), alpha/sqrt(L))
    seq_len = embeddings.shape[1]
    noise_scale = ALPHA / (seq_len ** 0.5)
    noise = jax.random.uniform(
        jax.random.key(42),
        embeddings.shape,
        minval=-noise_scale,
        maxval=noise_scale,
        dtype=embeddings.dtype,
    )
    return embeddings + noise

if __name__ == "__main__":
    import jax
    _d = setup_inputs()
    print(jax.jit(kernel)(*tuple(_d.values())))

</pallas_src>

<mosaic_0001>
#map = affine_map<(d0, d1) -> (0)>
#map1 = affine_map<(d0, d1) -> (0, 0)>
module attributes {stable_mosaic.version = 14 : i64} {
  func.func @_sc_body(%arg0: i32, %arg1: i32, %arg2: memref<204800xi32, #tpu.memory_space<hbm>>, %arg3: memref<1000000x64xf32, #tpu.memory_space<hbm>>, %arg4: memref<13107200xf32, #tpu.memory_space<hbm>>, %arg5: memref<204800x64xf32, #tpu.memory_space<hbm>>, %arg6: memref<6400xi32, #tpu.memory_space<vmem>>, %arg7: memref<5x128x64xf32, #tpu.memory_space<vmem>>, %arg8: memref<5x8192xf32, #tpu.memory_space<vmem>>, %arg9: memref<5x!tpu.dma_semaphore, #tpu.memory_space<semaphore_mem>>, %arg10: memref<5x!tpu.dma_semaphore, #tpu.memory_space<semaphore_mem>>, %arg11: memref<5x!tpu.dma_semaphore, #tpu.memory_space<semaphore_mem>>) attributes {dimension_semantics = [#tpu.dimension_semantics<core_parallel>, #tpu.dimension_semantics<subcore_parallel>], iteration_bounds = array<i64: 2, 16>, scalar_prefetch = 0 : i64, scratch_operands = 6 : i64, tpu.core_type = #tpu.core_type<sc_vector_subcore>, window_params = [{transform_indices = #map}, {transform_indices = #map1}, {transform_indices = #map}, {transform_indices = #map1}]} {
    %mul3A = arith.constant 2 : i32
    %mul3A_0 = arith.muli %arg1, %mul3A : i32
    %add3A = arith.addi %mul3A_0, %arg0 : i32
    %mul3A_1 = arith.constant 6400 : i32
    %mul3A_2 = arith.muli %add3A, %mul3A_1 : i32
    "tpu.region"() ({
      %run_scoped3A = tpu.sem_alloc : memref<!tpu.dma_semaphore, #tpu.memory_space<semaphore_mem>>
      %dma_start3A_529 = tpu.memref_slice %arg2[%mul3A_2] : memref<204800xi32, #tpu.memory_space<hbm>> -> memref<6400xi32, #tpu.memory_space<hbm>>
      %dma_start3A_530 = tpu.memref_slice %arg2[%mul3A_2] : memref<204800xi32, #tpu.memory_space<hbm>> -> memref<6400xi32, #tpu.memory_space<hbm>>
      tpu.enqueue_dma source(%dma_start3A_530 : memref<6400xi32, #tpu.memory_space<hbm>>) target(%arg6 : memref<6400xi32, #tpu.memory_space<vmem>>) target_semaphore(%run_scoped3A : memref<!tpu.dma_semaphore, #tpu.memory_space<semaphore_mem>>)
      %dma_wait3A_531 = tpu.memref_slice %arg2[%mul3A_2] : memref<204800xi32, #tpu.memory_space<hbm>> -> memref<6400xi32, #tpu.memory_space<hbm>>
      %dma_wait3A_532 = tpu.memref_slice %arg2[%mul3A_2] : memref<204800xi32, #tpu.memory_space<hbm>> -> memref<6400xi32, #tpu.memory_space<hbm>>
      tpu.wait_dma2 semaphore(%run_scoped3A : memref<!tpu.dma_semaphore, #tpu.memory_space<semaphore_mem>>) src(%dma_wait3A_532 : memref<6400xi32, #tpu.memory_space<hbm>>) dst(%arg6 : memref<6400xi32, #tpu.memory_space<vmem>>)
      tpu.yield
    }) : () -> ()
    %multiple_of3A = arith.constant 0 : i32
    %multiple_of3A_3 = tpu.assume_multiple %multiple_of3A, 8 : i32
    %dma_start3A = arith.constant 0 : i32
    %dma_start3A_4 = arith.constant 0 : i32
    %dma_start3A_5 = arith.constant 0 : i32
    %dma_start3A_6 = arith.constant 0 : i32
    %dma_start3A_7 = tpu.memref_slice %arg7[%dma_start3A, %dma_start3A_5, %dma_start3A_6] : memref<5x128x64xf32, #tpu.memory_space<vmem>> -> memref<1x128x64xf32, #tpu.memory_space<vmem>>
    %dma_start3A_8 = tpu.memref_squeeze %dma_start3A_7 : memref<1x128x64xf32, #tpu.memory_space<vmem>> -> memref<128x64xf32, #tpu.memory_space<vmem>>
    %dma_start3A_9 = tpu.memref_slice %arg6[%multiple_of3A_3] : memref<6400xi32, #tpu.memory_space<vmem>> -> memref<128xi32, #tpu.memory_space<vmem>>
    %dma_start3A_10 = arith.constant 0 : i32
    %dma_start3A_11 = arith.constant 0 : i32
    %dma_start3A_12 = tpu.memref_slice %arg3[%dma_start3A_10, %dma_start3A_11] : memref<1000000x64xf32, #tpu.memory_space<hbm>> -> memref<1000000x64xf32, #tpu.memory_space<hbm>>
    %dma_start3A_13 = tpu.memref_slice %arg9[%dma_start3A_4] : memref<5x!tpu.dma_semaphore, #tpu.memory_space<semaphore_mem>> -> memref<1x!tpu.dma_semaphore, #tpu.memory_space<semaphore_mem>>
    %dma_start3A_14 = tpu.memref_squeeze %dma_start3A_13 : memref<1x!tpu.dma_semaphore, #tpu.memory_space<semaphore_mem>> -> memref<!tpu.dma_semaphore, #tpu.memory_space<semaphore_mem>>
    tpu.enqueue_indirect_dma source(%dma_start3A_12 : memref<1000000x64xf32, #tpu.memory_space<hbm>>) target(%dma_start3A_8 : memref<128x64xf32, #tpu.memory_space<vmem>>) offsets(%dma_start3A_9 : memref<128xi32, #tpu.memory_space<vmem>>) semaphore(%dma_start3A_14 : memref<!tpu.dma_semaphore, #tpu.memory_space<semaphore_mem>>)
    %add3A_15 = arith.constant 0 : i32
    %add3A_16 = arith.addi %mul3A_2, %add3A_15 : i32
    %mul3A_17 = arith.constant 64 : i32
    %mul3A_18 = arith.muli %add3A_16, %mul3A_17 : i32
    %multiple_of3A_19 = tpu.assume_multiple %mul3A_18, 8192 : i32
    %dma_start3A_20 = arith.constant 0 : i32
    %dma_start3A_21 = arith.constant 0 : i32
    %dma_start3A_22 = arith.constant 0 : i32
    %dma_start3A_23 = tpu.memref_slice %arg8[%dma_start3A_20, %dma_start3A_22] : memref<5x8192xf32, #tpu.memory_space<vmem>> -> memref<1x8192xf32, #tpu.memory_space<vmem>>
    %dma_start3A_24 = tpu.memref_squeeze %dma_start3A_23 : memref<1x8192xf32, #tpu.memory_space<vmem>> -> memref<8192xf32, #tpu.memory_space<vmem>>
    %dma_start3A_25 = tpu.memref_slice %arg4[%multiple_of3A_19] : memref<13107200xf32, #tpu.memory_space<hbm>> -> memref<8192xf32, #tpu.memory_space<hbm>>
    %dma_start3A_26 = tpu.memref_slice %arg10[%dma_start3A_21] : memref<5x!tpu.dma_semaphore, #tpu.memory_space<semaphore_mem>> -> memref<1x!tpu.dma_semaphore, #tpu.memory_space<semaphore_mem>>
    %dma_start3A_27 = tpu.memref_squeeze %dma_start3A_26 : memref<1x!tpu.dma_semaphore, #tpu.memory_space<semaphore_mem>> -> memref<!tpu.dma_semaphore, #tpu.memory_space<semaphore_mem>>
    %dma_start3A_28 = arith.constant 0 : i32
    %dma_start3A_29 = tpu.memref_slice %arg8[%dma_start3A_20, %dma_start3A_28] : memref<5x8192xf32, #tpu.memory_space<vmem>> -> memref<1x8192xf32, #tpu.memory_space<vmem>>
    %dma_start3A_30 = tpu.memref_squeeze %dma_start3A_29 : memref<1x8192xf32, #tpu.memory_space<vmem>> -> memref<8192xf32, #tpu.memory_space<vmem>>
    %dma_start3A_31 = tpu.memref_slice %arg4[%multiple_of3A_19] : memref<13107200xf32, #tpu.memory_space<hbm>> -> memref<8192xf32, #tpu.memory_space<hbm>>
    tpu.enqueue_dma source(%dma_start3A_31 : memref<8192xf32, #tpu.memory_space<hbm>>) target(%dma_start3A_30 : memref<8192xf32, #tpu.memory_space<vmem>>) target_semaphore(%dma_start3A_27 : memref<!tpu.dma_semaphore, #tpu.memory_space<semaphore_mem>>)
    %multiple_of3A_32 = arith.constant 128 : i32
    %multiple_of3A_33 = tpu.assume_multiple %multiple_of3A_32, 8 : i32
    %dma_start3A_34 = arith.constant 1 : i32
    %dma_start3A_35 = arith.constant 1 : i32
    %dma_start3A_36 = arith.constant 0 : i32
    %dma_start3A_37 = arith.constant 0 : i32
    %dma_start3A_38 = tpu.memref_slice %arg7[%dma_start3A_34, %dma_start3A_36, %dma_start3A_37] : memref<5x128x64xf32, #tpu.memory_space<vmem>> -> memref<1x128x64xf32, #tpu.memory_space<vmem>>
    %dma_start3A_39 = tpu.memref_squeeze %dma_start3A_38 : memref<1x128x64xf32, #tpu.memory_space<vmem>> -> memref<128x64xf32, #tpu.memory_space<vmem>>
    %dma_start3A_40 = tpu.memref_slice %arg6[%multiple_of3A_33] : memref<6400xi32, #tpu.memory_space<vmem>> -> memref<128xi32, #tpu.memory_space<vmem>>
    %dma_start3A_41 = arith.constant 0 : i32
    %dma_start3A_42 = arith.constant 0 : i32
    %dma_start3A_43 = tpu.memref_slice %arg3[%dma_start3A_41, %dma_start3A_42] : memref<1000000x64xf32, #tpu.memory_space<hbm>> -> memref<1000000x64xf32, #tpu.memory_space<hbm>>
    %dma_start3A_44 = tpu.memref_slice %arg9[%dma_start3A_35] : memref<5x!tpu.dma_semaphore, #tpu.memory_space<semaphore_mem>> -> memref<1x!tpu.dma_semaphore, #tpu.memory_space<semaphore_mem>>
    %dma_start3A_45 = tpu.memref_squeeze %dma_start3A_44 : memref<1x!tpu.dma_semaphore, #tpu.memory_space<semaphore_mem>> -> memref<!tpu.dma_semaphore, #tpu.memory_space<semaphore_mem>>
    tpu.enqueue_indirect_dma source(%dma_start3A_43 : memref<1000000x64xf32, #tpu.memory_space<hbm>>) target(%dma_start3A_39 : memref<128x64xf32, #tpu.memory_space<vmem>>) offsets(%dma_start3A_40 : memref<128xi32, #tpu.memory_space<vmem>>) semaphore(%dma_start3A_45 : memref<!tpu.dma_semaphore, #tpu.memory_space<semaphore_mem>>)
    %add3A_46 = arith.constant 128 : i32
    %add3A_47 = arith.addi %mul3A_2, %add3A_46 : i32
    %mul3A_48 = arith.constant 64 : i32
    %mul3A_49 = arith.muli %add3A_47, %mul3A_48 : i32
    %multiple_of3A_50 = tpu.assume_multiple %mul3A_49, 8192 : i32
    %dma_start3A_51 = arith.constant 1 : i32
    %dma_start3A_52 = arith.constant 1 : i32
    %dma_start3A_53 = arith.constant 0 : i32
    %dma_start3A_54 = tpu.memref_slice %arg8[%dma_start3A_51, %dma_start3A_53] : memref<5x8192xf32, #tpu.memory_space<vmem>> -> memref<1x8192xf32, #tpu.memory_space<vmem>>
    %dma_start3A_55 = tpu.memref_squeeze %dma_start3A_54 : memref<1x8192xf32, #tpu.memory_space<vmem>> -> memref<8192xf32, #tpu.memory_space<vmem>>
    %dma_start3A_56 = tpu.memref_slice %arg4[%multiple_of3A_50] : memref<13107200xf32, #tpu.memory_space<hbm>> -> memref<8192xf32, #tpu.memory_space<hbm>>
    %dma_start3A_57 = tpu.memref_slice %arg10[%dma_start3A_52] : memref<5x!tpu.dma_semaphore, #tpu.memory_space<semaphore_mem>> -> memref<1x!tpu.dma_semaphore, #tpu.memory_space<semaphore_mem>>
    %dma_start3A_58 = tpu.memref_squeeze %dma_start3A_57 : memref<1x!tpu.dma_semaphore, #tpu.memory_space<semaphore_mem>> -> memref<!tpu.dma_semaphore, #tpu.memory_space<semaphore_mem>>
    %dma_start3A_59 = arith.constant 0 : i32
    %dma_start3A_60 = tpu.memref_slice %arg8[%dma_start3A_51, %dma_start3A_59] : memref<5x8192xf32, #tpu.memory_space<vmem>> -> memref<1x8192xf32, #tpu.memory_space<vmem>>
    %dma_start3A_61 = tpu.memref_squeeze %dma_start3A_60 : memref<1x8192xf32, #tpu.memory_space<vmem>> -> memref<8192xf32, #tpu.memory_space<vmem>>
    %dma_start3A_62 = tpu.memref_slice %arg4[%multiple_of3A_50] : memref<13107200xf32, #tpu.memory_space<hbm>> -> memref<8192xf32, #tpu.memory_space<hbm>>
    tpu.enqueue_dma source(%dma_start3A_62 : memref<8192xf32, #tpu.memory_space<hbm>>) target(%dma_start3A_61 : memref<8192xf32, #tpu.memory_space<vmem>>) target_semaphore(%dma_start3A_58 : memref<!tpu.dma_semaphore, #tpu.memory_space<semaphore_mem>>)
    %multiple_of3A_63 = arith.constant 256 : i32
    %multiple_of3A_64 = tpu.assume_multiple %multiple_of3A_63, 8 : i32
    %dma_start3A_65 = arith.constant 2 : i32
    %dma_start3A_66 = arith.constant 2 : i32
    %dma_start3A_67 = arith.constant 0 : i32
    %dma_start3A_68 = arith.constant 0 : i32
    %dma_start3A_69 = tpu.memref_slice %arg7[%dma_start3A_65, %dma_start3A_67, %dma_start3A_68] : memref<5x128x64xf32, #tpu.memory_space<vmem>> -> memref<1x128x64xf32, #tpu.memory_space<vmem>>
    %dma_start3A_70 = tpu.memref_squeeze %dma_start3A_69 : memref<1x128x64xf32, #tpu.memory_space<vmem>> -> memref<128x64xf32, #tpu.memory_space<vmem>>
    %dma_start3A_71 = tpu.memref_slice %arg6[%multiple_of3A_64] : memref<6400xi32, #tpu.memory_space<vmem>> -> memref<128xi32, #tpu.memory_space<vmem>>
    %dma_start3A_72 = arith.constant 0 : i32
    %dma_start3A_73 = arith.constant 0 : i32
    %dma_start3A_74 = tpu.memref_slice %arg3[%dma_start3A_72, %dma_start3A_73] : memref<1000000x64xf32, #tpu.memory_space<hbm>> -> memref<1000000x64xf32, #tpu.memory_space<hbm>>
    %dma_start3A_75 = tpu.memref_slice %arg9[%dma_start3A_66] : memref<5x!tpu.dma_semaphore, #tpu.memory_space<semaphore_mem>> -> memref<1x!tpu.dma_semaphore, #tpu.memory_space<semaphore_mem>>
    %dma_start3A_76 = tpu.memref_squeeze %dma_start3A_75 : memref<1x!tpu.dma_semaphore, #tpu.memory_space<semaphore_mem>> -> memref<!tpu.dma_semaphore, #tpu.memory_space<semaphore_mem>>
    tpu.enqueue_indirect_dma source(%dma_start3A_74 : memref<1000000x64xf32, #tpu.memory_space<hbm>>) target(%dma_start3A_70 : memref<128x64xf32, #tpu.memory_space<vmem>>) offsets(%dma_start3A_71 : memref<128xi32, #tpu.memory_space<vmem>>) semaphore(%dma_start3A_76 : memref<!tpu.dma_semaphore, #tpu.memory_space<semaphore_mem>>)
    %add3A_77 = arith.constant 256 : i32
    %add3A_78 = arith.addi %mul3A_2, %add3A_77 : i32
    %mul3A_79 = arith.constant 64 : i32
    %mul3A_80 = arith.muli %add3A_78, %mul3A_79 : i32
    %multiple_of3A_81 = tpu.assume_multiple %mul3A_80, 8192 : i32
    %dma_start3A_82 = arith.constant 2 : i32
    %dma_start3A_83 = arith.constant 2 : i32
    %dma_start3A_84 = arith.constant 0 : i32
    %dma_start3A_85 = tpu.memref_slice %arg8[%dma_start3A_82, %dma_start3A_84] : memref<5x8192xf32, #tpu.memory_space<vmem>> -> memref<1x8192xf32, #tpu.memory_space<vmem>>
    %dma_start3A_86 = tpu.memref_squeeze %dma_start3A_85 : memref<1x8192xf32, #tpu.memory_space<vmem>> -> memref<8192xf32, #tpu.memory_space<vmem>>
    %dma_start3A_87 = tpu.memref_slice %arg4[%multiple_of3A_81] : memref<13107200xf32, #tpu.memory_space<hbm>> -> memref<8192xf32, #tpu.memory_space<hbm>>
    %dma_start3A_88 = tpu.memref_slice %arg10[%dma_start3A_83] : memref<5x!tpu.dma_semaphore, #tpu.memory_space<semaphore_mem>> -> memref<1x!tpu.dma_semaphore, #tpu.memory_space<semaphore_mem>>
    %dma_start3A_89 = tpu.memref_squeeze %dma_start3A_88 : memref<1x!tpu.dma_semaphore, #tpu.memory_space<semaphore_mem>> -> memref<!tpu.dma_semaphore, #tpu.memory_space<semaphore_mem>>
    %dma_start3A_90 = arith.constant 0 : i32
    %dma_start3A_91 = tpu.memref_slice %arg8[%dma_start3A_82, %dma_start3A_90] : memref<5x8192xf32, #tpu.memory_space<vmem>> -> memref<1x8192xf32, #tpu.memory_space<vmem>>
    %dma_start3A_92 = tpu.memref_squeeze %dma_start3A_91 : memref<1x8192xf32, #tpu.memory_space<vmem>> -> memref<8192xf32, #tpu.memory_space<vmem>>
    %dma_start3A_93 = tpu.memref_slice %arg4[%multiple_of3A_81] : memref<13107200xf32, #tpu.memory_space<hbm>> -> memref<8192xf32, #tpu.memory_space<hbm>>
    tpu.enqueue_dma source(%dma_start3A_93 : memref<8192xf32, #tpu.memory_space<hbm>>) target(%dma_start3A_92 : memref<8192xf32, #tpu.memory_space<vmem>>) target_semaphore(%dma_start3A_89 : memref<!tpu.dma_semaphore, #tpu.memory_space<semaphore_mem>>)
    %multiple_of3A_94 = arith.constant 384 : i32
    %multiple_of3A_95 = tpu.assume_multiple %multiple_of3A_94, 8 : i32
    %dma_start3A_96 = arith.constant 3 : i32
    %dma_start3A_97 = arith.constant 3 : i32
    %dma_start3A_98 = arith.constant 0 : i32
    %dma_start3A_99 = arith.constant 0 : i32
    %dma_start3A_100 = tpu.memref_slice %arg7[%dma_start3A_96, %dma_start3A_98, %dma_start3A_99] : memref<5x128x64xf32, #tpu.memory_space<vmem>> -> memref<1x128x64xf32, #tpu.memory_space<vmem>>
    %dma_start3A_101 = tpu.memref_squeeze %dma_start3A_100 : memref<1x128x64xf32, #tpu.memory_space<vmem>> -> memref<128x64xf32, #tpu.memory_space<vmem>>
    %dma_start3A_102 = tpu.memref_slice %arg6[%multiple_of3A_95] : memref<6400xi32, #tpu.memory_space<vmem>> -> memref<128xi32, #tpu.memory_space<vmem>>
    %dma_start3A_103 = arith.constant 0 : i32
    %dma_start3A_104 = arith.constant 0 : i32
    %dma_start3A_105 = tpu.memref_slice %arg3[%dma_start3A_103, %dma_start3A_104] : memref<1000000x64xf32, #tpu.memory_space<hbm>> -> memref<1000000x64xf32, #tpu.memory_space<hbm>>
    %dma_start3A_106 = tpu.memref_slice %arg9[%dma_start3A_97] : memref<5x!tpu.dma_semaphore, #tpu.memory_space<semaphore_mem>> -> memref<1x!tpu.dma_semaphore, #tpu.memory_space<semaphore_mem>>
    %dma_start3A_107 = tpu.memref_squeeze %dma_start3A_106 : memref<1x!tpu.dma_semaphore, #tpu.memory_space<semaphore_mem>> -> memref<!tpu.dma_semaphore, #tpu.memory_space<semaphore_mem>>
    tpu.enqueue_indirect_dma source(%dma_start3A_105 : memref<1000000x64xf32, #tpu.memory_space<hbm>>) target(%dma_start3A_101 : memref<128x64xf32, #tpu.memory_space<vmem>>) offsets(%dma_start3A_102 : memref<128xi32, #tpu.memory_space<vmem>>) semaphore(%dma_start3A_107 : memref<!tpu.dma_semaphore, #tpu.memory_space<semaphore_mem>>)
    %add3A_108 = arith.constant 384 : i32
    %add3A_109 = arith.addi %mul3A_2, %add3A_108 : i32
    %mul3A_110 = arith.constant 64 : i32
    %mul3A_111 = arith.muli %add3A_109, %mul3A_110 : i32
    %multiple_of3A_112 = tpu.assume_multiple %mul3A_111, 8192 : i32
    %dma_start3A_113 = arith.constant 3 : i32
    %dma_start3A_114 = arith.constant 3 : i32
    %dma_start3A_115 = arith.constant 0 : i32
    %dma_start3A_116 = tpu.memref_slice %arg8[%dma_start3A_113, %dma_start3A_115] : memref<5x8192xf32, #tpu.memory_space<vmem>> -> memref<1x8192xf32, #tpu.memory_space<vmem>>
    %dma_start3A_117 = tpu.memref_squeeze %dma_start3A_116 : memref<1x8192xf32, #tpu.memory_space<vmem>> -> memref<8192xf32, #tpu.memory_space<vmem>>
    %dma_start3A_118 = tpu.memref_slice %arg4[%multiple_of3A_112] : memref<13107200xf32, #tpu.memory_space<hbm>> -> memref<8192xf32, #tpu.memory_space<hbm>>
    %dma_start3A_119 = tpu.memref_slice %arg10[%dma_start3A_114] : memref<5x!tpu.dma_semaphore, #tpu.memory_space<semaphore_mem>> -> memref<1x!tpu.dma_semaphore, #tpu.memory_space<semaphore_mem>>
    %dma_start3A_120 = tpu.memref_squeeze %dma_start3A_119 : memref<1x!tpu.dma_semaphore, #tpu.memory_space<semaphore_mem>> -> memref<!tpu.dma_semaphore, #tpu.memory_space<semaphore_mem>>
    %dma_start3A_121 = arith.constant 0 : i32
    %dma_start3A_122 = tpu.memref_slice %arg8[%dma_start3A_113, %dma_start3A_121] : memref<5x8192xf32, #tpu.memory_space<vmem>> -> memref<1x8192xf32, #tpu.memory_space<vmem>>
    %dma_start3A_123 = tpu.memref_squeeze %dma_start3A_122 : memref<1x8192xf32, #tpu.memory_space<vmem>> -> memref<8192xf32, #tpu.memory_space<vmem>>
    %dma_start3A_124 = tpu.memref_slice %arg4[%multiple_of3A_112] : memref<13107200xf32, #tpu.memory_space<hbm>> -> memref<8192xf32, #tpu.memory_space<hbm>>
    tpu.enqueue_dma source(%dma_start3A_124 : memref<8192xf32, #tpu.memory_space<hbm>>) target(%dma_start3A_123 : memref<8192xf32, #tpu.memory_space<vmem>>) target_semaphore(%dma_start3A_120 : memref<!tpu.dma_semaphore, #tpu.memory_space<semaphore_mem>>)
    %multiple_of3A_125 = arith.constant 512 : i32
    %multiple_of3A_126 = tpu.assume_multiple %multiple_of3A_125, 8 : i32
    %dma_start3A_127 = arith.constant 4 : i32
    %dma_start3A_128 = arith.constant 4 : i32
    %dma_start3A_129 = arith.constant 0 : i32
    %dma_start3A_130 = arith.constant 0 : i32
    %dma_start3A_131 = tpu.memref_slice %arg7[%dma_start3A_127, %dma_start3A_129, %dma_start3A_130] : memref<5x128x64xf32, #tpu.memory_space<vmem>> -> memref<1x128x64xf32, #tpu.memory_space<vmem>>
    %dma_start3A_132 = tpu.memref_squeeze %dma_start3A_131 : memref<1x128x64xf32, #tpu.memory_space<vmem>> -> memref<128x64xf32, #tpu.memory_space<vmem>>
    %dma_start3A_133 = tpu.memref_slice %arg6[%multiple_of3A_126] : memref<6400xi32, #tpu.memory_space<vmem>> -> memref<128xi32, #tpu.memory_space<vmem>>
    %dma_start3A_134 = arith.constant 0 : i32
    %dma_start3A_135 = arith.constant 0 : i32
    %dma_start3A_136 = tpu.memref_slice %arg3[%dma_start3A_134, %dma_start3A_135] : memref<1000000x64xf32, #tpu.memory_space<hbm>> -> memref<1000000x64xf32, #tpu.memory_space<hbm>>
    %dma_start3A_137 = tpu.memref_slice %arg9[%dma_start3A_128] : memref<5x!tpu.dma_semaphore, #tpu.memory_space<semaphore_mem>> -> memref<1x!tpu.dma_semaphore, #tpu.memory_space<semaphore_mem>>
    %dma_start3A_138 = tpu.memref_squeeze %dma_start3A_137 : memref<1x!tpu.dma_semaphore, #tpu.memory_space<semaphore_mem>> -> memref<!tpu.dma_semaphore, #tpu.memory_space<semaphore_mem>>
    tpu.enqueue_indirect_dma source(%dma_start3A_136 : memref<1000000x64xf32, #tpu.memory_space<hbm>>) target(%dma_start3A_132 : memref<128x64xf32, #tpu.memory_space<vmem>>) offsets(%dma_start3A_133 : memref<128xi32, #tpu.memory_space<vmem>>) semaphore(%dma_start3A_138 : memref<!tpu.dma_semaphore, #tpu.memory_space<semaphore_mem>>)
    %add3A_139 = arith.constant 512 : i32
    %add3A_140 = arith.addi %mul3A_2, %add3A_139 : i32
    %mul3A_141 = arith.constant 64 : i32
    %mul3A_142 = arith.muli %add3A_140, %mul3A_141 : i32
    %multiple_of3A_143 = tpu.assume_multiple %mul3A_142, 8192 : i32
    %dma_start3A_144 = arith.constant 4 : i32
    %dma_start3A_145 = arith.constant 4 : i32
    %dma_start3A_146 = arith.constant 0 : i32
    %dma_start3A_147 = tpu.memref_slice %arg8[%dma_start3A_144, %dma_start3A_146] : memref<5x8192xf32, #tpu.memory_space<vmem>> -> memref<1x8192xf32, #tpu.memory_space<vmem>>
    %dma_start3A_148 = tpu.memref_squeeze %dma_start3A_147 : memref<1x8192xf32, #tpu.memory_space<vmem>> -> memref<8192xf32, #tpu.memory_space<vmem>>
    %dma_start3A_149 = tpu.memref_slice %arg4[%multiple_of3A_143] : memref<13107200xf32, #tpu.memory_space<hbm>> -> memref<8192xf32, #tpu.memory_space<hbm>>
    %dma_start3A_150 = tpu.memref_slice %arg10[%dma_start3A_145] : memref<5x!tpu.dma_semaphore, #tpu.memory_space<semaphore_mem>> -> memref<1x!tpu.dma_semaphore, #tpu.memory_space<semaphore_mem>>
    %dma_start3A_151 = tpu.memref_squeeze %dma_start3A_150 : memref<1x!tpu.dma_semaphore, #tpu.memory_space<semaphore_mem>> -> memref<!tpu.dma_semaphore, #tpu.memory_space<semaphore_mem>>
    %dma_start3A_152 = arith.constant 0 : i32
    %dma_start3A_153 = tpu.memref_slice %arg8[%dma_start3A_144, %dma_start3A_152] : memref<5x8192xf32, #tpu.memory_space<vmem>> -> memref<1x8192xf32, #tpu.memory_space<vmem>>
    %dma_start3A_154 = tpu.memref_squeeze %dma_start3A_153 : memref<1x8192xf32, #tpu.memory_space<vmem>> -> memref<8192xf32, #tpu.memory_space<vmem>>
    %dma_start3A_155 = tpu.memref_slice %arg4[%multiple_of3A_143] : memref<13107200xf32, #tpu.memory_space<hbm>> -> memref<8192xf32, #tpu.memory_space<hbm>>
    tpu.enqueue_dma source(%dma_start3A_155 : memref<8192xf32, #tpu.memory_space<hbm>>) target(%dma_start3A_154 : memref<8192xf32, #tpu.memory_space<vmem>>) target_semaphore(%dma_start3A_151 : memref<!tpu.dma_semaphore, #tpu.memory_space<semaphore_mem>>)
    %scan3A = arith.constant 0 : i32
    %scan3A_156 = arith.constant 9 : i32
    %scan3A_157 = arith.addi %scan3A, %scan3A_156 : i32
    %scan3A_158 = arith.constant 1 : i32
    scf.for %scan3A_529 = %scan3A to %scan3A_157 step %scan3A_158  : i32 {
      %mul3A_530 = arith.constant 5 : i32
      %mul3A_531 = arith.muli %scan3A_529, %mul3A_530 : i32
      %add3A_532 = arith.constant 0 : i32
      %add3A_533 = arith.addi %add3A_532, %mul3A_531 : i32
      %add3A_534 = arith.constant 0 : i32
      %add3A_535 = arith.addi %add3A_533, %add3A_534 : i32
      %dma_wait3A_536 = arith.constant 0 : i32
      %dma_wait3A_537 = arith.constant 0 : i32
      %dma_wait3A_538 = arith.constant 0 : i32
      %dma_wait3A_539 = arith.constant 0 : i32
      %dma_wait3A_540 = tpu.memref_slice %arg7[%dma_wait3A_536, %dma_wait3A_538, %dma_wait3A_539] : memref<5x128x64xf32, #tpu.memory_space<vmem>> -> memref<1x128x64xf32, #tpu.memory_space<vmem>>
      %dma_wait3A_541 = tpu.memref_squeeze %dma_wait3A_540 : memref<1x128x64xf32, #tpu.memory_space<vmem>> -> memref<128x64xf32, #tpu.memory_space<vmem>>
      %dma_wait3A_542 = arith.constant 0 : i32
      %dma_wait3A_543 = arith.constant 0 : i32
      %dma_wait3A_544 = tpu.memref_slice %arg3[%dma_wait3A_542, %dma_wait3A_543] : memref<1000000x64xf32, #tpu.memory_space<hbm>> -> memref<128x64xf32, #tpu.memory_space<hbm>>
      %dma_wait3A_545 = tpu.memref_slice %arg9[%dma_wait3A_537] : memref<5x!tpu.dma_semaphore, #tpu.memory_space<semaphore_mem>> -> memref<1x!tpu.dma_semaphore, #tpu.memory_space<semaphore_mem>>
      %dma_wait3A_546 = tpu.memref_squeeze %dma_wait3A_545 : memref<1x!tpu.dma_semaphore, #tpu.memory_space<semaphore_mem>> -> memref<!tpu.dma_semaphore, #tpu.memory_space<semaphore_mem>>
      %dma_wait3A_547 = arith.constant 0 : i32
      %dma_wait3A_548 = arith.constant 0 : i32
      %dma_wait3A_549 = tpu.memref_slice %arg7[%dma_wait3A_536, %dma_wait3A_547, %dma_wait3A_548] : memref<5x128x64xf32, #tpu.memory_space<vmem>> -> memref<1x128x64xf32, #tpu.memory_space<vmem>>
      %dma_wait3A_550 = tpu.memref_squeeze %dma_wait3A_549 : memref<1x128x64xf32, #tpu.memory_space<vmem>> -> memref<128x64xf32, #tpu.memory_space<vmem>>
      %dma_wait3A_551 = arith.constant 0 : i32
      %dma_wait3A_552 = arith.constant 0 : i32
      %dma_wait3A_553 = tpu.memref_slice %arg3[%dma_wait3A_551, %dma_wait3A_552] : memref<1000000x64xf32, #tpu.memory_space<hbm>> -> memref<128x64xf32, #tpu.memory_space<hbm>>
      tpu.wait_dma2 semaphore(%dma_wait3A_546 : memref<!tpu.dma_semaphore, #tpu.memory_space<semaphore_mem>>) src(%dma_wait3A_553 : memref<128x64xf32, #tpu.memory_space<hbm>>) dst(%dma_wait3A_550 : memref<128x64xf32, #tpu.memory_space<vmem>>)
      %dma_wait3A_554 = arith.constant 0 : i32
      %dma_wait3A_555 = arith.constant 0 : i32
      %dma_wait3A_556 = arith.constant 0 : i32
      %dma_wait3A_557 = tpu.memref_slice %arg8[%dma_wait3A_554, %dma_wait3A_556] : memref<5x8192xf32, #tpu.memory_space<vmem>> -> memref<1x8192xf32, #tpu.memory_space<vmem>>
      %dma_wait3A_558 = tpu.memref_squeeze %dma_wait3A_557 : memref<1x8192xf32, #tpu.memory_space<vmem>> -> memref<8192xf32, #tpu.memory_space<vmem>>
      %dma_wait3A_559 = arith.constant 0 : i32
      %dma_wait3A_560 = tpu.memref_slice %arg4[%dma_wait3A_559] : memref<13107200xf32, #tpu.memory_space<hbm>> -> memref<8192xf32, #tpu.memory_space<hbm>>
      %dma_wait3A_561 = tpu.memref_slice %arg10[%dma_wait3A_555] : memref<5x!tpu.dma_semaphore, #tpu.memory_space<semaphore_mem>> -> memref<1x!tpu.dma_semaphore, #tpu.memory_space<semaphore_mem>>
      %dma_wait3A_562 = tpu.memref_squeeze %dma_wait3A_561 : memref<1x!tpu.dma_semaphore, #tpu.memory_space<semaphore_mem>> -> memref<!tpu.dma_semaphore, #tpu.memory_space<semaphore_mem>>
      %dma_wait3A_563 = arith.constant 0 : i32
      %dma_wait3A_564 = tpu.memref_slice %arg8[%dma_wait3A_554, %dma_wait3A_563] : memref<5x8192xf32, #tpu.memory_space<vmem>> -> memref<1x8192xf32, #tpu.memory_space<vmem>>
      %dma_wait3A_565 = tpu.memref_squeeze %dma_wait3A_564 : memref<1x8192xf32, #tpu.memory_space<vmem>> -> memref<8192xf32, #tpu.memory_space<vmem>>
      %dma_wait3A_566 = arith.constant 0 : i32
      %dma_wait3A_567 = tpu.memref_slice %arg4[%dma_wait3A_566] : memref<13107200xf32, #tpu.memory_space<hbm>> -> memref<8192xf32, #tpu.memory_space<hbm>>
      tpu.wait_dma2 semaphore(%dma_wait3A_562 : memref<!tpu.dma_semaphore, #tpu.memory_space<semaphore_mem>>) src(%dma_wait3A_567 : memref<8192xf32, #tpu.memory_space<hbm>>) dst(%dma_wait3A_565 : memref<8192xf32, #tpu.memory_space<vmem>>)
      %scan3A_568 = arith.constant 0 : i32
      %scan3A_569 = arith.constant 128 : i32
      %scan3A_570 = arith.addi %scan3A_568, %scan3A_569 : i32
      %scan3A_571 = arith.constant 4 : i32
      scf.for %scan3A_1104 = %scan3A_568 to %scan3A_570 step %scan3A_571  : i32 {
        %mul3A_1105 = arith.constant 1 : i32
        %mul3A_1106 = arith.muli %scan3A_1104, %mul3A_1105 : i32
        %add3A_1107 = arith.constant 0 : i32
        %add3A_1108 = arith.addi %add3A_1107, %mul3A_1106 : i32
        %mul3A_1109 = arith.constant 64 : i32
        %mul3A_1110 = arith.muli %add3A_1108, %mul3A_1109 : i32
        %add3A_1111 = arith.constant 0 : i32
        %add3A_1112 = arith.addi %mul3A_1110, %add3A_1111 : i32
        %multiple_of3A_1113 = tpu.assume_multiple %add3A_1112, 16 : i32
        %get3A = arith.constant 0 : i32
        %get3A_1114 = arith.index_cast %get3A : i32 to index
        %get3A_1115 = arith.index_cast %add3A_1108 : i32 to index
        %get3A_1116 = arith.constant 0 : index
        %get3A_1117 = tpu.vector_load %arg7[%get3A_1114, %get3A_1115, %get3A_1116] {strides = array<i32>} : memref<5x128x64xf32, #tpu.memory_space<vmem>>, vector<16xf32>,
        %get3A_1118 = arith.constant 0 : i32
        %get3A_1119 = arith.index_cast %get3A_1118 : i32 to index
        %get3A_1120 = arith.index_cast %multiple_of3A_1113 : i32 to index
        %get3A_1121 = tpu.vector_load %arg8[%get3A_1119, %get3A_1120] {strides = array<i32>} : memref<5x8192xf32, #tpu.memory_space<vmem>>, vector<16xf32>,
        %add3A_1122 = arith.addf %get3A_1117, %get3A_1121 : vector<16xf32>
        %swap3A = arith.constant 0 : i32
        %swap3A_1123 = arith.index_cast %swap3A : i32 to index
        %swap3A_1124 = arith.index_cast %add3A_1108 : i32 to index
        %swap3A_1125 = arith.constant 0 : index
        %swap3A_1126 = tpu.vector_load %arg7[%swap3A_1123, %swap3A_1124, %swap3A_1125] {strides = array<i32>} : memref<5x128x64xf32, #tpu.memory_space<vmem>>, vector<16xf32>,
        tpu.vector_store %arg7[%swap3A_1123, %swap3A_1124, %swap3A_1125], %add3A_1122 {strides = array<i32>} : memref<5x128x64xf32, #tpu.memory_space<vmem>>, vector<16xf32>,
        %mul3A_1127 = arith.constant 64 : i32
        %mul3A_1128 = arith.muli %add3A_1108, %mul3A_1127 : i32
        %add3A_1129 = arith.constant 16 : i32
        %add3A_1130 = arith.addi %mul3A_1128, %add3A_1129 : i32
        %multiple_of3A_1131 = tpu.assume_multiple %add3A_1130, 16 : i32
        %get3A_1132 = arith.constant 0 : i32
        %get3A_1133 = arith.index_cast %get3A_1132 : i32 to index
        %get3A_1134 = arith.index_cast %add3A_1108 : i32 to index
        %get3A_1135 = arith.constant 16 : index
        %get3A_1136 = tpu.vector_load %arg7[%get3A_1133, %get3A_1134, %get3A_1135] {strides = array<i32>} : memref<5x128x64xf32, #tpu.memory_space<vmem>>, vector<16xf32>,
        %get3A_1137 = arith.constant 0 : i32
        %get3A_1138 = arith.index_cast %get3A_1137 : i32 to index
        %get3A_1139 = arith.index_cast %multiple_of3A_1131 : i32 to index
        %get3A_1140 = tpu.vector_load %arg8[%get3A_1138, %get3A_1139] {strides = array<i32>} : memref<5x8192xf32, #tpu.memory_space<vmem>>, vector<16xf32>,
        %add3A_1141 = arith.addf %get3A_1136, %get3A_1140 : vector<16xf32>
        %swap3A_1142 = arith.constant 0 : i32
        %swap3A_1143 = arith.index_cast %swap3A_1142 : i32 to index
        %swap3A_1144 = arith.index_cast %add3A_1108 : i32 to index
        %swap3A_1145 = arith.constant 16 : index
        %swap3A_1146 = tpu.vector_load %arg7[%swap3A_1143, %swap3A_1144, %swap3A_1145] {strides = array<i32>} : memref<5x128x64xf32, #tpu.memory_space<vmem>>, vector<16xf32>,
        tpu.vector_store %arg7[%swap3A_1143, %swap3A_1144, %swap3A_1145], %add3A_1141 {strides = array<i32>} : memref<5x128x64xf32, #tpu.memory_space<vmem>>, vector<16xf32>,
        %mul3A_1147 = arith.constant 64 : i32
        %mul3A_1148 = arith.muli %add3A_1108, %mul3A_1147 : i32
        %add3A_1149 = arith.constant 32 : i32
        %add3A_1150 = arith.addi %mul3A_1148, %add3A_1149 : i32
        %multiple_of3A_1151 = tpu.assume_multiple %add3A_1150, 16 : i32
        %get3A_1152 = arith.constant 0 : i32
        %get3A_1153 = arith.index_cast %get3A_1152 : i32 to index
        %get3A_1154 = arith.index_cast %add3A_1108 : i32 to index
        %get3A_1155 = arith.constant 32 : index
        %get3A_1156 = tpu.vector_load %arg7[%get3A_1153, %get3A_1154, %get3A_1155] {strides = array<i32>} : memref<5x128x64xf32, #tpu.memory_space<vmem>>, vector<16xf32>,
        %get3A_1157 = arith.constant 0 : i32
        %get3A_1158 = arith.index_cast %get3A_1157 : i32 to index
        %get3A_1159 = arith.index_cast %multiple_of3A_1151 : i32 to index
        %get3A_1160 = tpu.vector_load %arg8[%get3A_1158, %get3A_1159] {strides = array<i32>} : memref<5x8192xf32, #tpu.memory_space<vmem>>, vector<16xf32>,
        %add3A_1161 = arith.addf %get3A_1156, %get3A_1160 : vector<16xf32>
        %swap3A_1162 = arith.constant 0 : i32
        %swap3A_1163 = arith.index_cast %swap3A_1162 : i32 to index
        %swap3A_1164 = arith.index_cast %add3A_1108 : i32 to index
        %swap3A_1165 = arith.constant 32 : index
        %swap3A_1166 = tpu.vector_load %arg7[%swap3A_1163, %swap3A_1164, %swap3A_1165] {strides = array<i32>} : memref<5x128x64xf32, #tpu.memory_space<vmem>>, vector<16xf32>,
        tpu.vector_store %arg7[%swap3A_1163, %swap3A_1164, %swap3A_1165], %add3A_1161 {strides = array<i32>} : memref<5x128x64xf32, #tpu.memory_space<vmem>>, vector<16xf32>,
        %mul3A_1167 = arith.constant 64 : i32
        %mul3A_1168 = arith.muli %add3A_1108, %mul3A_1167 : i32
        %add3A_1169 = arith.constant 48 : i32
        %add3A_1170 = arith.addi %mul3A_1168, %add3A_1169 : i32
        %multiple_of3A_1171 = tpu.assume_multiple %add3A_1170, 16 : i32
        %get3A_1172 = arith.constant 0 : i32
        %get3A_1173 = arith.index_cast %get3A_1172 : i32 to index
        %get3A_1174 = arith.index_cast %add3A_1108 : i32 to index
        %get3A_1175 = arith.constant 48 : index
        %get3A_1176 = tpu.vector_load %arg7[%get3A_1173, %get3A_1174, %get3A_1175] {strides = array<i32>} : memref<5x128x64xf32, #tpu.memory_space<vmem>>, vector<16xf32>,
        %get3A_1177 = arith.constant 0 : i32
        %get3A_1178 = arith.index_cast %get3A_1177 : i32 to index
        %get3A_1179 = arith.index_cast %multiple_of3A_1171 : i32 to index
        %get3A_1180 = tpu.vector_load %arg8[%get3A_1178, %get3A_1179] {strides = array<i32>} : memref<5x8192xf32, #tpu.memory_space<vmem>>, vector<16xf32>,
        %add3A_1181 = arith.addf %get3A_1176, %get3A_1180 : vector<16xf32>
        %swap3A_1182 = arith.constant 0 : i32
        %swap3A_1183 = arith.index_cast %swap3A_1182 : i32 to index
        %swap3A_1184 = arith.index_cast %add3A_1108 : i32 to index
        %swap3A_1185 = arith.constant 48 : index
        %swap3A_1186 = tpu.vector_load %arg7[%swap3A_1183, %swap3A_1184, %swap3A_1185] {strides = array<i32>} : memref<5x128x64xf32, #tpu.memory_space<vmem>>, vector<16xf32>,
        tpu.vector_store %arg7[%swap3A_1183, %swap3A_1184, %swap3A_1185], %add3A_1181 {strides = array<i32>} : memref<5x128x64xf32, #tpu.memory_space<vmem>>, vector<16xf32>,
        %scan3A_1187 = arith.constant 1 : i32
        %scan3A_1188 = arith.addi %scan3A_1104, %scan3A_1187 : i32
        %mul3A_1189 = arith.constant 1 : i32
        %mul3A_1190 = arith.muli %scan3A_1188, %mul3A_1189 : i32
        %add3A_1191 = arith.constant 0 : i32
        %add3A_1192 = arith.addi %add3A_1191, %mul3A_1190 : i32
        %mul3A_1193 = arith.constant 64 : i32
        %mul3A_1194 = arith.muli %add3A_1192, %mul3A_1193 : i32
        %add3A_1195 = arith.constant 0 : i32
        %add3A_1196 = arith.addi %mul3A_1194, %add3A_1195 : i32
        %multiple_of3A_1197 = tpu.assume_multiple %add3A_1196, 16 : i32
        %get3A_1198 = arith.constant 0 : i32
        %get3A_1199 = arith.index_cast %get3A_1198 : i32 to index
        %get3A_1200 = arith.index_cast %add3A_1192 : i32 to index
        %get3A_1201 = arith.constant 0 : index
        %get3A_1202 = tpu.vector_load %arg7[%get3A_1199, %get3A_1200, %get3A_1201] {strides = array<i32>} : memref<5x128x64xf32, #tpu.memory_space<vmem>>, vector<16xf32>,
        %get3A_1203 = arith.constant 0 : i32
        %get3A_1204 = arith.index_cast %get3A_1203 : i32 to index
        %get3A_1205 = arith.index_cast %multiple_of3A_1197 : i32 to index
        %get3A_1206 = tpu.vector_load %arg8[%get3A_1204, %get3A_1205] {strides = array<i32>} : memref<5x8192xf32, #tpu.memory_space<vmem>>, vector<16xf32>,
        %add3A_1207 = arith.addf %get3A_1202, %get3A_1206 : vector<16xf32>
        %swap3A_1208 = arith.constant 0 : i32
        %swap3A_1209 = arith.index_cast %swap3A_1208 : i32 to index
        %swap3A_1210 = arith.index_cast %add3A_1192 : i32 to index
        %swap3A_1211 = arith.constant 0 : index
        %swap3A_1212 = tpu.vector_load %arg7[%swap3A_1209, %swap3A_1210, %swap3A_1211] {strides = array<i32>} : memref<5x128x64xf32, #tpu.memory_space<vmem>>, vector<16xf32>,
        tpu.vector_store %arg7[%swap3A_1209, %swap3A_1210, %swap3A_1211], %add3A_1207 {strides = array<i32>} : memref<5x128x64xf32, #tpu.memory_space<vmem>>, vector<16xf32>,
        %mul3A_1213 = arith.constant 64 : i32
        %mul3A_1214 = arith.muli %add3A_1192, %mul3A_1213 : i32
        %add3A_1215 = arith.constant 16 : i32
        %add3A_1216 = arith.addi %mul3A_1214, %add3A_1215 : i32
        %multiple_of3A_1217 = tpu.assume_multiple %add3A_1216, 16 : i32
        %get3A_1218 = arith.constant 0 : i32
        %get3A_1219 = arith.index_cast %get3A_1218 : i32 to index
        %get3A_1220 = arith.index_cast %add3A_1192 : i32 to index
        %get3A_1221 = arith.constant 16 : index
        %get3A_1222 = tpu.vector_load %arg7[%get3A_1219, %get3A_1220, %get3A_1221] {strides = array<i32>} : memref<5x128x64xf32, #tpu.memory_space<vmem>>, vector<16xf32>,
        %get3A_1223 = arith.constant 0 : i32
        %get3A_1224 = arith.index_cast %get3A_1223 : i32 to index
        %get3A_1225 = arith.index_cast %multiple_of3A_1217 : i32 to index
        %get3A_1226 = tpu.vector_load %arg8[%get3A_1224, %get3A_1225] {strides = array<i32>} : memref<5x8192xf32, #tpu.memory_space<vmem>>, vector<16xf32>,
        %add3A_1227 = arith.addf %get3A_1222, %get3A_1226 : vector<16xf32>
        %swap3A_1228 = arith.constant 0 : i32
        %swap3A_1229 = arith.index_cast %swap3A_1228 : i32 to index
        %swap3A_1230 = arith.index_cast %add3A_1192 : i32 to index
        %swap3A_1231 = arith.constant 16 : index
        %swap3A_1232 = tpu.vector_load %arg7[%swap3A_1229, %swap3A_1230, %swap3A_1231] {strides = array<i32>} : memref<5x128x64xf32, #tpu.memory_space<vmem>>, vector<16xf32>,
        tpu.vector_store %arg7[%swap3A_1229, %swap3A_1230, %swap3A_1231], %add3A_1227 {strides = array<i32>} : memref<5x128x64xf32, #tpu.memory_space<vmem>>, vector<16xf32>,
        %mul3A_1233 = arith.constant 64 : i32
        %mul3A_1234 = arith.muli %add3A_1192, %mul3A_1233 : i32
        %add3A_1235 = arith.constant 32 : i32
        %add3A_1236 = arith.addi %mul3A_1234, %add3A_1235 : i32
        %multiple_of3A_1237 = tpu.assume_multiple %add3A_1236, 16 : i32
        %get3A_1238 = arith.constant 0 : i32
        %get3A_1239 = arith.index_cast %get3A_1238 : i32 to index
        %get3A_1240 = arith.index_cast %add3A_1192 : i32 to index
        %get3A_1241 = arith.constant 32 : index
        %get3A_1242 = tpu.vector_load %arg7[%get3A_1239, %get3A_1240, %get3A_1241] {strides = array<i32>} : memref<5x128x64xf32, #tpu.memory_space<vmem>>, vector<16xf32>,
        %get3A_1243 = arith.constant 0 : i32
        %get3A_1244 = arith.index_cast %get3A_1243 : i32 to index
        %get3A_1245 = arith.index_cast %multiple_of3A_1237 : i32 to index
        %get3A_1246 = tpu.vector_load %arg8[%get3A_1244, %get3A_1245] {strides = array<i32>} : memref<5x8192xf32, #tpu.memory_space<vmem>>, vector<16xf32>,
        %add3A_1247 = arith.addf %get3A_1242, %get3A_1246 : vector<16xf32>
        %swap3A_1248 = arith.constant 0 : i32
        %swap3A_1249 = arith.index_cast %swap3A_1248 : i32 to index
        %swap3A_1250 = arith.index_cast %add3A_1192 : i32 to index
        %swap3A_1251 = arith.constant 32 : index
        %swap3A_1252 = tpu.vector_load %arg7[%swap3A_1249, %swap3A_1250, %swap3A_1251] {strides = array<i32>} : memref<5x128x64xf32, #tpu.memory_space<vmem>>, vector<16xf32>,
        tpu.vector_store %arg7[%swap3A_1249, %swap3A_1250, %swap3A_1251], %add3A_1247 {strides = array<i32>} : memref<5x128x64xf32, #tpu.memory_space<vmem>>, vector<16xf32>,
        %mul3A_1253 = arith.constant 64 : i32
        %mul3A_1254 = arith.muli %add3A_1192, %mul3A_1253 : i32
        %add3A_1255 = arith.constant 48 : i32
        %add3A_1256 = arith.addi %mul3A_1254, %add3A_1255 : i32
        %multiple_of3A_1257 = tpu.assume_multiple %add3A_1256, 16 : i32
        %get3A_1258 = arith.constant 0 : i32
        %get3A_1259 = arith.index_cast %get3A_1258 : i32 to index
        %get3A_1260 = arith.index_cast %add3A_1192 : i32 to index
        %get3A_1261 = arith.constant 48 : index
        %get3A_1262 = tpu.vector_load %arg7[%get3A_1259, %get3A_1260, %get3A_1261] {strides = array<i32>} : memref<5x128x64xf32, #tpu.memory_space<vmem>>, vector<16xf32>,
        %get3A_1263 = arith.constant 0 : i32
        %get3A_1264 = arith.index_cast %get3A_1263 : i32 to index
        %get3A_1265 = arith.index_cast %multiple_of3A_1257 : i32 to index
        %get3A_1266 = tpu.vector_load %arg8[%get3A_1264, %get3A_1265] {strides = array<i32>} : memref<5x8192xf32, #tpu.memory_space<vmem>>, vector<16xf32>,
        %add3A_1267 = arith.addf %get3A_1262, %get3A_1266 : vector<16xf32>
        %swap3A_1268 = arith.constant 0 : i32
        %swap3A_1269 = arith.index_cast %swap3A_1268 : i32 to index
        %swap3A_1270 = arith.index_cast %add3A_1192 : i32 to index
        %swap3A_1271 = arith.constant 48 : index
        %swap3A_1272 = tpu.vector_load %arg7[%swap3A_1269, %swap3A_1270, %swap3A_1271] {strides = array<i32>} : memref<5x128x64xf32, #tpu.memory_space<vmem>>, vector<16xf32>,
        tpu.vector_store %arg7[%swap3A_1269, %swap3A_1270, %swap3A_1271], %add3A_1267 {strides = array<i32>} : memref<5x128x64xf32, #tpu.memory_space<vmem>>, vector<16xf32>,
        %scan3A_1273 = arith.constant 2 : i32
        %scan3A_1274 = arith.addi %scan3A_1104, %scan3A_1273 : i32
        %mul3A_1275 = arith.constant 1 : i32
        %mul3A_1276 = arith.muli %scan3A_1274, %mul3A_1275 : i32
        %add3A_1277 = arith.constant 0 : i32
        %add3A_1278 = arith.addi %add3A_1277, %mul3A_1276 : i32
        %mul3A_1279 = arith.constant 64 : i32
        %mul3A_1280 = arith.muli %add3A_1278, %mul3A_1279 : i32
        %add3A_1281 = arith.constant 0 : i32
        %add3A_1282 = arith.addi %mul3A_1280, %add3A_1281 : i32
        %multiple_of3A_1283 = tpu.assume_multiple %add3A_1282, 16 : i32
        %get3A_1284 = arith.constant 0 : i32
        %get3A_1285 = arith.index_cast %get3A_1284 : i32 to index
        %get3A_1286 = arith.index_cast %add3A_1278 : i32 to index
        %get3A_1287 = arith.constant 0 : index
        %get3A_1288 = tpu.vector_load %arg7[%get3A_1285, %get3A_1286, %get3A_1287] {strides = array<i32>} : memref<5x128x64xf32, #tpu.memory_space<vmem>>, vector<16xf32>,
        %get3A_1289 = arith.constant 0 : i32
        %get3A_1290 = arith.index_cast %get3A_1289 : i32 to index
        %get3A_1291 = arith.index_cast %multiple_of3A_1283 : i32 to index
        %get3A_1292 = tpu.vector_load %arg8[%get3A_1290, %get3A_1291] {strides = array<i32>} : memref<5x8192xf32, #tpu.memory_space<vmem>>, vector<16xf32>,
        %add3A_1293 = arith.addf %get3A_1288, %get3A_1292 : vector<16xf32>
        %swap3A_1294 = arith.constant 0 : i32
        %swap3A_1295 = arith.index_cast %swap3A_1294 : i32 to index
        %swap3A_1296 = arith.index_cast %add3A_1278 : i32 to index
        %swap3A_1297 = arith.constant 0 : index
        %swap3A_1298 = tpu.vector_load %arg7[%swap3A_1295, %swap3A_1296, %swap3A_1297] {strides = array<i32>} : memref<5x128x64xf32, #tpu.memory_space<vmem>>, vector<16xf32>,
        tpu.vector_store %arg7[%swap3A_1295, %swap3A_1296, %swap3A_1297], %add3A_1293 {strides = array<i32>} : memref<5x128x64xf32, #tpu.memory_space<vmem>>, vector<16xf32>,
        %mul3A_1299 = arith.constant 64 : i32
        %mul3A_1300 = arith.muli %add3A_1278, %mul3A_1299 : i32
        %add3A_1301 = arith.constant 16 : i32
        %add3A_1302 = arith.addi %mul3A_1300, %add3A_1301 : i32
        %multiple_of3A_1303 = tpu.assume_multiple %add3A_1302, 16 : i32
        %get3A_1304 = arith.constant 0 : i32
        %get3A_1305 = arith.index_cast %get3A_1304 : i32 to index
        %get3A_1306 = arith.index_cast %add3A_1278 : i32 to index
        %get3A_1307 = arith.constant 16 : index
        %get3A_1308 = tpu.vector_load %arg7[%get3A_1305, %get3A_1306, %get3A_1307] {strides = array<i32>} : memref<5x128x64xf32, #tpu.memory_space<vmem>>, vector<16xf32>,
        %get3A_1309 = arith.constant 0 : i32
        %get3A_1310 = arith.index_cast %get3A_1309 : i32 to index
        %get3A_1311 = arith.index_cast %multiple_of3A_1303 : i32 to index
        %get3A_1312 = tpu.vector_load %arg8[%get3A_1310, %get3A_1311] {strides = array<i32>} : memref<5x8192xf32, #tpu.memory_space<vmem>>, vector<16xf32>,
        %add3A_1313 = arith.addf %get3A_1308, %get3A_1312 : vector<16xf32>
        %swap3A_1314 = arith.constant 0 : i32
        %swap3A_1315 = arith.index_cast %swap3A_1314 : i32 to index
        %swap3A_1316 = arith.index_cast %add3A_1278 : i32 to index
        %swap3A_1317 = arith.constant 16 : index
        %swap3A_1318 = tpu.vector_load %arg7[%swap3A_1315, %swap3A_1316, %swap3A_1317] {strides = array<i32>} : memref<5x128x64xf32, #tpu.memory_space<vmem>>, vector<16xf32>,
        tpu.vector_store %arg7[%swap3A_1315, %swap3A_1316, %swap3A_1317], %add3A_1313 {strides = array<i32>} : memref<5x128x64xf32, #tpu.memory_space<vmem>>, vector<16xf32>,
        %mul3A_1319 = arith.constant 64 : i32
        %mul3A_1320 = arith.muli %add3A_1278, %mul3A_1319 : i32
        %add3A_1321 = arith.constant 32 : i32
        %add3A_1322 = arith.addi %mul3A_1320, %add3A_1321 : i32
        %multiple_of3A_1323 = tpu.assume_multiple %add3A_1322, 16 : i32
        %get3A_1324 = arith.constant 0 : i32
        %get3A_1325 = arith.index_cast %get3A_1324 : i32 to index
        %get3A_1326 = arith.index_cast %add3A_1278 : i32 to index
        %get3A_1327 = arith.constant 32 : index
        %get3A_1328 = tpu.vector_load %arg7[%get3A_1325, %get3A_1326, %get3A_1327] {strides = array<i32>} : memref<5x128x64xf32, #tpu.memory_space<vmem>>, vector<16xf32>,
        %get3A_1329 = arith.constant 0 : i32
        %get3A_1330 = arith.index_cast %get3A_1329 : i32 to index
        %get3A_1331 = arith.index_cast %multiple_of3A_1323 : i32 to index
        %get3A_1332 = tpu.vector_load %arg8[%get3A_1330, %get3A_1331] {strides = array<i32>} : memref<5x8192xf32, #tpu.memory_space<vmem>>, vector<16xf32>,
        %add3A_1333 = arith.addf %get3A_1328, %get3A_1332 : vector<16xf32>
        %swap3A_1334 = arith.constant 0 : i32
        %swap3A_1335 = arith.index_cast %swap3A_1334 : i32 to index
        %swap3A_1336 = arith.index_cast %add3A_1278 : i32 to index
        %swap3A_1337 = arith.constant 32 : index
        %swap3A_1338 = tpu.vector_load %arg7[%swap3A_1335, %swap3A_1336, %swap3A_1337] {strides = array<i32>} : memref<5x128x64xf32, #tpu.memory_space<vmem>>, vector<16xf32>,
        tpu.vector_store %arg7[%swap3A_1335, %swap3A_1336, %swap3A_1337], %add3A_1333 {strides = array<i32>} : memref<5x128x64xf32, #tpu.memory_space<vmem>>, vector<16xf32>,
        %mul3A_1339 = arith.constant 64 : i32
        %mul3A_1340 = arith.muli %add3A_1278, %mul3A_1339 : i32
        %add3A_1341 = arith.constant 48 : i32
        %add3A_1342 = arith.addi %mul3A_1340, %add3A_1341 : i32
        %multiple_of3A_1343 = tpu.assume_multiple %add3A_1342, 16 : i32
        %get3A_1344 = arith.constant 0 : i32
        %get3A_1345 = arith.index_cast %get3A_1344 : i32 to index
        %get3A_1346 = arith.index_cast %add3A_1278 : i32 to index
        %get3A_1347 = arith.constant 48 : index
        %get3A_1348 = tpu.vector_load %arg7[%get3A_1345, %get3A_1346, %get3A_1347] {strides = array<i32>} : memref<5x128x64xf32, #tpu.memory_space<vmem>>, vector<16xf32>,
        %get3A_1349 = arith.constant 0 : i32
        %get3A_1350 = arith.index_cast %get3A_1349 : i32 to index
        %get3A_1351 = arith.index_cast %multiple_of3A_1343 : i32 to index
        %get3A_1352 = tpu.vector_load %arg8[%get3A_1350, %get3A_1351] {strides = array<i32>} : memref<5x8192xf32, #tpu.memory_space<vmem>>, vector<16xf32>,
        %add3A_1353 = arith.addf %get3A_1348, %get3A_1352 : vector<16xf32>
        %swap3A_1354 = arith.constant 0 : i32
        %swap3A_1355 = arith.index_cast %swap3A_1354 : i32 to index
        %swap3A_1356 = arith.index_cast %add3A_1278 : i32 to index
        %swap3A_1357 = arith.constant 48 : index
        %swap3A_1358 = tpu.vector_load %arg7[%swap3A_1355, %swap3A_1356, %swap3A_1357] {strides = array<i32>} : memref<5x128x64xf32, #tpu.memory_space<vmem>>, vector<16xf32>,
        tpu.vector_store %arg7[%swap3A_1355, %swap3A_1356, %swap3A_1357], %add3A_1353 {strides = array<i32>} : memref<5x128x64xf32, #tpu.memory_space<vmem>>, vector<16xf32>,
        %scan3A_1359 = arith.constant 3 : i32
        %scan3A_1360 = arith.addi %scan3A_1104, %scan3A_1359 : i32
        %mul3A_1361 = arith.constant 1 : i32
        %mul3A_1362 = arith.muli %scan3A_1360, %mul3A_1361 : i32
        %add3A_1363 = arith.constant 0 : i32
        %add3A_1364 = arith.addi %add3A_1363, %mul3A_1362 : i32
        %mul3A_1365 = arith.constant 64 : i32
        %mul3A_1366 = arith.muli %add3A_1364, %mul3A_1365 : i32
        %add3A_1367 = arith.constant 0 : i32
        %add3A_1368 = arith.addi %mul3A_1366, %add3A_1367 : i32
        %multiple_of3A_1369 = tpu.assume_multiple %add3A_1368, 16 : i32
        %get3A_1370 = arith.constant 0 : i32
        %get3A_1371 = arith.index_cast %get3A_1370 : i32 to index
        %get3A_1372 = arith.index_cast %add3A_1364 : i32 to index
        %get3A_1373 = arith.constant 0 : index
        %get3A_1374 = tpu.vector_load %arg7[%get3A_1371, %get3A_1372, %get3A_1373] {strides = array<i32>} : memref<5x128x64xf32, #tpu.memory_space<vmem>>, vector<16xf32>,
        %get3A_1375 = arith.constant 0 : i32
        %get3A_1376 = arith.index_cast %get3A_1375 : i32 to index
        %get3A_1377 = arith.index_cast %multiple_of3A_1369 : i32 to index
        %get3A_1378 = tpu.vector_load %arg8[%get3A_1376, %get3A_1377] {strides = array<i32>} : memref<5x8192xf32, #tpu.memory_space<vmem>>, vector<16xf32>,
        %add3A_1379 = arith.addf %get3A_1374, %get3A_1378 : vector<16xf32>
        %swap3A_1380 = arith.constant 0 : i32
        %swap3A_1381 = arith.index_cast %swap3A_1380 : i32 to index
        %swap3A_1382 = arith.index_cast %add3A_1364 : i32 to index
        %swap3A_1383 = arith.constant 0 : index
        %swap3A_1384 = tpu.vector_load %arg7[%swap3A_1381, %swap3A_1382, %swap3A_1383] {strides = array<i32>} : memref<5x128x64xf32, #tpu.memory_space<vmem>>, vector<16xf32>,
        tpu.vector_store %arg7[%swap3A_1381, %swap3A_1382, %swap3A_1383], %add3A_1379 {strides = array<i32>} : memref<5x128x64xf32, #tpu.memory_space<vmem>>, vector<16xf32>,
        %mul3A_1385 = arith.constant 64 : i32
        %mul3A_1386 = arith.muli %add3A_1364, %mul3A_1385 : i32
        %add3A_1387 = arith.constant 16 : i32
        %add3A_1388 = arith.addi %mul3A_1386, %add3A_1387 : i32
        %multiple_of3A_1389 = tpu.assume_multiple %add3A_1388, 16 : i32
        %get3A_1390 = arith.constant 0 : i32
        %get3A_1391 = arith.index_cast %get3A_1390 : i32 to index
        %get3A_1392 = arith.index_cast %add3A_1364 : i32 to index
        %get3A_1393 = arith.constant 16 : index
        %get3A_1394 = tpu.vector_load %arg7[%get3A_1391, %get3A_1392, %get3A_1393] {strides = array<i32>} : memref<5x128x64xf32, #tpu.memory_space<vmem>>, vector<16xf32>,
        %get3A_1395 = arith.constant 0 : i32
        %get3A_1396 = arith.index_cast %get3A_1395 : i32 to index
        %get3A_1397 = arith.index_cast %multiple_of3A_1389 : i32 to index
        %get3A_1398 = tpu.vector_load %arg8[%get3A_1396, %get3A_1397] {strides = array<i32>} : memref<5x8192xf32, #tpu.memory_space<vmem>>, vector<16xf32>,
        %add3A_1399 = arith.addf %get3A_1394, %get3A_1398 : vector<16xf32>
        %swap3A_1400 = arith.constant 0 : i32
        %swap3A_1401 = arith.index_cast %swap3A_1400 : i32 to index
        %swap3A_1402 = arith.index_cast %add3A_1364 : i32 to index
        %swap3A_1403 = arith.constant 16 : index
        %swap3A_1404 = tpu.vector_load %arg7[%swap3A_1401, %swap3A_1402, %swap3A_1403] {strides = array<i32>} : memref<5x128x64xf32, #tpu.memory_space<vmem>>, vector<16xf32>,
        tpu.vector_store %arg7[%swap3A_1401, %swap3A_1402, %swap3A_1403], %add3A_1399 {strides = array<i32>} : memref<5x128x64xf32, #tpu.memory_space<vmem>>, vector<16xf32>,
        %mul3A_1405 = arith.constant 64 : i32
        %mul3A_1406 = arith.muli %add3A_1364, %mul3A_1405 : i32
        %add3A_1407 = arith.constant 32 : i32
        %add3A_1408 = arith.addi %mul3A_1406, %add3A_1407 : i32
        %multiple_of3A_1409 = tpu.assume_multiple %add3A_1408, 16 : i32
        %get3A_1410 = arith.constant 0 : i32
        %get3A_1411 = arith.index_cast %get3A_1410 : i32 to index
        %get3A_1412 = arith.index_cast %add3A_1364 : i32 to index
        %get3A_1413 = arith.constant 32 : index
        %get3A_1414 = tpu.vector_load %arg7[%get3A_1411, %get3A_1412, %get3A_1413] {strides = array<i32>} : memref<5x128x64xf32, #tpu.memory_space<vmem>>, vector<16xf32>,
        %get3A_1415 = arith.constant 0 : i32
        %get3A_1416 = arith.index_cast %get3A_1415 : i32 to index
        %get3A_1417 = arith.index_cast %multiple_of3A_1409 : i32 to index
        %get3A_1418 = tpu.vector_load %arg8[%get3A_1416, %get3A_1417] {strides = array<i32>} : memref<5x8192xf32, #tpu.memory_space<vmem>>, vector<16xf32>,
        %add3A_1419 = arith.addf %get3A_1414, %get3A_1418 : vector<16xf32>
        %swap3A_1420 = arith.constant 0 : i32
        %swap3A_1421 = arith.index_cast %swap3A_1420 : i32 to index
        %swap3A_1422 = arith.index_cast %add3A_1364 : i32 to index
        %swap3A_1423 = arith.constant 32 : index
        %swap3A_1424 = tpu.vector_load %arg7[%swap3A_1421, %swap3A_1422, %swap3A_1423] {strides = array<i32>} : memref<5x128x64xf32, #tpu.memory_space<vmem>>, vector<16xf32>,
        tpu.vector_store %arg7[%swap3A_1421, %swap3A_1422, %swap3A_1423], %add3A_1419 {strides = array<i32>} : memref<5x128x64xf32, #tpu.memory_space<vmem>>, vector<16xf32>,
        %mul3A_1425 = arith.constant 64 : i32
        %mul3A_1426 = arith.muli %add3A_1364, %mul3A_1425 : i32
        %add3A_1427 = arith.constant 48 : i32
        %add3A_1428 = arith.addi %mul3A_1426, %add3A_1427 : i32
        %multiple_of3A_1429 = tpu.assume_multiple %add3A_1428, 16 : i32
        %get3A_1430 = arith.constant 0 : i32
        %get3A_1431 = arith.index_cast %get3A_1430 : i32 to index
        %get3A_1432 = arith.index_cast %add3A_1364 : i32 to index
        %get3A_1433 = arith.constant 48 : index
        %get3A_1434 = tpu.vector_load %arg7[%get3A_1431, %get3A_1432, %get3A_1433] {strides = array<i32>} : memref<5x128x64xf32, #tpu.memory_space<vmem>>, vector<16xf32>,
        %get3A_1435 = arith.constant 0 : i32
        %get3A_1436 = arith.index_cast %get3A_1435 : i32 to index
        %get3A_1437 = arith.index_cast %multiple_of3A_1429 : i32 to index
        %get3A_1438 = tpu.vector_load %arg8[%get3A_1436, %get3A_1437] {strides = array<i32>} : memref<5x8192xf32, #tpu.memory_space<vmem>>, vector<16xf32>,
        %add3A_1439 = arith.addf %get3A_1434, %get3A_1438 : vector<16xf32>
        %swap3A_1440 = arith.constant 0 : i32
        %swap3A_1441 = arith.index_cast %swap3A_1440 : i32 to index
        %swap3A_1442 = arith.index_cast %add3A_1364 : i32 to index
        %swap3A_1443 = arith.constant 48 : index
        %swap3A_1444 = tpu.vector_load %arg7[%swap3A_1441, %swap3A_1442, %swap3A_1443] {strides = array<i32>} : memref<5x128x64xf32, #tpu.memory_space<vmem>>, vector<16xf32>,
        tpu.vector_store %arg7[%swap3A_1441, %swap3A_1442, %swap3A_1443], %add3A_1439 {strides = array<i32>} : memref<5x128x64xf32, #tpu.memory_space<vmem>>, vector<16xf32>,
      }
      %scan3A_572 = arith.constant 128 : i32
      %mul3A_573 = arith.constant 128 : i32
      %mul3A_574 = arith.muli %add3A_535, %mul3A_573 : i32
      %add3A_575 = arith.addi %mul3A_2, %mul3A_574 : i32
      %multiple_of3A_576 = tpu.assume_multiple %add3A_575, 8 : i32
      %dma_start3A_577 = arith.constant 0 : i32
      %dma_start3A_578 = arith.constant 0 : i32
      %dma_start3A_579 = arith.constant 0 : i32
      %dma_start3A_580 = arith.constant 0 : i32
      %dma_start3A_581 = tpu.memref_slice %arg7[%dma_start3A_577, %dma_start3A_579, %dma_start3A_580] : memref<5x128x64xf32, #tpu.memory_space<vmem>> -> memref<1x128x64xf32, #tpu.memory_space<vmem>>
      %dma_start3A_582 = tpu.memref_squeeze %dma_start3A_581 : memref<1x128x64xf32, #tpu.memory_space<vmem>> -> memref<128x64xf32, #tpu.memory_space<vmem>>
      %dma_start3A_583 = arith.constant 0 : i32
      %dma_start3A_584 = tpu.memref_slice %arg5[%multiple_of3A_576, %dma_start3A_583] : memref<204800x64xf32, #tpu.memory_space<hbm>> -> memref<128x64xf32, #tpu.memory_space<hbm>>
      %dma_start3A_585 = tpu.memref_slice %arg11[%dma_start3A_578] : memref<5x!tpu.dma_semaphore, #tpu.memory_space<semaphore_mem>> -> memref<1x!tpu.dma_semaphore, #tpu.memory_space<semaphore_mem>>
      %dma_start3A_586 = tpu.memref_squeeze %dma_start3A_585 : memref<1x!tpu.dma_semaphore, #tpu.memory_space<semaphore_mem>> -> memref<!tpu.dma_semaphore, #tpu.memory_space<semaphore_mem>>
      %dma_start3A_587 = arith.constant 0 : i32
      %dma_start3A_588 = tpu.memref_slice %arg5[%multiple_of3A_576, %dma_start3A_587] : memref<204800x64xf32, #tpu.memory_space<hbm>> -> memref<128x64xf32, #tpu.memory_space<hbm>>
      %dma_start3A_589 = arith.constant 0 : i32
      %dma_start3A_590 = arith.constant 0 : i32
      %dma_start3A_591 = tpu.memref_slice %arg7[%dma_start3A_577, %dma_start3A_589, %dma_start3A_590] : memref<5x128x64xf32, #tpu.memory_space<vmem>> -> memref<1x128x64xf32, #tpu.memory_space<vmem>>
      %dma_start3A_592 = tpu.memref_squeeze %dma_start3A_591 : memref<1x128x64xf32, #tpu.memory_space<vmem>> -> memref<128x64xf32, #tpu.memory_space<vmem>>
      tpu.enqueue_dma source(%dma_start3A_592 : memref<128x64xf32, #tpu.memory_space<vmem>>) target(%dma_start3A_588 : memref<128x64xf32, #tpu.memory_space<hbm>>) target_semaphore(%dma_start3A_586 : memref<!tpu.dma_semaphore, #tpu.memory_space<semaphore_mem>>)
      %dma_wait3A_593 = arith.constant 0 : i32
      %dma_wait3A_594 = arith.constant 0 : i32
      %dma_wait3A_595 = arith.constant 0 : i32
      %dma_wait3A_596 = arith.constant 0 : i32
      %dma_wait3A_597 = tpu.memref_slice %arg7[%dma_wait3A_593, %dma_wait3A_595, %dma_wait3A_596] : memref<5x128x64xf32, #tpu.memory_space<vmem>> -> memref<1x128x64xf32, #tpu.memory_space<vmem>>
      %dma_wait3A_598 = tpu.memref_squeeze %dma_wait3A_597 : memref<1x128x64xf32, #tpu.memory_space<vmem>> -> memref<128x64xf32, #tpu.memory_space<vmem>>
      %dma_wait3A_599 = arith.constant 0 : i32
      %dma_wait3A_600 = arith.constant 0 : i32
      %dma_wait3A_601 = tpu.memref_slice %arg5[%dma_wait3A_599, %dma_wait3A_600] : memref<204800x64xf32, #tpu.memory_space<hbm>> -> memref<128x64xf32, #tpu.memory_space<hbm>>
      %dma_wait3A_602 = tpu.memref_slice %arg11[%dma_wait3A_594] : memref<5x!tpu.dma_semaphore, #tpu.memory_space<semaphore_mem>> -> memref<1x!tpu.dma_semaphore, #tpu.memory_space<semaphore_mem>>
      %dma_wait3A_603 = tpu.memref_squeeze %dma_wait3A_602 : memref<1x!tpu.dma_semaphore, #tpu.memory_space<semaphore_mem>> -> memref<!tpu.dma_semaphore, #tpu.memory_space<semaphore_mem>>
      %dma_wait3A_604 = arith.constant 0 : i32
      %dma_wait3A_605 = arith.constant 0 : i32
      %dma_wait3A_606 = tpu.memref_slice %arg5[%dma_wait3A_604, %dma_wait3A_605] : memref<204800x64xf32, #tpu.memory_space<hbm>> -> memref<128x64xf32, #tpu.memory_space<hbm>>
      %dma_wait3A_607 = arith.constant 0 : i32
      %dma_wait3A_608 = arith.constant 0 : i32
      %dma_wait3A_609 = tpu.memref_slice %arg7[%dma_wait3A_593, %dma_wait3A_607, %dma_wait3A_608] : memref<5x128x64xf32, #tpu.memory_space<vmem>> -> memref<1x128x64xf32, #tpu.memory_space<vmem>>
      %dma_wait3A_610 = tpu.memref_squeeze %dma_wait3A_609 : memref<1x128x64xf32, #tpu.memory_space<vmem>> -> memref<128x64xf32, #tpu.memory_space<vmem>>
      tpu.wait_dma2 semaphore(%dma_wait3A_603 : memref<!tpu.dma_semaphore, #tpu.memory_space<semaphore_mem>>) src(%dma_wait3A_610 : memref<128x64xf32, #tpu.memory_space<vmem>>) dst(%dma_wait3A_606 : memref<128x64xf32, #tpu.memory_space<hbm>>)
      %add3A_611 = arith.constant 5 : i32
      %add3A_612 = arith.addi %add3A_535, %add3A_611 : i32
      %mul3A_613 = arith.constant 128 : i32
      %mul3A_614 = arith.muli %add3A_612, %mul3A_613 : i32
      %multiple_of3A_615 = tpu.assume_multiple %mul3A_614, 8 : i32
      %dma_start3A_616 = arith.constant 0 : i32
      %dma_start3A_617 = arith.constant 0 : i32
      %dma_start3A_618 = arith.constant 0 : i32
      %dma_start3A_619 = arith.constant 0 : i32
      %dma_start3A_620 = tpu.memref_slice %arg7[%dma_start3A_616, %dma_start3A_618, %dma_start3A_619] : memref<5x128x64xf32, #tpu.memory_space<vmem>> -> memref<1x128x64xf32, #tpu.memory_space<vmem>>
      %dma_start3A_621 = tpu.memref_squeeze %dma_start3A_620 : memref<1x128x64xf32, #tpu.memory_space<vmem>> -> memref<128x64xf32, #tpu.memory_space<vmem>>
      %dma_start3A_622 = tpu.memref_slice %arg6[%multiple_of3A_615] : memref<6400xi32, #tpu.memory_space<vmem>> -> memref<128xi32, #tpu.memory_space<vmem>>
      %dma_start3A_623 = arith.constant 0 : i32
      %dma_start3A_624 = arith.constant 0 : i32
      %dma_start3A_625 = tpu.memref_slice %arg3[%dma_start3A_623, %dma_start3A_624] : memref<1000000x64xf32, #tpu.memory_space<hbm>> -> memref<1000000x64xf32, #tpu.memory_space<hbm>>
      %dma_start3A_626 = tpu.memref_slice %arg9[%dma_start3A_617] : memref<5x!tpu.dma_semaphore, #tpu.memory_space<semaphore_mem>> -> memref<1x!tpu.dma_semaphore, #tpu.memory_space<semaphore_mem>>
      %dma_start3A_627 = tpu.memref_squeeze %dma_start3A_626 : memref<1x!tpu.dma_semaphore, #tpu.memory_space<semaphore_mem>> -> memref<!tpu.dma_semaphore, #tpu.memory_space<semaphore_mem>>
      tpu.enqueue_indirect_dma source(%dma_start3A_625 : memref<1000000x64xf32, #tpu.memory_space<hbm>>) target(%dma_start3A_621 : memref<128x64xf32, #tpu.memory_space<vmem>>) offsets(%dma_start3A_622 : memref<128xi32, #tpu.memory_space<vmem>>) semaphore(%dma_start3A_627 : memref<!tpu.dma_semaphore, #tpu.memory_space<semaphore_mem>>)
      %add3A_628 = arith.constant 5 : i32
      %add3A_629 = arith.addi %add3A_535, %add3A_628 : i32
      %mul3A_630 = arith.constant 128 : i32
      %mul3A_631 = arith.muli %add3A_629, %mul3A_630 : i32
      %add3A_632 = arith.addi %mul3A_2, %mul3A_631 : i32
      %mul3A_633 = arith.constant 64 : i32
      %mul3A_634 = arith.muli %add3A_632, %mul3A_633 : i32
      %multiple_of3A_635 = tpu.assume_multiple %mul3A_634, 8192 : i32
      %dma_start3A_636 = arith.constant 0 : i32
      %dma_start3A_637 = arith.constant 0 : i32
      %dma_start3A_638 = arith.constant 0 : i32
      %dma_start3A_639 = tpu.memref_slice %arg8[%dma_start3A_636, %dma_start3A_638] : memref<5x8192xf32, #tpu.memory_space<vmem>> -> memref<1x8192xf32, #tpu.memory_space<vmem>>
      %dma_start3A_640 = tpu.memref_squeeze %dma_start3A_639 : memref<1x8192xf32, #tpu.memory_space<vmem>> -> memref<8192xf32, #tpu.memory_space<vmem>>
      %dma_start3A_641 = tpu.memref_slice %arg4[%multiple_of3A_635] : memref<13107200xf32, #tpu.memory_space<hbm>> -> memref<8192xf32, #tpu.memory_space<hbm>>
      %dma_start3A_642 = tpu.memref_slice %arg10[%dma_start3A_637] : memref<5x!tpu.dma_semaphore, #tpu.memory_space<semaphore_mem>> -> memref<1x!tpu.dma_semaphore, #tpu.memory_space<semaphore_mem>>
      %dma_start3A_643 = tpu.memref_squeeze %dma_start3A_642 : memref<1x!tpu.dma_semaphore, #tpu.memory_space<semaphore_mem>> -> memref<!tpu.dma_semaphore, #tpu.memory_space<semaphore_mem>>
      %dma_start3A_644 = arith.constant 0 : i32
      %dma_start3A_645 = tpu.memref_slice %arg8[%dma_start3A_636, %dma_start3A_644] : memref<5x8192xf32, #tpu.memory_space<vmem>> -> memref<1x8192xf32, #tpu.memory_space<vmem>>
      %dma_start3A_646 = tpu.memref_squeeze %dma_start3A_645 : memref<1x8192xf32, #tpu.memory_space<vmem>> -> memref<8192xf32, #tpu.memory_space<vmem>>
      %dma_start3A_647 = tpu.memref_slice %arg4[%multiple_of3A_635] : memref<13107200xf32, #tpu.memory_space<hbm>> -> memref<8192xf32, #tpu.memory_space<hbm>>
      tpu.enqueue_dma source(%dma_start3A_647 : memref<8192xf32, #tpu.memory_space<hbm>>) target(%dma_start3A_646 : memref<8192xf32, #tpu.memory_space<vmem>>) target_semaphore(%dma_start3A_643 : memref<!tpu.dma_semaphore, #tpu.memory_space<semaphore_mem>>)
      %add3A_648 = arith.constant 1 : i32
      %add3A_649 = arith.addi %add3A_533, %add3A_648 : i32
      %dma_wait3A_650 = arith.constant 1 : i32
      %dma_wait3A_651 = arith.constant 1 : i32
      %dma_wait3A_652 = arith.constant 0 : i32
      %dma_wait3A_653 = arith.constant 0 : i32
      %dma_wait3A_654 = tpu.memref_slice %arg7[%dma_wait3A_650, %dma_wait3A_652, %dma_wait3A_653] : memref<5x128x64xf32, #tpu.memory_space<vmem>> -> memref<1x128x64xf32, #tpu.memory_space<vmem>>
      %dma_wait3A_655 = tpu.memref_squeeze %dma_wait3A_654 : memref<1x128x64xf32, #tpu.memory_space<vmem>> -> memref<128x64xf32, #tpu.memory_space<vmem>>
      %dma_wait3A_656 = arith.constant 0 : i32
      %dma_wait3A_657 = arith.constant 0 : i32
      %dma_wait3A_658 = tpu.memref_slice %arg3[%dma_wait3A_656, %dma_wait3A_657] : memref<1000000x64xf32, #tpu.memory_space<hbm>> -> memref<128x64xf32, #tpu.memory_space<hbm>>
      %dma_wait3A_659 = tpu.memref_slice %arg9[%dma_wait3A_651] : memref<5x!tpu.dma_semaphore, #tpu.memory_space<semaphore_mem>> -> memref<1x!tpu.dma_semaphore, #tpu.memory_space<semaphore_mem>>
      %dma_wait3A_660 = tpu.memref_squeeze %dma_wait3A_659 : memref<1x!tpu.dma_semaphore, #tpu.memory_space<semaphore_mem>> -> memref<!tpu.dma_semaphore, #tpu.memory_space<semaphore_mem>>
      %dma_wait3A_661 = arith.constant 0 : i32
      %dma_wait3A_662 = arith.constant 0 : i32
      %dma_wait3A_663 = tpu.memref_slice %arg7[%dma_wait3A_650, %dma_wait3A_661, %dma_wait3A_662] : memref<5x128x64xf32, #tpu.memory_space<vmem>> -> memref<1x128x64xf32, #tpu.memory_space<vmem>>
      %dma_wait3A_664 = tpu.memref_squeeze %dma_wait3A_663 : memref<1x128x64xf32, #tpu.memory_space<vmem>> -> memref<128x64xf32, #tpu.memory_space<vmem>>
      %dma_wait3A_665 = arith.constant 0 : i32
      %dma_wait3A_666 = arith.constant 0 : i32
      %dma_wait3A_667 = tpu.memref_slice %arg3[%dma_wait3A_665, %dma_wait3A_666] : memref<1000000x64xf32, #tpu.memory_space<hbm>> -> memref<128x64xf32, #tpu.memory_space<hbm>>
      tpu.wait_dma2 semaphore(%dma_wait3A_660 : memref<!tpu.dma_semaphore, #tpu.memory_space<semaphore_mem>>) src(%dma_wait3A_667 : memref<128x64xf32, #tpu.memory_space<hbm>>) dst(%dma_wait3A_664 : memref<128x64xf32, #tpu.memory_space<vmem>>)
      %dma_wait3A_668 = arith.constant 1 : i32
      %dma_wait3A_669 = arith.constant 1 : i32
      %dma_wait3A_670 = arith.constant 0 : i32
      %dma_wait3A_671 = tpu.memref_slice %arg8[%dma_wait3A_668, %dma_wait3A_670] : memref<5x8192xf32, #tpu.memory_space<vmem>> -> memref<1x8192xf32, #tpu.memory_space<vmem>>
      %dma_wait3A_672 = tpu.memref_squeeze %dma_wait3A_671 : memref<1x8192xf32, #tpu.memory_space<vmem>> -> memref<8192xf32, #tpu.memory_space<vmem>>
      %dma_wait3A_673 = arith.constant 0 : i32
      %dma_wait3A_674 = tpu.memref_slice %arg4[%dma_wait3A_673] : memref<13107200xf32, #tpu.memory_space<hbm>> -> memref<8192xf32, #tpu.memory_space<hbm>>
      %dma_wait3A_675 = tpu.memref_slice %arg10[%dma_wait3A_669] : memref<5x!tpu.dma_semaphore, #tpu.memory_space<semaphore_mem>> -> memref<1x!tpu.dma_semaphore, #tpu.memory_space<semaphore_mem>>
      %dma_wait3A_676 = tpu.memref_squeeze %dma_wait3A_675 : memref<1x!tpu.dma_semaphore, #tpu.memory_space<semaphore_mem>> -> memref<!tpu.dma_semaphore, #tpu.memory_space<semaphore_mem>>
      %dma_wait3A_677 = arith.constant 0 : i32
      %dma_wait3A_678 = tpu.memref_slice %arg8[%dma_wait3A_668, %dma_wait3A_677] : memref<5x8192xf32, #tpu.memory_space<vmem>> -> memref<1x8192xf32, #tpu.memory_space<vmem>>
      %dma_wait3A_679 = tpu.memref_squeeze %dma_wait3A_678 : memref<1x8192xf32, #tpu.memory_space<vmem>> -> memref<8192xf32, #tpu.memory_space<vmem>>
      %dma_wait3A_680 = arith.constant 0 : i32
      %dma_wait3A_681 = tpu.memref_slice %arg4[%dma_wait3A_680] : memref<13107200xf32, #tpu.memory_space<hbm>> -> memref<8192xf32, #tpu.memory_space<hbm>>
      tpu.wait_dma2 semaphore(%dma_wait3A_676 : memref<!tpu.dma_semaphore, #tpu.memory_space<semaphore_mem>>) src(%dma_wait3A_681 : memref<8192xf32, #tpu.memory_space<hbm>>) dst(%dma_wait3A_679 : memref<8192xf32, #tpu.memory_space<vmem>>)
      %scan3A_682 = arith.constant 0 : i32
      %scan3A_683 = arith.constant 128 : i32
      %scan3A_684 = arith.addi %scan3A_682, %scan3A_683 : i32
      %scan3A_685 = arith.constant 4 : i32
      scf.for %scan3A_1104 = %scan3A_682 to %scan3A_684 step %scan3A_685  : i32 {
        %mul3A_1105 = arith.constant 1 : i32
        %mul3A_1106 = arith.muli %scan3A_1104, %mul3A_1105 : i32
        %add3A_1107 = arith.constant 0 : i32
        %add3A_1108 = arith.addi %add3A_1107, %mul3A_1106 : i32
        %mul3A_1109 = arith.constant 64 : i32
        %mul3A_1110 = arith.muli %add3A_1108, %mul3A_1109 : i32
        %add3A_1111 = arith.constant 0 : i32
        %add3A_1112 = arith.addi %mul3A_1110, %add3A_1111 : i32
        %multiple_of3A_1113 = tpu.assume_multiple %add3A_1112, 16 : i32
        %get3A = arith.constant 1 : i32
        %get3A_1114 = arith.index_cast %get3A : i32 to index
        %get3A_1115 = arith.index_cast %add3A_1108 : i32 to index
        %get3A_1116 = arith.constant 0 : index
        %get3A_1117 = tpu.vector_load %arg7[%get3A_1114, %get3A_1115, %get3A_1116] {strides = array<i32>} : memref<5x128x64xf32, #tpu.memory_space<vmem>>, vector<16xf32>,
        %get3A_1118 = arith.constant 1 : i32
        %get3A_1119 = arith.index_cast %get3A_1118 : i32 to index
        %get3A_1120 = arith.index_cast %multiple_of3A_1113 : i32 to index
        %get3A_1121 = tpu.vector_load %arg8[%get3A_1119, %get3A_1120] {strides = array<i32>} : memref<5x8192xf32, #tpu.memory_space<vmem>>, vector<16xf32>,
        %add3A_1122 = arith.addf %get3A_1117, %get3A_1121 : vector<16xf32>
        %swap3A = arith.constant 1 : i32
        %swap3A_1123 = arith.index_cast %swap3A : i32 to index
        %swap3A_1124 = arith.index_cast %add3A_1108 : i32 to index
        %swap3A_1125 = arith.constant 0 : index
        %swap3A_1126 = tpu.vector_load %arg7[%swap3A_1123, %swap3A_1124, %swap3A_1125] {strides = array<i32>} : memref<5x128x64xf32, #tpu.memory_space<vmem>>, vector<16xf32>,
        tpu.vector_store %arg7[%swap3A_1123, %swap3A_1124, %swap3A_1125], %add3A_1122 {strides = array<i32>} : memref<5x128x64xf32, #tpu.memory_space<vmem>>, vector<16xf32>,
        %mul3A_1127 = arith.constant 64 : i32
        %mul3A_1128 = arith.muli %add3A_1108, %mul3A_1127 : i32
        %add3A_1129 = arith.constant 16 : i32
        %add3A_1130 = arith.addi %mul3A_1128, %add3A_1129 : i32
        %multiple_of3A_1131 = tpu.assume_multiple %add3A_1130, 16 : i32
        %get3A_1132 = arith.constant 1 : i32
        %get3A_1133 = arith.index_cast %get3A_1132 : i32 to index
        %get3A_1134 = arith.index_cast %add3A_1108 : i32 to index
        %get3A_1135 = arith.constant 16 : index
        %get3A_1136 = tpu.vector_load %arg7[%get3A_1133, %get3A_1134, %get3A_1135] {strides = array<i32>} : memref<5x128x64xf32, #tpu.memory_space<vmem>>, vector<16xf32>,
        %get3A_1137 = arith.constant 1 : i32
        %get3A_1138 = arith.index_cast %get3A_1137 : i32 to index
        %get3A_1139 = arith.index_cast %multiple_of3A_1131 : i32 to index
        %get3A_1140 = tpu.vector_load %arg8[%get3A_1138, %get3A_1139] {strides = array<i32>} : memref<5x8192xf32, #tpu.memory_space<vmem>>, vector<16xf32>,
        %add3A_1141 = arith.addf %get3A_1136, %get3A_1140 : vector<16xf32>
        %swap3A_1142 = arith.constant 1 : i32
        %swap3A_1143 = arith.index_cast %swap3A_1142 : i32 to index
        %swap3A_1144 = arith.index_cast %add3A_1108 : i32 to index
        %swap3A_1145 = arith.constant 16 : index
        %swap3A_1146 = tpu.vector_load %arg7[%swap3A_1143, %swap3A_1144, %swap3A_1145] {strides = array<i32>} : memref<5x128x64xf32, #tpu.memory_space<vmem>>, vector<16xf32>,
        tpu.vector_store %arg7[%swap3A_1143, %swap3A_1144, %swap3A_1145], %add3A_1141 {strides = array<i32>} : memref<5x128x64xf32, #tpu.memory_space<vmem>>, vector<16xf32>,
        %mul3A_1147 = arith.constant 64 : i32
        %mul3A_1148 = arith.muli %add3A_1108, %mul3A_1147 : i32
        %add3A_1149 = arith.constant 32 : i32
        %add3A_1150 = arith.addi %mul3A_1148, %add3A_1149 : i32
        %multiple_of3A_1151 = tpu.assume_multiple %add3A_1150, 16 : i32
        %get3A_1152 = arith.constant 1 : i32
        %get3A_1153 = arith.index_cast %get3A_1152 : i32 to index
        %get3A_1154 = arith.index_cast %add3A_1108 : i32 to index
        %get3A_1155 = arith.constant 32 : index
        %get3A_1156 = tpu.vector_load %arg7[%get3A_1153, %get3A_1154, %get3A_1155] {strides = array<i32>} : memref<5x128x64xf32, #tpu.memory_space<vmem>>, vector<16xf32>,
        %get3A_1157 = arith.constant 1 : i32
        %get3A_1158 = arith.index_cast %get3A_1157 : i32 to index
        %get3A_1159 = arith.index_cast %multiple_of3A_1151 : i32 to index
        %get3A_1160 = tpu.vector_load %arg8[%get3A_1158, %get3A_1159] {strides = array<i32>} : memref<5x8192xf32, #tpu.memory_space<vmem>>, vector<16xf32>,
        %add3A_1161 = arith.addf %get3A_1156, %get3A_1160 : vector<16xf32>
        %swap3A_1162 = arith.constant 1 : i32
        %swap3A_1163 = arith.index_cast %swap3A_1162 : i32 to index
        %swap3A_1164 = arith.index_cast %add3A_1108 : i32 to index
        %swap3A_1165 = arith.constant 32 : index
        %swap3A_1166 = tpu.vector_load %arg7[%swap3A_1163, %swap3A_1164, %swap3A_1165] {strides = array<i32>} : memref<5x128x64xf32, #tpu.memory_space<vmem>>, vector<16xf32>,
        tpu.vector_store %arg7[%swap3A_1163, %swap3A_1164, %swap3A_1165], %add3A_1161 {strides = array<i32>} : memref<5x128x64xf32, #tpu.memory_space<vmem>>, vector<16xf32>,
        %mul3A_1167 = arith.constant 64 : i32
        %mul3A_1168 = arith.muli %add3A_1108, %mul3A_1167 : i32
        %add3A_1169 = arith.constant 48 : i32
        %add3A_1170 = arith.addi %mul3A_1168, %add3A_1169 : i32
        %multiple_of3A_1171 = tpu.assume_multiple %add3A_1170, 16 : i32
        %get3A_1172 = arith.constant 1 : i32
        %get3A_1173 = arith.index_cast %get3A_1172 : i32 to index
        %get3A_1174 = arith.index_cast %add3A_1108 : i32 to index
        %get3A_1175 = arith.constant 48 : index
        %get3A_1176 = tpu.vector_load %arg7[%get3A_1173, %get3A_1174, %get3A_1175] {strides = array<i32>} : memref<5x128x64xf32, #tpu.memory_space<vmem>>, vector<16xf32>,
        %get3A_1177 = arith.constant 1 : i32
        %get3A_1178 = arith.index_cast %get3A_1177 : i32 to index
        %get3A_1179 = arith.index_cast %multiple_of3A_1171 : i32 to index
        %get3A_1180 = tpu.vector_load %arg8[%get3A_1178, %get3A_1179] {strides = array<i32>} : memref<5x8192xf32, #tpu.memory_space<vmem>>, vector<16xf32>,
        %add3A_1181 = arith.addf %get3A_1176, %get3A_1180 : vector<16xf32>
        %swap3A_1182 = arith.constant 1 : i32
        %swap3A_1183 = arith.index_cast %swap3A_1182 : i32 to index
        %swap3A_1184 = arith.index_cast %add3A_1108 : i32 to index
        %swap3A_1185 = arith.constant 48 : index
        %swap3A_1186 = tpu.vector_load %arg7[%swap3A_1183, %swap3A_1184, %swap3A_1185] {strides = array<i32>} : memref<5x128x64xf32, #tpu.memory_space<vmem>>, vector<16xf32>,
        tpu.vector_store %arg7[%swap3A_1183, %swap3A_1184, %swap3A_1185], %add3A_1181 {strides = array<i32>} : memref<5x128x64xf32, #tpu.memory_space<vmem>>, vector<16xf32>,
        %scan3A_1187 = arith.constant 1 : i32
        %scan3A_1188 = arith.addi %scan3A_1104, %scan3A_1187 : i32
        %mul3A_1189 = arith.constant 1 : i32
        %mul3A_1190 = arith.muli %scan3A_1188, %mul3A_1189 : i32
        %add3A_1191 = arith.constant 0 : i32
        %add3A_1192 = arith.addi %add3A_1191, %mul3A_1190 : i32
        %mul3A_1193 = arith.constant 64 : i32
        %mul3A_1194 = arith.muli %add3A_1192, %mul3A_1193 : i32
        %add3A_1195 = arith.constant 0 : i32
        %add3A_1196 = arith.addi %mul3A_1194, %add3A_1195 : i32
        %multiple_of3A_1197 = tpu.assume_multiple %add3A_1196, 16 : i32
        %get3A_1198 = arith.constant 1 : i32
        %get3A_1199 = arith.index_cast %get3A_1198 : i32 to index
        %get3A_1200 = arith.index_cast %add3A_1192 : i32 to index
        %get3A_1201 = arith.constant 0 : index
        %get3A_1202 = tpu.vector_load %arg7[%get3A_1199, %get3A_1200, %get3A_1201] {strides = array<i32>} : memref<5x128x64xf32, #tpu.memory_space<vmem>>, vector<16xf32>,
        %get3A_1203 = arith.constant 1 : i32
        %get3A_1204 = arith.index_cast %get3A_1203 : i32 to index
        %get3A_1205 = arith.index_cast %multiple_of3A_1197 : i32 to index
        %get3A_1206 = tpu.vector_load %arg8[%get3A_1204, %get3A_1205] {strides = array<i32>} : memref<5x8192xf32, #tpu.memory_space<vmem>>, vector<16xf32>,
        %add3A_1207 = arith.addf %get3A_1202, %get3A_1206 : vector<16xf32>
        %swap3A_1208 = arith.constant 1 : i32
        %swap3A_1209 = arith.index_cast %swap3A_1208 : i32 to index
        %swap3A_1210 = arith.index_cast %add3A_1192 : i32 to index
        %swap3A_1211 = arith.constant 0 : index
        %swap3A_1212 = tpu.vector_load %arg7[%swap3A_1209, %swap3A_1210, %swap3A_1211] {strides = array<i32>} : memref<5x128x64xf32, #tpu.memory_space<vmem>>, vector<16xf32>,
        tpu.vector_store %arg7[%swap3A_1209, %swap3A_1210, %swap3A_1211], %add3A_1207 {strides = array<i32>} : memref<5x128x64xf32, #tpu.memory_space<vmem>>, vector<16xf32>,
        %mul3A_1213 = arith.constant 64 : i32
        %mul3A_1214 = arith.muli %add3A_1192, %mul3A_1213 : i32
        %add3A_1215 = arith.constant 16 : i32
        %add3A_1216 = arith.addi %mul3A_1214, %add3A_1215 : i32
        %multiple_of3A_1217 = tpu.assume_multiple %add3A_1216, 16 : i32
        %get3A_1218 = arith.constant 1 : i32
        %get3A_1219 = arith.index_cast %get3A_1218 : i32 to index
        %get3A_1220 = arith.index_cast %add3A_1192 : i32 to index
        %get3A_1221 = arith.constant 16 : index
        %get3A_1222 = tpu.vector_load %arg7[%get3A_1219, %get3A_1220, %get3A_1221] {strides = array<i32>} : memref<5x128x64xf32, #tpu.memory_space<vmem>>, vector<16xf32>,
        %get3A_1223 = arith.constant 1 : i32
        %get3A_1224 = arith.index_cast %get3A_1223 : i32 to index
        %get3A_1225 = arith.index_cast %multiple_of3A_1217 : i32 to index
        %get3A_1226 = tpu.vector_load %arg8[%get3A_1224, %get3A_1225] {strides = array<i32>} : memref<5x8192xf32, #tpu.memory_space<vmem>>, vector<16xf32>,
        %add3A_1227 = arith.addf %get3A_1222, %get3A_1226 : vector<16xf32>
        %swap3A_1228 = arith.constant 1 : i32
        %swap3A_1229 = arith.index_cast %swap3A_1228 : i32 to index
        %swap3A_1230 = arith.index_cast %add3A_1192 : i32 to index
        %swap3A_1231 = arith.constant 16 : index
        %swap3A_1232 = tpu.vector_load %arg7[%swap3A_1229, %swap3A_1230, %swap3A_1231] {strides = array<i32>} : memref<5x128x64xf32, #tpu.memory_space<vmem>>, vector<16xf32>,
        tpu.vector_store %arg7[%swap3A_1229, %swap3A_1230, %swap3A_1231], %add3A_1227 {strides = array<i32>} : memref<5x128x64xf32, #tpu.memory_space<vmem>>, vector<16xf32>,
        %mul3A_1233 = arith.constant 64 : i32
        %mul3A_1234 = arith.muli %add3A_1192, %mul3A_1233 : i32
        %add3A_1235 = arith.constant 32 : i32
        %add3A_1236 = arith.addi %mul3A_1234, %add3A_1235 : i32
        %multiple_of3A_1237 = tpu.assume_multiple %add3A_1236, 16 : i32
        %get3A_1238 = arith.constant 1 : i32
        %get3A_1239 = arith.index_cast %get3A_1238 : i32 to index
        %get3A_1240 = arith.index_cast %add3A_1192 : i32 to index
        %get3A_1241 = arith.constant 32 : index
        %get3A_1242 = tpu.vector_load %arg7[%get3A_1239, %get3A_1240, %get3A_1241] {strides = array<i32>} : memref<5x128x64xf32, #tpu.memory_space<vmem>>, vector<16xf32>,
        %get3A_1243 = arith.constant 1 : i32
        %get3A_1244 = arith.index_cast %get3A_1243 : i32 to index
        %get3A_1245 = arith.index_cast %multiple_of3A_1237 : i32 to index
        %get3A_1246 = tpu.vector_load %arg8[%get3A_1244, %get3A_1245] {strides = array<i32>} : memref<5x8192xf32, #tpu.memory_space<vmem>>, vector<16xf32>,
        %add3A_1247 = arith.addf %get3A_1242, %get3A_1246 : vector<16xf32>
        %swap3A_1248 = arith.constant 1 : i32
        %swap3A_1249 = arith.index_cast %swap3A_1248 : i32 to index
        %swap3A_1250 = arith.index_cast %add3A_1192 : i32 to index
        %swap3A_1251 = arith.constant 32 : index
        %swap3A_1252 = tpu.vector_load %arg7[%swap3A_1249, %swap3A_1250, %swap3A_1251] {strides = array<i32>} : memref<5x128x64xf32, #tpu.memory_space<vmem>>, vector<16xf32>,
        tpu.vector_store %arg7[%swap3A_1249, %swap3A_1250, %swap3A_1251], %add3A_1247 {strides = array<i32>} : memref<5x128x64xf32, #tpu.memory_space<vmem>>, vector<16xf32>,
        %mul3A_1253 = arith.constant 64 : i32
        %mul3A_1254 = arith.muli %add3A_1192, %mul3A_1253 : i32
        %add3A_1255 = arith.constant 48 : i32
        %add3A_1256 = arith.addi %mul3A_1254, %add3A_1255 : i32
        %multiple_of3A_1257 = tpu.assume_multiple %add3A_1256, 16 : i32
        %get3A_1258 = arith.constant 1 : i32
        %get3A_1259 = arith.index_cast %get3A_1258 : i32 to index
        %get3A_1260 = arith.index_cast %add3A_1192 : i32 to index
        %get3A_1261 = arith.constant 48 : index
        %get3A_1262 = tpu.vector_load %arg7[%get3A_1259, %get3A_1260, %get3A_1261] {strides = array<i32>} : memref<5x128x64xf32, #tpu.memory_space<vmem>>, vector<16xf32>,
        %get3A_1263 = arith.constant 1 : i32
        %get3A_1264 = arith.index_cast %get3A_1263 : i32 to index
        %get3A_1265 = arith.index_cast %multiple_of3A_1257 : i32 to index
        %get3A_1266 = tpu.vector_load %arg8[%get3A_1264, %get3A_1265] {strides = array<i32>} : memref<5x8192xf32, #tpu.memory_space<vmem>>, vector<16xf32>,
        %add3A_1267 = arith.addf %get3A_1262, %get3A_1266 : vector<16xf32>
        %swap3A_1268 = arith.constant 1 : i32
        %swap3A_1269 = arith.index_cast %swap3A_1268 : i32 to index
        %swap3A_1270 = arith.index_cast %add3A_1192 : i32 to index
        %swap3A_1271 = arith.constant 48 : index
        %swap3A_1272 = tpu.vector_load %arg7[%swap3A_1269, %swap3A_1270, %swap3A_1271] {strides = array<i32>} : memref<5x128x64xf32, #tpu.memory_space<vmem>>, vector<16xf32>,
        tpu.vector_store %arg7[%swap3A_1269, %swap3A_1270, %swap3A_1271], %add3A_1267 {strides = array<i32>} : memref<5x128x64xf32, #tpu.memory_space<vmem>>, vector<16xf32>,
        %scan3A_1273 = arith.constant 2 : i32
        %scan3A_1274 = arith.addi %scan3A_1104, %scan3A_1273 : i32
        %mul3A_1275 = arith.constant 1 : i32
        %mul3A_1276 = arith.muli %scan3A_1274, %mul3A_1275 : i32
        %add3A_1277 = arith.constant 0 : i32
        %add3A_1278 = arith.addi %add3A_1277, %mul3A_1276 : i32
        %mul3A_1279 = arith.constant 64 : i32
        %mul3A_1280 = arith.muli %add3A_1278, %mul3A_1279 : i32
        %add3A_1281 = arith.constant 0 : i32
        %add3A_1282 = arith.addi %mul3A_1280, %add3A_1281 : i32
        %multiple_of3A_1283 = tpu.assume_multiple %add3A_1282, 16 : i32
        %get3A_1284 = arith.constant 1 : i32
        %get3A_1285 = arith.index_cast %get3A_1284 : i32 to index
        %get3A_1286 = arith.index_cast %add3A_1278 : i32 to index
        %get3A_1287 = arith.constant 0 : index
        %get3A_1288 = tpu.vector_load %arg7[%get3A_1285, %get3A_1286, %get3A_1287] {strides = array<i32>} : memref<5x128x64xf32, #tpu.memory_space<vmem>>, vector<16xf32>,
        %get3A_1289 = arith.constant 1 : i32
        %get3A_1290 = arith.index_cast %get3A_1289 : i32 to index
        %get3A_1291 = arith.index_cast %multiple_of3A_1283 : i32 to index
        %get3A_1292 = tpu.vector_load %arg8[%get3A_1290, %get3A_1291] {strides = array<i32>} : memref<5x8192xf32, #tpu.memory_space<vmem>>, vector<16xf32>,
        %add3A_1293 = arith.addf %get3A_1288, %get3A_1292 : vector<16xf32>
        %swap3A_1294 = arith.constant 1 : i32
        %swap3A_1295 = arith.index_cast %swap3A_1294 : i32 to index
        %swap3A_1296 = arith.index_cast %add3A_1278 : i32 to index
        %swap3A_1297 = arith.constant 0 : index
        %swap3A_1298 = tpu.vector_load %arg7[%swap3A_1295, %swap3A_1296, %swap3A_1297] {strides = array<i32>} : memref<5x128x64xf32, #tpu.memory_space<vmem>>, vector<16xf32>,
        tpu.vector_store %arg7[%swap3A_1295, %swap3A_1296, %swap3A_1297], %add3A_1293 {strides = array<i32>} : memref<5x128x64xf32, #tpu.memory_space<vmem>>, vector<16xf32>,
        %mul3A_1299 = arith.constant 64 : i32
        %mul3A_1300 = arith.muli %add3A_1278, %mul3A_1299 : i32
        %add3A_1301 = arith.constant 16 : i32
        %add3A_1302 = arith.addi %mul3A_1300, %add3A_1301 : i32
        %multiple_of3A_1303 = tpu.assume_multiple %add3A_1302, 16 : i32
        %get3A_1304 = arith.constant 1 : i32
        %get3A_1305 = arith.index_cast %get3A_1304 : i32 to index
        %get3A_1306 = arith.index_cast %add3A_1278 : i32 to index
        %get3A_1307 = arith.constant 16 : index
        %get3A_1308 = tpu.vector_load %arg7[%get3A_1305, %get3A_1306, %get3A_1307] {strides = array<i32>} : memref<5x128x64xf32, #tpu.memory_space<vmem>>, vector<16xf32>,
        %get3A_1309 = arith.constant 1 : i32
        %get3A_1310 = arith.index_cast %get3A_1309 : i32 to index
        %get3A_1311 = arith.index_cast %multiple_of3A_1303 : i32 to index
        %get3A_1312 = tpu.vector_load %arg8[%get3A_1310, %get3A_1311] {strides = array<i32>} : memref<5x8192xf32, #tpu.memory_space<vmem>>, vector<16xf32>,
        %add3A_1313 = arith.addf %get3A_1308, %get3A_1312 : vector<16xf32>
        %swap3A_1314 = arith.constant 1 : i32
        %swap3A_1315 = arith.index_cast %swap3A_1314 : i32 to index
        %swap3A_1316 = arith.index_cast %add3A_1278 : i32 to index
        %swap3A_1317 = arith.constant 16 : index
        %swap3A_1318 = tpu.vector_load %arg7[%swap3A_1315, %swap3A_1316, %swap3A_1317] {strides = array<i32>} : memref<5x128x64xf32, #tpu.memory_space<vmem>>, vector<16xf32>,
        tpu.vector_store %arg7[%swap3A_1315, %swap3A_1316, %swap3A_1317], %add3A_1313 {strides = array<i32>} : memref<5x128x64xf32, #tpu.memory_space<vmem>>, vector<16xf32>,
        %mul3A_1319 = arith.constant 64 : i32
        %mul3A_1320 = arith.muli %add3A_1278, %mul3A_1319 : i32
        %add3A_1321 = arith.constant 32 : i32
        %add3A_1322 = arith.addi %mul3A_1320, %add3A_1321 : i32
        %multiple_of3A_1323 = tpu.assume_multiple %add3A_1322, 16 : i32
        %get3A_1324 = arith.constant 1 : i32
        %get3A_1325 = arith.index_cast %get3A_1324 : i32 to index
        %get3A_1326 = arith.index_cast %add3A_1278 : i32 to index
        %get3A_1327 = arith.constant 32 : index
        %get3A_1328 = tpu.vector_load %arg7[%get3A_1325, %get3A_1326, %get3A_1327] {strides = array<i32>} : memref<5x128x64xf32, #tpu.memory_space<vmem>>, vector<16xf32>,
        %get3A_1329 = arith.constant 1 : i32
        %get3A_1330 = arith.index_cast %get3A_1329 : i32 to index
        %get3A_1331 = arith.index_cast %multiple_of3A_1323 : i32 to index
        %get3A_1332 = tpu.vector_load %arg8[%get3A_1330, %get3A_1331] {strides = array<i32>} : memref<5x8192xf32, #tpu.memory_space<vmem>>, vector<16xf32>,
        %add3A_1333 = arith.addf %get3A_1328, %get3A_1332 : vector<16xf32>
        %swap3A_1334 = arith.constant 1 : i32
        %swap3A_1335 = arith.index_cast %swap3A_1334 : i32 to index
        %swap3A_1336 = arith.index_cast %add3A_1278 : i32 to index
        %swap3A_1337 = arith.constant 32 : index
        %swap3A_1338 = tpu.vector_load %arg7[%swap3A_1335, %swap3A_1336, %swap3A_1337] {strides = array<i32>} : memref<5x128x64xf32, #tpu.memory_space<vmem>>, vector<16xf32>,
        tpu.vector_store %arg7[%swap3A_1335, %swap3A_1336, %swap3A_1337], %add3A_1333 {strides = array<i32>} : memref<5x128x64xf32, #tpu.memory_space<vmem>>, vector<16xf32>,
        %mul3A_1339 = arith.constant 64 : i32
        %mul3A_1340 = arith.muli %add3A_1278, %mul3A_1339 : i32
        %add3A_1341 = arith.constant 48 : i32
        %add3A_1342 = arith.addi %mul3A_1340, %add3A_1341 : i32
        %multiple_of3A_1343 = tpu.assume_multiple %add3A_1342, 16 : i32
        %get3A_1344 = arith.constant 1 : i32
        %get3A_1345 = arith.index_cast %get3A_1344 : i32 to index
        %get3A_1346 = arith.index_cast %add3A_1278 : i32 to index
        %get3A_1347 = arith.constant 48 : index
        %get3A_1348 = tpu.vector_load %arg7[%get3A_1345, %get3A_1346, %get3A_1347] {strides = array<i32>} : memref<5x128x64xf32, #tpu.memory_space<vmem>>, vector<16xf32>,
        %get3A_1349 = arith.constant 1 : i32
        %get3A_1350 = arith.index_cast %get3A_1349 : i32 to index
        %get3A_1351 = arith.index_cast %multiple_of3A_1343 : i32 to index
        %get3A_1352 = tpu.vector_load %arg8[%get3A_1350, %get3A_1351] {strides = array<i32>} : memref<5x8192xf32, #tpu.memory_space<vmem>>, vector<16xf32>,
        %add3A_1353 = arith.addf %get3A_1348, %get3A_1352 : vector<16xf32>
        %swap3A_1354 = arith.constant 1 : i32
        %swap3A_1355 = arith.index_cast %swap3A_1354 : i32 to index
        %swap3A_1356 = arith.index_cast %add3A_1278 : i32 to index
        %swap3A_1357 = arith.constant 48 : index
        %swap3A_1358 = tpu.vector_load %arg7[%swap3A_1355, %swap3A_1356, %swap3A_1357] {strides = array<i32>} : memref<5x128x64xf32, #tpu.memory_space<vmem>>, vector<16xf32>,
        tpu.vector_store %arg7[%swap3A_1355, %swap3A_1356, %swap3A_1357], %add3A_1353 {strides = array<i32>} : memref<5x128x64xf32, #tpu.memory_space<vmem>>, vector<16xf32>,
        %scan3A_1359 = arith.constant 3 : i32
        %scan3A_1360 = arith.addi %scan3A_1104, %scan3A_1359 : i32
        %mul3A_1361 = arith.constant 1 : i32
        %mul3A_1362 = arith.muli %scan3A_1360, %mul3A_1361 : i32
        %add3A_1363 = arith.constant 0 : i32
        %add3A_1364 = arith.addi %add3A_1363, %mul3A_1362 : i32
        %mul3A_1365 = arith.constant 64 : i32
        %mul3A_1366 = arith.muli %add3A_1364, %mul3A_1365 : i32
        %add3A_1367 = arith.constant 0 : i32
        %add3A_1368 = arith.addi %mul3A_1366, %add3A_1367 : i32
        %multiple_of3A_1369 = tpu.assume_multiple %add3A_1368, 16 : i32
        %get3A_1370 = arith.constant 1 : i32
        %get3A_1371 = arith.index_cast %get3A_1370 : i32 to index
        %get3A_1372 = arith.index_cast %add3A_1364 : i32 to index
        %get3A_1373 = arith.constant 0 : index
        %get3A_1374 = tpu.vector_load %arg7[%get3A_1371, %get3A_1372, %get3A_1373] {strides = array<i32>} : memref<5x128x64xf32, #tpu.memory_space<vmem>>, vector<16xf32>,
        %get3A_1375 = arith.constant 1 : i32
        %get3A_1376 = arith.index_cast %get3A_1375 : i32 to index
        %get3A_1377 = arith.index_cast %multiple_of3A_1369 : i32 to index
        %get3A_1378 = tpu.vector_load %arg8[%get3A_1376, %get3A_1377] {strides = array<i32>} : memref<5x8192xf32, #tpu.memory_space<vmem>>, vector<16xf32>,
        %add3A_1379 = arith.addf %get3A_1374, %get3A_1378 : vector<16xf32>
        %swap3A_1380 = arith.constant 1 : i32
        %swap3A_1381 = arith.index_cast %swap3A_1380 : i32 to index
        %swap3A_1382 = arith.index_cast %add3A_1364 : i32 to index
        %swap3A_1383 = arith.constant 0 : index
        %swap3A_1384 = tpu.vector_load %arg7[%swap3A_1381, %swap3A_1382, %swap3A_1383] {strides = array<i32>} : memref<5x128x64xf32, #tpu.memory_space<vmem>>, vector<16xf32>,
        tpu.vector_store %arg7[%swap3A_1381, %swap3A_1382, %swap3A_1383], %add3A_1379 {strides = array<i32>} : memref<5x128x64xf32, #tpu.memory_space<vmem>>, vector<16xf32>,
        %mul3A_1385 = arith.constant 64 : i32
        %mul3A_1386 = arith.muli %add3A_1364, %mul3A_1385 : i32
        %add3A_1387 = arith.constant 16 : i32
        %add3A_1388 = arith.addi %mul3A_1386, %add3A_1387 : i32
        %multiple_of3A_1389 = tpu.assume_multiple %add3A_1388, 16 : i32
        %get3A_1390 = arith.constant 1 : i32
        %get3A_1391 = arith.index_cast %get3A_1390 : i32 to index
        %get3A_1392 = arith.index_cast %add3A_1364 : i32 to index
        %get3A_1393 = arith.constant 16 : index
        %get3A_1394 = tpu.vector_load %arg7[%get3A_1391, %get3A_1392, %get3A_1393] {strides = array<i32>} : memref<5x128x64xf32, #tpu.memory_space<vmem>>, vector<16xf32>,
        %get3A_1395 = arith.constant 1 : i32
        %get3A_1396 = arith.index_cast %get3A_1395 : i32 to index
        %get3A_1397 = arith.index_cast %multiple_of3A_1389 : i32 to index
        %get3A_1398 = tpu.vector_load %arg8[%get3A_1396, %get3A_1397] {strides = array<i32>} : memref<5x8192xf32, #tpu.memory_space<vmem>>, vector<16xf32>,
        %add3A_1399 = arith.addf %get3A_1394, %get3A_1398 : vector<16xf32>
        %swap3A_1400 = arith.constant 1 : i32
        %swap3A_1401 = arith.index_cast %swap3A_1400 : i32 to index
        %swap3A_1402 = arith.index_cast %add3A_1364 : i32 to index
        %swap3A_1403 = arith.constant 16 : index
        %swap3A_1404 = tpu.vector_load %arg7[%swap3A_1401, %swap3A_1402, %swap3A_1403] {strides = array<i32>} : memref<5x128x64xf32, #tpu.memory_space<vmem>>, vector<16xf32>,
        tpu.vector_store %arg7[%swap3A_1401, %swap3A_1402, %swap3A_1403], %add3A_1399 {strides = array<i32>} : memref<5x128x64xf32, #tpu.memory_space<vmem>>, vector<16xf32>,
        %mul3A_1405 = arith.constant 64 : i32
        %mul3A_1406 = arith.muli %add3A_1364, %mul3A_1405 : i32
        %add3A_1407 = arith.constant 32 : i32
        %add3A_1408 = arith.addi %mul3A_1406, %add3A_1407 : i32
        %multiple_of3A_1409 = tpu.assume_multiple %add3A_1408, 16 : i32
        %get3A_1410 = arith.constant 1 : i32
        %get3A_1411 = arith.index_cast %get3A_1410 : i32 to index
        %get3A_1412 = arith.index_cast %add3A_1364 : i32 to index
        %get3A_1413 = arith.constant 32 : index
        %get3A_1414 = tpu.vector_load %arg7[%get3A_1411, %get3A_1412, %get3A_1413] {strides = array<i32>} : memref<5x128x64xf32, #tpu.memory_space<vmem>>, vector<16xf32>,
        %get3A_1415 = arith.constant 1 : i32
        %get3A_1416 = arith.index_cast %get3A_1415 : i32 to index
        %get3A_1417 = arith.index_cast %multiple_of3A_1409 : i32 to index
        %get3A_1418 = tpu.vector_load %arg8[%get3A_1416, %get3A_1417] {strides = array<i32>} : memref<5x8192xf32, #tpu.memory_space<vmem>>, vector<16xf32>,
        %add3A_1419 = arith.addf %get3A_1414, %get3A_1418 : vector<16xf32>
        %swap3A_1420 = arith.constant 1 : i32
        %swap3A_1421 = arith.index_cast %swap3A_1420 : i32 to index
        %swap3A_1422 = arith.index_cast %add3A_1364 : i32 to index
        %swap3A_1423 = arith.constant 32 : index
        %swap3A_1424 = tpu.vector_load %arg7[%swap3A_1421, %swap3A_1422, %swap3A_1423] {strides = array<i32>} : memref<5x128x64xf32, #tpu.memory_space<vmem>>, vector<16xf32>,
        tpu.vector_store %arg7[%swap3A_1421, %swap3A_1422, %swap3A_1423], %add3A_1419 {strides = array<i32>} : memref<5x128x64xf32, #tpu.memory_space<vmem>>, vector<16xf32>,
        %mul3A_1425 = arith.constant 64 : i32
        %mul3A_1426 = arith.muli %add3A_1364, %mul3A_1425 : i32
        %add3A_1427 = arith.constant 48 : i32
        %add3A_1428 = arith.addi %mul3A_1426, %add3A_1427 : i32
        %multiple_of3A_1429 = tpu.assume_multiple %add3A_1428, 16 : i32
        %get3A_1430 = arith.constant 1 : i32
        %get3A_1431 = arith.index_cast %get3A_1430 : i32 to index
        %get3A_1432 = arith.index_cast %add3A_1364 : i32 to index
        %get3A_1433 = arith.constant 48 : index
        %get3A_1434 = tpu.vector_load %arg7[%get3A_1431, %get3A_1432, %get3A_1433] {strides = array<i32>} : memref<5x128x64xf32, #tpu.memory_space<vmem>>, vector<16xf32>,
        %get3A_1435 = arith.constant 1 : i32
        %get3A_1436 = arith.index_cast %get3A_1435 : i32 to index
        %get3A_1437 = arith.index_cast %multiple_of3A_1429 : i32 to index
        %get3A_1438 = tpu.vector_load %arg8[%get3A_1436, %get3A_1437] {strides = array<i32>} : memref<5x8192xf32, #tpu.memory_space<vmem>>, vector<16xf32>,
        %add3A_1439 = arith.addf %get3A_1434, %get3A_1438 : vector<16xf32>
        %swap3A_1440 = arith.constant 1 : i32
        %swap3A_1441 = arith.index_cast %swap3A_1440 : i32 to index
        %swap3A_1442 = arith.index_cast %add3A_1364 : i32 to index
        %swap3A_1443 = arith.constant 48 : index
        %swap3A_1444 = tpu.vector_load %arg7[%swap3A_1441, %swap3A_1442, %swap3A_1443] {strides = array<i32>} : memref<5x128x64xf32, #tpu.memory_space<vmem>>, vector<16xf32>,
        tpu.vector_store %arg7[%swap3A_1441, %swap3A_1442, %swap3A_1443], %add3A_1439 {strides = array<i32>} : memref<5x128x64xf32, #tpu.memory_space<vmem>>, vector<16xf32>,
      }
      %scan3A_686 = arith.constant 128 : i32
      %mul3A_687 = arith.constant 128 : i32
      %mul3A_688 = arith.muli %add3A_649, %mul3A_687 : i32
      %add3A_689 = arith.addi %mul3A_2, %mul3A_688 : i32
      %multiple_of3A_690 = tpu.assume_multiple %add3A_689, 8 : i32
      %dma_start3A_691 = arith.constant 1 : i32
      %dma_start3A_692 = arith.constant 1 : i32
      %dma_start3A_693 = arith.constant 0 : i32
      %dma_start3A_694 = arith.constant 0 : i32
      %dma_start3A_695 = tpu.memref_slice %arg7[%dma_start3A_691, %dma_start3A_693, %dma_start3A_694] : memref<5x128x64xf32, #tpu.memory_space<vmem>> -> memref<1x128x64xf32, #tpu.memory_space<vmem>>
      %dma_start3A_696 = tpu.memref_squeeze %dma_start3A_695 : memref<1x128x64xf32, #tpu.memory_space<vmem>> -> memref<128x64xf32, #tpu.memory_space<vmem>>
      %dma_start3A_697 = arith.constant 0 : i32
      %dma_start3A_698 = tpu.memref_slice %arg5[%multiple_of3A_690, %dma_start3A_697] : memref<204800x64xf32, #tpu.memory_space<hbm>> -> memref<128x64xf32, #tpu.memory_space<hbm>>
      %dma_start3A_699 = tpu.memref_slice %arg11[%dma_start3A_692] : memref<5x!tpu.dma_semaphore, #tpu.memory_space<semaphore_mem>> -> memref<1x!tpu.dma_semaphore, #tpu.memory_space<semaphore_mem>>
      %dma_start3A_700 = tpu.memref_squeeze %dma_start3A_699 : memref<1x!tpu.dma_semaphore, #tpu.memory_space<semaphore_mem>> -> memref<!tpu.dma_semaphore, #tpu.memory_space<semaphore_mem>>
      %dma_start3A_701 = arith.constant 0 : i32
      %dma_start3A_702 = tpu.memref_slice %arg5[%multiple_of3A_690, %dma_start3A_701] : memref<204800x64xf32, #tpu.memory_space<hbm>> -> memref<128x64xf32, #tpu.memory_space<hbm>>
      %dma_start3A_703 = arith.constant 0 : i32
      %dma_start3A_704 = arith.constant 0 : i32
      %dma_start3A_705 = tpu.memref_slice %arg7[%dma_start3A_691, %dma_start3A_703, %dma_start3A_704] : memref<5x128x64xf32, #tpu.memory_space<vmem>> -> memref<1x128x64xf32, #tpu.memory_space<vmem>>
      %dma_start3A_706 = tpu.memref_squeeze %dma_start3A_705 : memref<1x128x64xf32, #tpu.memory_space<vmem>> -> memref<128x64xf32, #tpu.memory_space<vmem>>
      tpu.enqueue_dma source(%dma_start3A_706 : memref<128x64xf32, #tpu.memory_space<vmem>>) target(%dma_start3A_702 : memref<128x64xf32, #tpu.memory_space<hbm>>) target_semaphore(%dma_start3A_700 : memref<!tpu.dma_semaphore, #tpu.memory_space<semaphore_mem>>)
      %dma_wait3A_707 = arith.constant 1 : i32
      %dma_wait3A_708 = arith.constant 1 : i32
      %dma_wait3A_709 = arith.constant 0 : i32
      %dma_wait3A_710 = arith.constant 0 : i32
      %dma_wait3A_711 = tpu.memref_slice %arg7[%dma_wait3A_707, %dma_wait3A_709, %dma_wait3A_710] : memref<5x128x64xf32, #tpu.memory_space<vmem>> -> memref<1x128x64xf32, #tpu.memory_space<vmem>>
      %dma_wait3A_712 = tpu.memref_squeeze %dma_wait3A_711 : memref<1x128x64xf32, #tpu.memory_space<vmem>> -> memref<128x64xf32, #tpu.memory_space<vmem>>
      %dma_wait3A_713 = arith.constant 0 : i32
      %dma_wait3A_714 = arith.constant 0 : i32
      %dma_wait3A_715 = tpu.memref_slice %arg5[%dma_wait3A_713, %dma_wait3A_714] : memref<204800x64xf32, #tpu.memory_space<hbm>> -> memref<128x64xf32, #tpu.memory_space<hbm>>
      %dma_wait3A_716 = tpu.memref_slice %arg11[%dma_wait3A_708] : memref<5x!tpu.dma_semaphore, #tpu.memory_space<semaphore_mem>> -> memref<1x!tpu.dma_semaphore, #tpu.memory_space<semaphore_mem>>
      %dma_wait3A_717 = tpu.memref_squeeze %dma_wait3A_716 : memref<1x!tpu.dma_semaphore, #tpu.memory_space<semaphore_mem>> -> memref<!tpu.dma_semaphore, #tpu.memory_space<semaphore_mem>>
      %dma_wait3A_718 = arith.constant 0 : i32
      %dma_wait3A_719 = arith.constant 0 : i32
      %dma_wait3A_720 = tpu.memref_slice %arg5[%dma_wait3A_718, %dma_wait3A_719] : memref<204800x64xf32, #tpu.memory_space<hbm>> -> memref<128x64xf32, #tpu.memory_space<hbm>>
      %dma_wait3A_721 = arith.constant 0 : i32
      %dma_wait3A_722 = arith.constant 0 : i32
      %dma_wait3A_723 = tpu.memref_slice %arg7[%dma_wait3A_707, %dma_wait3A_721, %dma_wait3A_722] : memref<5x128x64xf32, #tpu.memory_space<vmem>> -> memref<1x128x64xf32, #tpu.memory_space<vmem>>
      %dma_wait3A_724 = tpu.memref_squeeze %dma_wait3A_723 : memref<1x128x64xf32, #tpu.memory_space<vmem>> -> memref<128x64xf32, #tpu.memory_space<vmem>>
      tpu.wait_dma2 semaphore(%dma_wait3A_717 : memref<!tpu.dma_semaphore, #tpu.memory_space<semaphore_mem>>) src(%dma_wait3A_724 : memref<128x64xf32, #tpu.memory_space<vmem>>) dst(%dma_wait3A_720 : memref<128x64xf32, #tpu.memory_space<hbm>>)
      %add3A_725 = arith.constant 5 : i32
      %add3A_726 = arith.addi %add3A_649, %add3A_725 : i32
      %mul3A_727 = arith.constant 128 : i32
      %mul3A_728 = arith.muli %add3A_726, %mul3A_727 : i32
      %multiple_of3A_729 = tpu.assume_multiple %mul3A_728, 8 : i32
      %dma_start3A_730 = arith.constant 1 : i32
      %dma_start3A_731 = arith.constant 1 : i32
      %dma_start3A_732 = arith.constant 0 : i32
      %dma_start3A_733 = arith.constant 0 : i32
      %dma_start3A_734 = tpu.memref_slice %arg7[%dma_start3A_730, %dma_start3A_732, %dma_start3A_733] : memref<5x128x64xf32, #tpu.memory_space<vmem>> -> memref<1x128x64xf32, #tpu.memory_space<vmem>>
      %dma_start3A_735 = tpu.memref_squeeze %dma_start3A_734 : memref<1x128x64xf32, #tpu.memory_space<vmem>> -> memref<128x64xf32, #tpu.memory_space<vmem>>
      %dma_start3A_736 = tpu.memref_slice %arg6[%multiple_of3A_729] : memref<6400xi32, #tpu.memory_space<vmem>> -> memref<128xi32, #tpu.memory_space<vmem>>
      %dma_start3A_737 = arith.constant 0 : i32
      %dma_start3A_738 = arith.constant 0 : i32
      %dma_start3A_739 = tpu.memref_slice %arg3[%dma_start3A_737, %dma_start3A_738] : memref<1000000x64xf32, #tpu.memory_space<hbm>> -> memref<1000000x64xf32, #tpu.memory_space<hbm>>
      %dma_start3A_740 = tpu.memref_slice %arg9[%dma_start3A_731] : memref<5x!tpu.dma_semaphore, #tpu.memory_space<semaphore_mem>> -> memref<1x!tpu.dma_semaphore, #tpu.memory_space<semaphore_mem>>
      %dma_start3A_741 = tpu.memref_squeeze %dma_start3A_740 : memref<1x!tpu.dma_semaphore, #tpu.memory_space<semaphore_mem>> -> memref<!tpu.dma_semaphore, #tpu.memory_space<semaphore_mem>>
      tpu.enqueue_indirect_dma source(%dma_start3A_739 : memref<1000000x64xf32, #tpu.memory_space<hbm>>) target(%dma_start3A_735 : memref<128x64xf32, #tpu.memory_space<vmem>>) offsets(%dma_start3A_736 : memref<128xi32, #tpu.memory_space<vmem>>) semaphore(%dma_start3A_741 : memref<!tpu.dma_semaphore, #tpu.memory_space<semaphore_mem>>)
      %add3A_742 = arith.constant 5 : i32
      %add3A_743 = arith.addi %add3A_649, %add3A_742 : i32
      %mul3A_744 = arith.constant 128 : i32
      %mul3A_745 = arith.muli %add3A_743, %mul3A_744 : i32
      %add3A_746 = arith.addi %mul3A_2, %mul3A_745 : i32
      %mul3A_747 = arith.constant 64 : i32
      %mul3A_748 = arith.muli %add3A_746, %mul3A_747 : i32
      %multiple_of3A_749 = tpu.assume_multiple %mul3A_748, 8192 : i32
      %dma_start3A_750 = arith.constant 1 : i32
      %dma_start3A_751 = arith.constant 1 : i32
      %dma_start3A_752 = arith.constant 0 : i32
      %dma_start3A_753 = tpu.memref_slice %arg8[%dma_start3A_750, %dma_start3A_752] : memref<5x8192xf32, #tpu.memory_space<vmem>> -> memref<1x8192xf32, #tpu.memory_space<vmem>>
      %dma_start3A_754 = tpu.memref_squeeze %dma_start3A_753 : memref<1x8192xf32, #tpu.memory_space<vmem>> -> memref<8192xf32, #tpu.memory_space<vmem>>
      %dma_start3A_755 = tpu.memref_slice %arg4[%multiple_of3A_749] : memref<13107200xf32, #tpu.memory_space<hbm>> -> memref<8192xf32, #tpu.memory_space<hbm>>
      %dma_start3A_756 = tpu.memref_slice %arg10[%dma_start3A_751] : memref<5x!tpu.dma_semaphore, #tpu.memory_space<semaphore_mem>> -> memref<1x!tpu.dma_semaphore, #tpu.memory_space<semaphore_mem>>
      %dma_start3A_757 = tpu.memref_squeeze %dma_start3A_756 : memref<1x!tpu.dma_semaphore, #tpu.memory_space<semaphore_mem>> -> memref<!tpu.dma_semaphore, #tpu.memory_space<semaphore_mem>>
      %dma_start3A_758 = arith.constant 0 : i32
      %dma_start3A_759 = tpu.memref_slice %arg8[%dma_start3A_750, %dma_start3A_758] : memref<5x8192xf32, #tpu.memory_space<vmem>> -> memref<1x8192xf32, #tpu.memory_space<vmem>>
      %dma_start3A_760 = tpu.memref_squeeze %dma_start3A_759 : memref<1x8192xf32, #tpu.memory_space<vmem>> -> memref<8192xf32, #tpu.memory_space<vmem>>
      %dma_start3A_761 = tpu.memref_slice %arg4[%multiple_of3A_749] : memref<13107200xf32, #tpu.memory_space<hbm>> -> memref<8192xf32, #tpu.memory_space<hbm>>
      tpu.enqueue_dma source(%dma_start3A_761 : memref<8192xf32, #tpu.memory_space<hbm>>) target(%dma_start3A_760 : memref<8192xf32, #tpu.memory_space<vmem>>) target_semaphore(%dma_start3A_757 : memref<!tpu.dma_semaphore, #tpu.memory_space<semaphore_mem>>)
      %add3A_762 = arith.constant 2 : i32
      %add3A_763 = arith.addi %add3A_533, %add3A_762 : i32
      %dma_wait3A_764 = arith.constant 2 : i32
      %dma_wait3A_765 = arith.constant 2 : i32
      %dma_wait3A_766 = arith.constant 0 : i32
      %dma_wait3A_767 = arith.constant 0 : i32
      %dma_wait3A_768 = tpu.memref_slice %arg7[%dma_wait3A_764, %dma_wait3A_766, %dma_wait3A_767] : memref<5x128x64xf32, #tpu.memory_space<vmem>> -> memref<1x128x64xf32, #tpu.memory_space<vmem>>
      %dma_wait3A_769 = tpu.memref_squeeze %dma_wait3A_768 : memref<1x128x64xf32, #tpu.memory_space<vmem>> -> memref<128x64xf32, #tpu.memory_space<vmem>>
      %dma_wait3A_770 = arith.constant 0 : i32
      %dma_wait3A_771 = arith.constant 0 : i32
      %dma_wait3A_772 = tpu.memref_slice %arg3[%dma_wait3A_770, %dma_wait3A_771] : memref<1000000x64xf32, #tpu.memory_space<hbm>> -> memref<128x64xf32, #tpu.memory_space<hbm>>
      %dma_wait3A_773 = tpu.memref_slice %arg9[%dma_wait3A_765] : memref<5x!tpu.dma_semaphore, #tpu.memory_space<semaphore_mem>> -> memref<1x!tpu.dma_semaphore, #tpu.memory_space<semaphore_mem>>
      %dma_wait3A_774 = tpu.memref_squeeze %dma_wait3A_773 : memref<1x!tpu.dma_semaphore, #tpu.memory_space<semaphore_mem>> -> memref<!tpu.dma_semaphore, #tpu.memory_space<semaphore_mem>>
      %dma_wait3A_775 = arith.constant 0 : i32
      %dma_wait3A_776 = arith.constant 0 : i32
      %dma_wait3A_777 = tpu.memref_slice %arg7[%dma_wait3A_764, %dma_wait3A_775, %dma_wait3A_776] : memref<5x128x64xf32, #tpu.memory_space<vmem>> -> memref<1x128x64xf32, #tpu.memory_space<vmem>>
      %dma_wait3A_778 = tpu.memref_squeeze %dma_wait3A_777 : memref<1x128x64xf32, #tpu.memory_space<vmem>> -> memref<128x64xf32, #tpu.memory_space<vmem>>
      %dma_wait3A_779 = arith.constant 0 : i32
      %dma_wait3A_780 = arith.constant 0 : i32
      %dma_wait3A_781 = tpu.memref_slice %arg3[%dma_wait3A_779, %dma_wait3A_780] : memref<1000000x64xf32, #tpu.memory_space<hbm>> -> memref<128x64xf32, #tpu.memory_space<hbm>>
      tpu.wait_dma2 semaphore(%dma_wait3A_774 : memref<!tpu.dma_semaphore, #tpu.memory_space<semaphore_mem>>) src(%dma_wait3A_781 : memref<128x64xf32, #tpu.memory_space<hbm>>) dst(%dma_wait3A_778 : memref<128x64xf32, #tpu.memory_space<vmem>>)
      %dma_wait3A_782 = arith.constant 2 : i32
      %dma_wait3A_783 = arith.constant 2 : i32
      %dma_wait3A_784 = arith.constant 0 : i32
      %dma_wait3A_785 = tpu.memref_slice %arg8[%dma_wait3A_782, %dma_wait3A_784] : memref<5x8192xf32, #tpu.memory_space<vmem>> -> memref<1x8192xf32, #tpu.memory_space<vmem>>
      %dma_wait3A_786 = tpu.memref_squeeze %dma_wait3A_785 : memref<1x8192xf32, #tpu.memory_space<vmem>> -> memref<8192xf32, #tpu.memory_space<vmem>>
      %dma_wait3A_787 = arith.constant 0 : i32
      %dma_wait3A_788 = tpu.memref_slice %arg4[%dma_wait3A_787] : memref<13107200xf32, #tpu.memory_space<hbm>> -> memref<8192xf32, #tpu.memory_space<hbm>>
      %dma_wait3A_789 = tpu.memref_slice %arg10[%dma_wait3A_783] : memref<5x!tpu.dma_semaphore, #tpu.memory_space<semaphore_mem>> -> memref<1x!tpu.dma_semaphore, #tpu.memory_space<semaphore_mem>>
      %dma_wait3A_790 = tpu.memref_squeeze %dma_wait3A_789 : memref<1x!tpu.dma_semaphore, #tpu.memory_space<semaphore_mem>> -> memref<!tpu.dma_semaphore, #tpu.memory_space<semaphore_mem>>
      %dma_wait3A_791 = arith.constant 0 : i32
      %dma_wait3A_792 = tpu.memref_slice %arg8[%dma_wait3A_782, %dma_wait3A_791] : memref<5x8192xf32, #tpu.memory_space<vmem>> -> memref<1x8192xf32, #tpu.memory_space<vmem>>
      %dma_wait3A_793 = tpu.memref_squeeze %dma_wait3A_792 : memref<1x8192xf32, #tpu.memory_space<vmem>> -> memref<8192xf32, #tpu.memory_space<vmem>>
      %dma_wait3A_794 = arith.constant 0 : i32
      %dma_wait3A_795 = tpu.memref_slice %arg4[%dma_wait3A_794] : memref<13107200xf32, #tpu.memory_space<hbm>> -> memref<8192xf32, #tpu.memory_space<hbm>>
      tpu.wait_dma2 semaphore(%dma_wait3A_790 : memref<!tpu.dma_semaphore, #tpu.memory_space<semaphore_mem>>) src(%dma_wait3A_795 : memref<8192xf32, #tpu.memory_space<hbm>>) dst(%dma_wait3A_793 : memref<8192xf32, #tpu.memory_space<vmem>>)
      %scan3A_796 = arith.constant 0 : i32
      %scan3A_797 = arith.constant 128 : i32
      %scan3A_798 = arith.addi %scan3A_796, %scan3A_797 : i32
      %scan3A_799 = arith.constant 4 : i32
      scf.for %scan3A_1104 = %scan3A_796 to %scan3A_798 step %scan3A_799  : i32 {
        %mul3A_1105 = arith.constant 1 : i32
        %mul3A_1106 = arith.muli %scan3A_1104, %mul3A_1105 : i32
        %add3A_1107 = arith.constant 0 : i32
        %add3A_1108 = arith.addi %add3A_1107, %mul3A_1106 : i32
        %mul3A_1109 = arith.constant 64 : i32
        %mul3A_1110 = arith.muli %add3A_1108, %mul3A_1109 : i32
        %add3A_1111 = arith.constant 0 : i32
        %add3A_1112 = arith.addi %mul3A_1110, %add3A_1111 : i32
        %multiple_of3A_1113 = tpu.assume_multiple %add3A_1112, 16 : i32
        %get3A = arith.constant 2 : i32
        %get3A_1114 = arith.index_cast %get3A : i32 to index
        %get3A_1115 = arith.index_cast %add3A_1108 : i32 to index
        %get3A_1116 = arith.constant 0 : index
        %get3A_1117 = tpu.vector_load %arg7[%get3A_1114, %get3A_1115, %get3A_1116] {strides = array<i32>} : memref<5x128x64xf32, #tpu.memory_space<vmem>>, vector<16xf32>,
        %get3A_1118 = arith.constant 2 : i32
        %get3A_1119 = arith.index_cast %get3A_1118 : i32 to index
        %get3A_1120 = arith.index_cast %multiple_of3A_1113 : i32 to index
        %get3A_1121 = tpu.vector_load %arg8[%get3A_1119, %get3A_1120] {strides = array<i32>} : memref<5x8192xf32, #tpu.memory_space<vmem>>, vector<16xf32>,
        %add3A_1122 = arith.addf %get3A_1117, %get3A_1121 : vector<16xf32>
        %swap3A = arith.constant 2 : i32
        %swap3A_1123 = arith.index_cast %swap3A : i32 to index
        %swap3A_1124 = arith.index_cast %add3A_1108 : i32 to index
        %swap3A_1125 = arith.constant 0 : index
        %swap3A_1126 = tpu.vector_load %arg7[%swap3A_1123, %swap3A_1124, %swap3A_1125] {strides = array<i32>} : memref<5x128x64xf32, #tpu.memory_space<vmem>>, vector<16xf32>,
        tpu.vector_store %arg7[%swap3A_1123, %swap3A_1124, %swap3A_1125], %add3A_1122 {strides = array<i32>} : memref<5x128x64xf32, #tpu.memory_space<vmem>>, vector<16xf32>,
        %mul3A_1127 = arith.constant 64 : i32
        %mul3A_1128 = arith.muli %add3A_1108, %mul3A_1127 : i32
        %add3A_1129 = arith.constant 16 : i32
        %add3A_1130 = arith.addi %mul3A_1128, %add3A_1129 : i32
        %multiple_of3A_1131 = tpu.assume_multiple %add3A_1130, 16 : i32
        %get3A_1132 = arith.constant 2 : i32
        %get3A_1133 = arith.index_cast %get3A_1132 : i32 to index
        %get3A_1134 = arith.index_cast %add3A_1108 : i32 to index
        %get3A_1135 = arith.constant 16 : index
        %get3A_1136 = tpu.vector_load %arg7[%get3A_1133, %get3A_1134, %get3A_1135] {strides = array<i32>} : memref<5x128x64xf32, #tpu.memory_space<vmem>>, vector<16xf32>,
        %get3A_1137 = arith.constant 2 : i32
        %get3A_1138 = arith.index_cast %get3A_1137 : i32 to index
        %get3A_1139 = arith.index_cast %multiple_of3A_1131 : i32 to index
        %get3A_1140 = tpu.vector_load %arg8[%get3A_1138, %get3A_1139] {strides = array<i32>} : memref<5x8192xf32, #tpu.memory_space<vmem>>, vector<16xf32>,
        %add3A_1141 = arith.addf %get3A_1136, %get3A_1140 : vector<16xf32>
        %swap3A_1142 = arith.constant 2 : i32
        %swap3A_1143 = arith.index_cast %swap3A_1142 : i32 to index
        %swap3A_1144 = arith.index_cast %add3A_1108 : i32 to index
        %swap3A_1145 = arith.constant 16 : index
        %swap3A_1146 = tpu.vector_load %arg7[%swap3A_1143, %swap3A_1144, %swap3A_1145] {strides = array<i32>} : memref<5x128x64xf32, #tpu.memory_space<vmem>>, vector<16xf32>,
        tpu.vector_store %arg7[%swap3A_1143, %swap3A_1144, %swap3A_1145], %add3A_1141 {strides = array<i32>} : memref<5x128x64xf32, #tpu.memory_space<vmem>>, vector<16xf32>,
        %mul3A_1147 = arith.constant 64 : i32
        %mul3A_1148 = arith.muli %add3A_1108, %mul3A_1147 : i32
        %add3A_1149 = arith.constant 32 : i32
        %add3A_1150 = arith.addi %mul3A_1148, %add3A_1149 : i32
        %multiple_of3A_1151 = tpu.assume_multiple %add3A_1150, 16 : i32
        %get3A_1152 = arith.constant 2 : i32
        %get3A_1153 = arith.index_cast %get3A_1152 : i32 to index
        %get3A_1154 = arith.index_cast %add3A_1108 : i32 to index
        %get3A_1155 = arith.constant 32 : index
        %get3A_1156 = tpu.vector_load %arg7[%get3A_1153, %get3A_1154, %get3A_1155] {strides = array<i32>} : memref<5x128x64xf32, #tpu.memory_space<vmem>>, vector<16xf32>,
        %get3A_1157 = arith.constant 2 : i32
        %get3A_1158 = arith.index_cast %get3A_1157 : i32 to index
        %get3A_1159 = arith.index_cast %multiple_of3A_1151 : i32 to index
        %get3A_1160 = tpu.vector_load %arg8[%get3A_1158, %get3A_1159] {strides = array<i32>} : memref<5x8192xf32, #tpu.memory_space<vmem>>, vector<16xf32>,
        %add3A_1161 = arith.addf %get3A_1156, %get3A_1160 : vector<16xf32>
        %swap3A_1162 = arith.constant 2 : i32
        %swap3A_1163 = arith.index_cast %swap3A_1162 : i32 to index
        %swap3A_1164 = arith.index_cast %add3A_1108 : i32 to index
        %swap3A_1165 = arith.constant 32 : index
        %swap3A_1166 = tpu.vector_load %arg7[%swap3A_1163, %swap3A_1164, %swap3A_1165] {strides = array<i32>} : memref<5x128x64xf32, #tpu.memory_space<vmem>>, vector<16xf32>,
        tpu.vector_store %arg7[%swap3A_1163, %swap3A_1164, %swap3A_1165], %add3A_1161 {strides = array<i32>} : memref<5x128x64xf32, #tpu.memory_space<vmem>>, vector<16xf32>,
        %mul3A_1167 = arith.constant 64 : i32
        %mul3A_1168 = arith.muli %add3A_1108, %mul3A_1167 : i32
        %add3A_1169 = arith.constant 48 : i32
        %add3A_1170 = arith.addi %mul3A_1168, %add3A_1169 : i32
        %multiple_of3A_1171 = tpu.assume_multiple %add3A_1170, 16 : i32
        %get3A_1172 = arith.constant 2 : i32
        %get3A_1173 = arith.index_cast %get3A_1172 : i32 to index
        %get3A_1174 = arith.index_cast %add3A_1108 : i32 to index
        %get3A_1175 = arith.constant 48 : index
        %get3A_1176 = tpu.vector_load %arg7[%get3A_1173, %get3A_1174, %get3A_1175] {strides = array<i32>} : memref<5x128x64xf32, #tpu.memory_space<vmem>>, vector<16xf32>,
        %get3A_1177 = arith.constant 2 : i32
        %get3A_1178 = arith.index_cast %get3A_1177 : i32 to index
        %get3A_1179 = arith.index_cast %multiple_of3A_1171 : i32 to index
        %get3A_1180 = tpu.vector_load %arg8[%get3A_1178, %get3A_1179] {strides = array<i32>} : memref<5x8192xf32, #tpu.memory_space<vmem>>, vector<16xf32>,
        %add3A_1181 = arith.addf %get3A_1176, %get3A_1180 : vector<16xf32>
        %swap3A_1182 = arith.constant 2 : i32
        %swap3A_1183 = arith.index_cast %swap3A_1182 : i32 to index
        %swap3A_1184 = arith.index_cast %add3A_1108 : i32 to index
        %swap3A_1185 = arith.constant 48 : index
        %swap3A_1186 = tpu.vector_load %arg7[%swap3A_1183, %swap3A_1184, %swap3A_1185] {strides = array<i32>} : memref<5x128x64xf32, #tpu.memory_space<vmem>>, vector<16xf32>,
        tpu.vector_store %arg7[%swap3A_1183, %swap3A_1184, %swap3A_1185], %add3A_1181 {strides = array<i32>} : memref<5x128x64xf32, #tpu.memory_space<vmem>>, vector<16xf32>,
        %scan3A_1187 = arith.constant 1 : i32
        %scan3A_1188 = arith.addi %scan3A_1104, %scan3A_1187 : i32
        %mul3A_1189 = arith.constant 1 : i32
        %mul3A_1190 = arith.muli %scan3A_1188, %mul3A_1189 : i32
        %add3A_1191 = arith.constant 0 : i32
        %add3A_1192 = arith.addi %add3A_1191, %mul3A_1190 : i32
        %mul3A_1193 = arith.constant 64 : i32
        %mul3A_1194 = arith.muli %add3A_1192, %mul3A_1193 : i32
        %add3A_1195 = arith.constant 0 : i32
        %add3A_1196 = arith.addi %mul3A_1194, %add3A_1195 : i32
        %multiple_of3A_1197 = tpu.assume_multiple %add3A_1196, 16 : i32
        %get3A_1198 = arith.constant 2 : i32
        %get3A_1199 = arith.index_cast %get3A_1198 : i32 to index
        %get3A_1200 = arith.index_cast %add3A_1192 : i32 to index
        %get3A_1201 = arith.constant 0 : index
        %get3A_1202 = tpu.vector_load %arg7[%get3A_1199, %get3A_1200, %get3A_1201] {strides = array<i32>} : memref<5x128x64xf32, #tpu.memory_space<vmem>>, vector<16xf32>,
        %get3A_1203 = arith.constant 2 : i32
        %get3A_1204 = arith.index_cast %get3A_1203 : i32 to index
        %get3A_1205 = arith.index_cast %multiple_of3A_1197 : i32 to index
        %get3A_1206 = tpu.vector_load %arg8[%get3A_1204, %get3A_1205] {strides = array<i32>} : memref<5x8192xf32, #tpu.memory_space<vmem>>, vector<16xf32>,
        %add3A_1207 = arith.addf %get3A_1202, %get3A_1206 : vector<16xf32>
        %swap3A_1208 = arith.constant 2 : i32
        %swap3A_1209 = arith.index_cast %swap3A_1208 : i32 to index
        %swap3A_1210 = arith.index_cast %add3A_1192 : i32 to index
        %swap3A_1211 = arith.constant 0 : index
        %swap3A_1212 = tpu.vector_load %arg7[%swap3A_1209, %swap3A_1210, %swap3A_1211] {strides = array<i32>} : memref<5x128x64xf32, #tpu.memory_space<vmem>>, vector<16xf32>,
        tpu.vector_store %arg7[%swap3A_1209, %swap3A_1210, %swap3A_1211], %add3A_1207 {strides = array<i32>} : memref<5x128x64xf32, #tpu.memory_space<vmem>>, vector<16xf32>,
        %mul3A_1213 = arith.constant 64 : i32
        %mul3A_1214 = arith.muli %add3A_1192, %mul3A_1213 : i32
        %add3A_1215 = arith.constant 16 : i32
        %add3A_1216 = arith.addi %mul3A_1214, %add3A_1215 : i32
        %multiple_of3A_1217 = tpu.assume_multiple %add3A_1216, 16 : i32
        %get3A_1218 = arith.constant 2 : i32
        %get3A_1219 = arith.index_cast %get3A_1218 : i32 to index
        %get3A_1220 = arith.index_cast %add3A_1192 : i32 to index
        %get3A_1221 = arith.constant 16 : index
        %get3A_1222 = tpu.vector_load %arg7[%get3A_1219, %get3A_1220, %get3A_1221] {strides = array<i32>} : memref<5x128x64xf32, #tpu.memory_space<vmem>>, vector<16xf32>,
        %get3A_1223 = arith.constant 2 : i32
        %get3A_1224 = arith.index_cast %get3A_1223 : i32 to index
        %get3A_1225 = arith.index_cast %multiple_of3A_1217 : i32 to index
        %get3A_1226 = tpu.vector_load %arg8[%get3A_1224, %get3A_1225] {strides = array<i32>} : memref<5x8192xf32, #tpu.memory_space<vmem>>, vector<16xf32>,
        %add3A_1227 = arith.addf %get3A_1222, %get3A_1226 : vector<16xf32>
        %swap3A_1228 = arith.constant 2 : i32
        %swap3A_1229 = arith.index_cast %swap3A_1228 : i32 to index
        %swap3A_1230 = arith.index_cast %add3A_1192 : i32 to index
        %swap3A_1231 = arith.constant 16 : index
        %swap3A_1232 = tpu.vector_load %arg7[%swap3A_1229, %swap3A_1230, %swap3A_1231] {strides = array<i32>} : memref<5x128x64xf32, #tpu.memory_space<vmem>>, vector<16xf32>,
        tpu.vector_store %arg7[%swap3A_1229, %swap3A_1230, %swap3A_1231], %add3A_1227 {strides = array<i32>} : memref<5x128x64xf32, #tpu.memory_space<vmem>>, vector<16xf32>,
        %mul3A_1233 = arith.constant 64 : i32
        %mul3A_1234 = arith.muli %add3A_1192, %mul3A_1233 : i32
        %add3A_1235 = arith.constant 32 : i32
        %add3A_1236 = arith.addi %mul3A_1234, %add3A_1235 : i32
        %multiple_of3A_1237 = tpu.assume_multiple %add3A_1236, 16 : i32
        %get3A_1238 = arith.constant 2 : i32
        %get3A_1239 = arith.index_cast %get3A_1238 : i32 to index
        %get3A_1240 = arith.index_cast %add3A_1192 : i32 to index
        %get3A_1241 = arith.constant 32 : index
        %get3A_1242 = tpu.vector_load %arg7[%get3A_1239, %get3A_1240, %get3A_1241] {strides = array<i32>} : memref<5x128x64xf32, #tpu.memory_space<vmem>>, vector<16xf32>,
        %get3A_1243 = arith.constant 2 : i32
        %get3A_1244 = arith.index_cast %get3A_1243 : i32 to index
        %get3A_1245 = arith.index_cast %multiple_of3A_1237 : i32 to index
        %get3A_1246 = tpu.vector_load %arg8[%get3A_1244, %get3A_1245] {strides = array<i32>} : memref<5x8192xf32, #tpu.memory_space<vmem>>, vector<16xf32>,
        %add3A_1247 = arith.addf %get3A_1242, %get3A_1246 : vector<16xf32>
        %swap3A_1248 = arith.constant 2 : i32
        %swap3A_1249 = arith.index_cast %swap3A_1248 : i32 to index
        %swap3A_1250 = arith.index_cast %add3A_1192 : i32 to index
        %swap3A_1251 = arith.constant 32 : index
        %swap3A_1252 = tpu.vector_load %arg7[%swap3A_1249, %swap3A_1250, %swap3A_1251] {strides = array<i32>} : memref<5x128x64xf32, #tpu.memory_space<vmem>>, vector<16xf32>,
        tpu.vector_store %arg7[%swap3A_1249, %swap3A_1250, %swap3A_1251], %add3A_1247 {strides = array<i32>} : memref<5x128x64xf32, #tpu.memory_space<vmem>>, vector<16xf32>,
        %mul3A_1253 = arith.constant 64 : i32
        %mul3A_1254 = arith.muli %add3A_1192, %mul3A_1253 : i32
        %add3A_1255 = arith.constant 48 : i32
        %add3A_1256 = arith.addi %mul3A_1254, %add3A_1255 : i32
        %multiple_of3A_1257 = tpu.assume_multiple %add3A_1256, 16 : i32
        %get3A_1258 = arith.constant 2 : i32
        %get3A_1259 = arith.index_cast %get3A_1258 : i32 to index
        %get3A_1260 = arith.index_cast %add3A_1192 : i32 to index
        %get3A_1261 = arith.constant 48 : index
        %get3A_1262 = tpu.vector_load %arg7[%get3A_1259, %get3A_1260, %get3A_1261] {strides = array<i32>} : memref<5x128x64xf32, #tpu.memory_space<vmem>>, vector<16xf32>,
        %get3A_1263 = arith.constant 2 : i32
        %get3A_1264 = arith.index_cast %get3A_1263 : i32 to index
        %get3A_1265 = arith.index_cast %multiple_of3A_1257 : i32 to index
        %get3A_1266 = tpu.vector_load %arg8[%get3A_1264, %get3A_1265] {strides = array<i32>} : memref<5x8192xf32, #tpu.memory_space<vmem>>, vector<16xf32>,
        %add3A_1267 = arith.addf %get3A_1262, %get3A_1266 : vector<16xf32>
        %swap3A_1268 = arith.constant 2 : i32
        %swap3A_1269 = arith.index_cast %swap3A_1268 : i32 to index
        %swap3A_1270 = arith.index_cast %add3A_1192 : i32 to index
        %swap3A_1271 = arith.constant 48 : index
        %swap3A_1272 = tpu.vector_load %arg7[%swap3A_1269, %swap3A_1270, %swap3A_1271] {strides = array<i32>} : memref<5x128x64xf32, #tpu.memory_space<vmem>>, vector<16xf32>,
        tpu.vector_store %arg7[%swap3A_1269, %swap3A_1270, %swap3A_1271], %add3A_1267 {strides = array<i32>} : memref<5x128x64xf32, #tpu.memory_space<vmem>>, vector<16xf32>,
        %scan3A_1273 = arith.constant 2 : i32
        %scan3A_1274 = arith.addi %scan3A_1104, %scan3A_1273 : i32
        %mul3A_1275 = arith.constant 1 : i32
        %mul3A_1276 = arith.muli %scan3A_1274, %mul3A_1275 : i32
        %add3A_1277 = arith.constant 0 : i32
        %add3A_1278 = arith.addi %add3A_1277, %mul3A_1276 : i32
        %mul3A_1279 = arith.constant 64 : i32
        %mul3A_1280 = arith.muli %add3A_1278, %mul3A_1279 : i32
        %add3A_1281 = arith.constant 0 : i32
        %add3A_1282 = arith.addi %mul3A_1280, %add3A_1281 : i32
        %multiple_of3A_1283 = tpu.assume_multiple %add3A_1282, 16 : i32
        %get3A_1284 = arith.constant 2 : i32
        %get3A_1285 = arith.index_cast %get3A_1284 : i32 to index
        %get3A_1286 = arith.index_cast %add3A_1278 : i32 to index
        %get3A_1287 = arith.constant 0 : index
        %get3A_1288 = tpu.vector_load %arg7[%get3A_1285, %get3A_1286, %get3A_1287] {strides = array<i32>} : memref<5x128x64xf32, #tpu.memory_space<vmem>>, vector<16xf32>,
        %get3A_1289 = arith.constant 2 : i32
        %get3A_1290 = arith.index_cast %get3A_1289 : i32 to index
        %get3A_1291 = arith.index_cast %multiple_of3A_1283 : i32 to index
        %get3A_1292 = tpu.vector_load %arg8[%get3A_1290, %get3A_1291] {strides = array<i32>} : memref<5x8192xf32, #tpu.memory_space<vmem>>, vector<16xf32>,
        %add3A_1293 = arith.addf %get3A_1288, %get3A_1292 : vector<16xf32>
        %swap3A_1294 = arith.constant 2 : i32
        %swap3A_1295 = arith.index_cast %swap3A_1294 : i32 to index
        %swap3A_1296 = arith.index_cast %add3A_1278 : i32 to index
        %swap3A_1297 = arith.constant 0 : index
        %swap3A_1298 = tpu.vector_load %arg7[%swap3A_1295, %swap3A_1296, %swap3A_1297] {strides = array<i32>} : memref<5x128x64xf32, #tpu.memory_space<vmem>>, vector<16xf32>,
        tpu.vector_store %arg7[%swap3A_1295, %swap3A_1296, %swap3A_1297], %add3A_1293 {strides = array<i32>} : memref<5x128x64xf32, #tpu.memory_space<vmem>>, vector<16xf32>,
        %mul3A_1299 = arith.constant 64 : i32
        %mul3A_1300 = arith.muli %add3A_1278, %mul3A_1299 : i32
        %add3A_1301 = arith.constant 16 : i32
        %add3A_1302 = arith.addi %mul3A_1300, %add3A_1301 : i32
        %multiple_of3A_1303 = tpu.assume_multiple %add3A_1302, 16 : i32
        %get3A_1304 = arith.constant 2 : i32
        %get3A_1305 = arith.index_cast %get3A_1304 : i32 to index
        %get3A_1306 = arith.index_cast %add3A_1278 : i32 to index
        %get3A_1307 = arith.constant 16 : index
        %get3A_1308 = tpu.vector_load %arg7[%get3A_1305, %get3A_1306, %get3A_1307] {strides = array<i32>} : memref<5x128x64xf32, #tpu.memory_space<vmem>>, vector<16xf32>,
        %get3A_1309 = arith.constant 2 : i32
        %get3A_1310 = arith.index_cast %get3A_1309 : i32 to index
        %get3A_1311 = arith.index_cast %multiple_of3A_1303 : i32 to index
        %get3A_1312 = tpu.vector_load %arg8[%get3A_1310, %get3A_1311] {strides = array<i32>} : memref<5x8192xf32, #tpu.memory_space<vmem>>, vector<16xf32>,
        %add3A_1313 = arith.addf %get3A_1308, %get3A_1312 : vector<16xf32>
        %swap3A_1314 = arith.constant 2 : i32
        %swap3A_1315 = arith.index_cast %swap3A_1314 : i32 to index
        %swap3A_1316 = arith.index_cast %add3A_1278 : i32 to index
        %swap3A_1317 = arith.constant 16 : index
        %swap3A_1318 = tpu.vector_load %arg7[%swap3A_1315, %swap3A_1316, %swap3A_1317] {strides = array<i32>} : memref<5x128x64xf32, #tpu.memory_space<vmem>>, vector<16xf32>,
        tpu.vector_store %arg7[%swap3A_1315, %swap3A_1316, %swap3A_1317], %add3A_1313 {strides = array<i32>} : memref<5x128x64xf32, #tpu.memory_space<vmem>>, vector<16xf32>,
        %mul3A_1319 = arith.constant 64 : i32
        %mul3A_1320 = arith.muli %add3A_1278, %mul3A_1319 : i32
        %add3A_1321 = arith.constant 32 : i32
        %add3A_1322 = arith.addi %mul3A_1320, %add3A_1321 : i32
        %multiple_of3A_1323 = tpu.assume_multiple %add3A_1322, 16 : i32
        %get3A_1324 = arith.constant 2 : i32
        %get3A_1325 = arith.index_cast %get3A_1324 : i32 to index
        %get3A_1326 = arith.index_cast %add3A_1278 : i32 to index
        %get3A_1327 = arith.constant 32 : index
        %get3A_1328 = tpu.vector_load %arg7[%get3A_1325, %get3A_1326, %get3A_1327] {strides = array<i32>} : memref<5x128x64xf32, #tpu.memory_space<vmem>>, vector<16xf32>,
        %get3A_1329 = arith.constant 2 : i32
        %get3A_1330 = arith.index_cast %get3A_1329 : i32 to index
        %get3A_1331 = arith.index_cast %multiple_of3A_1323 : i32 to index
        %get3A_1332 = tpu.vector_load %arg8[%get3A_1330, %get3A_1331] {strides = array<i32>} : memref<5x8192xf32, #tpu.memory_space<vmem>>, vector<16xf32>,
        %add3A_1333 = arith.addf %get3A_1328, %get3A_1332 : vector<16xf32>
        %swap3A_1334 = arith.constant 2 : i32
        %swap3A_1335 = arith.index_cast %swap3A_1334 : i32 to index
        %swap3A_1336 = arith.index_cast %add3A_1278 : i32 to index
        %swap3A_1337 = arith.constant 32 : index
        %swap3A_1338 = tpu.vector_load %arg7[%swap3A_1335, %swap3A_1336, %swap3A_1337] {strides = array<i32>} : memref<5x128x64xf32, #tpu.memory_space<vmem>>, vector<16xf32>,
        tpu.vector_store %arg7[%swap3A_1335, %swap3A_1336, %swap3A_1337], %add3A_1333 {strides = array<i32>} : memref<5x128x64xf32, #tpu.memory_space<vmem>>, vector<16xf32>,
        %mul3A_1339 = arith.constant 64 : i32
        %mul3A_1340 = arith.muli %add3A_1278, %mul3A_1339 : i32
        %add3A_1341 = arith.constant 48 : i32
        %add3A_1342 = arith.addi %mul3A_1340, %add3A_1341 : i32
        %multiple_of3A_1343 = tpu.assume_multiple %add3A_1342, 16 : i32
        %get3A_1344 = arith.constant 2 : i32
        %get3A_1345 = arith.index_cast %get3A_1344 : i32 to index
        %get3A_1346 = arith.index_cast %add3A_1278 : i32 to index
        %get3A_1347 = arith.constant 48 : index
        %get3A_1348 = tpu.vector_load %arg7[%get3A_1345, %get3A_1346, %get3A_1347] {strides = array<i32>} : memref<5x128x64xf32, #tpu.memory_space<vmem>>, vector<16xf32>,
        %get3A_1349 = arith.constant 2 : i32
        %get3A_1350 = arith.index_cast %get3A_1349 : i32 to index
        %get3A_1351 = arith.index_cast %multiple_of3A_1343 : i32 to index
        %get3A_1352 = tpu.vector_load %arg8[%get3A_1350, %get3A_1351] {strides = array<i32>} : memref<5x8192xf32, #tpu.memory_space<vmem>>, vector<16xf32>,
        %add3A_1353 = arith.addf %get3A_1348, %get3A_1352 : vector<16xf32>
        %swap3A_1354 = arith.constant 2 : i32
        %swap3A_1355 = arith.index_cast %swap3A_1354 : i32 to index
        %swap3A_1356 = arith.index_cast %add3A_1278 : i32 to index
        %swap3A_1357 = arith.constant 48 : index
        %swap3A_1358 = tpu.vector_load %arg7[%swap3A_1355, %swap3A_1356, %swap3A_1357] {strides = array<i32>} : memref<5x128x64xf32, #tpu.memory_space<vmem>>, vector<16xf32>,
        tpu.vector_store %arg7[%swap3A_1355, %swap3A_1356, %swap3A_1357], %add3A_1353 {strides = array<i32>} : memref<5x128x64xf32, #tpu.memory_space<vmem>>, vector<16xf32>,
        %scan3A_1359 = arith.constant 3 : i32
        %scan3A_1360 = arith.addi %scan3A_1104, %scan3A_1359 : i32
        %mul3A_1361 = arith.constant 1 : i32
        %mul3A_1362 = arith.muli %scan3A_1360, %mul3A_1361 : i32
        %add3A_1363 = arith.constant 0 : i32
        %add3A_1364 = arith.addi %add3A_1363, %mul3A_1362 : i32
        %mul3A_1365 = arith.constant 64 : i32
        %mul3A_1366 = arith.muli %add3A_1364, %mul3A_1365 : i32
        %add3A_1367 = arith.constant 0 : i32
        %add3A_1368 = arith.addi %mul3A_1366, %add3A_1367 : i32
        %multiple_of3A_1369 = tpu.assume_multiple %add3A_1368, 16 : i32
        %get3A_1370 = arith.constant 2 : i32
        %get3A_1371 = arith.index_cast %get3A_1370 : i32 to index
        %get3A_1372 = arith.index_cast %add3A_1364 : i32 to index
        %get3A_1373 = arith.constant 0 : index
        %get3A_1374 = tpu.vector_load %arg7[%get3A_1371, %get3A_1372, %get3A_1373] {strides = array<i32>} : memref<5x128x64xf32, #tpu.memory_space<vmem>>, vector<16xf32>,
        %get3A_1375 = arith.constant 2 : i32
        %get3A_1376 = arith.index_cast %get3A_1375 : i32 to index
        %get3A_1377 = arith.index_cast %multiple_of3A_1369 : i32 to index
        %get3A_1378 = tpu.vector_load %arg8[%get3A_1376, %get3A_1377] {strides = array<i32>} : memref<5x8192xf32, #tpu.memory_space<vmem>>, vector<16xf32>,
        %add3A_1379 = arith.addf %get3A_1374, %get3A_1378 : vector<16xf32>
        %swap3A_1380 = arith.constant 2 : i32
        %swap3A_1381 = arith.index_cast %swap3A_1380 : i32 to index
        %swap3A_1382 = arith.index_cast %add3A_1364 : i32 to index
        %swap3A_1383 = arith.constant 0 : index
        %swap3A_1384 = tpu.vector_load %arg7[%swap3A_1381, %swap3A_1382, %swap3A_1383] {strides = array<i32>} : memref<5x128x64xf32, #tpu.memory_space<vmem>>, vector<16xf32>,
        tpu.vector_store %arg7[%swap3A_1381, %swap3A_1382, %swap3A_1383], %add3A_1379 {strides = array<i32>} : memref<5x128x64xf32, #tpu.memory_space<vmem>>, vector<16xf32>,
        %mul3A_1385 = arith.constant 64 : i32
        %mul3A_1386 = arith.muli %add3A_1364, %mul3A_1385 : i32
        %add3A_1387 = arith.constant 16 : i32
        %add3A_1388 = arith.addi %mul3A_1386, %add3A_1387 : i32
        %multiple_of3A_1389 = tpu.assume_multiple %add3A_1388, 16 : i32
        %get3A_1390 = arith.constant 2 : i32
        %get3A_1391 = arith.index_cast %get3A_1390 : i32 to index
        %get3A_1392 = arith.index_cast %add3A_1364 : i32 to index
        %get3A_1393 = arith.constant 16 : index
        %get3A_1394 = tpu.vector_load %arg7[%get3A_1391, %get3A_1392, %get3A_1393] {strides = array<i32>} : memref<5x128x64xf32, #tpu.memory_space<vmem>>, vector<16xf32>,
        %get3A_1395 = arith.constant 2 : i32
        %get3A_1396 = arith.index_cast %get3A_1395 : i32 to index
        %get3A_1397 = arith.index_cast %multiple_of3A_1389 : i32 to index
        %get3A_1398 = tpu.vector_load %arg8[%get3A_1396, %get3A_1397] {strides = array<i32>} : memref<5x8192xf32, #tpu.memory_space<vmem>>, vector<16xf32>,
        %add3A_1399 = arith.addf %get3A_1394, %get3A_1398 : vector<16xf32>
        %swap3A_1400 = arith.constant 2 : i32
        %swap3A_1401 = arith.index_cast %swap3A_1400 : i32 to index
        %swap3A_1402 = arith.index_cast %add3A_1364 : i32 to index
        %swap3A_1403 = arith.constant 16 : index
        %swap3A_1404 = tpu.vector_load %arg7[%swap3A_1401, %swap3A_1402, %swap3A_1403] {strides = array<i32>} : memref<5x128x64xf32, #tpu.memory_space<vmem>>, vector<16xf32>,
        tpu.vector_store %arg7[%swap3A_1401, %swap3A_1402, %swap3A_1403], %add3A_1399 {strides = array<i32>} : memref<5x128x64xf32, #tpu.memory_space<vmem>>, vector<16xf32>,
        %mul3A_1405 = arith.constant 64 : i32
        %mul3A_1406 = arith.muli %add3A_1364, %mul3A_1405 : i32
        %add3A_1407 = arith.constant 32 : i32
        %add3A_1408 = arith.addi %mul3A_1406, %add3A_1407 : i32
        %multiple_of3A_1409 = tpu.assume_multiple %add3A_1408, 16 : i32
        %get3A_1410 = arith.constant 2 : i32
        %get3A_1411 = arith.index_cast %get3A_1410 : i32 to index
        %get3A_1412 = arith.index_cast %add3A_1364 : i32 to index
        %get3A_1413 = arith.constant 32 : index
        %get3A_1414 = tpu.vector_load %arg7[%get3A_1411, %get3A_1412, %get3A_1413] {strides = array<i32>} : memref<5x128x64xf32, #tpu.memory_space<vmem>>, vector<16xf32>,
        %get3A_1415 = arith.constant 2 : i32
        %get3A_1416 = arith.index_cast %get3A_1415 : i32 to index
        %get3A_1417 = arith.index_cast %multiple_of3A_1409 : i32 to index
        %get3A_1418 = tpu.vector_load %arg8[%get3A_1416, %get3A_1417] {strides = array<i32>} : memref<5x8192xf32, #tpu.memory_space<vmem>>, vector<16xf32>,
        %add3A_1419 = arith.addf %get3A_1414, %get3A_1418 : vector<16xf32>
        %swap3A_1420 = arith.constant 2 : i32
        %swap3A_1421 = arith.index_cast %swap3A_1420 : i32 to index
        %swap3A_1422 = arith.index_cast %add3A_1364 : i32 to index
        %swap3A_1423 = arith.constant 32 : index
        %swap3A_1424 = tpu.vector_load %arg7[%swap3A_1421, %swap3A_1422, %swap3A_1423] {strides = array<i32>} : memref<5x128x64xf32, #tpu.memory_space<vmem>>, vector<16xf32>,
        tpu.vector_store %arg7[%swap3A_1421, %swap3A_1422, %swap3A_1423], %add3A_1419 {strides = array<i32>} : memref<5x128x64xf32, #tpu.memory_space<vmem>>, vector<16xf32>,
        %mul3A_1425 = arith.constant 64 : i32
        %mul3A_1426 = arith.muli %add3A_1364, %mul3A_1425 : i32
        %add3A_1427 = arith.constant 48 : i32
        %add3A_1428 = arith.addi %mul3A_1426, %add3A_1427 : i32
        %multiple_of3A_1429 = tpu.assume_multiple %add3A_1428, 16 : i32
        %get3A_1430 = arith.constant 2 : i32
        %get3A_1431 = arith.index_cast %get3A_1430 : i32 to index
        %get3A_1432 = arith.index_cast %add3A_1364 : i32 to index
        %get3A_1433 = arith.constant 48 : index
        %get3A_1434 = tpu.vector_load %arg7[%get3A_1431, %get3A_1432, %get3A_1433] {strides = array<i32>} : memref<5x128x64xf32, #tpu.memory_space<vmem>>, vector<16xf32>,
        %get3A_1435 = arith.constant 2 : i32
        %get3A_1436 = arith.index_cast %get3A_1435 : i32 to index
        %get3A_1437 = arith.index_cast %multiple_of3A_1429 : i32 to index
        %get3A_1438 = tpu.vector_load %arg8[%get3A_1436, %get3A_1437] {strides = array<i32>} : memref<5x8192xf32, #tpu.memory_space<vmem>>, vector<16xf32>,
        %add3A_1439 = arith.addf %get3A_1434, %get3A_1438 : vector<16xf32>
        %swap3A_1440 = arith.constant 2 : i32
        %swap3A_1441 = arith.index_cast %swap3A_1440 : i32 to index
        %swap3A_1442 = arith.index_cast %add3A_1364 : i32 to index
        %swap3A_1443 = arith.constant 48 : index
        %swap3A_1444 = tpu.vector_load %arg7[%swap3A_1441, %swap3A_1442, %swap3A_1443] {strides = array<i32>} : memref<5x128x64xf32, #tpu.memory_space<vmem>>, vector<16xf32>,
        tpu.vector_store %arg7[%swap3A_1441, %swap3A_1442, %swap3A_1443], %add3A_1439 {strides = array<i32>} : memref<5x128x64xf32, #tpu.memory_space<vmem>>, vector<16xf32>,
      }
      %scan3A_800 = arith.constant 128 : i32
      %mul3A_801 = arith.constant 128 : i32
      %mul3A_802 = arith.muli %add3A_763, %mul3A_801 : i32
      %add3A_803 = arith.addi %mul3A_2, %mul3A_802 : i32
      %multiple_of3A_804 = tpu.assume_multiple %add3A_803, 8 : i32
      %dma_start3A_805 = arith.constant 2 : i32
      %dma_start3A_806 = arith.constant 2 : i32
      %dma_start3A_807 = arith.constant 0 : i32
      %dma_start3A_808 = arith.constant 0 : i32
      %dma_start3A_809 = tpu.memref_slice %arg7[%dma_start3A_805, %dma_start3A_807, %dma_start3A_808] : memref<5x128x64xf32, #tpu.memory_space<vmem>> -> memref<1x128x64xf32, #tpu.memory_space<vmem>>
      %dma_start3A_810 = tpu.memref_squeeze %dma_start3A_809 : memref<1x128x64xf32, #tpu.memory_space<vmem>> -> memref<128x64xf32, #tpu.memory_space<vmem>>
      %dma_start3A_811 = arith.constant 0 : i32
      %dma_start3A_812 = tpu.memref_slice %arg5[%multiple_of3A_804, %dma_start3A_811] : memref<204800x64xf32, #tpu.memory_space<hbm>> -> memref<128x64xf32, #tpu.memory_space<hbm>>
      %dma_start3A_813 = tpu.memref_slice %arg11[%dma_start3A_806] : memref<5x!tpu.dma_semaphore, #tpu.memory_space<semaphore_mem>> -> memref<1x!tpu.dma_semaphore, #tpu.memory_space<semaphore_mem>>
      %dma_start3A_814 = tpu.memref_squeeze %dma_start3A_813 : memref<1x!tpu.dma_semaphore, #tpu.memory_space<semaphore_mem>> -> memref<!tpu.dma_semaphore, #tpu.memory_space<semaphore_mem>>
      %dma_start3A_815 = arith.constant 0 : i32
      %dma_start3A_816 = tpu.memref_slice %arg5[%multiple_of3A_804, %dma_start3A_815] : memref<204800x64xf32, #tpu.memory_space<hbm>> -> memref<128x64xf32, #tpu.memory_space<hbm>>
      %dma_start3A_817 = arith.constant 0 : i32
      %dma_start3A_818 = arith.constant 0 : i32
      %dma_start3A_819 = tpu.memref_slice %arg7[%dma_start3A_805, %dma_start3A_817, %dma_start3A_818] : memref<5x128x64xf32, #tpu.memory_space<vmem>> -> memref<1x128x64xf32, #tpu.memory_space<vmem>>
      %dma_start3A_820 = tpu.memref_squeeze %dma_start3A_819 : memref<1x128x64xf32, #tpu.memory_space<vmem>> -> memref<128x64xf32, #tpu.memory_space<vmem>>
      tpu.enqueue_dma source(%dma_start3A_820 : memref<128x64xf32, #tpu.memory_space<vmem>>) target(%dma_start3A_816 : memref<128x64xf32, #tpu.memory_space<hbm>>) target_semaphore(%dma_start3A_814 : memref<!tpu.dma_semaphore, #tpu.memory_space<semaphore_mem>>)
      %dma_wait3A_821 = arith.constant 2 : i32
      %dma_wait3A_822 = arith.constant 2 : i32
      %dma_wait3A_823 = arith.constant 0 : i32
      %dma_wait3A_824 = arith.constant 0 : i32
      %dma_wait3A_825 = tpu.memref_slice %arg7[%dma_wait3A_821, %dma_wait3A_823, %dma_wait3A_824] : memref<5x128x64xf32, #tpu.memory_space<vmem>> -> memref<1x128x64xf32, #tpu.memory_space<vmem>>
      %dma_wait3A_826 = tpu.memref_squeeze %dma_wait3A_825 : memref<1x128x64xf32, #tpu.memory_space<vmem>> -> memref<128x64xf32, #tpu.memory_space<vmem>>
      %dma_wait3A_827 = arith.constant 0 : i32
      %dma_wait3A_828 = arith.constant 0 : i32
      %dma_wait3A_829 = tpu.memref_slice %arg5[%dma_wait3A_827, %dma_wait3A_828] : memref<204800x64xf32, #tpu.memory_space<hbm>> -> memref<128x64xf32, #tpu.memory_space<hbm>>
      %dma_wait3A_830 = tpu.memref_slice %arg11[%dma_wait3A_822] : memref<5x!tpu.dma_semaphore, #tpu.memory_space<semaphore_mem>> -> memref<1x!tpu.dma_semaphore, #tpu.memory_space<semaphore_mem>>
      %dma_wait3A_831 = tpu.memref_squeeze %dma_wait3A_830 : memref<1x!tpu.dma_semaphore, #tpu.memory_space<semaphore_mem>> -> memref<!tpu.dma_semaphore, #tpu.memory_space<semaphore_mem>>
      %dma_wait3A_832 = arith.constant 0 : i32
      %dma_wait3A_833 = arith.constant 0 : i32
      %dma_wait3A_834 = tpu.memref_slice %arg5[%dma_wait3A_832, %dma_wait3A_833] : memref<204800x64xf32, #tpu.memory_space<hbm>> -> memref<128x64xf32, #tpu.memory_space<hbm>>
      %dma_wait3A_835 = arith.constant 0 : i32
      %dma_wait3A_836 = arith.constant 0 : i32
      %dma_wait3A_837 = tpu.memref_slice %arg7[%dma_wait3A_821, %dma_wait3A_835, %dma_wait3A_836] : memref<5x128x64xf32, #tpu.memory_space<vmem>> -> memref<1x128x64xf32, #tpu.memory_space<vmem>>
      %dma_wait3A_838 = tpu.memref_squeeze %dma_wait3A_837 : memref<1x128x64xf32, #tpu.memory_space<vmem>> -> memref<128x64xf32, #tpu.memory_space<vmem>>
      tpu.wait_dma2 semaphore(%dma_wait3A_831 : memref<!tpu.dma_semaphore, #tpu.memory_space<semaphore_mem>>) src(%dma_wait3A_838 : memref<128x64xf32, #tpu.memory_space<vmem>>) dst(%dma_wait3A_834 : memref<128x64xf32, #tpu.memory_space<hbm>>)
      %add3A_839 = arith.constant 5 : i32
      %add3A_840 = arith.addi %add3A_763, %add3A_839 : i32
      %mul3A_841 = arith.constant 128 : i32
      %mul3A_842 = arith.muli %add3A_840, %mul3A_841 : i32
      %multiple_of3A_843 = tpu.assume_multiple %mul3A_842, 8 : i32
      %dma_start3A_844 = arith.constant 2 : i32
      %dma_start3A_845 = arith.constant 2 : i32
      %dma_start3A_846 = arith.constant 0 : i32
      %dma_start3A_847 = arith.constant 0 : i32
      %dma_start3A_848 = tpu.memref_slice %arg7[%dma_start3A_844, %dma_start3A_846, %dma_start3A_847] : memref<5x128x64xf32, #tpu.memory_space<vmem>> -> memref<1x128x64xf32, #tpu.memory_space<vmem>>
      %dma_start3A_849 = tpu.memref_squeeze %dma_start3A_848 : memref<1x128x64xf32, #tpu.memory_space<vmem>> -> memref<128x64xf32, #tpu.memory_space<vmem>>
      %dma_start3A_850 = tpu.memref_slice %arg6[%multiple_of3A_843] : memref<6400xi32, #tpu.memory_space<vmem>> -> memref<128xi32, #tpu.memory_space<vmem>>
      %dma_start3A_851 = arith.constant 0 : i32
      %dma_start3A_852 = arith.constant 0 : i32
      %dma_start3A_853 = tpu.memref_slice %arg3[%dma_start3A_851, %dma_start3A_852] : memref<1000000x64xf32, #tpu.memory_space<hbm>> -> memref<1000000x64xf32, #tpu.memory_space<hbm>>
      %dma_start3A_854 = tpu.memref_slice %arg9[%dma_start3A_845] : memref<5x!tpu.dma_semaphore, #tpu.memory_space<semaphore_mem>> -> memref<1x!tpu.dma_semaphore, #tpu.memory_space<semaphore_mem>>
      %dma_start3A_855 = tpu.memref_squeeze %dma_start3A_854 : memref<1x!tpu.dma_semaphore, #tpu.memory_space<semaphore_mem>> -> memref<!tpu.dma_semaphore, #tpu.memory_space<semaphore_mem>>
      tpu.enqueue_indirect_dma source(%dma_start3A_853 : memref<1000000x64xf32, #tpu.memory_space<hbm>>) target(%dma_start3A_849 : memref<128x64xf32, #tpu.memory_space<vmem>>) offsets(%dma_start3A_850 : memref<128xi32, #tpu.memory_space<vmem>>) semaphore(%dma_start3A_855 : memref<!tpu.dma_semaphore, #tpu.memory_space<semaphore_mem>>)
      %add3A_856 = arith.constant 5 : i32
      %add3A_857 = arith.addi %add3A_763, %add3A_856 : i32
      %mul3A_858 = arith.constant 128 : i32
      %mul3A_859 = arith.muli %add3A_857, %mul3A_858 : i32
      %add3A_860 = arith.addi %mul3A_2, %mul3A_859 : i32
      %mul3A_861 = arith.constant 64 : i32
      %mul3A_862 = arith.muli %add3A_860, %mul3A_861 : i32
      %multiple_of3A_863 = tpu.assume_multiple %mul3A_862, 8192 : i32
      %dma_start3A_864 = arith.constant 2 : i32
      %dma_start3A_865 = arith.constant 2 : i32
      %dma_start3A_866 = arith.constant 0 : i32
      %dma_start3A_867 = tpu.memref_slice %arg8[%dma_start3A_864, %dma_start3A_866] : memref<5x8192xf32, #tpu.memory_space<vmem>> -> memref<1x8192xf32, #tpu.memory_space<vmem>>
      %dma_start3A_868 = tpu.memref_squeeze %dma_start3A_867 : memref<1x8192xf32, #tpu.memory_space<vmem>> -> memref<8192xf32, #tpu.memory_space<vmem>>
      %dma_start3A_869 = tpu.memref_slice %arg4[%multiple_of3A_863] : memref<13107200xf32, #tpu.memory_space<hbm>> -> memref<8192xf32, #tpu.memory_space<hbm>>
      %dma_start3A_870 = tpu.memref_slice %arg10[%dma_start3A_865] : memref<5x!tpu.dma_semaphore, #tpu.memory_space<semaphore_mem>> -> memref<1x!tpu.dma_semaphore, #tpu.memory_space<semaphore_mem>>
      %dma_start3A_871 = tpu.memref_squeeze %dma_start3A_870 : memref<1x!tpu.dma_semaphore, #tpu.memory_space<semaphore_mem>> -> memref<!tpu.dma_semaphore, #tpu.memory_space<semaphore_mem>>
      %dma_start3A_872 = arith.constant 0 : i32
      %dma_start3A_873 = tpu.memref_slice %arg8[%dma_start3A_864, %dma_start3A_872] : memref<5x8192xf32, #tpu.memory_space<vmem>> -> memref<1x8192xf32, #tpu.memory_space<vmem>>
      %dma_start3A_874 = tpu.memref_squeeze %dma_start3A_873 : memref<1x8192xf32, #tpu.memory_space<vmem>> -> memref<8192xf32, #tpu.memory_space<vmem>>
      %dma_start3A_875 = tpu.memref_slice %arg4[%multiple_of3A_863] : memref<13107200xf32, #tpu.memory_space<hbm>> -> memref<8192xf32, #tpu.memory_space<hbm>>
      tpu.enqueue_dma source(%dma_start3A_875 : memref<8192xf32, #tpu.memory_space<hbm>>) target(%dma_start3A_874 : memref<8192xf32, #tpu.memory_space<vmem>>) target_semaphore(%dma_start3A_871 : memref<!tpu.dma_semaphore, #tpu.memory_space<semaphore_mem>>)
      %add3A_876 = arith.constant 3 : i32
      %add3A_877 = arith.addi %add3A_533, %add3A_876 : i32
      %dma_wait3A_878 = arith.constant 3 : i32
      %dma_wait3A_879 = arith.constant 3 : i32
      %dma_wait3A_880 = arith.constant 0 : i32
      %dma_wait3A_881 = arith.constant 0 : i32
      %dma_wait3A_882 = tpu.memref_slice %arg7[%dma_wait3A_878, %dma_wait3A_880, %dma_wait3A_881] : memref<5x128x64xf32, #tpu.memory_space<vmem>> -> memref<1x128x64xf32, #tpu.memory_space<vmem>>
      %dma_wait3A_883 = tpu.memref_squeeze %dma_wait3A_882 : memref<1x128x64xf32, #tpu.memory_space<vmem>> -> memref<128x64xf32, #tpu.memory_space<vmem>>
      %dma_wait3A_884 = arith.constant 0 : i32
      %dma_wait3A_885 = arith.constant 0 : i32
      %dma_wait3A_886 = tpu.memref_slice %arg3[%dma_wait3A_884, %dma_wait3A_885] : memref<1000000x64xf32, #tpu.memory_space<hbm>> -> memref<128x64xf32, #tpu.memory_space<hbm>>
      %dma_wait3A_887 = tpu.memref_slice %arg9[%dma_wait3A_879] : memref<5x!tpu.dma_semaphore, #tpu.memory_space<semaphore_mem>> -> memref<1x!tpu.dma_semaphore, #tpu.memory_space<semaphore_mem>>
      %dma_wait3A_888 = tpu.memref_squeeze %dma_wait3A_887 : memref<1x!tpu.dma_semaphore, #tpu.memory_space<semaphore_mem>> -> memref<!tpu.dma_semaphore, #tpu.memory_space<semaphore_mem>>
      %dma_wait3A_889 = arith.constant 0 : i32
      %dma_wait3A_890 = arith.constant 0 : i32
      %dma_wait3A_891 = tpu.memref_slice %arg7[%dma_wait3A_878, %dma_wait3A_889, %dma_wait3A_890] : memref<5x128x64xf32, #tpu.memory_space<vmem>> -> memref<1x128x64xf32, #tpu.memory_space<vmem>>
      %dma_wait3A_892 = tpu.memref_squeeze %dma_wait3A_891 : memref<1x128x64xf32, #tpu.memory_space<vmem>> -> memref<128x64xf32, #tpu.memory_space<vmem>>
      %dma_wait3A_893 = arith.constant 0 : i32
      %dma_wait3A_894 = arith.constant 0 : i32
      %dma_wait3A_895 = tpu.memref_slice %arg3[%dma_wait3A_893, %dma_wait3A_894] : memref<1000000x64xf32, #tpu.memory_space<hbm>> -> memref<128x64xf32, #tpu.memory_space<hbm>>
      tpu.wait_dma2 semaphore(%dma_wait3A_888 : memref<!tpu.dma_semaphore, #tpu.memory_space<semaphore_mem>>) src(%dma_wait3A_895 : memref<128x64xf32, #tpu.memory_space<hbm>>) dst(%dma_wait3A_892 : memref<128x64xf32, #tpu.memory_space<vmem>>)
      %dma_wait3A_896 = arith.constant 3 : i32
      %dma_wait3A_897 = arith.constant 3 : i32
      %dma_wait3A_898 = arith.constant 0 : i32
      %dma_wait3A_899 = tpu.memref_slice %arg8[%dma_wait3A_896, %dma_wait3A_898] : memref<5x8192xf32, #tpu.memory_space<vmem>> -> memref<1x8192xf32, #tpu.memory_space<vmem>>
      %dma_wait3A_900 = tpu.memref_squeeze %dma_wait3A_899 : memref<1x8192xf32, #tpu.memory_space<vmem>> -> memref<8192xf32, #tpu.memory_space<vmem>>
      %dma_wait3A_901 = arith.constant 0 : i32
      %dma_wait3A_902 = tpu.memref_slice %arg4[%dma_wait3A_901] : memref<13107200xf32, #tpu.memory_space<hbm>> -> memref<8192xf32, #tpu.memory_space<hbm>>
      %dma_wait3A_903 = tpu.memref_slice %arg10[%dma_wait3A_897] : memref<5x!tpu.dma_semaphore, #tpu.memory_space<semaphore_mem>> -> memref<1x!tpu.dma_semaphore, #tpu.memory_space<semaphore_mem>>
      %dma_wait3A_904 = tpu.memref_squeeze %dma_wait3A_903 : memref<1x!tpu.dma_semaphore, #tpu.memory_space<semaphore_mem>> -> memref<!tpu.dma_semaphore, #tpu.memory_space<semaphore_mem>>
      %dma_wait3A_905 = arith.constant 0 : i32
      %dma_wait3A_906 = tpu.memref_slice %arg8[%dma_wait3A_896, %dma_wait3A_905] : memref<5x8192xf32, #tpu.memory_space<vmem>> -> memref<1x8192xf32, #tpu.memory_space<vmem>>
      %dma_wait3A_907 = tpu.memref_squeeze %dma_wait3A_906 : memref<1x8192xf32, #tpu.memory_space<vmem>> -> memref<8192xf32, #tpu.memory_space<vmem>>
      %dma_wait3A_908 = arith.constant 0 : i32
      %dma_wait3A_909 = tpu.memref_slice %arg4[%dma_wait3A_908] : memref<13107200xf32, #tpu.memory_space<hbm>> -> memref<8192xf32, #tpu.memory_space<hbm>>
      tpu.wait_dma2 semaphore(%dma_wait3A_904 : memref<!tpu.dma_semaphore, #tpu.memory_space<semaphore_mem>>) src(%dma_wait3A_909 : memref<8192xf32, #tpu.memory_space<hbm>>) dst(%dma_wait3A_907 : memref<8192xf32, #tpu.memory_space<vmem>>)
      %scan3A_910 = arith.constant 0 : i32
      %scan3A_911 = arith.constant 128 : i32
      %scan3A_912 = arith.addi %scan3A_910, %scan3A_911 : i32
      %scan3A_913 = arith.constant 4 : i32
      scf.for %scan3A_1104 = %scan3A_910 to %scan3A_912 step %scan3A_913  : i32 {
        %mul3A_1105 = arith.constant 1 : i32
        %mul3A_1106 = arith.muli %scan3A_1104, %mul3A_1105 : i32
        %add3A_1107 = arith.constant 0 : i32
        %add3A_1108 = arith.addi %add3A_1107, %mul3A_1106 : i32
        %mul3A_1109 = arith.constant 64 : i32
        %mul3A_1110 = arith.muli %add3A_1108, %mul3A_1109 : i32
        %add3A_1111 = arith.constant 0 : i32
        %add3A_1112 = arith.addi %mul3A_1110, %add3A_1111 : i32
        %multiple_of3A_1113 = tpu.assume_multiple %add3A_1112, 16 : i32
        %get3A = arith.constant 3 : i32
        %get3A_1114 = arith.index_cast %get3A : i32 to index
        %get3A_1115 = arith.index_cast %add3A_1108 : i32 to index
        %get3A_1116 = arith.constant 0 : index
        %get3A_1117 = tpu.vector_load %arg7[%get3A_1114, %get3A_1115, %get3A_1116] {strides = array<i32>} : memref<5x128x64xf32, #tpu.memory_space<vmem>>, vector<16xf32>,
        %get3A_1118 = arith.constant 3 : i32
        %get3A_1119 = arith.index_cast %get3A_1118 : i32 to index
        %get3A_1120 = arith.index_cast %multiple_of3A_1113 : i32 to index
        %get3A_1121 = tpu.vector_load %arg8[%get3A_1119, %get3A_1120] {strides = array<i32>} : memref<5x8192xf32, #tpu.memory_space<vmem>>, vector<16xf32>,
        %add3A_1122 = arith.addf %get3A_1117, %get3A_1121 : vector<16xf32>
        %swap3A = arith.constant 3 : i32
        %swap3A_1123 = arith.index_cast %swap3A : i32 to index
        %swap3A_1124 = arith.index_cast %add3A_1108 : i32 to index
        %swap3A_1125 = arith.constant 0 : index
        %swap3A_1126 = tpu.vector_load %arg7[%swap3A_1123, %swap3A_1124, %swap3A_1125] {strides = array<i32>} : memref<5x128x64xf32, #tpu.memory_space<vmem>>, vector<16xf32>,
        tpu.vector_store %arg7[%swap3A_1123, %swap3A_1124, %swap3A_1125], %add3A_1122 {strides = array<i32>} : memref<5x128x64xf32, #tpu.memory_space<vmem>>, vector<16xf32>,
        %mul3A_1127 = arith.constant 64 : i32
        %mul3A_1128 = arith.muli %add3A_1108, %mul3A_1127 : i32
        %add3A_1129 = arith.constant 16 : i32
        %add3A_1130 = arith.addi %mul3A_1128, %add3A_1129 : i32
        %multiple_of3A_1131 = tpu.assume_multiple %add3A_1130, 16 : i32
        %get3A_1132 = arith.constant 3 : i32
        %get3A_1133 = arith.index_cast %get3A_1132 : i32 to index
        %get3A_1134 = arith.index_cast %add3A_1108 : i32 to index
        %get3A_1135 = arith.constant 16 : index
        %get3A_1136 = tpu.vector_load %arg7[%get3A_1133, %get3A_1134, %get3A_1135] {strides = array<i32>} : memref<5x128x64xf32, #tpu.memory_space<vmem>>, vector<16xf32>,
        %get3A_1137 = arith.constant 3 : i32
        %get3A_1138 = arith.index_cast %get3A_1137 : i32 to index
        %get3A_1139 = arith.index_cast %multiple_of3A_1131 : i32 to index
        %get3A_1140 = tpu.vector_load %arg8[%get3A_1138, %get3A_1139] {strides = array<i32>} : memref<5x8192xf32, #tpu.memory_space<vmem>>, vector<16xf32>,
        %add3A_1141 = arith.addf %get3A_1136, %get3A_1140 : vector<16xf32>
        %swap3A_1142 = arith.constant 3 : i32
        %swap3A_1143 = arith.index_cast %swap3A_1142 : i32 to index
        %swap3A_1144 = arith.index_cast %add3A_1108 : i32 to index
        %swap3A_1145 = arith.constant 16 : index
        %swap3A_1146 = tpu.vector_load %arg7[%swap3A_1143, %swap3A_1144, %swap3A_1145] {strides = array<i32>} : memref<5x128x64xf32, #tpu.memory_space<vmem>>, vector<16xf32>,
        tpu.vector_store %arg7[%swap3A_1143, %swap3A_1144, %swap3A_1145], %add3A_1141 {strides = array<i32>} : memref<5x128x64xf32, #tpu.memory_space<vmem>>, vector<16xf32>,
        %mul3A_1147 = arith.constant 64 : i32
        %mul3A_1148 = arith.muli %add3A_1108, %mul3A_1147 : i32
        %add3A_1149 = arith.constant 32 : i32
        %add3A_1150 = arith.addi %mul3A_1148, %add3A_1149 : i32
        %multiple_of3A_1151 = tpu.assume_multiple %add3A_1150, 16 : i32
        %get3A_1152 = arith.constant 3 : i32
        %get3A_1153 = arith.index_cast %get3A_1152 : i32 to index
        %get3A_1154 = arith.index_cast %add3A_1108 : i32 to index
        %get3A_1155 = arith.constant 32 : index
        %get3A_1156 = tpu.vector_load %arg7[%get3A_1153, %get3A_1154, %get3A_1155] {strides = array<i32>} : memref<5x128x64xf32, #tpu.memory_space<vmem>>, vector<16xf32>,
        %get3A_1157 = arith.constant 3 : i32
        %get3A_1158 = arith.index_cast %get3A_1157 : i32 to index
        %get3A_1159 = arith.index_cast %multiple_of3A_1151 : i32 to index
        %get3A_1160 = tpu.vector_load %arg8[%get3A_1158, %get3A_1159] {strides = array<i32>} : memref<5x8192xf32, #tpu.memory_space<vmem>>, vector<16xf32>,
        %add3A_1161 = arith.addf %get3A_1156, %get3A_1160 : vector<16xf32>
        %swap3A_1162 = arith.constant 3 : i32
        %swap3A_1163 = arith.index_cast %swap3A_1162 : i32 to index
        %swap3A_1164 = arith.index_cast %add3A_1108 : i32 to index
        %swap3A_1165 = arith.constant 32 : index
        %swap3A_1166 = tpu.vector_load %arg7[%swap3A_1163, %swap3A_1164, %swap3A_1165] {strides = array<i32>} : memref<5x128x64xf32, #tpu.memory_space<vmem>>, vector<16xf32>,
        tpu.vector_store %arg7[%swap3A_1163, %swap3A_1164, %swap3A_1165], %add3A_1161 {strides = array<i32>} : memref<5x128x64xf32, #tpu.memory_space<vmem>>, vector<16xf32>,
        %mul3A_1167 = arith.constant 64 : i32
        %mul3A_1168 = arith.muli %add3A_1108, %mul3A_1167 : i32
        %add3A_1169 = arith.constant 48 : i32
        %add3A_1170 = arith.addi %mul3A_1168, %add3A_1169 : i32
        %multiple_of3A_1171 = tpu.assume_multiple %add3A_1170, 16 : i32
        %get3A_1172 = arith.constant 3 : i32
        %get3A_1173 = arith.index_cast %get3A_1172 : i32 to index
        %get3A_1174 = arith.index_cast %add3A_1108 : i32 to index
        %get3A_1175 = arith.constant 48 : index
        %get3A_1176 = tpu.vector_load %arg7[%get3A_1173, %get3A_1174, %get3A_1175] {strides = array<i32>} : memref<5x128x64xf32, #tpu.memory_space<vmem>>, vector<16xf32>,
        %get3A_1177 = arith.constant 3 : i32
        %get3A_1178 = arith.index_cast %get3A_1177 : i32 to index
        %get3A_1179 = arith.index_cast %multiple_of3A_1171 : i32 to index
        %get3A_1180 = tpu.vector_load %arg8[%get3A_1178, %get3A_1179] {strides = array<i32>} : memref<5x8192xf32, #tpu.memory_space<vmem>>, vector<16xf32>,
        %add3A_1181 = arith.addf %get3A_1176, %get3A_1180 : vector<16xf32>
        %swap3A_1182 = arith.constant 3 : i32
        %swap3A_1183 = arith.index_cast %swap3A_1182 : i32 to index
        %swap3A_1184 = arith.index_cast %add3A_1108 : i32 to index
        %swap3A_1185 = arith.constant 48 : index
        %swap3A_1186 = tpu.vector_load %arg7[%swap3A_1183, %swap3A_1184, %swap3A_1185] {strides = array<i32>} : memref<5x128x64xf32, #tpu.memory_space<vmem>>, vector<16xf32>,
        tpu.vector_store %arg7[%swap3A_1183, %swap3A_1184, %swap3A_1185], %add3A_1181 {strides = array<i32>} : memref<5x128x64xf32, #tpu.memory_space<vmem>>, vector<16xf32>,
        %scan3A_1187 = arith.constant 1 : i32
        %scan3A_1188 = arith.addi %scan3A_1104, %scan3A_1187 : i32
        %mul3A_1189 = arith.constant 1 : i32
        %mul3A_1190 = arith.muli %scan3A_1188, %mul3A_1189 : i32
        %add3A_1191 = arith.constant 0 : i32
        %add3A_1192 = arith.addi %add3A_1191, %mul3A_1190 : i32
        %mul3A_1193 = arith.constant 64 : i32
        %mul3A_1194 = arith.muli %add3A_1192, %mul3A_1193 : i32
        %add3A_1195 = arith.constant 0 : i32
        %add3A_1196 = arith.addi %mul3A_1194, %add3A_1195 : i32
        %multiple_of3A_1197 = tpu.assume_multiple %add3A_1196, 16 : i32
        %get3A_1198 = arith.constant 3 : i32
        %get3A_1199 = arith.index_cast %get3A_1198 : i32 to index
        %get3A_1200 = arith.index_cast %add3A_1192 : i32 to index
        %get3A_1201 = arith.constant 0 : index
        %get3A_1202 = tpu.vector_load %arg7[%get3A_1199, %get3A_1200, %get3A_1201] {strides = array<i32>} : memref<5x128x64xf32, #tpu.memory_space<vmem>>, vector<16xf32>,
        %get3A_1203 = arith.constant 3 : i32
        %get3A_1204 = arith.index_cast %get3A_1203 : i32 to index
        %get3A_1205 = arith.index_cast %multiple_of3A_1197 : i32 to index
        %get3A_1206 = tpu.vector_load %arg8[%get3A_1204, %get3A_1205] {strides = array<i32>} : memref<5x8192xf32, #tpu.memory_space<vmem>>, vector<16xf32>,
        %add3A_1207 = arith.addf %get3A_1202, %get3A_1206 : vector<16xf32>
        %swap3A_1208 = arith.constant 3 : i32
        %swap3A_1209 = arith.index_cast %swap3A_1208 : i32 to index
        %swap3A_1210 = arith.index_cast %add3A_1192 : i32 to index
        %swap3A_1211 = arith.constant 0 : index
        %swap3A_1212 = tpu.vector_load %arg7[%swap3A_1209, %swap3A_1210, %swap3A_1211] {strides = array<i32>} : memref<5x128x64xf32, #tpu.memory_space<vmem>>, vector<16xf32>,
        tpu.vector_store %arg7[%swap3A_1209, %swap3A_1210, %swap3A_1211], %add3A_1207 {strides = array<i32>} : memref<5x128x64xf32, #tpu.memory_space<vmem>>, vector<16xf32>,
        %mul3A_1213 = arith.constant 64 : i32
        %mul3A_1214 = arith.muli %add3A_1192, %mul3A_1213 : i32
        %add3A_1215 = arith.constant 16 : i32
        %add3A_1216 = arith.addi %mul3A_1214, %add3A_1215 : i32
        %multiple_of3A_1217 = tpu.assume_multiple %add3A_1216, 16 : i32
        %get3A_1218 = arith.constant 3 : i32
        %get3A_1219 = arith.index_cast %get3A_1218 : i32 to index
        %get3A_1220 = arith.index_cast %add3A_1192 : i32 to index
        %get3A_1221 = arith.constant 16 : index
        %get3A_1222 = tpu.vector_load %arg7[%get3A_1219, %get3A_1220, %get3A_1221] {strides = array<i32>} : memref<5x128x64xf32, #tpu.memory_space<vmem>>, vector<16xf32>,
        %get3A_1223 = arith.constant 3 : i32
        %get3A_1224 = arith.index_cast %get3A_1223 : i32 to index
        %get3A_1225 = arith.index_cast %multiple_of3A_1217 : i32 to index
        %get3A_1226 = tpu.vector_load %arg8[%get3A_1224, %get3A_1225] {strides = array<i32>} : memref<5x8192xf32, #tpu.memory_space<vmem>>, vector<16xf32>,
        %add3A_1227 = arith.addf %get3A_1222, %get3A_1226 : vector<16xf32>
        %swap3A_1228 = arith.constant 3 : i32
        %swap3A_1229 = arith.index_cast %swap3A_1228 : i32 to index
        %swap3A_1230 = arith.index_cast %add3A_1192 : i32 to index
        %swap3A_1231 = arith.constant 16 : index
        %swap3A_1232 = tpu.vector_load %arg7[%swap3A_1229, %swap3A_1230, %swap3A_1231] {strides = array<i32>} : memref<5x128x64xf32, #tpu.memory_space<vmem>>, vector<16xf32>,
        tpu.vector_store %arg7[%swap3A_1229, %swap3A_1230, %swap3A_1231], %add3A_1227 {strides = array<i32>} : memref<5x128x64xf32, #tpu.memory_space<vmem>>, vector<16xf32>,
        %mul3A_1233 = arith.constant 64 : i32
        %mul3A_1234 = arith.muli %add3A_1192, %mul3A_1233 : i32
        %add3A_1235 = arith.constant 32 : i32
        %add3A_1236 = arith.addi %mul3A_1234, %add3A_1235 : i32
        %multiple_of3A_1237 = tpu.assume_multiple %add3A_1236, 16 : i32
        %get3A_1238 = arith.constant 3 : i32
        %get3A_1239 = arith.index_cast %get3A_1238 : i32 to index
        %get3A_1240 = arith.index_cast %add3A_1192 : i32 to index
        %get3A_1241 = arith.constant 32 : index
        %get3A_1242 = tpu.vector_load %arg7[%get3A_1239, %get3A_1240, %get3A_1241] {strides = array<i32>} : memref<5x128x64xf32, #tpu.memory_space<vmem>>, vector<16xf32>,
        %get3A_1243 = arith.constant 3 : i32
        %get3A_1244 = arith.index_cast %get3A_1243 : i32 to index
        %get3A_1245 = arith.index_cast %multiple_of3A_1237 : i32 to index
        %get3A_1246 = tpu.vector_load %arg8[%get3A_1244, %get3A_1245] {strides = array<i32>} : memref<5x8192xf32, #tpu.memory_space<vmem>>, vector<16xf32>,
        %add3A_1247 = arith.addf %get3A_1242, %get3A_1246 : vector<16xf32>
        %swap3A_1248 = arith.constant 3 : i32
        %swap3A_1249 = arith.index_cast %swap3A_1248 : i32 to index
        %swap3A_1250 = arith.index_cast %add3A_1192 : i32 to index
        %swap3A_1251 = arith.constant 32 : index
        %swap3A_1252 = tpu.vector_load %arg7[%swap3A_1249, %swap3A_1250, %swap3A_1251] {strides = array<i32>} : memref<5x128x64xf32, #tpu.memory_space<vmem>>, vector<16xf32>,
        tpu.vector_store %arg7[%swap3A_1249, %swap3A_1250, %swap3A_1251], %add3A_1247 {strides = array<i32>} : memref<5x128x64xf32, #tpu.memory_space<vmem>>, vector<16xf32>,
        %mul3A_1253 = arith.constant 64 : i32
        %mul3A_1254 = arith.muli %add3A_1192, %mul3A_1253 : i32
        %add3A_1255 = arith.constant 48 : i32
        %add3A_1256 = arith.addi %mul3A_1254, %add3A_1255 : i32
        %multiple_of3A_1257 = tpu.assume_multiple %add3A_1256, 16 : i32
        %get3A_1258 = arith.constant 3 : i32
        %get3A_1259 = arith.index_cast %get3A_1258 : i32 to index
        %get3A_1260 = arith.index_cast %add3A_1192 : i32 to index
        %get3A_1261 = arith.constant 48 : index
        %get3A_1262 = tpu.vector_load %arg7[%get3A_1259, %get3A_1260, %get3A_1261] {strides = array<i32>} : memref<5x128x64xf32, #tpu.memory_space<vmem>>, vector<16xf32>,
        %get3A_1263 = arith.constant 3 : i32
        %get3A_1264 = arith.index_cast %get3A_1263 : i32 to index
        %get3A_1265 = arith.index_cast %multiple_of3A_1257 : i32 to index
        %get3A_1266 = tpu.vector_load %arg8[%get3A_1264, %get3A_1265] {strides = array<i32>} : memref<5x8192xf32, #tpu.memory_space<vmem>>, vector<16xf32>,
        %add3A_1267 = arith.addf %get3A_1262, %get3A_1266 : vector<16xf32>
        %swap3A_1268 = arith.constant 3 : i32
        %swap3A_1269 = arith.index_cast %swap3A_1268 : i32 to index
        %swap3A_1270 = arith.index_cast %add3A_1192 : i32 to index
        %swap3A_1271 = arith.constant 48 : index
        %swap3A_1272 = tpu.vector_load %arg7[%swap3A_1269, %swap3A_1270, %swap3A_1271] {strides = array<i32>} : memref<5x128x64xf32, #tpu.memory_space<vmem>>, vector<16xf32>,
        tpu.vector_store %arg7[%swap3A_1269, %swap3A_1270, %swap3A_1271], %add3A_1267 {strides = array<i32>} : memref<5x128x64xf32, #tpu.memory_space<vmem>>, vector<16xf32>,
        %scan3A_1273 = arith.constant 2 : i32
        %scan3A_1274 = arith.addi %scan3A_1104, %scan3A_1273 : i32
        %mul3A_1275 = arith.constant 1 : i32
        %mul3A_1276 = arith.muli %scan3A_1274, %mul3A_1275 : i32
        %add3A_1277 = arith.constant 0 : i32
        %add3A_1278 = arith.addi %add3A_1277, %mul3A_1276 : i32
        %mul3A_1279 = arith.constant 64 : i32
        %mul3A_1280 = arith.muli %add3A_1278, %mul3A_1279 : i32
        %add3A_1281 = arith.constant 0 : i32
        %add3A_1282 = arith.addi %mul3A_1280, %add3A_1281 : i32
        %multiple_of3A_1283 = tpu.assume_multiple %add3A_1282, 16 : i32
        %get3A_1284 = arith.constant 3 : i32
        %get3A_1285 = arith.index_cast %get3A_1284 : i32 to index
        %get3A_1286 = arith.index_cast %add3A_1278 : i32 to index
        %get3A_1287 = arith.constant 0 : index
        %get3A_1288 = tpu.vector_load %arg7[%get3A_1285, %get3A_1286, %get3A_1287] {strides = array<i32>} : memref<5x128x64xf32, #tpu.memory_space<vmem>>, vector<16xf32>,
        %get3A_1289 = arith.constant 3 : i32
        %get3A_1290 = arith.index_cast %get3A_1289 : i32 to index
        %get3A_1291 = arith.index_cast %multiple_of3A_1283 : i32 to index
        %get3A_1292 = tpu.vector_load %arg8[%get3A_1290, %get3A_1291] {strides = array<i32>} : memref<5x8192xf32, #tpu.memory_space<vmem>>, vector<16xf32>,
        %add3A_1293 = arith.addf %get3A_1288, %get3A_1292 : vector<16xf32>
        %swap3A_1294 = arith.constant 3 : i32
        %swap3A_1295 = arith.index_cast %swap3A_1294 : i32 to index
        %swap3A_1296 = arith.index_cast %add3A_1278 : i32 to index
        %swap3A_1297 = arith.constant 0 : index
        %swap3A_1298 = tpu.vector_load %arg7[%swap3A_1295, %swap3A_1296, %swap3A_1297] {strides = array<i32>} : memref<5x128x64xf32, #tpu.memory_space<vmem>>, vector<16xf32>,
        tpu.vector_store %arg7[%swap3A_1295, %swap3A_1296, %swap3A_1297], %add3A_1293 {strides = array<i32>} : memref<5x128x64xf32, #tpu.memory_space<vmem>>, vector<16xf32>,
        %mul3A_1299 = arith.constant 64 : i32
        %mul3A_1300 = arith.muli %add3A_1278, %mul3A_1299 : i32
        %add3A_1301 = arith.constant 16 : i32
        %add3A_1302 = arith.addi %mul3A_1300, %add3A_1301 : i32
        %multiple_of3A_1303 = tpu.assume_multiple %add3A_1302, 16 : i32
        %get3A_1304 = arith.constant 3 : i32
        %get3A_1305 = arith.index_cast %get3A_1304 : i32 to index
        %get3A_1306 = arith.index_cast %add3A_1278 : i32 to index
        %get3A_1307 = arith.constant 16 : index
        %get3A_1308 = tpu.vector_load %arg7[%get3A_1305, %get3A_1306, %get3A_1307] {strides = array<i32>} : memref<5x128x64xf32, #tpu.memory_space<vmem>>, vector<16xf32>,
        %get3A_1309 = arith.constant 3 : i32
        %get3A_1310 = arith.index_cast %get3A_1309 : i32 to index
        %get3A_1311 = arith.index_cast %multiple_of3A_1303 : i32 to index
        %get3A_1312 = tpu.vector_load %arg8[%get3A_1310, %get3A_1311] {strides = array<i32>} : memref<5x8192xf32, #tpu.memory_space<vmem>>, vector<16xf32>,
        %add3A_1313 = arith.addf %get3A_1308, %get3A_1312 : vector<16xf32>
        %swap3A_1314 = arith.constant 3 : i32
        %swap3A_1315 = arith.index_cast %swap3A_1314 : i32 to index
        %swap3A_1316 = arith.index_cast %add3A_1278 : i32 to index
        %swap3A_1317 = arith.constant 16 : index
        %swap3A_1318 = tpu.vector_load %arg7[%swap3A_1315, %swap3A_1316, %swap3A_1317] {strides = array<i32>} : memref<5x128x64xf32, #tpu.memory_space<vmem>>, vector<16xf32>,
        tpu.vector_store %arg7[%swap3A_1315, %swap3A_1316, %swap3A_1317], %add3A_1313 {strides = array<i32>} : memref<5x128x64xf32, #tpu.memory_space<vmem>>, vector<16xf32>,
        %mul3A_1319 = arith.constant 64 : i32
        %mul3A_1320 = arith.muli %add3A_1278, %mul3A_1319 : i32
        %add3A_1321 = arith.constant 32 : i32
        %add3A_1322 = arith.addi %mul3A_1320, %add3A_1321 : i32
        %multiple_of3A_1323 = tpu.assume_multiple %add3A_1322, 16 : i32
        %get3A_1324 = arith.constant 3 : i32
        %get3A_1325 = arith.index_cast %get3A_1324 : i32 to index
        %get3A_1326 = arith.index_cast %add3A_1278 : i32 to index
        %get3A_1327 = arith.constant 32 : index
        %get3A_1328 = tpu.vector_load %arg7[%get3A_1325, %get3A_1326, %get3A_1327] {strides = array<i32>} : memref<5x128x64xf32, #tpu.memory_space<vmem>>, vector<16xf32>,
        %get3A_1329 = arith.constant 3 : i32
        %get3A_1330 = arith.index_cast %get3A_1329 : i32 to index
        %get3A_1331 = arith.index_cast %multiple_of3A_1323 : i32 to index
        %get3A_1332 = tpu.vector_load %arg8[%get3A_1330, %get3A_1331] {strides = array<i32>} : memref<5x8192xf32, #tpu.memory_space<vmem>>, vector<16xf32>,
        %add3A_1333 = arith.addf %get3A_1328, %get3A_1332 : vector<16xf32>
        %swap3A_1334 = arith.constant 3 : i32
        %swap3A_1335 = arith.index_cast %swap3A_1334 : i32 to index
        %swap3A_1336 = arith.index_cast %add3A_1278 : i32 to index
        %swap3A_1337 = arith.constant 32 : index
        %swap3A_1338 = tpu.vector_load %arg7[%swap3A_1335, %swap3A_1336, %swap3A_1337] {strides = array<i32>} : memref<5x128x64xf32, #tpu.memory_space<vmem>>, vector<16xf32>,
        tpu.vector_store %arg7[%swap3A_1335, %swap3A_1336, %swap3A_1337], %add3A_1333 {strides = array<i32>} : memref<5x128x64xf32, #tpu.memory_space<vmem>>, vector<16xf32>,
        %mul3A_1339 = arith.constant 64 : i32
        %mul3A_1340 = arith.muli %add3A_1278, %mul3A_1339 : i32
        %add3A_1341 = arith.constant 48 : i32
        %add3A_1342 = arith.addi %mul3A_1340, %add3A_1341 : i32
        %multiple_of3A_1343 = tpu.assume_multiple %add3A_1342, 16 : i32
        %get3A_1344 = arith.constant 3 : i32
        %get3A_1345 = arith.index_cast %get3A_1344 : i32 to index
        %get3A_1346 = arith.index_cast %add3A_1278 : i32 to index
        %get3A_1347 = arith.constant 48 : index
        %get3A_1348 = tpu.vector_load %arg7[%get3A_1345, %get3A_1346, %get3A_1347] {strides = array<i32>} : memref<5x128x64xf32, #tpu.memory_space<vmem>>, vector<16xf32>,
        %get3A_1349 = arith.constant 3 : i32
        %get3A_1350 = arith.index_cast %get3A_1349 : i32 to index
        %get3A_1351 = arith.index_cast %multiple_of3A_1343 : i32 to index
        %get3A_1352 = tpu.vector_load %arg8[%get3A_1350, %get3A_1351] {strides = array<i32>} : memref<5x8192xf32, #tpu.memory_space<vmem>>, vector<16xf32>,
        %add3A_1353 = arith.addf %get3A_1348, %get3A_1352 : vector<16xf32>
        %swap3A_1354 = arith.constant 3 : i32
        %swap3A_1355 = arith.index_cast %swap3A_1354 : i32 to index
        %swap3A_1356 = arith.index_cast %add3A_1278 : i32 to index
        %swap3A_1357 = arith.constant 48 : index
        %swap3A_1358 = tpu.vector_load %arg7[%swap3A_1355, %swap3A_1356, %swap3A_1357] {strides = array<i32>} : memref<5x128x64xf32, #tpu.memory_space<vmem>>, vector<16xf32>,
        tpu.vector_store %arg7[%swap3A_1355, %swap3A_1356, %swap3A_1357], %add3A_1353 {strides = array<i32>} : memref<5x128x64xf32, #tpu.memory_space<vmem>>, vector<16xf32>,
        %scan3A_1359 = arith.constant 3 : i32
        %scan3A_1360 = arith.addi %scan3A_1104, %scan3A_1359 : i32
        %mul3A_1361 = arith.constant 1 : i32
        %mul3A_1362 = arith.muli %scan3A_1360, %mul3A_1361 : i32
        %add3A_1363 = arith.constant 0 : i32
        %add3A_1364 = arith.addi %add3A_1363, %mul3A_1362 : i32
        %mul3A_1365 = arith.constant 64 : i32
        %mul3A_1366 = arith.muli %add3A_1364, %mul3A_1365 : i32
        %add3A_1367 = arith.constant 0 : i32
        %add3A_1368 = arith.addi %mul3A_1366, %add3A_1367 : i32
        %multiple_of3A_1369 = tpu.assume_multiple %add3A_1368, 16 : i32
        %get3A_1370 = arith.constant 3 : i32
        %get3A_1371 = arith.index_cast %get3A_1370 : i32 to index
        %get3A_1372 = arith.index_cast %add3A_1364 : i32 to index
        %get3A_1373 = arith.constant 0 : index
        %get3A_1374 = tpu.vector_load %arg7[%get3A_1371, %get3A_1372, %get3A_1373] {strides = array<i32>} : memref<5x128x64xf32, #tpu.memory_space<vmem>>, vector<16xf32>,
        %get3A_1375 = arith.constant 3 : i32
        %get3A_1376 = arith.index_cast %get3A_1375 : i32 to index
        %get3A_1377 = arith.index_cast %multiple_of3A_1369 : i32 to index
        %get3A_1378 = tpu.vector_load %arg8[%get3A_1376, %get3A_1377] {strides = array<i32>} : memref<5x8192xf32, #tpu.memory_space<vmem>>, vector<16xf32>,
        %add3A_1379 = arith.addf %get3A_1374, %get3A_1378 : vector<16xf32>
        %swap3A_1380 = arith.constant 3 : i32
        %swap3A_1381 = arith.index_cast %swap3A_1380 : i32 to index
        %swap3A_1382 = arith.index_cast %add3A_1364 : i32 to index
        %swap3A_1383 = arith.constant 0 : index
        %swap3A_1384 = tpu.vector_load %arg7[%swap3A_1381, %swap3A_1382, %swap3A_1383] {strides = array<i32>} : memref<5x128x64xf32, #tpu.memory_space<vmem>>, vector<16xf32>,
        tpu.vector_store %arg7[%swap3A_1381, %swap3A_1382, %swap3A_1383], %add3A_1379 {strides = array<i32>} : memref<5x128x64xf32, #tpu.memory_space<vmem>>, vector<16xf32>,
        %mul3A_1385 = arith.constant 64 : i32
        %mul3A_1386 = arith.muli %add3A_1364, %mul3A_1385 : i32
        %add3A_1387 = arith.constant 16 : i32
        %add3A_1388 = arith.addi %mul3A_1386, %add3A_1387 : i32
        %multiple_of3A_1389 = tpu.assume_multiple %add3A_1388, 16 : i32
        %get3A_1390 = arith.constant 3 : i32
        %get3A_1391 = arith.index_cast %get3A_1390 : i32 to index
        %get3A_1392 = arith.index_cast %add3A_1364 : i32 to index
        %get3A_1393 = arith.constant 16 : index
        %get3A_1394 = tpu.vector_load %arg7[%get3A_1391, %get3A_1392, %get3A_1393] {strides = array<i32>} : memref<5x128x64xf32, #tpu.memory_space<vmem>>, vector<16xf32>,
        %get3A_1395 = arith.constant 3 : i32
        %get3A_1396 = arith.index_cast %get3A_1395 : i32 to index
        %get3A_1397 = arith.index_cast %multiple_of3A_1389 : i32 to index
        %get3A_1398 = tpu.vector_load %arg8[%get3A_1396, %get3A_1397] {strides = array<i32>} : memref<5x8192xf32, #tpu.memory_space<vmem>>, vector<16xf32>,
        %add3A_1399 = arith.addf %get3A_1394, %get3A_1398 : vector<16xf32>
        %swap3A_1400 = arith.constant 3 : i32
        %swap3A_1401 = arith.index_cast %swap3A_1400 : i32 to index
        %swap3A_1402 = arith.index_cast %add3A_1364 : i32 to index
        %swap3A_1403 = arith.constant 16 : index
        %swap3A_1404 = tpu.vector_load %arg7[%swap3A_1401, %swap3A_1402, %swap3A_1403] {strides = array<i32>} : memref<5x128x64xf32, #tpu.memory_space<vmem>>, vector<16xf32>,
        tpu.vector_store %arg7[%swap3A_1401, %swap3A_1402, %swap3A_1403], %add3A_1399 {strides = array<i32>} : memref<5x128x64xf32, #tpu.memory_space<vmem>>, vector<16xf32>,
        %mul3A_1405 = arith.constant 64 : i32
        %mul3A_1406 = arith.muli %add3A_1364, %mul3A_1405 : i32
        %add3A_1407 = arith.constant 32 : i32
        %add3A_1408 = arith.addi %mul3A_1406, %add3A_1407 : i32
        %multiple_of3A_1409 = tpu.assume_multiple %add3A_1408, 16 : i32
        %get3A_1410 = arith.constant 3 : i32
        %get3A_1411 = arith.index_cast %get3A_1410 : i32 to index
        %get3A_1412 = arith.index_cast %add3A_1364 : i32 to index
        %get3A_1413 = arith.constant 32 : index
        %get3A_1414 = tpu.vector_load %arg7[%get3A_1411, %get3A_1412, %get3A_1413] {strides = array<i32>} : memref<5x128x64xf32, #tpu.memory_space<vmem>>, vector<16xf32>,
        %get3A_1415 = arith.constant 3 : i32
        %get3A_1416 = arith.index_cast %get3A_1415 : i32 to index
        %get3A_1417 = arith.index_cast %multiple_of3A_1409 : i32 to index
        %get3A_1418 = tpu.vector_load %arg8[%get3A_1416, %get3A_1417] {strides = array<i32>} : memref<5x8192xf32, #tpu.memory_space<vmem>>, vector<16xf32>,
        %add3A_1419 = arith.addf %get3A_1414, %get3A_1418 : vector<16xf32>
        %swap3A_1420 = arith.constant 3 : i32
        %swap3A_1421 = arith.index_cast %swap3A_1420 : i32 to index
        %swap3A_1422 = arith.index_cast %add3A_1364 : i32 to index
        %swap3A_1423 = arith.constant 32 : index
        %swap3A_1424 = tpu.vector_load %arg7[%swap3A_1421, %swap3A_1422, %swap3A_1423] {strides = array<i32>} : memref<5x128x64xf32, #tpu.memory_space<vmem>>, vector<16xf32>,
        tpu.vector_store %arg7[%swap3A_1421, %swap3A_1422, %swap3A_1423], %add3A_1419 {strides = array<i32>} : memref<5x128x64xf32, #tpu.memory_space<vmem>>, vector<16xf32>,
        %mul3A_1425 = arith.constant 64 : i32
        %mul3A_1426 = arith.muli %add3A_1364, %mul3A_1425 : i32
        %add3A_1427 = arith.constant 48 : i32
        %add3A_1428 = arith.addi %mul3A_1426, %add3A_1427 : i32
        %multiple_of3A_1429 = tpu.assume_multiple %add3A_1428, 16 : i32
        %get3A_1430 = arith.constant 3 : i32
        %get3A_1431 = arith.index_cast %get3A_1430 : i32 to index
        %get3A_1432 = arith.index_cast %add3A_1364 : i32 to index
        %get3A_1433 = arith.constant 48 : index
        %get3A_1434 = tpu.vector_load %arg7[%get3A_1431, %get3A_1432, %get3A_1433] {strides = array<i32>} : memref<5x128x64xf32, #tpu.memory_space<vmem>>, vector<16xf32>,
        %get3A_1435 = arith.constant 3 : i32
        %get3A_1436 = arith.index_cast %get3A_1435 : i32 to index
        %get3A_1437 = arith.index_cast %multiple_of3A_1429 : i32 to index
        %get3A_1438 = tpu.vector_load %arg8[%get3A_1436, %get3A_1437] {strides = array<i32>} : memref<5x8192xf32, #tpu.memory_space<vmem>>, vector<16xf32>,
        %add3A_1439 = arith.addf %get3A_1434, %get3A_1438 : vector<16xf32>
        %swap3A_1440 = arith.constant 3 : i32
        %swap3A_1441 = arith.index_cast %swap3A_1440 : i32 to index
        %swap3A_1442 = arith.index_cast %add3A_1364 : i32 to index
        %swap3A_1443 = arith.constant 48 : index
        %swap3A_1444 = tpu.vector_load %arg7[%swap3A_1441, %swap3A_1442, %swap3A_1443] {strides = array<i32>} : memref<5x128x64xf32, #tpu.memory_space<vmem>>, vector<16xf32>,
        tpu.vector_store %arg7[%swap3A_1441, %swap3A_1442, %swap3A_1443], %add3A_1439 {strides = array<i32>} : memref<5x128x64xf32, #tpu.memory_space<vmem>>, vector<16xf32>,
      }
      %scan3A_914 = arith.constant 128 : i32
      %mul3A_915 = arith.constant 128 : i32
      %mul3A_916 = arith.muli %add3A_877, %mul3A_915 : i32
      %add3A_917 = arith.addi %mul3A_2, %mul3A_916 : i32
      %multiple_of3A_918 = tpu.assume_multiple %add3A_917, 8 : i32
      %dma_start3A_919 = arith.constant 3 : i32
      %dma_start3A_920 = arith.constant 3 : i32
      %dma_start3A_921 = arith.constant 0 : i32
      %dma_start3A_922 = arith.constant 0 : i32
      %dma_start3A_923 = tpu.memref_slice %arg7[%dma_start3A_919, %dma_start3A_921, %dma_start3A_922] : memref<5x128x64xf32, #tpu.memory_space<vmem>> -> memref<1x128x64xf32, #tpu.memory_space<vmem>>
      %dma_start3A_924 = tpu.memref_squeeze %dma_start3A_923 : memref<1x128x64xf32, #tpu.memory_space<vmem>> -> memref<128x64xf32, #tpu.memory_space<vmem>>
      %dma_start3A_925 = arith.constant 0 : i32
      %dma_start3A_926 = tpu.memref_slice %arg5[%multiple_of3A_918, %dma_start3A_925] : memref<204800x64xf32, #tpu.memory_space<hbm>> -> memref<128x64xf32, #tpu.memory_space<hbm>>
      %dma_start3A_927 = tpu.memref_slice %arg11[%dma_start3A_920] : memref<5x!tpu.dma_semaphore, #tpu.memory_space<semaphore_mem>> -> memref<1x!tpu.dma_semaphore, #tpu.memory_space<semaphore_mem>>
      %dma_start3A_928 = tpu.memref_squeeze %dma_start3A_927 : memref<1x!tpu.dma_semaphore, #tpu.memory_space<semaphore_mem>> -> memref<!tpu.dma_semaphore, #tpu.memory_space<semaphore_mem>>
      %dma_start3A_929 = arith.constant 0 : i32
      %dma_start3A_930 = tpu.memref_slice %arg5[%multiple_of3A_918, %dma_start3A_929] : memref<204800x64xf32, #tpu.memory_space<hbm>> -> memref<128x64xf32, #tpu.memory_space<hbm>>
      %dma_start3A_931 = arith.constant 0 : i32
      %dma_start3A_932 = arith.constant 0 : i32
      %dma_start3A_933 = tpu.memref_slice %arg7[%dma_start3A_919, %dma_start3A_931, %dma_start3A_932] : memref<5x128x64xf32, #tpu.memory_space<vmem>> -> memref<1x128x64xf32, #tpu.memory_space<vmem>>
      %dma_start3A_934 = tpu.memref_squeeze %dma_start3A_933 : memref<1x128x64xf32, #tpu.memory_space<vmem>> -> memref<128x64xf32, #tpu.memory_space<vmem>>
      tpu.enqueue_dma source(%dma_start3A_934 : memref<128x64xf32, #tpu.memory_space<vmem>>) target(%dma_start3A_930 : memref<128x64xf32, #tpu.memory_space<hbm>>) target_semaphore(%dma_start3A_928 : memref<!tpu.dma_semaphore, #tpu.memory_space<semaphore_mem>>)
      %dma_wait3A_935 = arith.constant 3 : i32
      %dma_wait3A_936 = arith.constant 3 : i32
      %dma_wait3A_937 = arith.constant 0 : i32
      %dma_wait3A_938 = arith.constant 0 : i32
      %dma_wait3A_939 = tpu.memref_slice %arg7[%dma_wait3A_935, %dma_wait3A_937, %dma_wait3A_938] : memref<5x128x64xf32, #tpu.memory_space<vmem>> -> memref<1x128x64xf32, #tpu.memory_space<vmem>>
      %dma_wait3A_940 = tpu.memref_squeeze %dma_wait3A_939 : memref<1x128x64xf32, #tpu.memory_space<vmem>> -> memref<128x64xf32, #tpu.memory_space<vmem>>
      %dma_wait3A_941 = arith.constant 0 : i32
      %dma_wait3A_942 = arith.constant 0 : i32
      %dma_wait3A_943 = tpu.memref_slice %arg5[%dma_wait3A_941, %dma_wait3A_942] : memref<204800x64xf32, #tpu.memory_space<hbm>> -> memref<128x64xf32, #tpu.memory_space<hbm>>
      %dma_wait3A_944 = tpu.memref_slice %arg11[%dma_wait3A_936] : memref<5x!tpu.dma_semaphore, #tpu.memory_space<semaphore_mem>> -> memref<1x!tpu.dma_semaphore, #tpu.memory_space<semaphore_mem>>
      %dma_wait3A_945 = tpu.memref_squeeze %dma_wait3A_944 : memref<1x!tpu.dma_semaphore, #tpu.memory_space<semaphore_mem>> -> memref<!tpu.dma_semaphore, #tpu.memory_space<semaphore_mem>>
      %dma_wait3A_946 = arith.constant 0 : i32
      %dma_wait3A_947 = arith.constant 0 : i32
      %dma_wait3A_948 = tpu.memref_slice %arg5[%dma_wait3A_946, %dma_wait3A_947] : memref<204800x64xf32, #tpu.memory_space<hbm>> -> memref<128x64xf32, #tpu.memory_space<hbm>>
      %dma_wait3A_949 = arith.constant 0 : i32
      %dma_wait3A_950 = arith.constant 0 : i32
      %dma_wait3A_951 = tpu.memref_slice %arg7[%dma_wait3A_935, %dma_wait3A_949, %dma_wait3A_950] : memref<5x128x64xf32, #tpu.memory_space<vmem>> -> memref<1x128x64xf32, #tpu.memory_space<vmem>>
      %dma_wait3A_952 = tpu.memref_squeeze %dma_wait3A_951 : memref<1x128x64xf32, #tpu.memory_space<vmem>> -> memref<128x64xf32, #tpu.memory_space<vmem>>
      tpu.wait_dma2 semaphore(%dma_wait3A_945 : memref<!tpu.dma_semaphore, #tpu.memory_space<semaphore_mem>>) src(%dma_wait3A_952 : memref<128x64xf32, #tpu.memory_space<vmem>>) dst(%dma_wait3A_948 : memref<128x64xf32, #tpu.memory_space<hbm>>)
      %add3A_953 = arith.constant 5 : i32
      %add3A_954 = arith.addi %add3A_877, %add3A_953 : i32
      %mul3A_955 = arith.constant 128 : i32
      %mul3A_956 = arith.muli %add3A_954, %mul3A_955 : i32
      %multiple_of3A_957 = tpu.assume_multiple %mul3A_956, 8 : i32
      %dma_start3A_958 = arith.constant 3 : i32
      %dma_start3A_959 = arith.constant 3 : i32
      %dma_start3A_960 = arith.constant 0 : i32
      %dma_start3A_961 = arith.constant 0 : i32
      %dma_start3A_962 = tpu.memref_slice %arg7[%dma_start3A_958, %dma_start3A_960, %dma_start3A_961] : memref<5x128x64xf32, #tpu.memory_space<vmem>> -> memref<1x128x64xf32, #tpu.memory_space<vmem>>
      %dma_start3A_963 = tpu.memref_squeeze %dma_start3A_962 : memref<1x128x64xf32, #tpu.memory_space<vmem>> -> memref<128x64xf32, #tpu.memory_space<vmem>>
      %dma_start3A_964 = tpu.memref_slice %arg6[%multiple_of3A_957] : memref<6400xi32, #tpu.memory_space<vmem>> -> memref<128xi32, #tpu.memory_space<vmem>>
      %dma_start3A_965 = arith.constant 0 : i32
      %dma_start3A_966 = arith.constant 0 : i32
      %dma_start3A_967 = tpu.memref_slice %arg3[%dma_start3A_965, %dma_start3A_966] : memref<1000000x64xf32, #tpu.memory_space<hbm>> -> memref<1000000x64xf32, #tpu.memory_space<hbm>>
      %dma_start3A_968 = tpu.memref_slice %arg9[%dma_start3A_959] : memref<5x!tpu.dma_semaphore, #tpu.memory_space<semaphore_mem>> -> memref<1x!tpu.dma_semaphore, #tpu.memory_space<semaphore_mem>>
      %dma_start3A_969 = tpu.memref_squeeze %dma_start3A_968 : memref<1x!tpu.dma_semaphore, #tpu.memory_space<semaphore_mem>> -> memref<!tpu.dma_semaphore, #tpu.memory_space<semaphore_mem>>
      tpu.enqueue_indirect_dma source(%dma_start3A_967 : memref<1000000x64xf32, #tpu.memory_space<hbm>>) target(%dma_start3A_963 : memref<128x64xf32, #tpu.memory_space<vmem>>) offsets(%dma_start3A_964 : memref<128xi32, #tpu.memory_space<vmem>>) semaphore(%dma_start3A_969 : memref<!tpu.dma_semaphore, #tpu.memory_space<semaphore_mem>>)
      %add3A_970 = arith.constant 5 : i32
      %add3A_971 = arith.addi %add3A_877, %add3A_970 : i32
      %mul3A_972 = arith.constant 128 : i32
      %mul3A_973 = arith.muli %add3A_971, %mul3A_972 : i32
      %add3A_974 = arith.addi %mul3A_2, %mul3A_973 : i32
      %mul3A_975 = arith.constant 64 : i32
      %mul3A_976 = arith.muli %add3A_974, %mul3A_975 : i32
      %multiple_of3A_977 = tpu.assume_multiple %mul3A_976, 8192 : i32
      %dma_start3A_978 = arith.constant 3 : i32
      %dma_start3A_979 = arith.constant 3 : i32
      %dma_start3A_980 = arith.constant 0 : i32
      %dma_start3A_981 = tpu.memref_slice %arg8[%dma_start3A_978, %dma_start3A_980] : memref<5x8192xf32, #tpu.memory_space<vmem>> -> memref<1x8192xf32, #tpu.memory_space<vmem>>
      %dma_start3A_982 = tpu.memref_squeeze %dma_start3A_981 : memref<1x8192xf32, #tpu.memory_space<vmem>> -> memref<8192xf32, #tpu.memory_space<vmem>>
      %dma_start3A_983 = tpu.memref_slice %arg4[%multiple_of3A_977] : memref<13107200xf32, #tpu.memory_space<hbm>> -> memref<8192xf32, #tpu.memory_space<hbm>>
      %dma_start3A_984 = tpu.memref_slice %arg10[%dma_start3A_979] : memref<5x!tpu.dma_semaphore, #tpu.memory_space<semaphore_mem>> -> memref<1x!tpu.dma_semaphore, #tpu.memory_space<semaphore_mem>>
      %dma_start3A_985 = tpu.memref_squeeze %dma_start3A_984 : memref<1x!tpu.dma_semaphore, #tpu.memory_space<semaphore_mem>> -> memref<!tpu.dma_semaphore, #tpu.memory_space<semaphore_mem>>
      %dma_start3A_986 = arith.constant 0 : i32
      %dma_start3A_987 = tpu.memref_slice %arg8[%dma_start3A_978, %dma_start3A_986] : memref<5x8192xf32, #tpu.memory_space<vmem>> -> memref<1x8192xf32, #tpu.memory_space<vmem>>
      %dma_start3A_988 = tpu.memref_squeeze %dma_start3A_987 : memref<1x8192xf32, #tpu.memory_space<vmem>> -> memref<8192xf32, #tpu.memory_space<vmem>>
      %dma_start3A_989 = tpu.memref_slice %arg4[%multiple_of3A_977] : memref<13107200xf32, #tpu.memory_space<hbm>> -> memref<8192xf32, #tpu.memory_space<hbm>>
      tpu.enqueue_dma source(%dma_start3A_989 : memref<8192xf32, #tpu.memory_space<hbm>>) target(%dma_start3A_988 : memref<8192xf32, #tpu.memory_space<vmem>>) target_semaphore(%dma_start3A_985 : memref<!tpu.dma_semaphore, #tpu.memory_space<semaphore_mem>>)
      %add3A_990 = arith.constant 4 : i32
      %add3A_991 = arith.addi %add3A_533, %add3A_990 : i32
      %dma_wait3A_992 = arith.constant 4 : i32
      %dma_wait3A_993 = arith.constant 4 : i32
      %dma_wait3A_994 = arith.constant 0 : i32
      %dma_wait3A_995 = arith.constant 0 : i32
      %dma_wait3A_996 = tpu.memref_slice %arg7[%dma_wait3A_992, %dma_wait3A_994, %dma_wait3A_995] : memref<5x128x64xf32, #tpu.memory_space<vmem>> -> memref<1x128x64xf32, #tpu.memory_space<vmem>>
      %dma_wait3A_997 = tpu.memref_squeeze %dma_wait3A_996 : memref<1x128x64xf32, #tpu.memory_space<vmem>> -> memref<128x64xf32, #tpu.memory_space<vmem>>
      %dma_wait3A_998 = arith.constant 0 : i32
      %dma_wait3A_999 = arith.constant 0 : i32
      %dma_wait3A_1000 = tpu.memref_slice %arg3[%dma_wait3A_998, %dma_wait3A_999] : memref<1000000x64xf32, #tpu.memory_space<hbm>> -> memref<128x64xf32, #tpu.memory_space<hbm>>
      %dma_wait3A_1001 = tpu.memref_slice %arg9[%dma_wait3A_993] : memref<5x!tpu.dma_semaphore, #tpu.memory_space<semaphore_mem>> -> memref<1x!tpu.dma_semaphore, #tpu.memory_space<semaphore_mem>>
      %dma_wait3A_1002 = tpu.memref_squeeze %dma_wait3A_1001 : memref<1x!tpu.dma_semaphore, #tpu.memory_space<semaphore_mem>> -> memref<!tpu.dma_semaphore, #tpu.memory_space<semaphore_mem>>
      %dma_wait3A_1003 = arith.constant 0 : i32
      %dma_wait3A_1004 = arith.constant 0 : i32
      %dma_wait3A_1005 = tpu.memref_slice %arg7[%dma_wait3A_992, %dma_wait3A_1003, %dma_wait3A_1004] : memref<5x128x64xf32, #tpu.memory_space<vmem>> -> memref<1x128x64xf32, #tpu.memory_space<vmem>>
      %dma_wait3A_1006 = tpu.memref_squeeze %dma_wait3A_1005 : memref<1x128x64xf32, #tpu.memory_space<vmem>> -> memref<128x64xf32, #tpu.memory_space<vmem>>
      %dma_wait3A_1007 = arith.constant 0 : i32
      %dma_wait3A_1008 = arith.constant 0 : i32
      %dma_wait3A_1009 = tpu.memref_slice %arg3[%dma_wait3A_1007, %dma_wait3A_1008] : memref<1000000x64xf32, #tpu.memory_space<hbm>> -> memref<128x64xf32, #tpu.memory_space<hbm>>
      tpu.wait_dma2 semaphore(%dma_wait3A_1002 : memref<!tpu.dma_semaphore, #tpu.memory_space<semaphore_mem>>) src(%dma_wait3A_1009 : memref<128x64xf32, #tpu.memory_space<hbm>>) dst(%dma_wait3A_1006 : memref<128x64xf32, #tpu.memory_space<vmem>>)
      %dma_wait3A_1010 = arith.constant 4 : i32
      %dma_wait3A_1011 = arith.constant 4 : i32
      %dma_wait3A_1012 = arith.constant 0 : i32
      %dma_wait3A_1013 = tpu.memref_slice %arg8[%dma_wait3A_1010, %dma_wait3A_1012] : memref<5x8192xf32, #tpu.memory_space<vmem>> -> memref<1x8192xf32, #tpu.memory_space<vmem>>
      %dma_wait3A_1014 = tpu.memref_squeeze %dma_wait3A_1013 : memref<1x8192xf32, #tpu.memory_space<vmem>> -> memref<8192xf32, #tpu.memory_space<vmem>>
      %dma_wait3A_1015 = arith.constant 0 : i32
      %dma_wait3A_1016 = tpu.memref_slice %arg4[%dma_wait3A_1015] : memref<13107200xf32, #tpu.memory_space<hbm>> -> memref<8192xf32, #tpu.memory_space<hbm>>
      %dma_wait3A_1017 = tpu.memref_slice %arg10[%dma_wait3A_1011] : memref<5x!tpu.dma_semaphore, #tpu.memory_space<semaphore_mem>> -> memref<1x!tpu.dma_semaphore, #tpu.memory_space<semaphore_mem>>
      %dma_wait3A_1018 = tpu.memref_squeeze %dma_wait3A_1017 : memref<1x!tpu.dma_semaphore, #tpu.memory_space<semaphore_mem>> -> memref<!tpu.dma_semaphore, #tpu.memory_space<semaphore_mem>>
      %dma_wait3A_1019 = arith.constant 0 : i32
      %dma_wait3A_1020 = tpu.memref_slice %arg8[%dma_wait3A_1010, %dma_wait3A_1019] : memref<5x8192xf32, #tpu.memory_space<vmem>> -> memref<1x8192xf32, #tpu.memory_space<vmem>>
      %dma_wait3A_1021 = tpu.memref_squeeze %dma_wait3A_1020 : memref<1x8192xf32, #tpu.memory_space<vmem>> -> memref<8192xf32, #tpu.memory_space<vmem>>
      %dma_wait3A_1022 = arith.constant 0 : i32
      %dma_wait3A_1023 = tpu.memref_slice %arg4[%dma_wait3A_1022] : memref<13107200xf32, #tpu.memory_space<hbm>> -> memref<8192xf32, #tpu.memory_space<hbm>>
      tpu.wait_dma2 semaphore(%dma_wait3A_1018 : memref<!tpu.dma_semaphore, #tpu.memory_space<semaphore_mem>>) src(%dma_wait3A_1023 : memref<8192xf32, #tpu.memory_space<hbm>>) dst(%dma_wait3A_1021 : memref<8192xf32, #tpu.memory_space<vmem>>)
      %scan3A_1024 = arith.constant 0 : i32
      %scan3A_1025 = arith.constant 128 : i32
      %scan3A_1026 = arith.addi %scan3A_1024, %scan3A_1025 : i32
      %scan3A_1027 = arith.constant 4 : i32
      scf.for %scan3A_1104 = %scan3A_1024 to %scan3A_1026 step %scan3A_1027  : i32 {
        %mul3A_1105 = arith.constant 1 : i32
        %mul3A_1106 = arith.muli %scan3A_1104, %mul3A_1105 : i32
        %add3A_1107 = arith.constant 0 : i32
        %add3A_1108 = arith.addi %add3A_1107, %mul3A_1106 : i32
        %mul3A_1109 = arith.constant 64 : i32
        %mul3A_1110 = arith.muli %add3A_1108, %mul3A_1109 : i32
        %add3A_1111 = arith.constant 0 : i32
        %add3A_1112 = arith.addi %mul3A_1110, %add3A_1111 : i32
        %multiple_of3A_1113 = tpu.assume_multiple %add3A_1112, 16 : i32
        %get3A = arith.constant 4 : i32
        %get3A_1114 = arith.index_cast %get3A : i32 to index
        %get3A_1115 = arith.index_cast %add3A_1108 : i32 to index
        %get3A_1116 = arith.constant 0 : index
        %get3A_1117 = tpu.vector_load %arg7[%get3A_1114, %get3A_1115, %get3A_1116] {strides = array<i32>} : memref<5x128x64xf32, #tpu.memory_space<vmem>>, vector<16xf32>,
        %get3A_1118 = arith.constant 4 : i32
        %get3A_1119 = arith.index_cast %get3A_1118 : i32 to index
        %get3A_1120 = arith.index_cast %multiple_of3A_1113 : i32 to index
        %get3A_1121 = tpu.vector_load %arg8[%get3A_1119, %get3A_1120] {strides = array<i32>} : memref<5x8192xf32, #tpu.memory_space<vmem>>, vector<16xf32>,
        %add3A_1122 = arith.addf %get3A_1117, %get3A_1121 : vector<16xf32>
        %swap3A = arith.constant 4 : i32
        %swap3A_1123 = arith.index_cast %swap3A : i32 to index
        %swap3A_1124 = arith.index_cast %add3A_1108 : i32 to index
        %swap3A_1125 = arith.constant 0 : index
        %swap3A_1126 = tpu.vector_load %arg7[%swap3A_1123, %swap3A_1124, %swap3A_1125] {strides = array<i32>} : memref<5x128x64xf32, #tpu.memory_space<vmem>>, vector<16xf32>,
        tpu.vector_store %arg7[%swap3A_1123, %swap3A_1124, %swap3A_1125], %add3A_1122 {strides = array<i32>} : memref<5x128x64xf32, #tpu.memory_space<vmem>>, vector<16xf32>,
        %mul3A_1127 = arith.constant 64 : i32
        %mul3A_1128 = arith.muli %add3A_1108, %mul3A_1127 : i32
        %add3A_1129 = arith.constant 16 : i32
        %add3A_1130 = arith.addi %mul3A_1128, %add3A_1129 : i32
        %multiple_of3A_1131 = tpu.assume_multiple %add3A_1130, 16 : i32
        %get3A_1132 = arith.constant 4 : i32
        %get3A_1133 = arith.index_cast %get3A_1132 : i32 to index
        %get3A_1134 = arith.index_cast %add3A_1108 : i32 to index
        %get3A_1135 = arith.constant 16 : index
        %get3A_1136 = tpu.vector_load %arg7[%get3A_1133, %get3A_1134, %get3A_1135] {strides = array<i32>} : memref<5x128x64xf32, #tpu.memory_space<vmem>>, vector<16xf32>,
        %get3A_1137 = arith.constant 4 : i32
        %get3A_1138 = arith.index_cast %get3A_1137 : i32 to index
        %get3A_1139 = arith.index_cast %multiple_of3A_1131 : i32 to index
        %get3A_1140 = tpu.vector_load %arg8[%get3A_1138, %get3A_1139] {strides = array<i32>} : memref<5x8192xf32, #tpu.memory_space<vmem>>, vector<16xf32>,
        %add3A_1141 = arith.addf %get3A_1136, %get3A_1140 : vector<16xf32>
        %swap3A_1142 = arith.constant 4 : i32
        %swap3A_1143 = arith.index_cast %swap3A_1142 : i32 to index
        %swap3A_1144 = arith.index_cast %add3A_1108 : i32 to index
        %swap3A_1145 = arith.constant 16 : index
        %swap3A_1146 = tpu.vector_load %arg7[%swap3A_1143, %swap3A_1144, %swap3A_1145] {strides = array<i32>} : memref<5x128x64xf32, #tpu.memory_space<vmem>>, vector<16xf32>,
        tpu.vector_store %arg7[%swap3A_1143, %swap3A_1144, %swap3A_1145], %add3A_1141 {strides = array<i32>} : memref<5x128x64xf32, #tpu.memory_space<vmem>>, vector<16xf32>,
        %mul3A_1147 = arith.constant 64 : i32
        %mul3A_1148 = arith.muli %add3A_1108, %mul3A_1147 : i32
        %add3A_1149 = arith.constant 32 : i32
        %add3A_1150 = arith.addi %mul3A_1148, %add3A_1149 : i32
        %multiple_of3A_1151 = tpu.assume_multiple %add3A_1150, 16 : i32
        %get3A_1152 = arith.constant 4 : i32
        %get3A_1153 = arith.index_cast %get3A_1152 : i32 to index
        %get3A_1154 = arith.index_cast %add3A_1108 : i32 to index
        %get3A_1155 = arith.constant 32 : index
        %get3A_1156 = tpu.vector_load %arg7[%get3A_1153, %get3A_1154, %get3A_1155] {strides = array<i32>} : memref<5x128x64xf32, #tpu.memory_space<vmem>>, vector<16xf32>,
        %get3A_1157 = arith.constant 4 : i32
        %get3A_1158 = arith.index_cast %get3A_1157 : i32 to index
        %get3A_1159 = arith.index_cast %multiple_of3A_1151 : i32 to index
        %get3A_1160 = tpu.vector_load %arg8[%get3A_1158, %get3A_1159] {strides = array<i32>} : memref<5x8192xf32, #tpu.memory_space<vmem>>, vector<16xf32>,
        %add3A_1161 = arith.addf %get3A_1156, %get3A_1160 : vector<16xf32>
        %swap3A_1162 = arith.constant 4 : i32
        %swap3A_1163 = arith.index_cast %swap3A_1162 : i32 to index
        %swap3A_1164 = arith.index_cast %add3A_1108 : i32 to index
        %swap3A_1165 = arith.constant 32 : index
        %swap3A_1166 = tpu.vector_load %arg7[%swap3A_1163, %swap3A_1164, %swap3A_1165] {strides = array<i32>} : memref<5x128x64xf32, #tpu.memory_space<vmem>>, vector<16xf32>,
        tpu.vector_store %arg7[%swap3A_1163, %swap3A_1164, %swap3A_1165], %add3A_1161 {strides = array<i32>} : memref<5x128x64xf32, #tpu.memory_space<vmem>>, vector<16xf32>,
        %mul3A_1167 = arith.constant 64 : i32
        %mul3A_1168 = arith.muli %add3A_1108, %mul3A_1167 : i32
        %add3A_1169 = arith.constant 48 : i32
        %add3A_1170 = arith.addi %mul3A_1168, %add3A_1169 : i32
        %multiple_of3A_1171 = tpu.assume_multiple %add3A_1170, 16 : i32
        %get3A_1172 = arith.constant 4 : i32
        %get3A_1173 = arith.index_cast %get3A_1172 : i32 to index
        %get3A_1174 = arith.index_cast %add3A_1108 : i32 to index
        %get3A_1175 = arith.constant 48 : index
        %get3A_1176 = tpu.vector_load %arg7[%get3A_1173, %get3A_1174, %get3A_1175] {strides = array<i32>} : memref<5x128x64xf32, #tpu.memory_space<vmem>>, vector<16xf32>,
        %get3A_1177 = arith.constant 4 : i32
        %get3A_1178 = arith.index_cast %get3A_1177 : i32 to index
        %get3A_1179 = arith.index_cast %multiple_of3A_1171 : i32 to index
        %get3A_1180 = tpu.vector_load %arg8[%get3A_1178, %get3A_1179] {strides = array<i32>} : memref<5x8192xf32, #tpu.memory_space<vmem>>, vector<16xf32>,
        %add3A_1181 = arith.addf %get3A_1176, %get3A_1180 : vector<16xf32>
        %swap3A_1182 = arith.constant 4 : i32
        %swap3A_1183 = arith.index_cast %swap3A_1182 : i32 to index
        %swap3A_1184 = arith.index_cast %add3A_1108 : i32 to index
        %swap3A_1185 = arith.constant 48 : index
        %swap3A_1186 = tpu.vector_load %arg7[%swap3A_1183, %swap3A_1184, %swap3A_1185] {strides = array<i32>} : memref<5x128x64xf32, #tpu.memory_space<vmem>>, vector<16xf32>,
        tpu.vector_store %arg7[%swap3A_1183, %swap3A_1184, %swap3A_1185], %add3A_1181 {strides = array<i32>} : memref<5x128x64xf32, #tpu.memory_space<vmem>>, vector<16xf32>,
        %scan3A_1187 = arith.constant 1 : i32
        %scan3A_1188 = arith.addi %scan3A_1104, %scan3A_1187 : i32
        %mul3A_1189 = arith.constant 1 : i32
        %mul3A_1190 = arith.muli %scan3A_1188, %mul3A_1189 : i32
        %add3A_1191 = arith.constant 0 : i32
        %add3A_1192 = arith.addi %add3A_1191, %mul3A_1190 : i32
        %mul3A_1193 = arith.constant 64 : i32
        %mul3A_1194 = arith.muli %add3A_1192, %mul3A_1193 : i32
        %add3A_1195 = arith.constant 0 : i32
        %add3A_1196 = arith.addi %mul3A_1194, %add3A_1195 : i32
        %multiple_of3A_1197 = tpu.assume_multiple %add3A_1196, 16 : i32
        %get3A_1198 = arith.constant 4 : i32
        %get3A_1199 = arith.index_cast %get3A_1198 : i32 to index
        %get3A_1200 = arith.index_cast %add3A_1192 : i32 to index
        %get3A_1201 = arith.constant 0 : index
        %get3A_1202 = tpu.vector_load %arg7[%get3A_1199, %get3A_1200, %get3A_1201] {strides = array<i32>} : memref<5x128x64xf32, #tpu.memory_space<vmem>>, vector<16xf32>,
        %get3A_1203 = arith.constant 4 : i32
        %get3A_1204 = arith.index_cast %get3A_1203 : i32 to index
        %get3A_1205 = arith.index_cast %multiple_of3A_1197 : i32 to index
        %get3A_1206 = tpu.vector_load %arg8[%get3A_1204, %get3A_1205] {strides = array<i32>} : memref<5x8192xf32, #tpu.memory_space<vmem>>, vector<16xf32>,
        %add3A_1207 = arith.addf %get3A_1202, %get3A_1206 : vector<16xf32>
        %swap3A_1208 = arith.constant 4 : i32
        %swap3A_1209 = arith.index_cast %swap3A_1208 : i32 to index
        %swap3A_1210 = arith.index_cast %add3A_1192 : i32 to index
        %swap3A_1211 = arith.constant 0 : index
        %swap3A_1212 = tpu.vector_load %arg7[%swap3A_1209, %swap3A_1210, %swap3A_1211] {strides = array<i32>} : memref<5x128x64xf32, #tpu.memory_space<vmem>>, vector<16xf32>,
        tpu.vector_store %arg7[%swap3A_1209, %swap3A_1210, %swap3A_1211], %add3A_1207 {strides = array<i32>} : memref<5x128x64xf32, #tpu.memory_space<vmem>>, vector<16xf32>,
        %mul3A_1213 = arith.constant 64 : i32
        %mul3A_1214 = arith.muli %add3A_1192, %mul3A_1213 : i32
        %add3A_1215 = arith.constant 16 : i32
        %add3A_1216 = arith.addi %mul3A_1214, %add3A_1215 : i32
        %multiple_of3A_1217 = tpu.assume_multiple %add3A_1216, 16 : i32
        %get3A_1218 = arith.constant 4 : i32
        %get3A_1219 = arith.index_cast %get3A_1218 : i32 to index
        %get3A_1220 = arith.index_cast %add3A_1192 : i32 to index
        %get3A_1221 = arith.constant 16 : index
        %get3A_1222 = tpu.vector_load %arg7[%get3A_1219, %get3A_1220, %get3A_1221] {strides = array<i32>} : memref<5x128x64xf32, #tpu.memory_space<vmem>>, vector<16xf32>,
        %get3A_1223 = arith.constant 4 : i32
        %get3A_1224 = arith.index_cast %get3A_1223 : i32 to index
        %get3A_1225 = arith.index_cast %multiple_of3A_1217 : i32 to index
        %get3A_1226 = tpu.vector_load %arg8[%get3A_1224, %get3A_1225] {strides = array<i32>} : memref<5x8192xf32, #tpu.memory_space<vmem>>, vector<16xf32>,
        %add3A_1227 = arith.addf %get3A_1222, %get3A_1226 : vector<16xf32>
        %swap3A_1228 = arith.constant 4 : i32
        %swap3A_1229 = arith.index_cast %swap3A_1228 : i32 to index
        %swap3A_1230 = arith.index_cast %add3A_1192 : i32 to index
        %swap3A_1231 = arith.constant 16 : index
        %swap3A_1232 = tpu.vector_load %arg7[%swap3A_1229, %swap3A_1230, %swap3A_1231] {strides = array<i32>} : memref<5x128x64xf32, #tpu.memory_space<vmem>>, vector<16xf32>,
        tpu.vector_store %arg7[%swap3A_1229, %swap3A_1230, %swap3A_1231], %add3A_1227 {strides = array<i32>} : memref<5x128x64xf32, #tpu.memory_space<vmem>>, vector<16xf32>,
        %mul3A_1233 = arith.constant 64 : i32
        %mul3A_1234 = arith.muli %add3A_1192, %mul3A_1233 : i32
        %add3A_1235 = arith.constant 32 : i32
        %add3A_1236 = arith.addi %mul3A_1234, %add3A_1235 : i32
        %multiple_of3A_1237 = tpu.assume_multiple %add3A_1236, 16 : i32
        %get3A_1238 = arith.constant 4 : i32
        %get3A_1239 = arith.index_cast %get3A_1238 : i32 to index
        %get3A_1240 = arith.index_cast %add3A_1192 : i32 to index
        %get3A_1241 = arith.constant 32 : index
        %get3A_1242 = tpu.vector_load %arg7[%get3A_1239, %get3A_1240, %get3A_1241] {strides = array<i32>} : memref<5x128x64xf32, #tpu.memory_space<vmem>>, vector<16xf32>,
        %get3A_1243 = arith.constant 4 : i32
        %get3A_1244 = arith.index_cast %get3A_1243 : i32 to index
        %get3A_1245 = arith.index_cast %multiple_of3A_1237 : i32 to index
        %get3A_1246 = tpu.vector_load %arg8[%get3A_1244, %get3A_1245] {strides = array<i32>} : memref<5x8192xf32, #tpu.memory_space<vmem>>, vector<16xf32>,
        %add3A_1247 = arith.addf %get3A_1242, %get3A_1246 : vector<16xf32>
        %swap3A_1248 = arith.constant 4 : i32
        %swap3A_1249 = arith.index_cast %swap3A_1248 : i32 to index
        %swap3A_1250 = arith.index_cast %add3A_1192 : i32 to index
        %swap3A_1251 = arith.constant 32 : index
        %swap3A_1252 = tpu.vector_load %arg7[%swap3A_1249, %swap3A_1250, %swap3A_1251] {strides = array<i32>} : memref<5x128x64xf32, #tpu.memory_space<vmem>>, vector<16xf32>,
        tpu.vector_store %arg7[%swap3A_1249, %swap3A_1250, %swap3A_1251], %add3A_1247 {strides = array<i32>} : memref<5x128x64xf32, #tpu.memory_space<vmem>>, vector<16xf32>,
        %mul3A_1253 = arith.constant 64 : i32
        %mul3A_1254 = arith.muli %add3A_1192, %mul3A_1253 : i32
        %add3A_1255 = arith.constant 48 : i32
        %add3A_1256 = arith.addi %mul3A_1254, %add3A_1255 : i32
        %multiple_of3A_1257 = tpu.assume_multiple %add3A_1256, 16 : i32
        %get3A_1258 = arith.constant 4 : i32
        %get3A_1259 = arith.index_cast %get3A_1258 : i32 to index
        %get3A_1260 = arith.index_cast %add3A_1192 : i32 to index
        %get3A_1261 = arith.constant 48 : index
        %get3A_1262 = tpu.vector_load %arg7[%get3A_1259, %get3A_1260, %get3A_1261] {strides = array<i32>} : memref<5x128x64xf32, #tpu.memory_space<vmem>>, vector<16xf32>,
        %get3A_1263 = arith.constant 4 : i32
        %get3A_1264 = arith.index_cast %get3A_1263 : i32 to index
        %get3A_1265 = arith.index_cast %multiple_of3A_1257 : i32 to index
        %get3A_1266 = tpu.vector_load %arg8[%get3A_1264, %get3A_1265] {strides = array<i32>} : memref<5x8192xf32, #tpu.memory_space<vmem>>, vector<16xf32>,
        %add3A_1267 = arith.addf %get3A_1262, %get3A_1266 : vector<16xf32>
        %swap3A_1268 = arith.constant 4 : i32
        %swap3A_1269 = arith.index_cast %swap3A_1268 : i32 to index
        %swap3A_1270 = arith.index_cast %add3A_1192 : i32 to index
        %swap3A_1271 = arith.constant 48 : index
        %swap3A_1272 = tpu.vector_load %arg7[%swap3A_1269, %swap3A_1270, %swap3A_1271] {strides = array<i32>} : memref<5x128x64xf32, #tpu.memory_space<vmem>>, vector<16xf32>,
        tpu.vector_store %arg7[%swap3A_1269, %swap3A_1270, %swap3A_1271], %add3A_1267 {strides = array<i32>} : memref<5x128x64xf32, #tpu.memory_space<vmem>>, vector<16xf32>,
        %scan3A_1273 = arith.constant 2 : i32
        %scan3A_1274 = arith.addi %scan3A_1104, %scan3A_1273 : i32
        %mul3A_1275 = arith.constant 1 : i32
        %mul3A_1276 = arith.muli %scan3A_1274, %mul3A_1275 : i32
        %add3A_1277 = arith.constant 0 : i32
        %add3A_1278 = arith.addi %add3A_1277, %mul3A_1276 : i32
        %mul3A_1279 = arith.constant 64 : i32
        %mul3A_1280 = arith.muli %add3A_1278, %mul3A_1279 : i32
        %add3A_1281 = arith.constant 0 : i32
        %add3A_1282 = arith.addi %mul3A_1280, %add3A_1281 : i32
        %multiple_of3A_1283 = tpu.assume_multiple %add3A_1282, 16 : i32
        %get3A_1284 = arith.constant 4 : i32
        %get3A_1285 = arith.index_cast %get3A_1284 : i32 to index
        %get3A_1286 = arith.index_cast %add3A_1278 : i32 to index
        %get3A_1287 = arith.constant 0 : index
        %get3A_1288 = tpu.vector_load %arg7[%get3A_1285, %get3A_1286, %get3A_1287] {strides = array<i32>} : memref<5x128x64xf32, #tpu.memory_space<vmem>>, vector<16xf32>,
        %get3A_1289 = arith.constant 4 : i32
        %get3A_1290 = arith.index_cast %get3A_1289 : i32 to index
        %get3A_1291 = arith.index_cast %multiple_of3A_1283 : i32 to index
        %get3A_1292 = tpu.vector_load %arg8[%get3A_1290, %get3A_1291] {strides = array<i32>} : memref<5x8192xf32, #tpu.memory_space<vmem>>, vector<16xf32>,
        %add3A_1293 = arith.addf %get3A_1288, %get3A_1292 : vector<16xf32>
        %swap3A_1294 = arith.constant 4 : i32
        %swap3A_1295 = arith.index_cast %swap3A_1294 : i32 to index
        %swap3A_1296 = arith.index_cast %add3A_1278 : i32 to index
        %swap3A_1297 = arith.constant 0 : index
        %swap3A_1298 = tpu.vector_load %arg7[%swap3A_1295, %swap3A_1296, %swap3A_1297] {strides = array<i32>} : memref<5x128x64xf32, #tpu.memory_space<vmem>>, vector<16xf32>,
        tpu.vector_store %arg7[%swap3A_1295, %swap3A_1296, %swap3A_1297], %add3A_1293 {strides = array<i32>} : memref<5x128x64xf32, #tpu.memory_space<vmem>>, vector<16xf32>,
        %mul3A_1299 = arith.constant 64 : i32
        %mul3A_1300 = arith.muli %add3A_1278, %mul3A_1299 : i32
        %add3A_1301 = arith.constant 16 : i32
        %add3A_1302 = arith.addi %mul3A_1300, %add3A_1301 : i32
        %multiple_of3A_1303 = tpu.assume_multiple %add3A_1302, 16 : i32
        %get3A_1304 = arith.constant 4 : i32
        %get3A_1305 = arith.index_cast %get3A_1304 : i32 to index
        %get3A_1306 = arith.index_cast %add3A_1278 : i32 to index
        %get3A_1307 = arith.constant 16 : index
        %get3A_1308 = tpu.vector_load %arg7[%get3A_1305, %get3A_1306, %get3A_1307] {strides = array<i32>} : memref<5x128x64xf32, #tpu.memory_space<vmem>>, vector<16xf32>,
        %get3A_1309 = arith.constant 4 : i32
        %get3A_1310 = arith.index_cast %get3A_1309 : i32 to index
        %get3A_1311 = arith.index_cast %multiple_of3A_1303 : i32 to index
        %get3A_1312 = tpu.vector_load %arg8[%get3A_1310, %get3A_1311] {strides = array<i32>} : memref<5x8192xf32, #tpu.memory_space<vmem>>, vector<16xf32>,
        %add3A_1313 = arith.addf %get3A_1308, %get3A_1312 : vector<16xf32>
        %swap3A_1314 = arith.constant 4 : i32
        %swap3A_1315 = arith.index_cast %swap3A_1314 : i32 to index
        %swap3A_1316 = arith.index_cast %add3A_1278 : i32 to index
        %swap3A_1317 = arith.constant 16 : index
        %swap3A_1318 = tpu.vector_load %arg7[%swap3A_1315, %swap3A_1316, %swap3A_1317] {strides = array<i32>} : memref<5x128x64xf32, #tpu.memory_space<vmem>>, vector<16xf32>,
        tpu.vector_store %arg7[%swap3A_1315, %swap3A_1316, %swap3A_1317], %add3A_1313 {strides = array<i32>} : memref<5x128x64xf32, #tpu.memory_space<vmem>>, vector<16xf32>,
        %mul3A_1319 = arith.constant 64 : i32
        %mul3A_1320 = arith.muli %add3A_1278, %mul3A_1319 : i32
        %add3A_1321 = arith.constant 32 : i32
        %add3A_1322 = arith.addi %mul3A_1320, %add3A_1321 : i32
        %multiple_of3A_1323 = tpu.assume_multiple %add3A_1322, 16 : i32
        %get3A_1324 = arith.constant 4 : i32
        %get3A_1325 = arith.index_cast %get3A_1324 : i32 to index
        %get3A_1326 = arith.index_cast %add3A_1278 : i32 to index
        %get3A_1327 = arith.constant 32 : index
        %get3A_1328 = tpu.vector_load %arg7[%get3A_1325, %get3A_1326, %get3A_1327] {strides = array<i32>} : memref<5x128x64xf32, #tpu.memory_space<vmem>>, vector<16xf32>,
        %get3A_1329 = arith.constant 4 : i32
        %get3A_1330 = arith.index_cast %get3A_1329 : i32 to index
        %get3A_1331 = arith.index_cast %multiple_of3A_1323 : i32 to index
        %get3A_1332 = tpu.vector_load %arg8[%get3A_1330, %get3A_1331] {strides = array<i32>} : memref<5x8192xf32, #tpu.memory_space<vmem>>, vector<16xf32>,
        %add3A_1333 = arith.addf %get3A_1328, %get3A_1332 : vector<16xf32>
        %swap3A_1334 = arith.constant 4 : i32
        %swap3A_1335 = arith.index_cast %swap3A_1334 : i32 to index
        %swap3A_1336 = arith.index_cast %add3A_1278 : i32 to index
        %swap3A_1337 = arith.constant 32 : index
        %swap3A_1338 = tpu.vector_load %arg7[%swap3A_1335, %swap3A_1336, %swap3A_1337] {strides = array<i32>} : memref<5x128x64xf32, #tpu.memory_space<vmem>>, vector<16xf32>,
        tpu.vector_store %arg7[%swap3A_1335, %swap3A_1336, %swap3A_1337], %add3A_1333 {strides = array<i32>} : memref<5x128x64xf32, #tpu.memory_space<vmem>>, vector<16xf32>,
        %mul3A_1339 = arith.constant 64 : i32
        %mul3A_1340 = arith.muli %add3A_1278, %mul3A_1339 : i32
        %add3A_1341 = arith.constant 48 : i32
        %add3A_1342 = arith.addi %mul3A_1340, %add3A_1341 : i32
        %multiple_of3A_1343 = tpu.assume_multiple %add3A_1342, 16 : i32
        %get3A_1344 = arith.constant 4 : i32
        %get3A_1345 = arith.index_cast %get3A_1344 : i32 to index
        %get3A_1346 = arith.index_cast %add3A_1278 : i32 to index
        %get3A_1347 = arith.constant 48 : index
        %get3A_1348 = tpu.vector_load %arg7[%get3A_1345, %get3A_1346, %get3A_1347] {strides = array<i32>} : memref<5x128x64xf32, #tpu.memory_space<vmem>>, vector<16xf32>,
        %get3A_1349 = arith.constant 4 : i32
        %get3A_1350 = arith.index_cast %get3A_1349 : i32 to index
        %get3A_1351 = arith.index_cast %multiple_of3A_1343 : i32 to index
        %get3A_1352 = tpu.vector_load %arg8[%get3A_1350, %get3A_1351] {strides = array<i32>} : memref<5x8192xf32, #tpu.memory_space<vmem>>, vector<16xf32>,
        %add3A_1353 = arith.addf %get3A_1348, %get3A_1352 : vector<16xf32>
        %swap3A_1354 = arith.constant 4 : i32
        %swap3A_1355 = arith.index_cast %swap3A_1354 : i32 to index
        %swap3A_1356 = arith.index_cast %add3A_1278 : i32 to index
        %swap3A_1357 = arith.constant 48 : index
        %swap3A_1358 = tpu.vector_load %arg7[%swap3A_1355, %swap3A_1356, %swap3A_1357] {strides = array<i32>} : memref<5x128x64xf32, #tpu.memory_space<vmem>>, vector<16xf32>,
        tpu.vector_store %arg7[%swap3A_1355, %swap3A_1356, %swap3A_1357], %add3A_1353 {strides = array<i32>} : memref<5x128x64xf32, #tpu.memory_space<vmem>>, vector<16xf32>,
        %scan3A_1359 = arith.constant 3 : i32
        %scan3A_1360 = arith.addi %scan3A_1104, %scan3A_1359 : i32
        %mul3A_1361 = arith.constant 1 : i32
        %mul3A_1362 = arith.muli %scan3A_1360, %mul3A_1361 : i32
        %add3A_1363 = arith.constant 0 : i32
        %add3A_1364 = arith.addi %add3A_1363, %mul3A_1362 : i32
        %mul3A_1365 = arith.constant 64 : i32
        %mul3A_1366 = arith.muli %add3A_1364, %mul3A_1365 : i32
        %add3A_1367 = arith.constant 0 : i32
        %add3A_1368 = arith.addi %mul3A_1366, %add3A_1367 : i32
        %multiple_of3A_1369 = tpu.assume_multiple %add3A_1368, 16 : i32
        %get3A_1370 = arith.constant 4 : i32
        %get3A_1371 = arith.index_cast %get3A_1370 : i32 to index
        %get3A_1372 = arith.index_cast %add3A_1364 : i32 to index
        %get3A_1373 = arith.constant 0 : index
        %get3A_1374 = tpu.vector_load %arg7[%get3A_1371, %get3A_1372, %get3A_1373] {strides = array<i32>} : memref<5x128x64xf32, #tpu.memory_space<vmem>>, vector<16xf32>,
        %get3A_1375 = arith.constant 4 : i32
        %get3A_1376 = arith.index_cast %get3A_1375 : i32 to index
        %get3A_1377 = arith.index_cast %multiple_of3A_1369 : i32 to index
        %get3A_1378 = tpu.vector_load %arg8[%get3A_1376, %get3A_1377] {strides = array<i32>} : memref<5x8192xf32, #tpu.memory_space<vmem>>, vector<16xf32>,
        %add3A_1379 = arith.addf %get3A_1374, %get3A_1378 : vector<16xf32>
        %swap3A_1380 = arith.constant 4 : i32
        %swap3A_1381 = arith.index_cast %swap3A_1380 : i32 to index
        %swap3A_1382 = arith.index_cast %add3A_1364 : i32 to index
        %swap3A_1383 = arith.constant 0 : index
        %swap3A_1384 = tpu.vector_load %arg7[%swap3A_1381, %swap3A_1382, %swap3A_1383] {strides = array<i32>} : memref<5x128x64xf32, #tpu.memory_space<vmem>>, vector<16xf32>,
        tpu.vector_store %arg7[%swap3A_1381, %swap3A_1382, %swap3A_1383], %add3A_1379 {strides = array<i32>} : memref<5x128x64xf32, #tpu.memory_space<vmem>>, vector<16xf32>,
        %mul3A_1385 = arith.constant 64 : i32
        %mul3A_1386 = arith.muli %add3A_1364, %mul3A_1385 : i32
        %add3A_1387 = arith.constant 16 : i32
        %add3A_1388 = arith.addi %mul3A_1386, %add3A_1387 : i32
        %multiple_of3A_1389 = tpu.assume_multiple %add3A_1388, 16 : i32
        %get3A_1390 = arith.constant 4 : i32
        %get3A_1391 = arith.index_cast %get3A_1390 : i32 to index
        %get3A_1392 = arith.index_cast %add3A_1364 : i32 to index
        %get3A_1393 = arith.constant 16 : index
        %get3A_1394 = tpu.vector_load %arg7[%get3A_1391, %get3A_1392, %get3A_1393] {strides = array<i32>} : memref<5x128x64xf32, #tpu.memory_space<vmem>>, vector<16xf32>,
        %get3A_1395 = arith.constant 4 : i32
        %get3A_1396 = arith.index_cast %get3A_1395 : i32 to index
        %get3A_1397 = arith.index_cast %multiple_of3A_1389 : i32 to index
        %get3A_1398 = tpu.vector_load %arg8[%get3A_1396, %get3A_1397] {strides = array<i32>} : memref<5x8192xf32, #tpu.memory_space<vmem>>, vector<16xf32>,
        %add3A_1399 = arith.addf %get3A_1394, %get3A_1398 : vector<16xf32>
        %swap3A_1400 = arith.constant 4 : i32
        %swap3A_1401 = arith.index_cast %swap3A_1400 : i32 to index
        %swap3A_1402 = arith.index_cast %add3A_1364 : i32 to index
        %swap3A_1403 = arith.constant 16 : index
        %swap3A_1404 = tpu.vector_load %arg7[%swap3A_1401, %swap3A_1402, %swap3A_1403] {strides = array<i32>} : memref<5x128x64xf32, #tpu.memory_space<vmem>>, vector<16xf32>,
        tpu.vector_store %arg7[%swap3A_1401, %swap3A_1402, %swap3A_1403], %add3A_1399 {strides = array<i32>} : memref<5x128x64xf32, #tpu.memory_space<vmem>>, vector<16xf32>,
        %mul3A_1405 = arith.constant 64 : i32
        %mul3A_1406 = arith.muli %add3A_1364, %mul3A_1405 : i32
        %add3A_1407 = arith.constant 32 : i32
        %add3A_1408 = arith.addi %mul3A_1406, %add3A_1407 : i32
        %multiple_of3A_1409 = tpu.assume_multiple %add3A_1408, 16 : i32
        %get3A_1410 = arith.constant 4 : i32
        %get3A_1411 = arith.index_cast %get3A_1410 : i32 to index
        %get3A_1412 = arith.index_cast %add3A_1364 : i32 to index
        %get3A_1413 = arith.constant 32 : index
        %get3A_1414 = tpu.vector_load %arg7[%get3A_1411, %get3A_1412, %get3A_1413] {strides = array<i32>} : memref<5x128x64xf32, #tpu.memory_space<vmem>>, vector<16xf32>,
        %get3A_1415 = arith.constant 4 : i32
        %get3A_1416 = arith.index_cast %get3A_1415 : i32 to index
        %get3A_1417 = arith.index_cast %multiple_of3A_1409 : i32 to index
        %get3A_1418 = tpu.vector_load %arg8[%get3A_1416, %get3A_1417] {strides = array<i32>} : memref<5x8192xf32, #tpu.memory_space<vmem>>, vector<16xf32>,
        %add3A_1419 = arith.addf %get3A_1414, %get3A_1418 : vector<16xf32>
        %swap3A_1420 = arith.constant 4 : i32
        %swap3A_1421 = arith.index_cast %swap3A_1420 : i32 to index
        %swap3A_1422 = arith.index_cast %add3A_1364 : i32 to index
        %swap3A_1423 = arith.constant 32 : index
        %swap3A_1424 = tpu.vector_load %arg7[%swap3A_1421, %swap3A_1422, %swap3A_1423] {strides = array<i32>} : memref<5x128x64xf32, #tpu.memory_space<vmem>>, vector<16xf32>,
        tpu.vector_store %arg7[%swap3A_1421, %swap3A_1422, %swap3A_1423], %add3A_1419 {strides = array<i32>} : memref<5x128x64xf32, #tpu.memory_space<vmem>>, vector<16xf32>,
        %mul3A_1425 = arith.constant 64 : i32
        %mul3A_1426 = arith.muli %add3A_1364, %mul3A_1425 : i32
        %add3A_1427 = arith.constant 48 : i32
        %add3A_1428 = arith.addi %mul3A_1426, %add3A_1427 : i32
        %multiple_of3A_1429 = tpu.assume_multiple %add3A_1428, 16 : i32
        %get3A_1430 = arith.constant 4 : i32
        %get3A_1431 = arith.index_cast %get3A_1430 : i32 to index
        %get3A_1432 = arith.index_cast %add3A_1364 : i32 to index
        %get3A_1433 = arith.constant 48 : index
        %get3A_1434 = tpu.vector_load %arg7[%get3A_1431, %get3A_1432, %get3A_1433] {strides = array<i32>} : memref<5x128x64xf32, #tpu.memory_space<vmem>>, vector<16xf32>,
        %get3A_1435 = arith.constant 4 : i32
        %get3A_1436 = arith.index_cast %get3A_1435 : i32 to index
        %get3A_1437 = arith.index_cast %multiple_of3A_1429 : i32 to index
        %get3A_1438 = tpu.vector_load %arg8[%get3A_1436, %get3A_1437] {strides = array<i32>} : memref<5x8192xf32, #tpu.memory_space<vmem>>, vector<16xf32>,
        %add3A_1439 = arith.addf %get3A_1434, %get3A_1438 : vector<16xf32>
        %swap3A_1440 = arith.constant 4 : i32
        %swap3A_1441 = arith.index_cast %swap3A_1440 : i32 to index
        %swap3A_1442 = arith.index_cast %add3A_1364 : i32 to index
        %swap3A_1443 = arith.constant 48 : index
        %swap3A_1444 = tpu.vector_load %arg7[%swap3A_1441, %swap3A_1442, %swap3A_1443] {strides = array<i32>} : memref<5x128x64xf32, #tpu.memory_space<vmem>>, vector<16xf32>,
        tpu.vector_store %arg7[%swap3A_1441, %swap3A_1442, %swap3A_1443], %add3A_1439 {strides = array<i32>} : memref<5x128x64xf32, #tpu.memory_space<vmem>>, vector<16xf32>,
      }
      %scan3A_1028 = arith.constant 128 : i32
      %mul3A_1029 = arith.constant 128 : i32
      %mul3A_1030 = arith.muli %add3A_991, %mul3A_1029 : i32
      %add3A_1031 = arith.addi %mul3A_2, %mul3A_1030 : i32
      %multiple_of3A_1032 = tpu.assume_multiple %add3A_1031, 8 : i32
      %dma_start3A_1033 = arith.constant 4 : i32
      %dma_start3A_1034 = arith.constant 4 : i32
      %dma_start3A_1035 = arith.constant 0 : i32
      %dma_start3A_1036 = arith.constant 0 : i32
      %dma_start3A_1037 = tpu.memref_slice %arg7[%dma_start3A_1033, %dma_start3A_1035, %dma_start3A_1036] : memref<5x128x64xf32, #tpu.memory_space<vmem>> -> memref<1x128x64xf32, #tpu.memory_space<vmem>>
      %dma_start3A_1038 = tpu.memref_squeeze %dma_start3A_1037 : memref<1x128x64xf32, #tpu.memory_space<vmem>> -> memref<128x64xf32, #tpu.memory_space<vmem>>
      %dma_start3A_1039 = arith.constant 0 : i32
      %dma_start3A_1040 = tpu.memref_slice %arg5[%multiple_of3A_1032, %dma_start3A_1039] : memref<204800x64xf32, #tpu.memory_space<hbm>> -> memref<128x64xf32, #tpu.memory_space<hbm>>
      %dma_start3A_1041 = tpu.memref_slice %arg11[%dma_start3A_1034] : memref<5x!tpu.dma_semaphore, #tpu.memory_space<semaphore_mem>> -> memref<1x!tpu.dma_semaphore, #tpu.memory_space<semaphore_mem>>
      %dma_start3A_1042 = tpu.memref_squeeze %dma_start3A_1041 : memref<1x!tpu.dma_semaphore, #tpu.memory_space<semaphore_mem>> -> memref<!tpu.dma_semaphore, #tpu.memory_space<semaphore_mem>>
      %dma_start3A_1043 = arith.constant 0 : i32
      %dma_start3A_1044 = tpu.memref_slice %arg5[%multiple_of3A_1032, %dma_start3A_1043] : memref<204800x64xf32, #tpu.memory_space<hbm>> -> memref<128x64xf32, #tpu.memory_space<hbm>>
      %dma_start3A_1045 = arith.constant 0 : i32
      %dma_start3A_1046 = arith.constant 0 : i32
      %dma_start3A_1047 = tpu.memref_slice %arg7[%dma_start3A_1033, %dma_start3A_1045, %dma_start3A_1046] : memref<5x128x64xf32, #tpu.memory_space<vmem>> -> memref<1x128x64xf32, #tpu.memory_space<vmem>>
      %dma_start3A_1048 = tpu.memref_squeeze %dma_start3A_1047 : memref<1x128x64xf32, #tpu.memory_space<vmem>> -> memref<128x64xf32, #tpu.memory_space<vmem>>
      tpu.enqueue_dma source(%dma_start3A_1048 : memref<128x64xf32, #tpu.memory_space<vmem>>) target(%dma_start3A_1044 : memref<128x64xf32, #tpu.memory_space<hbm>>) target_semaphore(%dma_start3A_1042 : memref<!tpu.dma_semaphore, #tpu.memory_space<semaphore_mem>>)
      %dma_wait3A_1049 = arith.constant 4 : i32
      %dma_wait3A_1050 = arith.constant 4 : i32
      %dma_wait3A_1051 = arith.constant 0 : i32
      %dma_wait3A_1052 = arith.constant 0 : i32
      %dma_wait3A_1053 = tpu.memref_slice %arg7[%dma_wait3A_1049, %dma_wait3A_1051, %dma_wait3A_1052] : memref<5x128x64xf32, #tpu.memory_space<vmem>> -> memref<1x128x64xf32, #tpu.memory_space<vmem>>
      %dma_wait3A_1054 = tpu.memref_squeeze %dma_wait3A_1053 : memref<1x128x64xf32, #tpu.memory_space<vmem>> -> memref<128x64xf32, #tpu.memory_space<vmem>>
      %dma_wait3A_1055 = arith.constant 0 : i32
      %dma_wait3A_1056 = arith.constant 0 : i32
      %dma_wait3A_1057 = tpu.memref_slice %arg5[%dma_wait3A_1055, %dma_wait3A_1056] : memref<204800x64xf32, #tpu.memory_space<hbm>> -> memref<128x64xf32, #tpu.memory_space<hbm>>
      %dma_wait3A_1058 = tpu.memref_slice %arg11[%dma_wait3A_1050] : memref<5x!tpu.dma_semaphore, #tpu.memory_space<semaphore_mem>> -> memref<1x!tpu.dma_semaphore, #tpu.memory_space<semaphore_mem>>
      %dma_wait3A_1059 = tpu.memref_squeeze %dma_wait3A_1058 : memref<1x!tpu.dma_semaphore, #tpu.memory_space<semaphore_mem>> -> memref<!tpu.dma_semaphore, #tpu.memory_space<semaphore_mem>>
      %dma_wait3A_1060 = arith.constant 0 : i32
      %dma_wait3A_1061 = arith.constant 0 : i32
      %dma_wait3A_1062 = tpu.memref_slice %arg5[%dma_wait3A_1060, %dma_wait3A_1061] : memref<204800x64xf32, #tpu.memory_space<hbm>> -> memref<128x64xf32, #tpu.memory_space<hbm>>
      %dma_wait3A_1063 = arith.constant 0 : i32
      %dma_wait3A_1064 = arith.constant 0 : i32
      %dma_wait3A_1065 = tpu.memref_slice %arg7[%dma_wait3A_1049, %dma_wait3A_1063, %dma_wait3A_1064] : memref<5x128x64xf32, #tpu.memory_space<vmem>> -> memref<1x128x64xf32, #tpu.memory_space<vmem>>
      %dma_wait3A_1066 = tpu.memref_squeeze %dma_wait3A_1065 : memref<1x128x64xf32, #tpu.memory_space<vmem>> -> memref<128x64xf32, #tpu.memory_space<vmem>>
      tpu.wait_dma2 semaphore(%dma_wait3A_1059 : memref<!tpu.dma_semaphore, #tpu.memory_space<semaphore_mem>>) src(%dma_wait3A_1066 : memref<128x64xf32, #tpu.memory_space<vmem>>) dst(%dma_wait3A_1062 : memref<128x64xf32, #tpu.memory_space<hbm>>)
      %add3A_1067 = arith.constant 5 : i32
      %add3A_1068 = arith.addi %add3A_991, %add3A_1067 : i32
      %mul3A_1069 = arith.constant 128 : i32
      %mul3A_1070 = arith.muli %add3A_1068, %mul3A_1069 : i32
      %multiple_of3A_1071 = tpu.assume_multiple %mul3A_1070, 8 : i32
      %dma_start3A_1072 = arith.constant 4 : i32
      %dma_start3A_1073 = arith.constant 4 : i32
      %dma_start3A_1074 = arith.constant 0 : i32
      %dma_start3A_1075 = arith.constant 0 : i32
      %dma_start3A_1076 = tpu.memref_slice %arg7[%dma_start3A_1072, %dma_start3A_1074, %dma_start3A_1075] : memref<5x128x64xf32, #tpu.memory_space<vmem>> -> memref<1x128x64xf32, #tpu.memory_space<vmem>>
      %dma_start3A_1077 = tpu.memref_squeeze %dma_start3A_1076 : memref<1x128x64xf32, #tpu.memory_space<vmem>> -> memref<128x64xf32, #tpu.memory_space<vmem>>
      %dma_start3A_1078 = tpu.memref_slice %arg6[%multiple_of3A_1071] : memref<6400xi32, #tpu.memory_space<vmem>> -> memref<128xi32, #tpu.memory_space<vmem>>
      %dma_start3A_1079 = arith.constant 0 : i32
      %dma_start3A_1080 = arith.constant 0 : i32
      %dma_start3A_1081 = tpu.memref_slice %arg3[%dma_start3A_1079, %dma_start3A_1080] : memref<1000000x64xf32, #tpu.memory_space<hbm>> -> memref<1000000x64xf32, #tpu.memory_space<hbm>>
      %dma_start3A_1082 = tpu.memref_slice %arg9[%dma_start3A_1073] : memref<5x!tpu.dma_semaphore, #tpu.memory_space<semaphore_mem>> -> memref<1x!tpu.dma_semaphore, #tpu.memory_space<semaphore_mem>>
      %dma_start3A_1083 = tpu.memref_squeeze %dma_start3A_1082 : memref<1x!tpu.dma_semaphore, #tpu.memory_space<semaphore_mem>> -> memref<!tpu.dma_semaphore, #tpu.memory_space<semaphore_mem>>
      tpu.enqueue_indirect_dma source(%dma_start3A_1081 : memref<1000000x64xf32, #tpu.memory_space<hbm>>) target(%dma_start3A_1077 : memref<128x64xf32, #tpu.memory_space<vmem>>) offsets(%dma_start3A_1078 : memref<128xi32, #tpu.memory_space<vmem>>) semaphore(%dma_start3A_1083 : memref<!tpu.dma_semaphore, #tpu.memory_space<semaphore_mem>>)
      %add3A_1084 = arith.constant 5 : i32
      %add3A_1085 = arith.addi %add3A_991, %add3A_1084 : i32
      %mul3A_1086 = arith.constant 128 : i32
      %mul3A_1087 = arith.muli %add3A_1085, %mul3A_1086 : i32
      %add3A_1088 = arith.addi %mul3A_2, %mul3A_1087 : i32
      %mul3A_1089 = arith.constant 64 : i32
      %mul3A_1090 = arith.muli %add3A_1088, %mul3A_1089 : i32
      %multiple_of3A_1091 = tpu.assume_multiple %mul3A_1090, 8192 : i32
      %dma_start3A_1092 = arith.constant 4 : i32
      %dma_start3A_1093 = arith.constant 4 : i32
      %dma_start3A_1094 = arith.constant 0 : i32
      %dma_start3A_1095 = tpu.memref_slice %arg8[%dma_start3A_1092, %dma_start3A_1094] : memref<5x8192xf32, #tpu.memory_space<vmem>> -> memref<1x8192xf32, #tpu.memory_space<vmem>>
      %dma_start3A_1096 = tpu.memref_squeeze %dma_start3A_1095 : memref<1x8192xf32, #tpu.memory_space<vmem>> -> memref<8192xf32, #tpu.memory_space<vmem>>
      %dma_start3A_1097 = tpu.memref_slice %arg4[%multiple_of3A_1091] : memref<13107200xf32, #tpu.memory_space<hbm>> -> memref<8192xf32, #tpu.memory_space<hbm>>
      %dma_start3A_1098 = tpu.memref_slice %arg10[%dma_start3A_1093] : memref<5x!tpu.dma_semaphore, #tpu.memory_space<semaphore_mem>> -> memref<1x!tpu.dma_semaphore, #tpu.memory_space<semaphore_mem>>
      %dma_start3A_1099 = tpu.memref_squeeze %dma_start3A_1098 : memref<1x!tpu.dma_semaphore, #tpu.memory_space<semaphore_mem>> -> memref<!tpu.dma_semaphore, #tpu.memory_space<semaphore_mem>>
      %dma_start3A_1100 = arith.constant 0 : i32
      %dma_start3A_1101 = tpu.memref_slice %arg8[%dma_start3A_1092, %dma_start3A_1100] : memref<5x8192xf32, #tpu.memory_space<vmem>> -> memref<1x8192xf32, #tpu.memory_space<vmem>>
      %dma_start3A_1102 = tpu.memref_squeeze %dma_start3A_1101 : memref<1x8192xf32, #tpu.memory_space<vmem>> -> memref<8192xf32, #tpu.memory_space<vmem>>
      %dma_start3A_1103 = tpu.memref_slice %arg4[%multiple_of3A_1091] : memref<13107200xf32, #tpu.memory_space<hbm>> -> memref<8192xf32, #tpu.memory_space<hbm>>
      tpu.enqueue_dma source(%dma_start3A_1103 : memref<8192xf32, #tpu.memory_space<hbm>>) target(%dma_start3A_1102 : memref<8192xf32, #tpu.memory_space<vmem>>) target_semaphore(%dma_start3A_1099 : memref<!tpu.dma_semaphore, #tpu.memory_space<semaphore_mem>>)
    }
    %scan3A_159 = arith.constant 9 : i32
    %dma_wait3A = arith.constant 0 : i32
    %dma_wait3A_160 = arith.constant 0 : i32
    %dma_wait3A_161 = arith.constant 0 : i32
    %dma_wait3A_162 = arith.constant 0 : i32
    %dma_wait3A_163 = tpu.memref_slice %arg7[%dma_wait3A, %dma_wait3A_161, %dma_wait3A_162] : memref<5x128x64xf32, #tpu.memory_space<vmem>> -> memref<1x128x64xf32, #tpu.memory_space<vmem>>
    %dma_wait3A_164 = tpu.memref_squeeze %dma_wait3A_163 : memref<1x128x64xf32, #tpu.memory_space<vmem>> -> memref<128x64xf32, #tpu.memory_space<vmem>>
    %dma_wait3A_165 = arith.constant 0 : i32
    %dma_wait3A_166 = arith.constant 0 : i32
    %dma_wait3A_167 = tpu.memref_slice %arg3[%dma_wait3A_165, %dma_wait3A_166] : memref<1000000x64xf32, #tpu.memory_space<hbm>> -> memref<128x64xf32, #tpu.memory_space<hbm>>
    %dma_wait3A_168 = tpu.memref_slice %arg9[%dma_wait3A_160] : memref<5x!tpu.dma_semaphore, #tpu.memory_space<semaphore_mem>> -> memref<1x!tpu.dma_semaphore, #tpu.memory_space<semaphore_mem>>
    %dma_wait3A_169 = tpu.memref_squeeze %dma_wait3A_168 : memref<1x!tpu.dma_semaphore, #tpu.memory_space<semaphore_mem>> -> memref<!tpu.dma_semaphore, #tpu.memory_space<semaphore_mem>>
    %dma_wait3A_170 = arith.constant 0 : i32
    %dma_wait3A_171 = arith.constant 0 : i32
    %dma_wait3A_172 = tpu.memref_slice %arg7[%dma_wait3A, %dma_wait3A_170, %dma_wait3A_171] : memref<5x128x64xf32, #tpu.memory_space<vmem>> -> memref<1x128x64xf32, #tpu.memory_space<vmem>>
    %dma_wait3A_173 = tpu.memref_squeeze %dma_wait3A_172 : memref<1x128x64xf32, #tpu.memory_space<vmem>> -> memref<128x64xf32, #tpu.memory_space<vmem>>
    %dma_wait3A_174 = arith.constant 0 : i32
    %dma_wait3A_175 = arith.constant 0 : i32
    %dma_wait3A_176 = tpu.memref_slice %arg3[%dma_wait3A_174, %dma_wait3A_175] : memref<1000000x64xf32, #tpu.memory_space<hbm>> -> memref<128x64xf32, #tpu.memory_space<hbm>>
    tpu.wait_dma2 semaphore(%dma_wait3A_169 : memref<!tpu.dma_semaphore, #tpu.memory_space<semaphore_mem>>) src(%dma_wait3A_176 : memref<128x64xf32, #tpu.memory_space<hbm>>) dst(%dma_wait3A_173 : memref<128x64xf32, #tpu.memory_space<vmem>>)
    %dma_wait3A_177 = arith.constant 0 : i32
    %dma_wait3A_178 = arith.constant 0 : i32
    %dma_wait3A_179 = arith.constant 0 : i32
    %dma_wait3A_180 = tpu.memref_slice %arg8[%dma_wait3A_177, %dma_wait3A_179] : memref<5x8192xf32, #tpu.memory_space<vmem>> -> memref<1x8192xf32, #tpu.memory_space<vmem>>
    %dma_wait3A_181 = tpu.memref_squeeze %dma_wait3A_180 : memref<1x8192xf32, #tpu.memory_space<vmem>> -> memref<8192xf32, #tpu.memory_space<vmem>>
    %dma_wait3A_182 = arith.constant 0 : i32
    %dma_wait3A_183 = tpu.memref_slice %arg4[%dma_wait3A_182] : memref<13107200xf32, #tpu.memory_space<hbm>> -> memref<8192xf32, #tpu.memory_space<hbm>>
    %dma_wait3A_184 = tpu.memref_slice %arg10[%dma_wait3A_178] : memref<5x!tpu.dma_semaphore, #tpu.memory_space<semaphore_mem>> -> memref<1x!tpu.dma_semaphore, #tpu.memory_space<semaphore_mem>>
    %dma_wait3A_185 = tpu.memref_squeeze %dma_wait3A_184 : memref<1x!tpu.dma_semaphore, #tpu.memory_space<semaphore_mem>> -> memref<!tpu.dma_semaphore, #tpu.memory_space<semaphore_mem>>
    %dma_wait3A_186 = arith.constant 0 : i32
    %dma_wait3A_187 = tpu.memref_slice %arg8[%dma_wait3A_177, %dma_wait3A_186] : memref<5x8192xf32, #tpu.memory_space<vmem>> -> memref<1x8192xf32, #tpu.memory_space<vmem>>
    %dma_wait3A_188 = tpu.memref_squeeze %dma_wait3A_187 : memref<1x8192xf32, #tpu.memory_space<vmem>> -> memref<8192xf32, #tpu.memory_space<vmem>>
    %dma_wait3A_189 = arith.constant 0 : i32
    %dma_wait3A_190 = tpu.memref_slice %arg4[%dma_wait3A_189] : memref<13107200xf32, #tpu.memory_space<hbm>> -> memref<8192xf32, #tpu.memory_space<hbm>>
    tpu.wait_dma2 semaphore(%dma_wait3A_185 : memref<!tpu.dma_semaphore, #tpu.memory_space<semaphore_mem>>) src(%dma_wait3A_190 : memref<8192xf32, #tpu.memory_space<hbm>>) dst(%dma_wait3A_188 : memref<8192xf32, #tpu.memory_space<vmem>>)
    %scan3A_191 = arith.constant 0 : i32
    %scan3A_192 = arith.constant 128 : i32
    %scan3A_193 = arith.addi %scan3A_191, %scan3A_192 : i32
    %scan3A_194 = arith.constant 4 : i32
    scf.for %scan3A_529 = %scan3A_191 to %scan3A_193 step %scan3A_194  : i32 {
      %mul3A_530 = arith.constant 1 : i32
      %mul3A_531 = arith.muli %scan3A_529, %mul3A_530 : i32
      %add3A_532 = arith.constant 0 : i32
      %add3A_533 = arith.addi %add3A_532, %mul3A_531 : i32
      %mul3A_534 = arith.constant 64 : i32
      %mul3A_535 = arith.muli %add3A_533, %mul3A_534 : i32
      %add3A_536 = arith.constant 0 : i32
      %add3A_537 = arith.addi %mul3A_535, %add3A_536 : i32
      %multiple_of3A_538 = tpu.assume_multiple %add3A_537, 16 : i32
      %get3A = arith.constant 0 : i32
      %get3A_539 = arith.index_cast %get3A : i32 to index
      %get3A_540 = arith.index_cast %add3A_533 : i32 to index
      %get3A_541 = arith.constant 0 : index
      %get3A_542 = tpu.vector_load %arg7[%get3A_539, %get3A_540, %get3A_541] {strides = array<i32>} : memref<5x128x64xf32, #tpu.memory_space<vmem>>, vector<16xf32>,
      %get3A_543 = arith.constant 0 : i32
      %get3A_544 = arith.index_cast %get3A_543 : i32 to index
      %get3A_545 = arith.index_cast %multiple_of3A_538 : i32 to index
      %get3A_546 = tpu.vector_load %arg8[%get3A_544, %get3A_545] {strides = array<i32>} : memref<5x8192xf32, #tpu.memory_space<vmem>>, vector<16xf32>,
      %add3A_547 = arith.addf %get3A_542, %get3A_546 : vector<16xf32>
      %swap3A = arith.constant 0 : i32
      %swap3A_548 = arith.index_cast %swap3A : i32 to index
      %swap3A_549 = arith.index_cast %add3A_533 : i32 to index
      %swap3A_550 = arith.constant 0 : index
      %swap3A_551 = tpu.vector_load %arg7[%swap3A_548, %swap3A_549, %swap3A_550] {strides = array<i32>} : memref<5x128x64xf32, #tpu.memory_space<vmem>>, vector<16xf32>,
      tpu.vector_store %arg7[%swap3A_548, %swap3A_549, %swap3A_550], %add3A_547 {strides = array<i32>} : memref<5x128x64xf32, #tpu.memory_space<vmem>>, vector<16xf32>,
      %mul3A_552 = arith.constant 64 : i32
      %mul3A_553 = arith.muli %add3A_533, %mul3A_552 : i32
      %add3A_554 = arith.constant 16 : i32
      %add3A_555 = arith.addi %mul3A_553, %add3A_554 : i32
      %multiple_of3A_556 = tpu.assume_multiple %add3A_555, 16 : i32
      %get3A_557 = arith.constant 0 : i32
      %get3A_558 = arith.index_cast %get3A_557 : i32 to index
      %get3A_559 = arith.index_cast %add3A_533 : i32 to index
      %get3A_560 = arith.constant 16 : index
      %get3A_561 = tpu.vector_load %arg7[%get3A_558, %get3A_559, %get3A_560] {strides = array<i32>} : memref<5x128x64xf32, #tpu.memory_space<vmem>>, vector<16xf32>,
      %get3A_562 = arith.constant 0 : i32
      %get3A_563 = arith.index_cast %get3A_562 : i32 to index
      %get3A_564 = arith.index_cast %multiple_of3A_556 : i32 to index
      %get3A_565 = tpu.vector_load %arg8[%get3A_563, %get3A_564] {strides = array<i32>} : memref<5x8192xf32, #tpu.memory_space<vmem>>, vector<16xf32>,
      %add3A_566 = arith.addf %get3A_561, %get3A_565 : vector<16xf32>
      %swap3A_567 = arith.constant 0 : i32
      %swap3A_568 = arith.index_cast %swap3A_567 : i32 to index
      %swap3A_569 = arith.index_cast %add3A_533 : i32 to index
      %swap3A_570 = arith.constant 16 : index
      %swap3A_571 = tpu.vector_load %arg7[%swap3A_568, %swap3A_569, %swap3A_570] {strides = array<i32>} : memref<5x128x64xf32, #tpu.memory_space<vmem>>, vector<16xf32>,
      tpu.vector_store %arg7[%swap3A_568, %swap3A_569, %swap3A_570], %add3A_566 {strides = array<i32>} : memref<5x128x64xf32, #tpu.memory_space<vmem>>, vector<16xf32>,
      %mul3A_572 = arith.constant 64 : i32
      %mul3A_573 = arith.muli %add3A_533, %mul3A_572 : i32
      %add3A_574 = arith.constant 32 : i32
      %add3A_575 = arith.addi %mul3A_573, %add3A_574 : i32
      %multiple_of3A_576 = tpu.assume_multiple %add3A_575, 16 : i32
      %get3A_577 = arith.constant 0 : i32
      %get3A_578 = arith.index_cast %get3A_577 : i32 to index
      %get3A_579 = arith.index_cast %add3A_533 : i32 to index
      %get3A_580 = arith.constant 32 : index
      %get3A_581 = tpu.vector_load %arg7[%get3A_578, %get3A_579, %get3A_580] {strides = array<i32>} : memref<5x128x64xf32, #tpu.memory_space<vmem>>, vector<16xf32>,
      %get3A_582 = arith.constant 0 : i32
      %get3A_583 = arith.index_cast %get3A_582 : i32 to index
      %get3A_584 = arith.index_cast %multiple_of3A_576 : i32 to index
      %get3A_585 = tpu.vector_load %arg8[%get3A_583, %get3A_584] {strides = array<i32>} : memref<5x8192xf32, #tpu.memory_space<vmem>>, vector<16xf32>,
      %add3A_586 = arith.addf %get3A_581, %get3A_585 : vector<16xf32>
      %swap3A_587 = arith.constant 0 : i32
      %swap3A_588 = arith.index_cast %swap3A_587 : i32 to index
      %swap3A_589 = arith.index_cast %add3A_533 : i32 to index
      %swap3A_590 = arith.constant 32 : index
      %swap3A_591 = tpu.vector_load %arg7[%swap3A_588, %swap3A_589, %swap3A_590] {strides = array<i32>} : memref<5x128x64xf32, #tpu.memory_space<vmem>>, vector<16xf32>,
      tpu.vector_store %arg7[%swap3A_588, %swap3A_589, %swap3A_590], %add3A_586 {strides = array<i32>} : memref<5x128x64xf32, #tpu.memory_space<vmem>>, vector<16xf32>,
      %mul3A_592 = arith.constant 64 : i32
      %mul3A_593 = arith.muli %add3A_533, %mul3A_592 : i32
      %add3A_594 = arith.constant 48 : i32
      %add3A_595 = arith.addi %mul3A_593, %add3A_594 : i32
      %multiple_of3A_596 = tpu.assume_multiple %add3A_595, 16 : i32
      %get3A_597 = arith.constant 0 : i32
      %get3A_598 = arith.index_cast %get3A_597 : i32 to index
      %get3A_599 = arith.index_cast %add3A_533 : i32 to index
      %get3A_600 = arith.constant 48 : index
      %get3A_601 = tpu.vector_load %arg7[%get3A_598, %get3A_599, %get3A_600] {strides = array<i32>} : memref<5x128x64xf32, #tpu.memory_space<vmem>>, vector<16xf32>,
      %get3A_602 = arith.constant 0 : i32
      %get3A_603 = arith.index_cast %get3A_602 : i32 to index
      %get3A_604 = arith.index_cast %multiple_of3A_596 : i32 to index
      %get3A_605 = tpu.vector_load %arg8[%get3A_603, %get3A_604] {strides = array<i32>} : memref<5x8192xf32, #tpu.memory_space<vmem>>, vector<16xf32>,
      %add3A_606 = arith.addf %get3A_601, %get3A_605 : vector<16xf32>
      %swap3A_607 = arith.constant 0 : i32
      %swap3A_608 = arith.index_cast %swap3A_607 : i32 to index
      %swap3A_609 = arith.index_cast %add3A_533 : i32 to index
      %swap3A_610 = arith.constant 48 : index
      %swap3A_611 = tpu.vector_load %arg7[%swap3A_608, %swap3A_609, %swap3A_610] {strides = array<i32>} : memref<5x128x64xf32, #tpu.memory_space<vmem>>, vector<16xf32>,
      tpu.vector_store %arg7[%swap3A_608, %swap3A_609, %swap3A_610], %add3A_606 {strides = array<i32>} : memref<5x128x64xf32, #tpu.memory_space<vmem>>, vector<16xf32>,
      %scan3A_612 = arith.constant 1 : i32
      %scan3A_613 = arith.addi %scan3A_529, %scan3A_612 : i32
      %mul3A_614 = arith.constant 1 : i32
      %mul3A_615 = arith.muli %scan3A_613, %mul3A_614 : i32
      %add3A_616 = arith.constant 0 : i32
      %add3A_617 = arith.addi %add3A_616, %mul3A_615 : i32
      %mul3A_618 = arith.constant 64 : i32
      %mul3A_619 = arith.muli %add3A_617, %mul3A_618 : i32
      %add3A_620 = arith.constant 0 : i32
      %add3A_621 = arith.addi %mul3A_619, %add3A_620 : i32
      %multiple_of3A_622 = tpu.assume_multiple %add3A_621, 16 : i32
      %get3A_623 = arith.constant 0 : i32
      %get3A_624 = arith.index_cast %get3A_623 : i32 to index
      %get3A_625 = arith.index_cast %add3A_617 : i32 to index
      %get3A_626 = arith.constant 0 : index
      %get3A_627 = tpu.vector_load %arg7[%get3A_624, %get3A_625, %get3A_626] {strides = array<i32>} : memref<5x128x64xf32, #tpu.memory_space<vmem>>, vector<16xf32>,
      %get3A_628 = arith.constant 0 : i32
      %get3A_629 = arith.index_cast %get3A_628 : i32 to index
      %get3A_630 = arith.index_cast %multiple_of3A_622 : i32 to index
      %get3A_631 = tpu.vector_load %arg8[%get3A_629, %get3A_630] {strides = array<i32>} : memref<5x8192xf32, #tpu.memory_space<vmem>>, vector<16xf32>,
      %add3A_632 = arith.addf %get3A_627, %get3A_631 : vector<16xf32>
      %swap3A_633 = arith.constant 0 : i32
      %swap3A_634 = arith.index_cast %swap3A_633 : i32 to index
      %swap3A_635 = arith.index_cast %add3A_617 : i32 to index
      %swap3A_636 = arith.constant 0 : index
      %swap3A_637 = tpu.vector_load %arg7[%swap3A_634, %swap3A_635, %swap3A_636] {strides = array<i32>} : memref<5x128x64xf32, #tpu.memory_space<vmem>>, vector<16xf32>,
      tpu.vector_store %arg7[%swap3A_634, %swap3A_635, %swap3A_636], %add3A_632 {strides = array<i32>} : memref<5x128x64xf32, #tpu.memory_space<vmem>>, vector<16xf32>,
      %mul3A_638 = arith.constant 64 : i32
      %mul3A_639 = arith.muli %add3A_617, %mul3A_638 : i32
      %add3A_640 = arith.constant 16 : i32
      %add3A_641 = arith.addi %mul3A_639, %add3A_640 : i32
      %multiple_of3A_642 = tpu.assume_multiple %add3A_641, 16 : i32
      %get3A_643 = arith.constant 0 : i32
      %get3A_644 = arith.index_cast %get3A_643 : i32 to index
      %get3A_645 = arith.index_cast %add3A_617 : i32 to index
      %get3A_646 = arith.constant 16 : index
      %get3A_647 = tpu.vector_load %arg7[%get3A_644, %get3A_645, %get3A_646] {strides = array<i32>} : memref<5x128x64xf32, #tpu.memory_space<vmem>>, vector<16xf32>,
      %get3A_648 = arith.constant 0 : i32
      %get3A_649 = arith.index_cast %get3A_648 : i32 to index
      %get3A_650 = arith.index_cast %multiple_of3A_642 : i32 to index
      %get3A_651 = tpu.vector_load %arg8[%get3A_649, %get3A_650] {strides = array<i32>} : memref<5x8192xf32, #tpu.memory_space<vmem>>, vector<16xf32>,
      %add3A_652 = arith.addf %get3A_647, %get3A_651 : vector<16xf32>
      %swap3A_653 = arith.constant 0 : i32
      %swap3A_654 = arith.index_cast %swap3A_653 : i32 to index
      %swap3A_655 = arith.index_cast %add3A_617 : i32 to index
      %swap3A_656 = arith.constant 16 : index
      %swap3A_657 = tpu.vector_load %arg7[%swap3A_654, %swap3A_655, %swap3A_656] {strides = array<i32>} : memref<5x128x64xf32, #tpu.memory_space<vmem>>, vector<16xf32>,
      tpu.vector_store %arg7[%swap3A_654, %swap3A_655, %swap3A_656], %add3A_652 {strides = array<i32>} : memref<5x128x64xf32, #tpu.memory_space<vmem>>, vector<16xf32>,
      %mul3A_658 = arith.constant 64 : i32
      %mul3A_659 = arith.muli %add3A_617, %mul3A_658 : i32
      %add3A_660 = arith.constant 32 : i32
      %add3A_661 = arith.addi %mul3A_659, %add3A_660 : i32
      %multiple_of3A_662 = tpu.assume_multiple %add3A_661, 16 : i32
      %get3A_663 = arith.constant 0 : i32
      %get3A_664 = arith.index_cast %get3A_663 : i32 to index
      %get3A_665 = arith.index_cast %add3A_617 : i32 to index
      %get3A_666 = arith.constant 32 : index
      %get3A_667 = tpu.vector_load %arg7[%get3A_664, %get3A_665, %get3A_666] {strides = array<i32>} : memref<5x128x64xf32, #tpu.memory_space<vmem>>, vector<16xf32>,
      %get3A_668 = arith.constant 0 : i32
      %get3A_669 = arith.index_cast %get3A_668 : i32 to index
      %get3A_670 = arith.index_cast %multiple_of3A_662 : i32 to index
      %get3A_671 = tpu.vector_load %arg8[%get3A_669, %get3A_670] {strides = array<i32>} : memref<5x8192xf32, #tpu.memory_space<vmem>>, vector<16xf32>,
      %add3A_672 = arith.addf %get3A_667, %get3A_671 : vector<16xf32>
      %swap3A_673 = arith.constant 0 : i32
      %swap3A_674 = arith.index_cast %swap3A_673 : i32 to index
      %swap3A_675 = arith.index_cast %add3A_617 : i32 to index
      %swap3A_676 = arith.constant 32 : index
      %swap3A_677 = tpu.vector_load %arg7[%swap3A_674, %swap3A_675, %swap3A_676] {strides = array<i32>} : memref<5x128x64xf32, #tpu.memory_space<vmem>>, vector<16xf32>,
      tpu.vector_store %arg7[%swap3A_674, %swap3A_675, %swap3A_676], %add3A_672 {strides = array<i32>} : memref<5x128x64xf32, #tpu.memory_space<vmem>>, vector<16xf32>,
      %mul3A_678 = arith.constant 64 : i32
      %mul3A_679 = arith.muli %add3A_617, %mul3A_678 : i32
      %add3A_680 = arith.constant 48 : i32
      %add3A_681 = arith.addi %mul3A_679, %add3A_680 : i32
      %multiple_of3A_682 = tpu.assume_multiple %add3A_681, 16 : i32
      %get3A_683 = arith.constant 0 : i32
      %get3A_684 = arith.index_cast %get3A_683 : i32 to index
      %get3A_685 = arith.index_cast %add3A_617 : i32 to index
      %get3A_686 = arith.constant 48 : index
      %get3A_687 = tpu.vector_load %arg7[%get3A_684, %get3A_685, %get3A_686] {strides = array<i32>} : memref<5x128x64xf32, #tpu.memory_space<vmem>>, vector<16xf32>,
      %get3A_688 = arith.constant 0 : i32
      %get3A_689 = arith.index_cast %get3A_688 : i32 to index
      %get3A_690 = arith.index_cast %multiple_of3A_682 : i32 to index
      %get3A_691 = tpu.vector_load %arg8[%get3A_689, %get3A_690] {strides = array<i32>} : memref<5x8192xf32, #tpu.memory_space<vmem>>, vector<16xf32>,
      %add3A_692 = arith.addf %get3A_687, %get3A_691 : vector<16xf32>
      %swap3A_693 = arith.constant 0 : i32
      %swap3A_694 = arith.index_cast %swap3A_693 : i32 to index
      %swap3A_695 = arith.index_cast %add3A_617 : i32 to index
      %swap3A_696 = arith.constant 48 : index
      %swap3A_697 = tpu.vector_load %arg7[%swap3A_694, %swap3A_695, %swap3A_696] {strides = array<i32>} : memref<5x128x64xf32, #tpu.memory_space<vmem>>, vector<16xf32>,
      tpu.vector_store %arg7[%swap3A_694, %swap3A_695, %swap3A_696], %add3A_692 {strides = array<i32>} : memref<5x128x64xf32, #tpu.memory_space<vmem>>, vector<16xf32>,
      %scan3A_698 = arith.constant 2 : i32
      %scan3A_699 = arith.addi %scan3A_529, %scan3A_698 : i32
      %mul3A_700 = arith.constant 1 : i32
      %mul3A_701 = arith.muli %scan3A_699, %mul3A_700 : i32
      %add3A_702 = arith.constant 0 : i32
      %add3A_703 = arith.addi %add3A_702, %mul3A_701 : i32
      %mul3A_704 = arith.constant 64 : i32
      %mul3A_705 = arith.muli %add3A_703, %mul3A_704 : i32
      %add3A_706 = arith.constant 0 : i32
      %add3A_707 = arith.addi %mul3A_705, %add3A_706 : i32
      %multiple_of3A_708 = tpu.assume_multiple %add3A_707, 16 : i32
      %get3A_709 = arith.constant 0 : i32
      %get3A_710 = arith.index_cast %get3A_709 : i32 to index
      %get3A_711 = arith.index_cast %add3A_703 : i32 to index
      %get3A_712 = arith.constant 0 : index
      %get3A_713 = tpu.vector_load %arg7[%get3A_710, %get3A_711, %get3A_712] {strides = array<i32>} : memref<5x128x64xf32, #tpu.memory_space<vmem>>, vector<16xf32>,
      %get3A_714 = arith.constant 0 : i32
      %get3A_715 = arith.index_cast %get3A_714 : i32 to index
      %get3A_716 = arith.index_cast %multiple_of3A_708 : i32 to index
      %get3A_717 = tpu.vector_load %arg8[%get3A_715, %get3A_716] {strides = array<i32>} : memref<5x8192xf32, #tpu.memory_space<vmem>>, vector<16xf32>,
      %add3A_718 = arith.addf %get3A_713, %get3A_717 : vector<16xf32>
      %swap3A_719 = arith.constant 0 : i32
      %swap3A_720 = arith.index_cast %swap3A_719 : i32 to index
      %swap3A_721 = arith.index_cast %add3A_703 : i32 to index
      %swap3A_722 = arith.constant 0 : index
      %swap3A_723 = tpu.vector_load %arg7[%swap3A_720, %swap3A_721, %swap3A_722] {strides = array<i32>} : memref<5x128x64xf32, #tpu.memory_space<vmem>>, vector<16xf32>,
      tpu.vector_store %arg7[%swap3A_720, %swap3A_721, %swap3A_722], %add3A_718 {strides = array<i32>} : memref<5x128x64xf32, #tpu.memory_space<vmem>>, vector<16xf32>,
      %mul3A_724 = arith.constant 64 : i32
      %mul3A_725 = arith.muli %add3A_703, %mul3A_724 : i32
      %add3A_726 = arith.constant 16 : i32
      %add3A_727 = arith.addi %mul3A_725, %add3A_726 : i32
      %multiple_of3A_728 = tpu.assume_multiple %add3A_727, 16 : i32
      %get3A_729 = arith.constant 0 : i32
      %get3A_730 = arith.index_cast %get3A_729 : i32 to index
      %get3A_731 = arith.index_cast %add3A_703 : i32 to index
      %get3A_732 = arith.constant 16 : index
      %get3A_733 = tpu.vector_load %arg7[%get3A_730, %get3A_731, %get3A_732] {strides = array<i32>} : memref<5x128x64xf32, #tpu.memory_space<vmem>>, vector<16xf32>,
      %get3A_734 = arith.constant 0 : i32
      %get3A_735 = arith.index_cast %get3A_734 : i32 to index
      %get3A_736 = arith.index_cast %multiple_of3A_728 : i32 to index
      %get3A_737 = tpu.vector_load %arg8[%get3A_735, %get3A_736] {strides = array<i32>} : memref<5x8192xf32, #tpu.memory_space<vmem>>, vector<16xf32>,
      %add3A_738 = arith.addf %get3A_733, %get3A_737 : vector<16xf32>
      %swap3A_739 = arith.constant 0 : i32
      %swap3A_740 = arith.index_cast %swap3A_739 : i32 to index
      %swap3A_741 = arith.index_cast %add3A_703 : i32 to index
      %swap3A_742 = arith.constant 16 : index
      %swap3A_743 = tpu.vector_load %arg7[%swap3A_740, %swap3A_741, %swap3A_742] {strides = array<i32>} : memref<5x128x64xf32, #tpu.memory_space<vmem>>, vector<16xf32>,
      tpu.vector_store %arg7[%swap3A_740, %swap3A_741, %swap3A_742], %add3A_738 {strides = array<i32>} : memref<5x128x64xf32, #tpu.memory_space<vmem>>, vector<16xf32>,
      %mul3A_744 = arith.constant 64 : i32
      %mul3A_745 = arith.muli %add3A_703, %mul3A_744 : i32
      %add3A_746 = arith.constant 32 : i32
      %add3A_747 = arith.addi %mul3A_745, %add3A_746 : i32
      %multiple_of3A_748 = tpu.assume_multiple %add3A_747, 16 : i32
      %get3A_749 = arith.constant 0 : i32
      %get3A_750 = arith.index_cast %get3A_749 : i32 to index
      %get3A_751 = arith.index_cast %add3A_703 : i32 to index
      %get3A_752 = arith.constant 32 : index
      %get3A_753 = tpu.vector_load %arg7[%get3A_750, %get3A_751, %get3A_752] {strides = array<i32>} : memref<5x128x64xf32, #tpu.memory_space<vmem>>, vector<16xf32>,
      %get3A_754 = arith.constant 0 : i32
      %get3A_755 = arith.index_cast %get3A_754 : i32 to index
      %get3A_756 = arith.index_cast %multiple_of3A_748 : i32 to index
      %get3A_757 = tpu.vector_load %arg8[%get3A_755, %get3A_756] {strides = array<i32>} : memref<5x8192xf32, #tpu.memory_space<vmem>>, vector<16xf32>,
      %add3A_758 = arith.addf %get3A_753, %get3A_757 : vector<16xf32>
      %swap3A_759 = arith.constant 0 : i32
      %swap3A_760 = arith.index_cast %swap3A_759 : i32 to index
      %swap3A_761 = arith.index_cast %add3A_703 : i32 to index
      %swap3A_762 = arith.constant 32 : index
      %swap3A_763 = tpu.vector_load %arg7[%swap3A_760, %swap3A_761, %swap3A_762] {strides = array<i32>} : memref<5x128x64xf32, #tpu.memory_space<vmem>>, vector<16xf32>,
      tpu.vector_store %arg7[%swap3A_760, %swap3A_761, %swap3A_762], %add3A_758 {strides = array<i32>} : memref<5x128x64xf32, #tpu.memory_space<vmem>>, vector<16xf32>,
      %mul3A_764 = arith.constant 64 : i32
      %mul3A_765 = arith.muli %add3A_703, %mul3A_764 : i32
      %add3A_766 = arith.constant 48 : i32
      %add3A_767 = arith.addi %mul3A_765, %add3A_766 : i32
      %multiple_of3A_768 = tpu.assume_multiple %add3A_767, 16 : i32
      %get3A_769 = arith.constant 0 : i32
      %get3A_770 = arith.index_cast %get3A_769 : i32 to index
      %get3A_771 = arith.index_cast %add3A_703 : i32 to index
      %get3A_772 = arith.constant 48 : index
      %get3A_773 = tpu.vector_load %arg7[%get3A_770, %get3A_771, %get3A_772] {strides = array<i32>} : memref<5x128x64xf32, #tpu.memory_space<vmem>>, vector<16xf32>,
      %get3A_774 = arith.constant 0 : i32
      %get3A_775 = arith.index_cast %get3A_774 : i32 to index
      %get3A_776 = arith.index_cast %multiple_of3A_768 : i32 to index
      %get3A_777 = tpu.vector_load %arg8[%get3A_775, %get3A_776] {strides = array<i32>} : memref<5x8192xf32, #tpu.memory_space<vmem>>, vector<16xf32>,
      %add3A_778 = arith.addf %get3A_773, %get3A_777 : vector<16xf32>
      %swap3A_779 = arith.constant 0 : i32
      %swap3A_780 = arith.index_cast %swap3A_779 : i32 to index
      %swap3A_781 = arith.index_cast %add3A_703 : i32 to index
      %swap3A_782 = arith.constant 48 : index
      %swap3A_783 = tpu.vector_load %arg7[%swap3A_780, %swap3A_781, %swap3A_782] {strides = array<i32>} : memref<5x128x64xf32, #tpu.memory_space<vmem>>, vector<16xf32>,
      tpu.vector_store %arg7[%swap3A_780, %swap3A_781, %swap3A_782], %add3A_778 {strides = array<i32>} : memref<5x128x64xf32, #tpu.memory_space<vmem>>, vector<16xf32>,
      %scan3A_784 = arith.constant 3 : i32
      %scan3A_785 = arith.addi %scan3A_529, %scan3A_784 : i32
      %mul3A_786 = arith.constant 1 : i32
      %mul3A_787 = arith.muli %scan3A_785, %mul3A_786 : i32
      %add3A_788 = arith.constant 0 : i32
      %add3A_789 = arith.addi %add3A_788, %mul3A_787 : i32
      %mul3A_790 = arith.constant 64 : i32
      %mul3A_791 = arith.muli %add3A_789, %mul3A_790 : i32
      %add3A_792 = arith.constant 0 : i32
      %add3A_793 = arith.addi %mul3A_791, %add3A_792 : i32
      %multiple_of3A_794 = tpu.assume_multiple %add3A_793, 16 : i32
      %get3A_795 = arith.constant 0 : i32
      %get3A_796 = arith.index_cast %get3A_795 : i32 to index
      %get3A_797 = arith.index_cast %add3A_789 : i32 to index
      %get3A_798 = arith.constant 0 : index
      %get3A_799 = tpu.vector_load %arg7[%get3A_796, %get3A_797, %get3A_798] {strides = array<i32>} : memref<5x128x64xf32, #tpu.memory_space<vmem>>, vector<16xf32>,
      %get3A_800 = arith.constant 0 : i32
      %get3A_801 = arith.index_cast %get3A_800 : i32 to index
      %get3A_802 = arith.index_cast %multiple_of3A_794 : i32 to index
      %get3A_803 = tpu.vector_load %arg8[%get3A_801, %get3A_802] {strides = array<i32>} : memref<5x8192xf32, #tpu.memory_space<vmem>>, vector<16xf32>,
      %add3A_804 = arith.addf %get3A_799, %get3A_803 : vector<16xf32>
      %swap3A_805 = arith.constant 0 : i32
      %swap3A_806 = arith.index_cast %swap3A_805 : i32 to index
      %swap3A_807 = arith.index_cast %add3A_789 : i32 to index
      %swap3A_808 = arith.constant 0 : index
      %swap3A_809 = tpu.vector_load %arg7[%swap3A_806, %swap3A_807, %swap3A_808] {strides = array<i32>} : memref<5x128x64xf32, #tpu.memory_space<vmem>>, vector<16xf32>,
      tpu.vector_store %arg7[%swap3A_806, %swap3A_807, %swap3A_808], %add3A_804 {strides = array<i32>} : memref<5x128x64xf32, #tpu.memory_space<vmem>>, vector<16xf32>,
      %mul3A_810 = arith.constant 64 : i32
      %mul3A_811 = arith.muli %add3A_789, %mul3A_810 : i32
      %add3A_812 = arith.constant 16 : i32
      %add3A_813 = arith.addi %mul3A_811, %add3A_812 : i32
      %multiple_of3A_814 = tpu.assume_multiple %add3A_813, 16 : i32
      %get3A_815 = arith.constant 0 : i32
      %get3A_816 = arith.index_cast %get3A_815 : i32 to index
      %get3A_817 = arith.index_cast %add3A_789 : i32 to index
      %get3A_818 = arith.constant 16 : index
      %get3A_819 = tpu.vector_load %arg7[%get3A_816, %get3A_817, %get3A_818] {strides = array<i32>} : memref<5x128x64xf32, #tpu.memory_space<vmem>>, vector<16xf32>,
      %get3A_820 = arith.constant 0 : i32
      %get3A_821 = arith.index_cast %get3A_820 : i32 to index
      %get3A_822 = arith.index_cast %multiple_of3A_814 : i32 to index
      %get3A_823 = tpu.vector_load %arg8[%get3A_821, %get3A_822] {strides = array<i32>} : memref<5x8192xf32, #tpu.memory_space<vmem>>, vector<16xf32>,
      %add3A_824 = arith.addf %get3A_819, %get3A_823 : vector<16xf32>
      %swap3A_825 = arith.constant 0 : i32
      %swap3A_826 = arith.index_cast %swap3A_825 : i32 to index
      %swap3A_827 = arith.index_cast %add3A_789 : i32 to index
      %swap3A_828 = arith.constant 16 : index
      %swap3A_829 = tpu.vector_load %arg7[%swap3A_826, %swap3A_827, %swap3A_828] {strides = array<i32>} : memref<5x128x64xf32, #tpu.memory_space<vmem>>, vector<16xf32>,
      tpu.vector_store %arg7[%swap3A_826, %swap3A_827, %swap3A_828], %add3A_824 {strides = array<i32>} : memref<5x128x64xf32, #tpu.memory_space<vmem>>, vector<16xf32>,
      %mul3A_830 = arith.constant 64 : i32
      %mul3A_831 = arith.muli %add3A_789, %mul3A_830 : i32
      %add3A_832 = arith.constant 32 : i32
      %add3A_833 = arith.addi %mul3A_831, %add3A_832 : i32
      %multiple_of3A_834 = tpu.assume_multiple %add3A_833, 16 : i32
      %get3A_835 = arith.constant 0 : i32
      %get3A_836 = arith.index_cast %get3A_835 : i32 to index
      %get3A_837 = arith.index_cast %add3A_789 : i32 to index
      %get3A_838 = arith.constant 32 : index
      %get3A_839 = tpu.vector_load %arg7[%get3A_836, %get3A_837, %get3A_838] {strides = array<i32>} : memref<5x128x64xf32, #tpu.memory_space<vmem>>, vector<16xf32>,
      %get3A_840 = arith.constant 0 : i32
      %get3A_841 = arith.index_cast %get3A_840 : i32 to index
      %get3A_842 = arith.index_cast %multiple_of3A_834 : i32 to index
      %get3A_843 = tpu.vector_load %arg8[%get3A_841, %get3A_842] {strides = array<i32>} : memref<5x8192xf32, #tpu.memory_space<vmem>>, vector<16xf32>,
      %add3A_844 = arith.addf %get3A_839, %get3A_843 : vector<16xf32>
      %swap3A_845 = arith.constant 0 : i32
      %swap3A_846 = arith.index_cast %swap3A_845 : i32 to index
      %swap3A_847 = arith.index_cast %add3A_789 : i32 to index
      %swap3A_848 = arith.constant 32 : index
      %swap3A_849 = tpu.vector_load %arg7[%swap3A_846, %swap3A_847, %swap3A_848] {strides = array<i32>} : memref<5x128x64xf32, #tpu.memory_space<vmem>>, vector<16xf32>,
      tpu.vector_store %arg7[%swap3A_846, %swap3A_847, %swap3A_848], %add3A_844 {strides = array<i32>} : memref<5x128x64xf32, #tpu.memory_space<vmem>>, vector<16xf32>,
      %mul3A_850 = arith.constant 64 : i32
      %mul3A_851 = arith.muli %add3A_789, %mul3A_850 : i32
      %add3A_852 = arith.constant 48 : i32
      %add3A_853 = arith.addi %mul3A_851, %add3A_852 : i32
      %multiple_of3A_854 = tpu.assume_multiple %add3A_853, 16 : i32
      %get3A_855 = arith.constant 0 : i32
      %get3A_856 = arith.index_cast %get3A_855 : i32 to index
      %get3A_857 = arith.index_cast %add3A_789 : i32 to index
      %get3A_858 = arith.constant 48 : index
      %get3A_859 = tpu.vector_load %arg7[%get3A_856, %get3A_857, %get3A_858] {strides = array<i32>} : memref<5x128x64xf32, #tpu.memory_space<vmem>>, vector<16xf32>,
      %get3A_860 = arith.constant 0 : i32
      %get3A_861 = arith.index_cast %get3A_860 : i32 to index
      %get3A_862 = arith.index_cast %multiple_of3A_854 : i32 to index
      %get3A_863 = tpu.vector_load %arg8[%get3A_861, %get3A_862] {strides = array<i32>} : memref<5x8192xf32, #tpu.memory_space<vmem>>, vector<16xf32>,
      %add3A_864 = arith.addf %get3A_859, %get3A_863 : vector<16xf32>
      %swap3A_865 = arith.constant 0 : i32
      %swap3A_866 = arith.index_cast %swap3A_865 : i32 to index
      %swap3A_867 = arith.index_cast %add3A_789 : i32 to index
      %swap3A_868 = arith.constant 48 : index
      %swap3A_869 = tpu.vector_load %arg7[%swap3A_866, %swap3A_867, %swap3A_868] {strides = array<i32>} : memref<5x128x64xf32, #tpu.memory_space<vmem>>, vector<16xf32>,
      tpu.vector_store %arg7[%swap3A_866, %swap3A_867, %swap3A_868], %add3A_864 {strides = array<i32>} : memref<5x128x64xf32, #tpu.memory_space<vmem>>, vector<16xf32>,
    }
    %scan3A_195 = arith.constant 128 : i32
    %add3A_196 = arith.constant 5760 : i32
    %add3A_197 = arith.addi %mul3A_2, %add3A_196 : i32
    %multiple_of3A_198 = tpu.assume_multiple %add3A_197, 8 : i32
    %dma_start3A_199 = arith.constant 0 : i32
    %dma_start3A_200 = arith.constant 0 : i32
    %dma_start3A_201 = arith.constant 0 : i32
    %dma_start3A_202 = arith.constant 0 : i32
    %dma_start3A_203 = tpu.memref_slice %arg7[%dma_start3A_199, %dma_start3A_201, %dma_start3A_202] : memref<5x128x64xf32, #tpu.memory_space<vmem>> -> memref<1x128x64xf32, #tpu.memory_space<vmem>>
    %dma_start3A_204 = tpu.memref_squeeze %dma_start3A_203 : memref<1x128x64xf32, #tpu.memory_space<vmem>> -> memref<128x64xf32, #tpu.memory_space<vmem>>
    %dma_start3A_205 = arith.constant 0 : i32
    %dma_start3A_206 = tpu.memref_slice %arg5[%multiple_of3A_198, %dma_start3A_205] : memref<204800x64xf32, #tpu.memory_space<hbm>> -> memref<128x64xf32, #tpu.memory_space<hbm>>
    %dma_start3A_207 = tpu.memref_slice %arg11[%dma_start3A_200] : memref<5x!tpu.dma_semaphore, #tpu.memory_space<semaphore_mem>> -> memref<1x!tpu.dma_semaphore, #tpu.memory_space<semaphore_mem>>
    %dma_start3A_208 = tpu.memref_squeeze %dma_start3A_207 : memref<1x!tpu.dma_semaphore, #tpu.memory_space<semaphore_mem>> -> memref<!tpu.dma_semaphore, #tpu.memory_space<semaphore_mem>>
    %dma_start3A_209 = arith.constant 0 : i32
    %dma_start3A_210 = tpu.memref_slice %arg5[%multiple_of3A_198, %dma_start3A_209] : memref<204800x64xf32, #tpu.memory_space<hbm>> -> memref<128x64xf32, #tpu.memory_space<hbm>>
    %dma_start3A_211 = arith.constant 0 : i32
    %dma_start3A_212 = arith.constant 0 : i32
    %dma_start3A_213 = tpu.memref_slice %arg7[%dma_start3A_199, %dma_start3A_211, %dma_start3A_212] : memref<5x128x64xf32, #tpu.memory_space<vmem>> -> memref<1x128x64xf32, #tpu.memory_space<vmem>>
    %dma_start3A_214 = tpu.memref_squeeze %dma_start3A_213 : memref<1x128x64xf32, #tpu.memory_space<vmem>> -> memref<128x64xf32, #tpu.memory_space<vmem>>
    tpu.enqueue_dma source(%dma_start3A_214 : memref<128x64xf32, #tpu.memory_space<vmem>>) target(%dma_start3A_210 : memref<128x64xf32, #tpu.memory_space<hbm>>) target_semaphore(%dma_start3A_208 : memref<!tpu.dma_semaphore, #tpu.memory_space<semaphore_mem>>)
    %dma_wait3A_215 = arith.constant 0 : i32
    %dma_wait3A_216 = arith.constant 0 : i32
    %dma_wait3A_217 = arith.constant 0 : i32
    %dma_wait3A_218 = arith.constant 0 : i32
    %dma_wait3A_219 = tpu.memref_slice %arg7[%dma_wait3A_215, %dma_wait3A_217, %dma_wait3A_218] : memref<5x128x64xf32, #tpu.memory_space<vmem>> -> memref<1x128x64xf32, #tpu.memory_space<vmem>>
    %dma_wait3A_220 = tpu.memref_squeeze %dma_wait3A_219 : memref<1x128x64xf32, #tpu.memory_space<vmem>> -> memref<128x64xf32, #tpu.memory_space<vmem>>
    %dma_wait3A_221 = arith.constant 0 : i32
    %dma_wait3A_222 = arith.constant 0 : i32
    %dma_wait3A_223 = tpu.memref_slice %arg5[%dma_wait3A_221, %dma_wait3A_222] : memref<204800x64xf32, #tpu.memory_space<hbm>> -> memref<128x64xf32, #tpu.memory_space<hbm>>
    %dma_wait3A_224 = tpu.memref_slice %arg11[%dma_wait3A_216] : memref<5x!tpu.dma_semaphore, #tpu.memory_space<semaphore_mem>> -> memref<1x!tpu.dma_semaphore, #tpu.memory_space<semaphore_mem>>
    %dma_wait3A_225 = tpu.memref_squeeze %dma_wait3A_224 : memref<1x!tpu.dma_semaphore, #tpu.memory_space<semaphore_mem>> -> memref<!tpu.dma_semaphore, #tpu.memory_space<semaphore_mem>>
    %dma_wait3A_226 = arith.constant 0 : i32
    %dma_wait3A_227 = arith.constant 0 : i32
    %dma_wait3A_228 = tpu.memref_slice %arg5[%dma_wait3A_226, %dma_wait3A_227] : memref<204800x64xf32, #tpu.memory_space<hbm>> -> memref<128x64xf32, #tpu.memory_space<hbm>>
    %dma_wait3A_229 = arith.constant 0 : i32
    %dma_wait3A_230 = arith.constant 0 : i32
    %dma_wait3A_231 = tpu.memref_slice %arg7[%dma_wait3A_215, %dma_wait3A_229, %dma_wait3A_230] : memref<5x128x64xf32, #tpu.memory_space<vmem>> -> memref<1x128x64xf32, #tpu.memory_space<vmem>>
    %dma_wait3A_232 = tpu.memref_squeeze %dma_wait3A_231 : memref<1x128x64xf32, #tpu.memory_space<vmem>> -> memref<128x64xf32, #tpu.memory_space<vmem>>
    tpu.wait_dma2 semaphore(%dma_wait3A_225 : memref<!tpu.dma_semaphore, #tpu.memory_space<semaphore_mem>>) src(%dma_wait3A_232 : memref<128x64xf32, #tpu.memory_space<vmem>>) dst(%dma_wait3A_228 : memref<128x64xf32, #tpu.memory_space<hbm>>)
    %dma_wait3A_233 = arith.constant 1 : i32
    %dma_wait3A_234 = arith.constant 1 : i32
    %dma_wait3A_235 = arith.constant 0 : i32
    %dma_wait3A_236 = arith.constant 0 : i32
    %dma_wait3A_237 = tpu.memref_slice %arg7[%dma_wait3A_233, %dma_wait3A_235, %dma_wait3A_236] : memref<5x128x64xf32, #tpu.memory_space<vmem>> -> memref<1x128x64xf32, #tpu.memory_space<vmem>>
    %dma_wait3A_238 = tpu.memref_squeeze %dma_wait3A_237 : memref<1x128x64xf32, #tpu.memory_space<vmem>> -> memref<128x64xf32, #tpu.memory_space<vmem>>
    %dma_wait3A_239 = arith.constant 0 : i32
    %dma_wait3A_240 = arith.constant 0 : i32
    %dma_wait3A_241 = tpu.memref_slice %arg3[%dma_wait3A_239, %dma_wait3A_240] : memref<1000000x64xf32, #tpu.memory_space<hbm>> -> memref<128x64xf32, #tpu.memory_space<hbm>>
    %dma_wait3A_242 = tpu.memref_slice %arg9[%dma_wait3A_234] : memref<5x!tpu.dma_semaphore, #tpu.memory_space<semaphore_mem>> -> memref<1x!tpu.dma_semaphore, #tpu.memory_space<semaphore_mem>>
    %dma_wait3A_243 = tpu.memref_squeeze %dma_wait3A_242 : memref<1x!tpu.dma_semaphore, #tpu.memory_space<semaphore_mem>> -> memref<!tpu.dma_semaphore, #tpu.memory_space<semaphore_mem>>
    %dma_wait3A_244 = arith.constant 0 : i32
    %dma_wait3A_245 = arith.constant 0 : i32
    %dma_wait3A_246 = tpu.memref_slice %arg7[%dma_wait3A_233, %dma_wait3A_244, %dma_wait3A_245] : memref<5x128x64xf32, #tpu.memory_space<vmem>> -> memref<1x128x64xf32, #tpu.memory_space<vmem>>
    %dma_wait3A_247 = tpu.memref_squeeze %dma_wait3A_246 : memref<1x128x64xf32, #tpu.memory_space<vmem>> -> memref<128x64xf32, #tpu.memory_space<vmem>>
    %dma_wait3A_248 = arith.constant 0 : i32
    %dma_wait3A_249 = arith.constant 0 : i32
    %dma_wait3A_250 = tpu.memref_slice %arg3[%dma_wait3A_248, %dma_wait3A_249] : memref<1000000x64xf32, #tpu.memory_space<hbm>> -> memref<128x64xf32, #tpu.memory_space<hbm>>
    tpu.wait_dma2 semaphore(%dma_wait3A_243 : memref<!tpu.dma_semaphore, #tpu.memory_space<semaphore_mem>>) src(%dma_wait3A_250 : memref<128x64xf32, #tpu.memory_space<hbm>>) dst(%dma_wait3A_247 : memref<128x64xf32, #tpu.memory_space<vmem>>)
    %dma_wait3A_251 = arith.constant 1 : i32
    %dma_wait3A_252 = arith.constant 1 : i32
    %dma_wait3A_253 = arith.constant 0 : i32
    %dma_wait3A_254 = tpu.memref_slice %arg8[%dma_wait3A_251, %dma_wait3A_253] : memref<5x8192xf32, #tpu.memory_space<vmem>> -> memref<1x8192xf32, #tpu.memory_space<vmem>>
    %dma_wait3A_255 = tpu.memref_squeeze %dma_wait3A_254 : memref<1x8192xf32, #tpu.memory_space<vmem>> -> memref<8192xf32, #tpu.memory_space<vmem>>
    %dma_wait3A_256 = arith.constant 0 : i32
    %dma_wait3A_257 = tpu.memref_slice %arg4[%dma_wait3A_256] : memref<13107200xf32, #tpu.memory_space<hbm>> -> memref<8192xf32, #tpu.memory_space<hbm>>
    %dma_wait3A_258 = tpu.memref_slice %arg10[%dma_wait3A_252] : memref<5x!tpu.dma_semaphore, #tpu.memory_space<semaphore_mem>> -> memref<1x!tpu.dma_semaphore, #tpu.memory_space<semaphore_mem>>
    %dma_wait3A_259 = tpu.memref_squeeze %dma_wait3A_258 : memref<1x!tpu.dma_semaphore, #tpu.memory_space<semaphore_mem>> -> memref<!tpu.dma_semaphore, #tpu.memory_space<semaphore_mem>>
    %dma_wait3A_260 = arith.constant 0 : i32
    %dma_wait3A_261 = tpu.memref_slice %arg8[%dma_wait3A_251, %dma_wait3A_260] : memref<5x8192xf32, #tpu.memory_space<vmem>> -> memref<1x8192xf32, #tpu.memory_space<vmem>>
    %dma_wait3A_262 = tpu.memref_squeeze %dma_wait3A_261 : memref<1x8192xf32, #tpu.memory_space<vmem>> -> memref<8192xf32, #tpu.memory_space<vmem>>
    %dma_wait3A_263 = arith.constant 0 : i32
    %dma_wait3A_264 = tpu.memref_slice %arg4[%dma_wait3A_263] : memref<13107200xf32, #tpu.memory_space<hbm>> -> memref<8192xf32, #tpu.memory_space<hbm>>
    tpu.wait_dma2 semaphore(%dma_wait3A_259 : memref<!tpu.dma_semaphore, #tpu.memory_space<semaphore_mem>>) src(%dma_wait3A_264 : memref<8192xf32, #tpu.memory_space<hbm>>) dst(%dma_wait3A_262 : memref<8192xf32, #tpu.memory_space<vmem>>)
    %scan3A_265 = arith.constant 0 : i32
    %scan3A_266 = arith.constant 128 : i32
    %scan3A_267 = arith.addi %scan3A_265, %scan3A_266 : i32
    %scan3A_268 = arith.constant 4 : i32
    scf.for %scan3A_529 = %scan3A_265 to %scan3A_267 step %scan3A_268  : i32 {
      %mul3A_530 = arith.constant 1 : i32
      %mul3A_531 = arith.muli %scan3A_529, %mul3A_530 : i32
      %add3A_532 = arith.constant 0 : i32
      %add3A_533 = arith.addi %add3A_532, %mul3A_531 : i32
      %mul3A_534 = arith.constant 64 : i32
      %mul3A_535 = arith.muli %add3A_533, %mul3A_534 : i32
      %add3A_536 = arith.constant 0 : i32
      %add3A_537 = arith.addi %mul3A_535, %add3A_536 : i32
      %multiple_of3A_538 = tpu.assume_multiple %add3A_537, 16 : i32
      %get3A = arith.constant 1 : i32
      %get3A_539 = arith.index_cast %get3A : i32 to index
      %get3A_540 = arith.index_cast %add3A_533 : i32 to index
      %get3A_541 = arith.constant 0 : index
      %get3A_542 = tpu.vector_load %arg7[%get3A_539, %get3A_540, %get3A_541] {strides = array<i32>} : memref<5x128x64xf32, #tpu.memory_space<vmem>>, vector<16xf32>,
      %get3A_543 = arith.constant 1 : i32
      %get3A_544 = arith.index_cast %get3A_543 : i32 to index
      %get3A_545 = arith.index_cast %multiple_of3A_538 : i32 to index
      %get3A_546 = tpu.vector_load %arg8[%get3A_544, %get3A_545] {strides = array<i32>} : memref<5x8192xf32, #tpu.memory_space<vmem>>, vector<16xf32>,
      %add3A_547 = arith.addf %get3A_542, %get3A_546 : vector<16xf32>
      %swap3A = arith.constant 1 : i32
      %swap3A_548 = arith.index_cast %swap3A : i32 to index
      %swap3A_549 = arith.index_cast %add3A_533 : i32 to index
      %swap3A_550 = arith.constant 0 : index
      %swap3A_551 = tpu.vector_load %arg7[%swap3A_548, %swap3A_549, %swap3A_550] {strides = array<i32>} : memref<5x128x64xf32, #tpu.memory_space<vmem>>, vector<16xf32>,
      tpu.vector_store %arg7[%swap3A_548, %swap3A_549, %swap3A_550], %add3A_547 {strides = array<i32>} : memref<5x128x64xf32, #tpu.memory_space<vmem>>, vector<16xf32>,
      %mul3A_552 = arith.constant 64 : i32
      %mul3A_553 = arith.muli %add3A_533, %mul3A_552 : i32
      %add3A_554 = arith.constant 16 : i32
      %add3A_555 = arith.addi %mul3A_553, %add3A_554 : i32
      %multiple_of3A_556 = tpu.assume_multiple %add3A_555, 16 : i32
      %get3A_557 = arith.constant 1 : i32
      %get3A_558 = arith.index_cast %get3A_557 : i32 to index
      %get3A_559 = arith.index_cast %add3A_533 : i32 to index
      %get3A_560 = arith.constant 16 : index
      %get3A_561 = tpu.vector_load %arg7[%get3A_558, %get3A_559, %get3A_560] {strides = array<i32>} : memref<5x128x64xf32, #tpu.memory_space<vmem>>, vector<16xf32>,
      %get3A_562 = arith.constant 1 : i32
      %get3A_563 = arith.index_cast %get3A_562 : i32 to index
      %get3A_564 = arith.index_cast %multiple_of3A_556 : i32 to index
      %get3A_565 = tpu.vector_load %arg8[%get3A_563, %get3A_564] {strides = array<i32>} : memref<5x8192xf32, #tpu.memory_space<vmem>>, vector<16xf32>,
      %add3A_566 = arith.addf %get3A_561, %get3A_565 : vector<16xf32>
      %swap3A_567 = arith.constant 1 : i32
      %swap3A_568 = arith.index_cast %swap3A_567 : i32 to index
      %swap3A_569 = arith.index_cast %add3A_533 : i32 to index
      %swap3A_570 = arith.constant 16 : index
      %swap3A_571 = tpu.vector_load %arg7[%swap3A_568, %swap3A_569, %swap3A_570] {strides = array<i32>} : memref<5x128x64xf32, #tpu.memory_space<vmem>>, vector<16xf32>,
      tpu.vector_store %arg7[%swap3A_568, %swap3A_569, %swap3A_570], %add3A_566 {strides = array<i32>} : memref<5x128x64xf32, #tpu.memory_space<vmem>>, vector<16xf32>,
      %mul3A_572 = arith.constant 64 : i32
      %mul3A_573 = arith.muli %add3A_533, %mul3A_572 : i32
      %add3A_574 = arith.constant 32 : i32
      %add3A_575 = arith.addi %mul3A_573, %add3A_574 : i32
      %multiple_of3A_576 = tpu.assume_multiple %add3A_575, 16 : i32
      %get3A_577 = arith.constant 1 : i32
      %get3A_578 = arith.index_cast %get3A_577 : i32 to index
      %get3A_579 = arith.index_cast %add3A_533 : i32 to index
      %get3A_580 = arith.constant 32 : index
      %get3A_581 = tpu.vector_load %arg7[%get3A_578, %get3A_579, %get3A_580] {strides = array<i32>} : memref<5x128x64xf32, #tpu.memory_space<vmem>>, vector<16xf32>,
      %get3A_582 = arith.constant 1 : i32
      %get3A_583 = arith.index_cast %get3A_582 : i32 to index
      %get3A_584 = arith.index_cast %multiple_of3A_576 : i32 to index
      %get3A_585 = tpu.vector_load %arg8[%get3A_583, %get3A_584] {strides = array<i32>} : memref<5x8192xf32, #tpu.memory_space<vmem>>, vector<16xf32>,
      %add3A_586 = arith.addf %get3A_581, %get3A_585 : vector<16xf32>
      %swap3A_587 = arith.constant 1 : i32
      %swap3A_588 = arith.index_cast %swap3A_587 : i32 to index
      %swap3A_589 = arith.index_cast %add3A_533 : i32 to index
      %swap3A_590 = arith.constant 32 : index
      %swap3A_591 = tpu.vector_load %arg7[%swap3A_588, %swap3A_589, %swap3A_590] {strides = array<i32>} : memref<5x128x64xf32, #tpu.memory_space<vmem>>, vector<16xf32>,
      tpu.vector_store %arg7[%swap3A_588, %swap3A_589, %swap3A_590], %add3A_586 {strides = array<i32>} : memref<5x128x64xf32, #tpu.memory_space<vmem>>, vector<16xf32>,
      %mul3A_592 = arith.constant 64 : i32
      %mul3A_593 = arith.muli %add3A_533, %mul3A_592 : i32
      %add3A_594 = arith.constant 48 : i32
      %add3A_595 = arith.addi %mul3A_593, %add3A_594 : i32
      %multiple_of3A_596 = tpu.assume_multiple %add3A_595, 16 : i32
      %get3A_597 = arith.constant 1 : i32
      %get3A_598 = arith.index_cast %get3A_597 : i32 to index
      %get3A_599 = arith.index_cast %add3A_533 : i32 to index
      %get3A_600 = arith.constant 48 : index
      %get3A_601 = tpu.vector_load %arg7[%get3A_598, %get3A_599, %get3A_600] {strides = array<i32>} : memref<5x128x64xf32, #tpu.memory_space<vmem>>, vector<16xf32>,
      %get3A_602 = arith.constant 1 : i32
      %get3A_603 = arith.index_cast %get3A_602 : i32 to index
      %get3A_604 = arith.index_cast %multiple_of3A_596 : i32 to index
      %get3A_605 = tpu.vector_load %arg8[%get3A_603, %get3A_604] {strides = array<i32>} : memref<5x8192xf32, #tpu.memory_space<vmem>>, vector<16xf32>,
      %add3A_606 = arith.addf %get3A_601, %get3A_605 : vector<16xf32>
      %swap3A_607 = arith.constant 1 : i32
      %swap3A_608 = arith.index_cast %swap3A_607 : i32 to index
      %swap3A_609 = arith.index_cast %add3A_533 : i32 to index
      %swap3A_610 = arith.constant 48 : index
      %swap3A_611 = tpu.vector_load %arg7[%swap3A_608, %swap3A_609, %swap3A_610] {strides = array<i32>} : memref<5x128x64xf32, #tpu.memory_space<vmem>>, vector<16xf32>,
      tpu.vector_store %arg7[%swap3A_608, %swap3A_609, %swap3A_610], %add3A_606 {strides = array<i32>} : memref<5x128x64xf32, #tpu.memory_space<vmem>>, vector<16xf32>,
      %scan3A_612 = arith.constant 1 : i32
      %scan3A_613 = arith.addi %scan3A_529, %scan3A_612 : i32
      %mul3A_614 = arith.constant 1 : i32
      %mul3A_615 = arith.muli %scan3A_613, %mul3A_614 : i32
      %add3A_616 = arith.constant 0 : i32
      %add3A_617 = arith.addi %add3A_616, %mul3A_615 : i32
      %mul3A_618 = arith.constant 64 : i32
      %mul3A_619 = arith.muli %add3A_617, %mul3A_618 : i32
      %add3A_620 = arith.constant 0 : i32
      %add3A_621 = arith.addi %mul3A_619, %add3A_620 : i32
      %multiple_of3A_622 = tpu.assume_multiple %add3A_621, 16 : i32
      %get3A_623 = arith.constant 1 : i32
      %get3A_624 = arith.index_cast %get3A_623 : i32 to index
      %get3A_625 = arith.index_cast %add3A_617 : i32 to index
      %get3A_626 = arith.constant 0 : index
      %get3A_627 = tpu.vector_load %arg7[%get3A_624, %get3A_625, %get3A_626] {strides = array<i32>} : memref<5x128x64xf32, #tpu.memory_space<vmem>>, vector<16xf32>,
      %get3A_628 = arith.constant 1 : i32
      %get3A_629 = arith.index_cast %get3A_628 : i32 to index
      %get3A_630 = arith.index_cast %multiple_of3A_622 : i32 to index
      %get3A_631 = tpu.vector_load %arg8[%get3A_629, %get3A_630] {strides = array<i32>} : memref<5x8192xf32, #tpu.memory_space<vmem>>, vector<16xf32>,
      %add3A_632 = arith.addf %get3A_627, %get3A_631 : vector<16xf32>
      %swap3A_633 = arith.constant 1 : i32
      %swap3A_634 = arith.index_cast %swap3A_633 : i32 to index
      %swap3A_635 = arith.index_cast %add3A_617 : i32 to index
      %swap3A_636 = arith.constant 0 : index
      %swap3A_637 = tpu.vector_load %arg7[%swap3A_634, %swap3A_635, %swap3A_636] {strides = array<i32>} : memref<5x128x64xf32, #tpu.memory_space<vmem>>, vector<16xf32>,
      tpu.vector_store %arg7[%swap3A_634, %swap3A_635, %swap3A_636], %add3A_632 {strides = array<i32>} : memref<5x128x64xf32, #tpu.memory_space<vmem>>, vector<16xf32>,
      %mul3A_638 = arith.constant 64 : i32
      %mul3A_639 = arith.muli %add3A_617, %mul3A_638 : i32
      %add3A_640 = arith.constant 16 : i32
      %add3A_641 = arith.addi %mul3A_639, %add3A_640 : i32
      %multiple_of3A_642 = tpu.assume_multiple %add3A_641, 16 : i32
      %get3A_643 = arith.constant 1 : i32
      %get3A_644 = arith.index_cast %get3A_643 : i32 to index
      %get3A_645 = arith.index_cast %add3A_617 : i32 to index
      %get3A_646 = arith.constant 16 : index
      %get3A_647 = tpu.vector_load %arg7[%get3A_644, %get3A_645, %get3A_646] {strides = array<i32>} : memref<5x128x64xf32, #tpu.memory_space<vmem>>, vector<16xf32>,
      %get3A_648 = arith.constant 1 : i32
      %get3A_649 = arith.index_cast %get3A_648 : i32 to index
      %get3A_650 = arith.index_cast %multiple_of3A_642 : i32 to index
      %get3A_651 = tpu.vector_load %arg8[%get3A_649, %get3A_650] {strides = array<i32>} : memref<5x8192xf32, #tpu.memory_space<vmem>>, vector<16xf32>,
      %add3A_652 = arith.addf %get3A_647, %get3A_651 : vector<16xf32>
      %swap3A_653 = arith.constant 1 : i32
      %swap3A_654 = arith.index_cast %swap3A_653 : i32 to index
      %swap3A_655 = arith.index_cast %add3A_617 : i32 to index
      %swap3A_656 = arith.constant 16 : index
      %swap3A_657 = tpu.vector_load %arg7[%swap3A_654, %swap3A_655, %swap3A_656] {strides = array<i32>} : memref<5x128x64xf32, #tpu.memory_space<vmem>>, vector<16xf32>,
      tpu.vector_store %arg7[%swap3A_654, %swap3A_655, %swap3A_656], %add3A_652 {strides = array<i32>} : memref<5x128x64xf32, #tpu.memory_space<vmem>>, vector<16xf32>,
      %mul3A_658 = arith.constant 64 : i32
      %mul3A_659 = arith.muli %add3A_617, %mul3A_658 : i32
      %add3A_660 = arith.constant 32 : i32
      %add3A_661 = arith.addi %mul3A_659, %add3A_660 : i32
      %multiple_of3A_662 = tpu.assume_multiple %add3A_661, 16 : i32
      %get3A_663 = arith.constant 1 : i32
      %get3A_664 = arith.index_cast %get3A_663 : i32 to index
      %get3A_665 = arith.index_cast %add3A_617 : i32 to index
      %get3A_666 = arith.constant 32 : index
      %get3A_667 = tpu.vector_load %arg7[%get3A_664, %get3A_665, %get3A_666] {strides = array<i32>} : memref<5x128x64xf32, #tpu.memory_space<vmem>>, vector<16xf32>,
      %get3A_668 = arith.constant 1 : i32
      %get3A_669 = arith.index_cast %get3A_668 : i32 to index
      %get3A_670 = arith.index_cast %multiple_of3A_662 : i32 to index
      %get3A_671 = tpu.vector_load %arg8[%get3A_669, %get3A_670] {strides = array<i32>} : memref<5x8192xf32, #tpu.memory_space<vmem>>, vector<16xf32>,
      %add3A_672 = arith.addf %get3A_667, %get3A_671 : vector<16xf32>
      %swap3A_673 = arith.constant 1 : i32
      %swap3A_674 = arith.index_cast %swap3A_673 : i32 to index
      %swap3A_675 = arith.index_cast %add3A_617 : i32 to index
      %swap3A_676 = arith.constant 32 : index
      %swap3A_677 = tpu.vector_load %arg7[%swap3A_674, %swap3A_675, %swap3A_676] {strides = array<i32>} : memref<5x128x64xf32, #tpu.memory_space<vmem>>, vector<16xf32>,
      tpu.vector_store %arg7[%swap3A_674, %swap3A_675, %swap3A_676], %add3A_672 {strides = array<i32>} : memref<5x128x64xf32, #tpu.memory_space<vmem>>, vector<16xf32>,
      %mul3A_678 = arith.constant 64 : i32
      %mul3A_679 = arith.muli %add3A_617, %mul3A_678 : i32
      %add3A_680 = arith.constant 48 : i32
      %add3A_681 = arith.addi %mul3A_679, %add3A_680 : i32
      %multiple_of3A_682 = tpu.assume_multiple %add3A_681, 16 : i32
      %get3A_683 = arith.constant 1 : i32
      %get3A_684 = arith.index_cast %get3A_683 : i32 to index
      %get3A_685 = arith.index_cast %add3A_617 : i32 to index
      %get3A_686 = arith.constant 48 : index
      %get3A_687 = tpu.vector_load %arg7[%get3A_684, %get3A_685, %get3A_686] {strides = array<i32>} : memref<5x128x64xf32, #tpu.memory_space<vmem>>, vector<16xf32>,
      %get3A_688 = arith.constant 1 : i32
      %get3A_689 = arith.index_cast %get3A_688 : i32 to index
      %get3A_690 = arith.index_cast %multiple_of3A_682 : i32 to index
      %get3A_691 = tpu.vector_load %arg8[%get3A_689, %get3A_690] {strides = array<i32>} : memref<5x8192xf32, #tpu.memory_space<vmem>>, vector<16xf32>,
      %add3A_692 = arith.addf %get3A_687, %get3A_691 : vector<16xf32>
      %swap3A_693 = arith.constant 1 : i32
      %swap3A_694 = arith.index_cast %swap3A_693 : i32 to index
      %swap3A_695 = arith.index_cast %add3A_617 : i32 to index
      %swap3A_696 = arith.constant 48 : index
      %swap3A_697 = tpu.vector_load %arg7[%swap3A_694, %swap3A_695, %swap3A_696] {strides = array<i32>} : memref<5x128x64xf32, #tpu.memory_space<vmem>>, vector<16xf32>,
      tpu.vector_store %arg7[%swap3A_694, %swap3A_695, %swap3A_696], %add3A_692 {strides = array<i32>} : memref<5x128x64xf32, #tpu.memory_space<vmem>>, vector<16xf32>,
      %scan3A_698 = arith.constant 2 : i32
      %scan3A_699 = arith.addi %scan3A_529, %scan3A_698 : i32
      %mul3A_700 = arith.constant 1 : i32
      %mul3A_701 = arith.muli %scan3A_699, %mul3A_700 : i32
      %add3A_702 = arith.constant 0 : i32
      %add3A_703 = arith.addi %add3A_702, %mul3A_701 : i32
      %mul3A_704 = arith.constant 64 : i32
      %mul3A_705 = arith.muli %add3A_703, %mul3A_704 : i32
      %add3A_706 = arith.constant 0 : i32
      %add3A_707 = arith.addi %mul3A_705, %add3A_706 : i32
      %multiple_of3A_708 = tpu.assume_multiple %add3A_707, 16 : i32
      %get3A_709 = arith.constant 1 : i32
      %get3A_710 = arith.index_cast %get3A_709 : i32 to index
      %get3A_711 = arith.index_cast %add3A_703 : i32 to index
      %get3A_712 = arith.constant 0 : index
      %get3A_713 = tpu.vector_load %arg7[%get3A_710, %get3A_711, %get3A_712] {strides = array<i32>} : memref<5x128x64xf32, #tpu.memory_space<vmem>>, vector<16xf32>,
      %get3A_714 = arith.constant 1 : i32
      %get3A_715 = arith.index_cast %get3A_714 : i32 to index
      %get3A_716 = arith.index_cast %multiple_of3A_708 : i32 to index
      %get3A_717 = tpu.vector_load %arg8[%get3A_715, %get3A_716] {strides = array<i32>} : memref<5x8192xf32, #tpu.memory_space<vmem>>, vector<16xf32>,
      %add3A_718 = arith.addf %get3A_713, %get3A_717 : vector<16xf32>
      %swap3A_719 = arith.constant 1 : i32
      %swap3A_720 = arith.index_cast %swap3A_719 : i32 to index
      %swap3A_721 = arith.index_cast %add3A_703 : i32 to index
      %swap3A_722 = arith.constant 0 : index
      %swap3A_723 = tpu.vector_load %arg7[%swap3A_720, %swap3A_721, %swap3A_722] {strides = array<i32>} : memref<5x128x64xf32, #tpu.memory_space<vmem>>, vector<16xf32>,
      tpu.vector_store %arg7[%swap3A_720, %swap3A_721, %swap3A_722], %add3A_718 {strides = array<i32>} : memref<5x128x64xf32, #tpu.memory_space<vmem>>, vector<16xf32>,
      %mul3A_724 = arith.constant 64 : i32
      %mul3A_725 = arith.muli %add3A_703, %mul3A_724 : i32
      %add3A_726 = arith.constant 16 : i32
      %add3A_727 = arith.addi %mul3A_725, %add3A_726 : i32
      %multiple_of3A_728 = tpu.assume_multiple %add3A_727, 16 : i32
      %get3A_729 = arith.constant 1 : i32
      %get3A_730 = arith.index_cast %get3A_729 : i32 to index
      %get3A_731 = arith.index_cast %add3A_703 : i32 to index
      %get3A_732 = arith.constant 16 : index
      %get3A_733 = tpu.vector_load %arg7[%get3A_730, %get3A_731, %get3A_732] {strides = array<i32>} : memref<5x128x64xf32, #tpu.memory_space<vmem>>, vector<16xf32>,
      %get3A_734 = arith.constant 1 : i32
      %get3A_735 = arith.index_cast %get3A_734 : i32 to index
      %get3A_736 = arith.index_cast %multiple_of3A_728 : i32 to index
      %get3A_737 = tpu.vector_load %arg8[%get3A_735, %get3A_736] {strides = array<i32>} : memref<5x8192xf32, #tpu.memory_space<vmem>>, vector<16xf32>,
      %add3A_738 = arith.addf %get3A_733, %get3A_737 : vector<16xf32>
      %swap3A_739 = arith.constant 1 : i32
      %swap3A_740 = arith.index_cast %swap3A_739 : i32 to index
      %swap3A_741 = arith.index_cast %add3A_703 : i32 to index
      %swap3A_742 = arith.constant 16 : index
      %swap3A_743 = tpu.vector_load %arg7[%swap3A_740, %swap3A_741, %swap3A_742] {strides = array<i32>} : memref<5x128x64xf32, #tpu.memory_space<vmem>>, vector<16xf32>,
      tpu.vector_store %arg7[%swap3A_740, %swap3A_741, %swap3A_742], %add3A_738 {strides = array<i32>} : memref<5x128x64xf32, #tpu.memory_space<vmem>>, vector<16xf32>,
      %mul3A_744 = arith.constant 64 : i32
      %mul3A_745 = arith.muli %add3A_703, %mul3A_744 : i32
      %add3A_746 = arith.constant 32 : i32
      %add3A_747 = arith.addi %mul3A_745, %add3A_746 : i32
      %multiple_of3A_748 = tpu.assume_multiple %add3A_747, 16 : i32
      %get3A_749 = arith.constant 1 : i32
      %get3A_750 = arith.index_cast %get3A_749 : i32 to index
      %get3A_751 = arith.index_cast %add3A_703 : i32 to index
      %get3A_752 = arith.constant 32 : index
      %get3A_753 = tpu.vector_load %arg7[%get3A_750, %get3A_751, %get3A_752] {strides = array<i32>} : memref<5x128x64xf32, #tpu.memory_space<vmem>>, vector<16xf32>,
      %get3A_754 = arith.constant 1 : i32
      %get3A_755 = arith.index_cast %get3A_754 : i32 to index
      %get3A_756 = arith.index_cast %multiple_of3A_748 : i32 to index
      %get3A_757 = tpu.vector_load %arg8[%get3A_755, %get3A_756] {strides = array<i32>} : memref<5x8192xf32, #tpu.memory_space<vmem>>, vector<16xf32>,
      %add3A_758 = arith.addf %get3A_753, %get3A_757 : vector<16xf32>
      %swap3A_759 = arith.constant 1 : i32
      %swap3A_760 = arith.index_cast %swap3A_759 : i32 to index
      %swap3A_761 = arith.index_cast %add3A_703 : i32 to index
      %swap3A_762 = arith.constant 32 : index
      %swap3A_763 = tpu.vector_load %arg7[%swap3A_760, %swap3A_761, %swap3A_762] {strides = array<i32>} : memref<5x128x64xf32, #tpu.memory_space<vmem>>, vector<16xf32>,
      tpu.vector_store %arg7[%swap3A_760, %swap3A_761, %swap3A_762], %add3A_758 {strides = array<i32>} : memref<5x128x64xf32, #tpu.memory_space<vmem>>, vector<16xf32>,
      %mul3A_764 = arith.constant 64 : i32
      %mul3A_765 = arith.muli %add3A_703, %mul3A_764 : i32
      %add3A_766 = arith.constant 48 : i32
      %add3A_767 = arith.addi %mul3A_765, %add3A_766 : i32
      %multiple_of3A_768 = tpu.assume_multiple %add3A_767, 16 : i32
      %get3A_769 = arith.constant 1 : i32
      %get3A_770 = arith.index_cast %get3A_769 : i32 to index
      %get3A_771 = arith.index_cast %add3A_703 : i32 to index
      %get3A_772 = arith.constant 48 : index
      %get3A_773 = tpu.vector_load %arg7[%get3A_770, %get3A_771, %get3A_772] {strides = array<i32>} : memref<5x128x64xf32, #tpu.memory_space<vmem>>, vector<16xf32>,
      %get3A_774 = arith.constant 1 : i32
      %get3A_775 = arith.index_cast %get3A_774 : i32 to index
      %get3A_776 = arith.index_cast %multiple_of3A_768 : i32 to index
      %get3A_777 = tpu.vector_load %arg8[%get3A_775, %get3A_776] {strides = array<i32>} : memref<5x8192xf32, #tpu.memory_space<vmem>>, vector<16xf32>,
      %add3A_778 = arith.addf %get3A_773, %get3A_777 : vector<16xf32>
      %swap3A_779 = arith.constant 1 : i32
      %swap3A_780 = arith.index_cast %swap3A_779 : i32 to index
      %swap3A_781 = arith.index_cast %add3A_703 : i32 to index
      %swap3A_782 = arith.constant 48 : index
      %swap3A_783 = tpu.vector_load %arg7[%swap3A_780, %swap3A_781, %swap3A_782] {strides = array<i32>} : memref<5x128x64xf32, #tpu.memory_space<vmem>>, vector<16xf32>,
      tpu.vector_store %arg7[%swap3A_780, %swap3A_781, %swap3A_782], %add3A_778 {strides = array<i32>} : memref<5x128x64xf32, #tpu.memory_space<vmem>>, vector<16xf32>,
      %scan3A_784 = arith.constant 3 : i32
      %scan3A_785 = arith.addi %scan3A_529, %scan3A_784 : i32
      %mul3A_786 = arith.constant 1 : i32
      %mul3A_787 = arith.muli %scan3A_785, %mul3A_786 : i32
      %add3A_788 = arith.constant 0 : i32
      %add3A_789 = arith.addi %add3A_788, %mul3A_787 : i32
      %mul3A_790 = arith.constant 64 : i32
      %mul3A_791 = arith.muli %add3A_789, %mul3A_790 : i32
      %add3A_792 = arith.constant 0 : i32
      %add3A_793 = arith.addi %mul3A_791, %add3A_792 : i32
      %multiple_of3A_794 = tpu.assume_multiple %add3A_793, 16 : i32
      %get3A_795 = arith.constant 1 : i32
      %get3A_796 = arith.index_cast %get3A_795 : i32 to index
      %get3A_797 = arith.index_cast %add3A_789 : i32 to index
      %get3A_798 = arith.constant 0 : index
      %get3A_799 = tpu.vector_load %arg7[%get3A_796, %get3A_797, %get3A_798] {strides = array<i32>} : memref<5x128x64xf32, #tpu.memory_space<vmem>>, vector<16xf32>,
      %get3A_800 = arith.constant 1 : i32
      %get3A_801 = arith.index_cast %get3A_800 : i32 to index
      %get3A_802 = arith.index_cast %multiple_of3A_794 : i32 to index
      %get3A_803 = tpu.vector_load %arg8[%get3A_801, %get3A_802] {strides = array<i32>} : memref<5x8192xf32, #tpu.memory_space<vmem>>, vector<16xf32>,
      %add3A_804 = arith.addf %get3A_799, %get3A_803 : vector<16xf32>
      %swap3A_805 = arith.constant 1 : i32
      %swap3A_806 = arith.index_cast %swap3A_805 : i32 to index
      %swap3A_807 = arith.index_cast %add3A_789 : i32 to index
      %swap3A_808 = arith.constant 0 : index
      %swap3A_809 = tpu.vector_load %arg7[%swap3A_806, %swap3A_807, %swap3A_808] {strides = array<i32>} : memref<5x128x64xf32, #tpu.memory_space<vmem>>, vector<16xf32>,
      tpu.vector_store %arg7[%swap3A_806, %swap3A_807, %swap3A_808], %add3A_804 {strides = array<i32>} : memref<5x128x64xf32, #tpu.memory_space<vmem>>, vector<16xf32>,
      %mul3A_810 = arith.constant 64 : i32
      %mul3A_811 = arith.muli %add3A_789, %mul3A_810 : i32
      %add3A_812 = arith.constant 16 : i32
      %add3A_813 = arith.addi %mul3A_811, %add3A_812 : i32
      %multiple_of3A_814 = tpu.assume_multiple %add3A_813, 16 : i32
      %get3A_815 = arith.constant 1 : i32
      %get3A_816 = arith.index_cast %get3A_815 : i32 to index
      %get3A_817 = arith.index_cast %add3A_789 : i32 to index
      %get3A_818 = arith.constant 16 : index
      %get3A_819 = tpu.vector_load %arg7[%get3A_816, %get3A_817, %get3A_818] {strides = array<i32>} : memref<5x128x64xf32, #tpu.memory_space<vmem>>, vector<16xf32>,
      %get3A_820 = arith.constant 1 : i32
      %get3A_821 = arith.index_cast %get3A_820 : i32 to index
      %get3A_822 = arith.index_cast %multiple_of3A_814 : i32 to index
      %get3A_823 = tpu.vector_load %arg8[%get3A_821, %get3A_822] {strides = array<i32>} : memref<5x8192xf32, #tpu.memory_space<vmem>>, vector<16xf32>,
      %add3A_824 = arith.addf %get3A_819, %get3A_823 : vector<16xf32>
      %swap3A_825 = arith.constant 1 : i32
      %swap3A_826 = arith.index_cast %swap3A_825 : i32 to index
      %swap3A_827 = arith.index_cast %add3A_789 : i32 to index
      %swap3A_828 = arith.constant 16 : index
      %swap3A_829 = tpu.vector_load %arg7[%swap3A_826, %swap3A_827, %swap3A_828] {strides = array<i32>} : memref<5x128x64xf32, #tpu.memory_space<vmem>>, vector<16xf32>,
      tpu.vector_store %arg7[%swap3A_826, %swap3A_827, %swap3A_828], %add3A_824 {strides = array<i32>} : memref<5x128x64xf32, #tpu.memory_space<vmem>>, vector<16xf32>,
      %mul3A_830 = arith.constant 64 : i32
      %mul3A_831 = arith.muli %add3A_789, %mul3A_830 : i32
      %add3A_832 = arith.constant 32 : i32
      %add3A_833 = arith.addi %mul3A_831, %add3A_832 : i32
      %multiple_of3A_834 = tpu.assume_multiple %add3A_833, 16 : i32
      %get3A_835 = arith.constant 1 : i32
      %get3A_836 = arith.index_cast %get3A_835 : i32 to index
      %get3A_837 = arith.index_cast %add3A_789 : i32 to index
      %get3A_838 = arith.constant 32 : index
      %get3A_839 = tpu.vector_load %arg7[%get3A_836, %get3A_837, %get3A_838] {strides = array<i32>} : memref<5x128x64xf32, #tpu.memory_space<vmem>>, vector<16xf32>,
      %get3A_840 = arith.constant 1 : i32
      %get3A_841 = arith.index_cast %get3A_840 : i32 to index
      %get3A_842 = arith.index_cast %multiple_of3A_834 : i32 to index
      %get3A_843 = tpu.vector_load %arg8[%get3A_841, %get3A_842] {strides = array<i32>} : memref<5x8192xf32, #tpu.memory_space<vmem>>, vector<16xf32>,
      %add3A_844 = arith.addf %get3A_839, %get3A_843 : vector<16xf32>
      %swap3A_845 = arith.constant 1 : i32
      %swap3A_846 = arith.index_cast %swap3A_845 : i32 to index
      %swap3A_847 = arith.index_cast %add3A_789 : i32 to index
      %swap3A_848 = arith.constant 32 : index
      %swap3A_849 = tpu.vector_load %arg7[%swap3A_846, %swap3A_847, %swap3A_848] {strides = array<i32>} : memref<5x128x64xf32, #tpu.memory_space<vmem>>, vector<16xf32>,
      tpu.vector_store %arg7[%swap3A_846, %swap3A_847, %swap3A_848], %add3A_844 {strides = array<i32>} : memref<5x128x64xf32, #tpu.memory_space<vmem>>, vector<16xf32>,
      %mul3A_850 = arith.constant 64 : i32
      %mul3A_851 = arith.muli %add3A_789, %mul3A_850 : i32
      %add3A_852 = arith.constant 48 : i32
      %add3A_853 = arith.addi %mul3A_851, %add3A_852 : i32
      %multiple_of3A_854 = tpu.assume_multiple %add3A_853, 16 : i32
      %get3A_855 = arith.constant 1 : i32
      %get3A_856 = arith.index_cast %get3A_855 : i32 to index
      %get3A_857 = arith.index_cast %add3A_789 : i32 to index
      %get3A_858 = arith.constant 48 : index
      %get3A_859 = tpu.vector_load %arg7[%get3A_856, %get3A_857, %get3A_858] {strides = array<i32>} : memref<5x128x64xf32, #tpu.memory_space<vmem>>, vector<16xf32>,
      %get3A_860 = arith.constant 1 : i32
      %get3A_861 = arith.index_cast %get3A_860 : i32 to index
      %get3A_862 = arith.index_cast %multiple_of3A_854 : i32 to index
      %get3A_863 = tpu.vector_load %arg8[%get3A_861, %get3A_862] {strides = array<i32>} : memref<5x8192xf32, #tpu.memory_space<vmem>>, vector<16xf32>,
      %add3A_864 = arith.addf %get3A_859, %get3A_863 : vector<16xf32>
      %swap3A_865 = arith.constant 1 : i32
      %swap3A_866 = arith.index_cast %swap3A_865 : i32 to index
      %swap3A_867 = arith.index_cast %add3A_789 : i32 to index
      %swap3A_868 = arith.constant 48 : index
      %swap3A_869 = tpu.vector_load %arg7[%swap3A_866, %swap3A_867, %swap3A_868] {strides = array<i32>} : memref<5x128x64xf32, #tpu.memory_space<vmem>>, vector<16xf32>,
      tpu.vector_store %arg7[%swap3A_866, %swap3A_867, %swap3A_868], %add3A_864 {strides = array<i32>} : memref<5x128x64xf32, #tpu.memory_space<vmem>>, vector<16xf32>,
    }
    %scan3A_269 = arith.constant 128 : i32
    %add3A_270 = arith.constant 5888 : i32
    %add3A_271 = arith.addi %mul3A_2, %add3A_270 : i32
    %multiple_of3A_272 = tpu.assume_multiple %add3A_271, 8 : i32
    %dma_start3A_273 = arith.constant 1 : i32
    %dma_start3A_274 = arith.constant 1 : i32
    %dma_start3A_275 = arith.constant 0 : i32
    %dma_start3A_276 = arith.constant 0 : i32
    %dma_start3A_277 = tpu.memref_slice %arg7[%dma_start3A_273, %dma_start3A_275, %dma_start3A_276] : memref<5x128x64xf32, #tpu.memory_space<vmem>> -> memref<1x128x64xf32, #tpu.memory_space<vmem>>
    %dma_start3A_278 = tpu.memref_squeeze %dma_start3A_277 : memref<1x128x64xf32, #tpu.memory_space<vmem>> -> memref<128x64xf32, #tpu.memory_space<vmem>>
    %dma_start3A_279 = arith.constant 0 : i32
    %dma_start3A_280 = tpu.memref_slice %arg5[%multiple_of3A_272, %dma_start3A_279] : memref<204800x64xf32, #tpu.memory_space<hbm>> -> memref<128x64xf32, #tpu.memory_space<hbm>>
    %dma_start3A_281 = tpu.memref_slice %arg11[%dma_start3A_274] : memref<5x!tpu.dma_semaphore, #tpu.memory_space<semaphore_mem>> -> memref<1x!tpu.dma_semaphore, #tpu.memory_space<semaphore_mem>>
    %dma_start3A_282 = tpu.memref_squeeze %dma_start3A_281 : memref<1x!tpu.dma_semaphore, #tpu.memory_space<semaphore_mem>> -> memref<!tpu.dma_semaphore, #tpu.memory_space<semaphore_mem>>
    %dma_start3A_283 = arith.constant 0 : i32
    %dma_start3A_284 = tpu.memref_slice %arg5[%multiple_of3A_272, %dma_start3A_283] : memref<204800x64xf32, #tpu.memory_space<hbm>> -> memref<128x64xf32, #tpu.memory_space<hbm>>
    %dma_start3A_285 = arith.constant 0 : i32
    %dma_start3A_286 = arith.constant 0 : i32
    %dma_start3A_287 = tpu.memref_slice %arg7[%dma_start3A_273, %dma_start3A_285, %dma_start3A_286] : memref<5x128x64xf32, #tpu.memory_space<vmem>> -> memref<1x128x64xf32, #tpu.memory_space<vmem>>
    %dma_start3A_288 = tpu.memref_squeeze %dma_start3A_287 : memref<1x128x64xf32, #tpu.memory_space<vmem>> -> memref<128x64xf32, #tpu.memory_space<vmem>>
    tpu.enqueue_dma source(%dma_start3A_288 : memref<128x64xf32, #tpu.memory_space<vmem>>) target(%dma_start3A_284 : memref<128x64xf32, #tpu.memory_space<hbm>>) target_semaphore(%dma_start3A_282 : memref<!tpu.dma_semaphore, #tpu.memory_space<semaphore_mem>>)
    %dma_wait3A_289 = arith.constant 1 : i32
    %dma_wait3A_290 = arith.constant 1 : i32
    %dma_wait3A_291 = arith.constant 0 : i32
    %dma_wait3A_292 = arith.constant 0 : i32
    %dma_wait3A_293 = tpu.memref_slice %arg7[%dma_wait3A_289, %dma_wait3A_291, %dma_wait3A_292] : memref<5x128x64xf32, #tpu.memory_space<vmem>> -> memref<1x128x64xf32, #tpu.memory_space<vmem>>
    %dma_wait3A_294 = tpu.memref_squeeze %dma_wait3A_293 : memref<1x128x64xf32, #tpu.memory_space<vmem>> -> memref<128x64xf32, #tpu.memory_space<vmem>>
    %dma_wait3A_295 = arith.constant 0 : i32
    %dma_wait3A_296 = arith.constant 0 : i32
    %dma_wait3A_297 = tpu.memref_slice %arg5[%dma_wait3A_295, %dma_wait3A_296] : memref<204800x64xf32, #tpu.memory_space<hbm>> -> memref<128x64xf32, #tpu.memory_space<hbm>>
    %dma_wait3A_298 = tpu.memref_slice %arg11[%dma_wait3A_290] : memref<5x!tpu.dma_semaphore, #tpu.memory_space<semaphore_mem>> -> memref<1x!tpu.dma_semaphore, #tpu.memory_space<semaphore_mem>>
    %dma_wait3A_299 = tpu.memref_squeeze %dma_wait3A_298 : memref<1x!tpu.dma_semaphore, #tpu.memory_space<semaphore_mem>> -> memref<!tpu.dma_semaphore, #tpu.memory_space<semaphore_mem>>
    %dma_wait3A_300 = arith.constant 0 : i32
    %dma_wait3A_301 = arith.constant 0 : i32
    %dma_wait3A_302 = tpu.memref_slice %arg5[%dma_wait3A_300, %dma_wait3A_301] : memref<204800x64xf32, #tpu.memory_space<hbm>> -> memref<128x64xf32, #tpu.memory_space<hbm>>
    %dma_wait3A_303 = arith.constant 0 : i32
    %dma_wait3A_304 = arith.constant 0 : i32
    %dma_wait3A_305 = tpu.memref_slice %arg7[%dma_wait3A_289, %dma_wait3A_303, %dma_wait3A_304] : memref<5x128x64xf32, #tpu.memory_space<vmem>> -> memref<1x128x64xf32, #tpu.memory_space<vmem>>
    %dma_wait3A_306 = tpu.memref_squeeze %dma_wait3A_305 : memref<1x128x64xf32, #tpu.memory_space<vmem>> -> memref<128x64xf32, #tpu.memory_space<vmem>>
    tpu.wait_dma2 semaphore(%dma_wait3A_299 : memref<!tpu.dma_semaphore, #tpu.memory_space<semaphore_mem>>) src(%dma_wait3A_306 : memref<128x64xf32, #tpu.memory_space<vmem>>) dst(%dma_wait3A_302 : memref<128x64xf32, #tpu.memory_space<hbm>>)
    %dma_wait3A_307 = arith.constant 2 : i32
    %dma_wait3A_308 = arith.constant 2 : i32
    %dma_wait3A_309 = arith.constant 0 : i32
    %dma_wait3A_310 = arith.constant 0 : i32
    %dma_wait3A_311 = tpu.memref_slice %arg7[%dma_wait3A_307, %dma_wait3A_309, %dma_wait3A_310] : memref<5x128x64xf32, #tpu.memory_space<vmem>> -> memref<1x128x64xf32, #tpu.memory_space<vmem>>
    %dma_wait3A_312 = tpu.memref_squeeze %dma_wait3A_311 : memref<1x128x64xf32, #tpu.memory_space<vmem>> -> memref<128x64xf32, #tpu.memory_space<vmem>>
    %dma_wait3A_313 = arith.constant 0 : i32
    %dma_wait3A_314 = arith.constant 0 : i32
    %dma_wait3A_315 = tpu.memref_slice %arg3[%dma_wait3A_313, %dma_wait3A_314] : memref<1000000x64xf32, #tpu.memory_space<hbm>> -> memref<128x64xf32, #tpu.memory_space<hbm>>
    %dma_wait3A_316 = tpu.memref_slice %arg9[%dma_wait3A_308] : memref<5x!tpu.dma_semaphore, #tpu.memory_space<semaphore_mem>> -> memref<1x!tpu.dma_semaphore, #tpu.memory_space<semaphore_mem>>
    %dma_wait3A_317 = tpu.memref_squeeze %dma_wait3A_316 : memref<1x!tpu.dma_semaphore, #tpu.memory_space<semaphore_mem>> -> memref<!tpu.dma_semaphore, #tpu.memory_space<semaphore_mem>>
    %dma_wait3A_318 = arith.constant 0 : i32
    %dma_wait3A_319 = arith.constant 0 : i32
    %dma_wait3A_320 = tpu.memref_slice %arg7[%dma_wait3A_307, %dma_wait3A_318, %dma_wait3A_319] : memref<5x128x64xf32, #tpu.memory_space<vmem>> -> memref<1x128x64xf32, #tpu.memory_space<vmem>>
    %dma_wait3A_321 = tpu.memref_squeeze %dma_wait3A_320 : memref<1x128x64xf32, #tpu.memory_space<vmem>> -> memref<128x64xf32, #tpu.memory_space<vmem>>
    %dma_wait3A_322 = arith.constant 0 : i32
    %dma_wait3A_323 = arith.constant 0 : i32
    %dma_wait3A_324 = tpu.memref_slice %arg3[%dma_wait3A_322, %dma_wait3A_323] : memref<1000000x64xf32, #tpu.memory_space<hbm>> -> memref<128x64xf32, #tpu.memory_space<hbm>>
    tpu.wait_dma2 semaphore(%dma_wait3A_317 : memref<!tpu.dma_semaphore, #tpu.memory_space<semaphore_mem>>) src(%dma_wait3A_324 : memref<128x64xf32, #tpu.memory_space<hbm>>) dst(%dma_wait3A_321 : memref<128x64xf32, #tpu.memory_space<vmem>>)
    %dma_wait3A_325 = arith.constant 2 : i32
    %dma_wait3A_326 = arith.constant 2 : i32
    %dma_wait3A_327 = arith.constant 0 : i32
    %dma_wait3A_328 = tpu.memref_slice %arg8[%dma_wait3A_325, %dma_wait3A_327] : memref<5x8192xf32, #tpu.memory_space<vmem>> -> memref<1x8192xf32, #tpu.memory_space<vmem>>
    %dma_wait3A_329 = tpu.memref_squeeze %dma_wait3A_328 : memref<1x8192xf32, #tpu.memory_space<vmem>> -> memref<8192xf32, #tpu.memory_space<vmem>>
    %dma_wait3A_330 = arith.constant 0 : i32
    %dma_wait3A_331 = tpu.memref_slice %arg4[%dma_wait3A_330] : memref<13107200xf32, #tpu.memory_space<hbm>> -> memref<8192xf32, #tpu.memory_space<hbm>>
    %dma_wait3A_332 = tpu.memref_slice %arg10[%dma_wait3A_326] : memref<5x!tpu.dma_semaphore, #tpu.memory_space<semaphore_mem>> -> memref<1x!tpu.dma_semaphore, #tpu.memory_space<semaphore_mem>>
    %dma_wait3A_333 = tpu.memref_squeeze %dma_wait3A_332 : memref<1x!tpu.dma_semaphore, #tpu.memory_space<semaphore_mem>> -> memref<!tpu.dma_semaphore, #tpu.memory_space<semaphore_mem>>
    %dma_wait3A_334 = arith.constant 0 : i32
    %dma_wait3A_335 = tpu.memref_slice %arg8[%dma_wait3A_325, %dma_wait3A_334] : memref<5x8192xf32, #tpu.memory_space<vmem>> -> memref<1x8192xf32, #tpu.memory_space<vmem>>
    %dma_wait3A_336 = tpu.memref_squeeze %dma_wait3A_335 : memref<1x8192xf32, #tpu.memory_space<vmem>> -> memref<8192xf32, #tpu.memory_space<vmem>>
    %dma_wait3A_337 = arith.constant 0 : i32
    %dma_wait3A_338 = tpu.memref_slice %arg4[%dma_wait3A_337] : memref<13107200xf32, #tpu.memory_space<hbm>> -> memref<8192xf32, #tpu.memory_space<hbm>>
    tpu.wait_dma2 semaphore(%dma_wait3A_333 : memref<!tpu.dma_semaphore, #tpu.memory_space<semaphore_mem>>) src(%dma_wait3A_338 : memref<8192xf32, #tpu.memory_space<hbm>>) dst(%dma_wait3A_336 : memref<8192xf32, #tpu.memory_space<vmem>>)
    %scan3A_339 = arith.constant 0 : i32
    %scan3A_340 = arith.constant 128 : i32
    %scan3A_341 = arith.addi %scan3A_339, %scan3A_340 : i32
    %scan3A_342 = arith.constant 4 : i32
    scf.for %scan3A_529 = %scan3A_339 to %scan3A_341 step %scan3A_342  : i32 {
      %mul3A_530 = arith.constant 1 : i32
      %mul3A_531 = arith.muli %scan3A_529, %mul3A_530 : i32
      %add3A_532 = arith.constant 0 : i32
      %add3A_533 = arith.addi %add3A_532, %mul3A_531 : i32
      %mul3A_534 = arith.constant 64 : i32
      %mul3A_535 = arith.muli %add3A_533, %mul3A_534 : i32
      %add3A_536 = arith.constant 0 : i32
      %add3A_537 = arith.addi %mul3A_535, %add3A_536 : i32
      %multiple_of3A_538 = tpu.assume_multiple %add3A_537, 16 : i32
      %get3A = arith.constant 2 : i32
      %get3A_539 = arith.index_cast %get3A : i32 to index
      %get3A_540 = arith.index_cast %add3A_533 : i32 to index
      %get3A_541 = arith.constant 0 : index
      %get3A_542 = tpu.vector_load %arg7[%get3A_539, %get3A_540, %get3A_541] {strides = array<i32>} : memref<5x128x64xf32, #tpu.memory_space<vmem>>, vector<16xf32>,
      %get3A_543 = arith.constant 2 : i32
      %get3A_544 = arith.index_cast %get3A_543 : i32 to index
      %get3A_545 = arith.index_cast %multiple_of3A_538 : i32 to index
      %get3A_546 = tpu.vector_load %arg8[%get3A_544, %get3A_545] {strides = array<i32>} : memref<5x8192xf32, #tpu.memory_space<vmem>>, vector<16xf32>,
      %add3A_547 = arith.addf %get3A_542, %get3A_546 : vector<16xf32>
      %swap3A = arith.constant 2 : i32
      %swap3A_548 = arith.index_cast %swap3A : i32 to index
      %swap3A_549 = arith.index_cast %add3A_533 : i32 to index
      %swap3A_550 = arith.constant 0 : index
      %swap3A_551 = tpu.vector_load %arg7[%swap3A_548, %swap3A_549, %swap3A_550] {strides = array<i32>} : memref<5x128x64xf32, #tpu.memory_space<vmem>>, vector<16xf32>,
      tpu.vector_store %arg7[%swap3A_548, %swap3A_549, %swap3A_550], %add3A_547 {strides = array<i32>} : memref<5x128x64xf32, #tpu.memory_space<vmem>>, vector<16xf32>,
      %mul3A_552 = arith.constant 64 : i32
      %mul3A_553 = arith.muli %add3A_533, %mul3A_552 : i32
      %add3A_554 = arith.constant 16 : i32
      %add3A_555 = arith.addi %mul3A_553, %add3A_554 : i32
      %multiple_of3A_556 = tpu.assume_multiple %add3A_555, 16 : i32
      %get3A_557 = arith.constant 2 : i32
      %get3A_558 = arith.index_cast %get3A_557 : i32 to index
      %get3A_559 = arith.index_cast %add3A_533 : i32 to index
      %get3A_560 = arith.constant 16 : index
      %get3A_561 = tpu.vector_load %arg7[%get3A_558, %get3A_559, %get3A_560] {strides = array<i32>} : memref<5x128x64xf32, #tpu.memory_space<vmem>>, vector<16xf32>,
      %get3A_562 = arith.constant 2 : i32
      %get3A_563 = arith.index_cast %get3A_562 : i32 to index
      %get3A_564 = arith.index_cast %multiple_of3A_556 : i32 to index
      %get3A_565 = tpu.vector_load %arg8[%get3A_563, %get3A_564] {strides = array<i32>} : memref<5x8192xf32, #tpu.memory_space<vmem>>, vector<16xf32>,
      %add3A_566 = arith.addf %get3A_561, %get3A_565 : vector<16xf32>
      %swap3A_567 = arith.constant 2 : i32
      %swap3A_568 = arith.index_cast %swap3A_567 : i32 to index
      %swap3A_569 = arith.index_cast %add3A_533 : i32 to index
      %swap3A_570 = arith.constant 16 : index
      %swap3A_571 = tpu.vector_load %arg7[%swap3A_568, %swap3A_569, %swap3A_570] {strides = array<i32>} : memref<5x128x64xf32, #tpu.memory_space<vmem>>, vector<16xf32>,
      tpu.vector_store %arg7[%swap3A_568, %swap3A_569, %swap3A_570], %add3A_566 {strides = array<i32>} : memref<5x128x64xf32, #tpu.memory_space<vmem>>, vector<16xf32>,
      %mul3A_572 = arith.constant 64 : i32
      %mul3A_573 = arith.muli %add3A_533, %mul3A_572 : i32
      %add3A_574 = arith.constant 32 : i32
      %add3A_575 = arith.addi %mul3A_573, %add3A_574 : i32
      %multiple_of3A_576 = tpu.assume_multiple %add3A_575, 16 : i32
      %get3A_577 = arith.constant 2 : i32
      %get3A_578 = arith.index_cast %get3A_577 : i32 to index
      %get3A_579 = arith.index_cast %add3A_533 : i32 to index
      %get3A_580 = arith.constant 32 : index
      %get3A_581 = tpu.vector_load %arg7[%get3A_578, %get3A_579, %get3A_580] {strides = array<i32>} : memref<5x128x64xf32, #tpu.memory_space<vmem>>, vector<16xf32>,
      %get3A_582 = arith.constant 2 : i32
      %get3A_583 = arith.index_cast %get3A_582 : i32 to index
      %get3A_584 = arith.index_cast %multiple_of3A_576 : i32 to index
      %get3A_585 = tpu.vector_load %arg8[%get3A_583, %get3A_584] {strides = array<i32>} : memref<5x8192xf32, #tpu.memory_space<vmem>>, vector<16xf32>,
      %add3A_586 = arith.addf %get3A_581, %get3A_585 : vector<16xf32>
      %swap3A_587 = arith.constant 2 : i32
      %swap3A_588 = arith.index_cast %swap3A_587 : i32 to index
      %swap3A_589 = arith.index_cast %add3A_533 : i32 to index
      %swap3A_590 = arith.constant 32 : index
      %swap3A_591 = tpu.vector_load %arg7[%swap3A_588, %swap3A_589, %swap3A_590] {strides = array<i32>} : memref<5x128x64xf32, #tpu.memory_space<vmem>>, vector<16xf32>,
      tpu.vector_store %arg7[%swap3A_588, %swap3A_589, %swap3A_590], %add3A_586 {strides = array<i32>} : memref<5x128x64xf32, #tpu.memory_space<vmem>>, vector<16xf32>,
      %mul3A_592 = arith.constant 64 : i32
      %mul3A_593 = arith.muli %add3A_533, %mul3A_592 : i32
      %add3A_594 = arith.constant 48 : i32
      %add3A_595 = arith.addi %mul3A_593, %add3A_594 : i32
      %multiple_of3A_596 = tpu.assume_multiple %add3A_595, 16 : i32
      %get3A_597 = arith.constant 2 : i32
      %get3A_598 = arith.index_cast %get3A_597 : i32 to index
      %get3A_599 = arith.index_cast %add3A_533 : i32 to index
      %get3A_600 = arith.constant 48 : index
      %get3A_601 = tpu.vector_load %arg7[%get3A_598, %get3A_599, %get3A_600] {strides = array<i32>} : memref<5x128x64xf32, #tpu.memory_space<vmem>>, vector<16xf32>,
      %get3A_602 = arith.constant 2 : i32
      %get3A_603 = arith.index_cast %get3A_602 : i32 to index
      %get3A_604 = arith.index_cast %multiple_of3A_596 : i32 to index
      %get3A_605 = tpu.vector_load %arg8[%get3A_603, %get3A_604] {strides = array<i32>} : memref<5x8192xf32, #tpu.memory_space<vmem>>, vector<16xf32>,
      %add3A_606 = arith.addf %get3A_601, %get3A_605 : vector<16xf32>
      %swap3A_607 = arith.constant 2 : i32
      %swap3A_608 = arith.index_cast %swap3A_607 : i32 to index
      %swap3A_609 = arith.index_cast %add3A_533 : i32 to index
      %swap3A_610 = arith.constant 48 : index
      %swap3A_611 = tpu.vector_load %arg7[%swap3A_608, %swap3A_609, %swap3A_610] {strides = array<i32>} : memref<5x128x64xf32, #tpu.memory_space<vmem>>, vector<16xf32>,
      tpu.vector_store %arg7[%swap3A_608, %swap3A_609, %swap3A_610], %add3A_606 {strides = array<i32>} : memref<5x128x64xf32, #tpu.memory_space<vmem>>, vector<16xf32>,
      %scan3A_612 = arith.constant 1 : i32
      %scan3A_613 = arith.addi %scan3A_529, %scan3A_612 : i32
      %mul3A_614 = arith.constant 1 : i32
      %mul3A_615 = arith.muli %scan3A_613, %mul3A_614 : i32
      %add3A_616 = arith.constant 0 : i32
      %add3A_617 = arith.addi %add3A_616, %mul3A_615 : i32
      %mul3A_618 = arith.constant 64 : i32
      %mul3A_619 = arith.muli %add3A_617, %mul3A_618 : i32
      %add3A_620 = arith.constant 0 : i32
      %add3A_621 = arith.addi %mul3A_619, %add3A_620 : i32
      %multiple_of3A_622 = tpu.assume_multiple %add3A_621, 16 : i32
      %get3A_623 = arith.constant 2 : i32
      %get3A_624 = arith.index_cast %get3A_623 : i32 to index
      %get3A_625 = arith.index_cast %add3A_617 : i32 to index
      %get3A_626 = arith.constant 0 : index
      %get3A_627 = tpu.vector_load %arg7[%get3A_624, %get3A_625, %get3A_626] {strides = array<i32>} : memref<5x128x64xf32, #tpu.memory_space<vmem>>, vector<16xf32>,
      %get3A_628 = arith.constant 2 : i32
      %get3A_629 = arith.index_cast %get3A_628 : i32 to index
      %get3A_630 = arith.index_cast %multiple_of3A_622 : i32 to index
      %get3A_631 = tpu.vector_load %arg8[%get3A_629, %get3A_630] {strides = array<i32>} : memref<5x8192xf32, #tpu.memory_space<vmem>>, vector<16xf32>,
      %add3A_632 = arith.addf %get3A_627, %get3A_631 : vector<16xf32>
      %swap3A_633 = arith.constant 2 : i32
      %swap3A_634 = arith.index_cast %swap3A_633 : i32 to index
      %swap3A_635 = arith.index_cast %add3A_617 : i32 to index
      %swap3A_636 = arith.constant 0 : index
      %swap3A_637 = tpu.vector_load %arg7[%swap3A_634, %swap3A_635, %swap3A_636] {strides = array<i32>} : memref<5x128x64xf32, #tpu.memory_space<vmem>>, vector<16xf32>,
      tpu.vector_store %arg7[%swap3A_634, %swap3A_635, %swap3A_636], %add3A_632 {strides = array<i32>} : memref<5x128x64xf32, #tpu.memory_space<vmem>>, vector<16xf32>,
      %mul3A_638 = arith.constant 64 : i32
      %mul3A_639 = arith.muli %add3A_617, %mul3A_638 : i32
      %add3A_640 = arith.constant 16 : i32
      %add3A_641 = arith.addi %mul3A_639, %add3A_640 : i32
      %multiple_of3A_642 = tpu.assume_multiple %add3A_641, 16 : i32
      %get3A_643 = arith.constant 2 : i32
      %get3A_644 = arith.index_cast %get3A_643 : i32 to index
      %get3A_645 = arith.index_cast %add3A_617 : i32 to index
      %get3A_646 = arith.constant 16 : index
      %get3A_647 = tpu.vector_load %arg7[%get3A_644, %get3A_645, %get3A_646] {strides = array<i32>} : memref<5x128x64xf32, #tpu.memory_space<vmem>>, vector<16xf32>,
      %get3A_648 = arith.constant 2 : i32
      %get3A_649 = arith.index_cast %get3A_648 : i32 to index
      %get3A_650 = arith.index_cast %multiple_of3A_642 : i32 to index
      %get3A_651 = tpu.vector_load %arg8[%get3A_649, %get3A_650] {strides = array<i32>} : memref<5x8192xf32, #tpu.memory_space<vmem>>, vector<16xf32>,
      %add3A_652 = arith.addf %get3A_647, %get3A_651 : vector<16xf32>
      %swap3A_653 = arith.constant 2 : i32
      %swap3A_654 = arith.index_cast %swap3A_653 : i32 to index
      %swap3A_655 = arith.index_cast %add3A_617 : i32 to index
      %swap3A_656 = arith.constant 16 : index
      %swap3A_657 = tpu.vector_load %arg7[%swap3A_654, %swap3A_655, %swap3A_656] {strides = array<i32>} : memref<5x128x64xf32, #tpu.memory_space<vmem>>, vector<16xf32>,
      tpu.vector_store %arg7[%swap3A_654, %swap3A_655, %swap3A_656], %add3A_652 {strides = array<i32>} : memref<5x128x64xf32, #tpu.memory_space<vmem>>, vector<16xf32>,
      %mul3A_658 = arith.constant 64 : i32
      %mul3A_659 = arith.muli %add3A_617, %mul3A_658 : i32
      %add3A_660 = arith.constant 32 : i32
      %add3A_661 = arith.addi %mul3A_659, %add3A_660 : i32
      %multiple_of3A_662 = tpu.assume_multiple %add3A_661, 16 : i32
      %get3A_663 = arith.constant 2 : i32
      %get3A_664 = arith.index_cast %get3A_663 : i32 to index
      %get3A_665 = arith.index_cast %add3A_617 : i32 to index
      %get3A_666 = arith.constant 32 : index
      %get3A_667 = tpu.vector_load %arg7[%get3A_664, %get3A_665, %get3A_666] {strides = array<i32>} : memref<5x128x64xf32, #tpu.memory_space<vmem>>, vector<16xf32>,
      %get3A_668 = arith.constant 2 : i32
      %get3A_669 = arith.index_cast %get3A_668 : i32 to index
      %get3A_670 = arith.index_cast %multiple_of3A_662 : i32 to index
      %get3A_671 = tpu.vector_load %arg8[%get3A_669, %get3A_670] {strides = array<i32>} : memref<5x8192xf32, #tpu.memory_space<vmem>>, vector<16xf32>,
      %add3A_672 = arith.addf %get3A_667, %get3A_671 : vector<16xf32>
      %swap3A_673 = arith.constant 2 : i32
      %swap3A_674 = arith.index_cast %swap3A_673 : i32 to index
      %swap3A_675 = arith.index_cast %add3A_617 : i32 to index
      %swap3A_676 = arith.constant 32 : index
      %swap3A_677 = tpu.vector_load %arg7[%swap3A_674, %swap3A_675, %swap3A_676] {strides = array<i32>} : memref<5x128x64xf32, #tpu.memory_space<vmem>>, vector<16xf32>,
      tpu.vector_store %arg7[%swap3A_674, %swap3A_675, %swap3A_676], %add3A_672 {strides = array<i32>} : memref<5x128x64xf32, #tpu.memory_space<vmem>>, vector<16xf32>,
      %mul3A_678 = arith.constant 64 : i32
      %mul3A_679 = arith.muli %add3A_617, %mul3A_678 : i32
      %add3A_680 = arith.constant 48 : i32
      %add3A_681 = arith.addi %mul3A_679, %add3A_680 : i32
      %multiple_of3A_682 = tpu.assume_multiple %add3A_681, 16 : i32
      %get3A_683 = arith.constant 2 : i32
      %get3A_684 = arith.index_cast %get3A_683 : i32 to index
      %get3A_685 = arith.index_cast %add3A_617 : i32 to index
      %get3A_686 = arith.constant 48 : index
      %get3A_687 = tpu.vector_load %arg7[%get3A_684, %get3A_685, %get3A_686] {strides = array<i32>} : memref<5x128x64xf32, #tpu.memory_space<vmem>>, vector<16xf32>,
      %get3A_688 = arith.constant 2 : i32
      %get3A_689 = arith.index_cast %get3A_688 : i32 to index
      %get3A_690 = arith.index_cast %multiple_of3A_682 : i32 to index
      %get3A_691 = tpu.vector_load %arg8[%get3A_689, %get3A_690] {strides = array<i32>} : memref<5x8192xf32, #tpu.memory_space<vmem>>, vector<16xf32>,
      %add3A_692 = arith.addf %get3A_687, %get3A_691 : vector<16xf32>
      %swap3A_693 = arith.constant 2 : i32
      %swap3A_694 = arith.index_cast %swap3A_693 : i32 to index
      %swap3A_695 = arith.index_cast %add3A_617 : i32 to index
      %swap3A_696 = arith.constant 48 : index
      %swap3A_697 = tpu.vector_load %arg7[%swap3A_694, %swap3A_695, %swap3A_696] {strides = array<i32>} : memref<5x128x64xf32, #tpu.memory_space<vmem>>, vector<16xf32>,
      tpu.vector_store %arg7[%swap3A_694, %swap3A_695, %swap3A_696], %add3A_692 {strides = array<i32>} : memref<5x128x64xf32, #tpu.memory_space<vmem>>, vector<16xf32>,
      %scan3A_698 = arith.constant 2 : i32
      %scan3A_699 = arith.addi %scan3A_529, %scan3A_698 : i32
      %mul3A_700 = arith.constant 1 : i32
      %mul3A_701 = arith.muli %scan3A_699, %mul3A_700 : i32
      %add3A_702 = arith.constant 0 : i32
      %add3A_703 = arith.addi %add3A_702, %mul3A_701 : i32
      %mul3A_704 = arith.constant 64 : i32
      %mul3A_705 = arith.muli %add3A_703, %mul3A_704 : i32
      %add3A_706 = arith.constant 0 : i32
      %add3A_707 = arith.addi %mul3A_705, %add3A_706 : i32
      %multiple_of3A_708 = tpu.assume_multiple %add3A_707, 16 : i32
      %get3A_709 = arith.constant 2 : i32
      %get3A_710 = arith.index_cast %get3A_709 : i32 to index
      %get3A_711 = arith.index_cast %add3A_703 : i32 to index
      %get3A_712 = arith.constant 0 : index
      %get3A_713 = tpu.vector_load %arg7[%get3A_710, %get3A_711, %get3A_712] {strides = array<i32>} : memref<5x128x64xf32, #tpu.memory_space<vmem>>, vector<16xf32>,
      %get3A_714 = arith.constant 2 : i32
      %get3A_715 = arith.index_cast %get3A_714 : i32 to index
      %get3A_716 = arith.index_cast %multiple_of3A_708 : i32 to index
      %get3A_717 = tpu.vector_load %arg8[%get3A_715, %get3A_716] {strides = array<i32>} : memref<5x8192xf32, #tpu.memory_space<vmem>>, vector<16xf32>,
      %add3A_718 = arith.addf %get3A_713, %get3A_717 : vector<16xf32>
      %swap3A_719 = arith.constant 2 : i32
      %swap3A_720 = arith.index_cast %swap3A_719 : i32 to index
      %swap3A_721 = arith.index_cast %add3A_703 : i32 to index
      %swap3A_722 = arith.constant 0 : index
      %swap3A_723 = tpu.vector_load %arg7[%swap3A_720, %swap3A_721, %swap3A_722] {strides = array<i32>} : memref<5x128x64xf32, #tpu.memory_space<vmem>>, vector<16xf32>,
      tpu.vector_store %arg7[%swap3A_720, %swap3A_721, %swap3A_722], %add3A_718 {strides = array<i32>} : memref<5x128x64xf32, #tpu.memory_space<vmem>>, vector<16xf32>,
      %mul3A_724 = arith.constant 64 : i32
      %mul3A_725 = arith.muli %add3A_703, %mul3A_724 : i32
      %add3A_726 = arith.constant 16 : i32
      %add3A_727 = arith.addi %mul3A_725, %add3A_726 : i32
      %multiple_of3A_728 = tpu.assume_multiple %add3A_727, 16 : i32
      %get3A_729 = arith.constant 2 : i32
      %get3A_730 = arith.index_cast %get3A_729 : i32 to index
      %get3A_731 = arith.index_cast %add3A_703 : i32 to index
      %get3A_732 = arith.constant 16 : index
      %get3A_733 = tpu.vector_load %arg7[%get3A_730, %get3A_731, %get3A_732] {strides = array<i32>} : memref<5x128x64xf32, #tpu.memory_space<vmem>>, vector<16xf32>,
      %get3A_734 = arith.constant 2 : i32
      %get3A_735 = arith.index_cast %get3A_734 : i32 to index
      %get3A_736 = arith.index_cast %multiple_of3A_728 : i32 to index
      %get3A_737 = tpu.vector_load %arg8[%get3A_735, %get3A_736] {strides = array<i32>} : memref<5x8192xf32, #tpu.memory_space<vmem>>, vector<16xf32>,
      %add3A_738 = arith.addf %get3A_733, %get3A_737 : vector<16xf32>
      %swap3A_739 = arith.constant 2 : i32
      %swap3A_740 = arith.index_cast %swap3A_739 : i32 to index
      %swap3A_741 = arith.index_cast %add3A_703 : i32 to index
      %swap3A_742 = arith.constant 16 : index
      %swap3A_743 = tpu.vector_load %arg7[%swap3A_740, %swap3A_741, %swap3A_742] {strides = array<i32>} : memref<5x128x64xf32, #tpu.memory_space<vmem>>, vector<16xf32>,
      tpu.vector_store %arg7[%swap3A_740, %swap3A_741, %swap3A_742], %add3A_738 {strides = array<i32>} : memref<5x128x64xf32, #tpu.memory_space<vmem>>, vector<16xf32>,
      %mul3A_744 = arith.constant 64 : i32
      %mul3A_745 = arith.muli %add3A_703, %mul3A_744 : i32
      %add3A_746 = arith.constant 32 : i32
      %add3A_747 = arith.addi %mul3A_745, %add3A_746 : i32
      %multiple_of3A_748 = tpu.assume_multiple %add3A_747, 16 : i32
      %get3A_749 = arith.constant 2 : i32
      %get3A_750 = arith.index_cast %get3A_749 : i32 to index
      %get3A_751 = arith.index_cast %add3A_703 : i32 to index
      %get3A_752 = arith.constant 32 : index
      %get3A_753 = tpu.vector_load %arg7[%get3A_750, %get3A_751, %get3A_752] {strides = array<i32>} : memref<5x128x64xf32, #tpu.memory_space<vmem>>, vector<16xf32>,
      %get3A_754 = arith.constant 2 : i32
      %get3A_755 = arith.index_cast %get3A_754 : i32 to index
      %get3A_756 = arith.index_cast %multiple_of3A_748 : i32 to index
      %get3A_757 = tpu.vector_load %arg8[%get3A_755, %get3A_756] {strides = array<i32>} : memref<5x8192xf32, #tpu.memory_space<vmem>>, vector<16xf32>,
      %add3A_758 = arith.addf %get3A_753, %get3A_757 : vector<16xf32>
      %swap3A_759 = arith.constant 2 : i32
      %swap3A_760 = arith.index_cast %swap3A_759 : i32 to index
      %swap3A_761 = arith.index_cast %add3A_703 : i32 to index
      %swap3A_762 = arith.constant 32 : index
      %swap3A_763 = tpu.vector_load %arg7[%swap3A_760, %swap3A_761, %swap3A_762] {strides = array<i32>} : memref<5x128x64xf32, #tpu.memory_space<vmem>>, vector<16xf32>,
      tpu.vector_store %arg7[%swap3A_760, %swap3A_761, %swap3A_762], %add3A_758 {strides = array<i32>} : memref<5x128x64xf32, #tpu.memory_space<vmem>>, vector<16xf32>,
      %mul3A_764 = arith.constant 64 : i32
      %mul3A_765 = arith.muli %add3A_703, %mul3A_764 : i32
      %add3A_766 = arith.constant 48 : i32
      %add3A_767 = arith.addi %mul3A_765, %add3A_766 : i32
      %multiple_of3A_768 = tpu.assume_multiple %add3A_767, 16 : i32
      %get3A_769 = arith.constant 2 : i32
      %get3A_770 = arith.index_cast %get3A_769 : i32 to index
      %get3A_771 = arith.index_cast %add3A_703 : i32 to index
      %get3A_772 = arith.constant 48 : index
      %get3A_773 = tpu.vector_load %arg7[%get3A_770, %get3A_771, %get3A_772] {strides = array<i32>} : memref<5x128x64xf32, #tpu.memory_space<vmem>>, vector<16xf32>,
      %get3A_774 = arith.constant 2 : i32
      %get3A_775 = arith.index_cast %get3A_774 : i32 to index
      %get3A_776 = arith.index_cast %multiple_of3A_768 : i32 to index
      %get3A_777 = tpu.vector_load %arg8[%get3A_775, %get3A_776] {strides = array<i32>} : memref<5x8192xf32, #tpu.memory_space<vmem>>, vector<16xf32>,
      %add3A_778 = arith.addf %get3A_773, %get3A_777 : vector<16xf32>
      %swap3A_779 = arith.constant 2 : i32
      %swap3A_780 = arith.index_cast %swap3A_779 : i32 to index
      %swap3A_781 = arith.index_cast %add3A_703 : i32 to index
      %swap3A_782 = arith.constant 48 : index
      %swap3A_783 = tpu.vector_load %arg7[%swap3A_780, %swap3A_781, %swap3A_782] {strides = array<i32>} : memref<5x128x64xf32, #tpu.memory_space<vmem>>, vector<16xf32>,
      tpu.vector_store %arg7[%swap3A_780, %swap3A_781, %swap3A_782], %add3A_778 {strides = array<i32>} : memref<5x128x64xf32, #tpu.memory_space<vmem>>, vector<16xf32>,
      %scan3A_784 = arith.constant 3 : i32
      %scan3A_785 = arith.addi %scan3A_529, %scan3A_784 : i32
      %mul3A_786 = arith.constant 1 : i32
      %mul3A_787 = arith.muli %scan3A_785, %mul3A_786 : i32
      %add3A_788 = arith.constant 0 : i32
      %add3A_789 = arith.addi %add3A_788, %mul3A_787 : i32
      %mul3A_790 = arith.constant 64 : i32
      %mul3A_791 = arith.muli %add3A_789, %mul3A_790 : i32
      %add3A_792 = arith.constant 0 : i32
      %add3A_793 = arith.addi %mul3A_791, %add3A_792 : i32
      %multiple_of3A_794 = tpu.assume_multiple %add3A_793, 16 : i32
      %get3A_795 = arith.constant 2 : i32
      %get3A_796 = arith.index_cast %get3A_795 : i32 to index
      %get3A_797 = arith.index_cast %add3A_789 : i32 to index
      %get3A_798 = arith.constant 0 : index
      %get3A_799 = tpu.vector_load %arg7[%get3A_796, %get3A_797, %get3A_798] {strides = array<i32>} : memref<5x128x64xf32, #tpu.memory_space<vmem>>, vector<16xf32>,
      %get3A_800 = arith.constant 2 : i32
      %get3A_801 = arith.index_cast %get3A_800 : i32 to index
      %get3A_802 = arith.index_cast %multiple_of3A_794 : i32 to index
      %get3A_803 = tpu.vector_load %arg8[%get3A_801, %get3A_802] {strides = array<i32>} : memref<5x8192xf32, #tpu.memory_space<vmem>>, vector<16xf32>,
      %add3A_804 = arith.addf %get3A_799, %get3A_803 : vector<16xf32>
      %swap3A_805 = arith.constant 2 : i32
      %swap3A_806 = arith.index_cast %swap3A_805 : i32 to index
      %swap3A_807 = arith.index_cast %add3A_789 : i32 to index
      %swap3A_808 = arith.constant 0 : index
      %swap3A_809 = tpu.vector_load %arg7[%swap3A_806, %swap3A_807, %swap3A_808] {strides = array<i32>} : memref<5x128x64xf32, #tpu.memory_space<vmem>>, vector<16xf32>,
      tpu.vector_store %arg7[%swap3A_806, %swap3A_807, %swap3A_808], %add3A_804 {strides = array<i32>} : memref<5x128x64xf32, #tpu.memory_space<vmem>>, vector<16xf32>,
      %mul3A_810 = arith.constant 64 : i32
      %mul3A_811 = arith.muli %add3A_789, %mul3A_810 : i32
      %add3A_812 = arith.constant 16 : i32
      %add3A_813 = arith.addi %mul3A_811, %add3A_812 : i32
      %multiple_of3A_814 = tpu.assume_multiple %add3A_813, 16 : i32
      %get3A_815 = arith.constant 2 : i32
      %get3A_816 = arith.index_cast %get3A_815 : i32 to index
      %get3A_817 = arith.index_cast %add3A_789 : i32 to index
      %get3A_818 = arith.constant 16 : index
      %get3A_819 = tpu.vector_load %arg7[%get3A_816, %get3A_817, %get3A_818] {strides = array<i32>} : memref<5x128x64xf32, #tpu.memory_space<vmem>>, vector<16xf32>,
      %get3A_820 = arith.constant 2 : i32
      %get3A_821 = arith.index_cast %get3A_820 : i32 to index
      %get3A_822 = arith.index_cast %multiple_of3A_814 : i32 to index
      %get3A_823 = tpu.vector_load %arg8[%get3A_821, %get3A_822] {strides = array<i32>} : memref<5x8192xf32, #tpu.memory_space<vmem>>, vector<16xf32>,
      %add3A_824 = arith.addf %get3A_819, %get3A_823 : vector<16xf32>
      %swap3A_825 = arith.constant 2 : i32
      %swap3A_826 = arith.index_cast %swap3A_825 : i32 to index
      %swap3A_827 = arith.index_cast %add3A_789 : i32 to index
      %swap3A_828 = arith.constant 16 : index
      %swap3A_829 = tpu.vector_load %arg7[%swap3A_826, %swap3A_827, %swap3A_828] {strides = array<i32>} : memref<5x128x64xf32, #tpu.memory_space<vmem>>, vector<16xf32>,
      tpu.vector_store %arg7[%swap3A_826, %swap3A_827, %swap3A_828], %add3A_824 {strides = array<i32>} : memref<5x128x64xf32, #tpu.memory_space<vmem>>, vector<16xf32>,
      %mul3A_830 = arith.constant 64 : i32
      %mul3A_831 = arith.muli %add3A_789, %mul3A_830 : i32
      %add3A_832 = arith.constant 32 : i32
      %add3A_833 = arith.addi %mul3A_831, %add3A_832 : i32
      %multiple_of3A_834 = tpu.assume_multiple %add3A_833, 16 : i32
      %get3A_835 = arith.constant 2 : i32
      %get3A_836 = arith.index_cast %get3A_835 : i32 to index
      %get3A_837 = arith.index_cast %add3A_789 : i32 to index
      %get3A_838 = arith.constant 32 : index
      %get3A_839 = tpu.vector_load %arg7[%get3A_836, %get3A_837, %get3A_838] {strides = array<i32>} : memref<5x128x64xf32, #tpu.memory_space<vmem>>, vector<16xf32>,
      %get3A_840 = arith.constant 2 : i32
      %get3A_841 = arith.index_cast %get3A_840 : i32 to index
      %get3A_842 = arith.index_cast %multiple_of3A_834 : i32 to index
      %get3A_843 = tpu.vector_load %arg8[%get3A_841, %get3A_842] {strides = array<i32>} : memref<5x8192xf32, #tpu.memory_space<vmem>>, vector<16xf32>,
      %add3A_844 = arith.addf %get3A_839, %get3A_843 : vector<16xf32>
      %swap3A_845 = arith.constant 2 : i32
      %swap3A_846 = arith.index_cast %swap3A_845 : i32 to index
      %swap3A_847 = arith.index_cast %add3A_789 : i32 to index
      %swap3A_848 = arith.constant 32 : index
      %swap3A_849 = tpu.vector_load %arg7[%swap3A_846, %swap3A_847, %swap3A_848] {strides = array<i32>} : memref<5x128x64xf32, #tpu.memory_space<vmem>>, vector<16xf32>,
      tpu.vector_store %arg7[%swap3A_846, %swap3A_847, %swap3A_848], %add3A_844 {strides = array<i32>} : memref<5x128x64xf32, #tpu.memory_space<vmem>>, vector<16xf32>,
      %mul3A_850 = arith.constant 64 : i32
      %mul3A_851 = arith.muli %add3A_789, %mul3A_850 : i32
      %add3A_852 = arith.constant 48 : i32
      %add3A_853 = arith.addi %mul3A_851, %add3A_852 : i32
      %multiple_of3A_854 = tpu.assume_multiple %add3A_853, 16 : i32
      %get3A_855 = arith.constant 2 : i32
      %get3A_856 = arith.index_cast %get3A_855 : i32 to index
      %get3A_857 = arith.index_cast %add3A_789 : i32 to index
      %get3A_858 = arith.constant 48 : index
      %get3A_859 = tpu.vector_load %arg7[%get3A_856, %get3A_857, %get3A_858] {strides = array<i32>} : memref<5x128x64xf32, #tpu.memory_space<vmem>>, vector<16xf32>,
      %get3A_860 = arith.constant 2 : i32
      %get3A_861 = arith.index_cast %get3A_860 : i32 to index
      %get3A_862 = arith.index_cast %multiple_of3A_854 : i32 to index
      %get3A_863 = tpu.vector_load %arg8[%get3A_861, %get3A_862] {strides = array<i32>} : memref<5x8192xf32, #tpu.memory_space<vmem>>, vector<16xf32>,
      %add3A_864 = arith.addf %get3A_859, %get3A_863 : vector<16xf32>
      %swap3A_865 = arith.constant 2 : i32
      %swap3A_866 = arith.index_cast %swap3A_865 : i32 to index
      %swap3A_867 = arith.index_cast %add3A_789 : i32 to index
      %swap3A_868 = arith.constant 48 : index
      %swap3A_869 = tpu.vector_load %arg7[%swap3A_866, %swap3A_867, %swap3A_868] {strides = array<i32>} : memref<5x128x64xf32, #tpu.memory_space<vmem>>, vector<16xf32>,
      tpu.vector_store %arg7[%swap3A_866, %swap3A_867, %swap3A_868], %add3A_864 {strides = array<i32>} : memref<5x128x64xf32, #tpu.memory_space<vmem>>, vector<16xf32>,
    }
    %scan3A_343 = arith.constant 128 : i32
    %add3A_344 = arith.constant 6016 : i32
    %add3A_345 = arith.addi %mul3A_2, %add3A_344 : i32
    %multiple_of3A_346 = tpu.assume_multiple %add3A_345, 8 : i32
    %dma_start3A_347 = arith.constant 2 : i32
    %dma_start3A_348 = arith.constant 2 : i32
    %dma_start3A_349 = arith.constant 0 : i32
    %dma_start3A_350 = arith.constant 0 : i32
    %dma_start3A_351 = tpu.memref_slice %arg7[%dma_start3A_347, %dma_start3A_349, %dma_start3A_350] : memref<5x128x64xf32, #tpu.memory_space<vmem>> -> memref<1x128x64xf32, #tpu.memory_space<vmem>>
    %dma_start3A_352 = tpu.memref_squeeze %dma_start3A_351 : memref<1x128x64xf32, #tpu.memory_space<vmem>> -> memref<128x64xf32, #tpu.memory_space<vmem>>
    %dma_start3A_353 = arith.constant 0 : i32
    %dma_start3A_354 = tpu.memref_slice %arg5[%multiple_of3A_346, %dma_start3A_353] : memref<204800x64xf32, #tpu.memory_space<hbm>> -> memref<128x64xf32, #tpu.memory_space<hbm>>
    %dma_start3A_355 = tpu.memref_slice %arg11[%dma_start3A_348] : memref<5x!tpu.dma_semaphore, #tpu.memory_space<semaphore_mem>> -> memref<1x!tpu.dma_semaphore, #tpu.memory_space<semaphore_mem>>
    %dma_start3A_356 = tpu.memref_squeeze %dma_start3A_355 : memref<1x!tpu.dma_semaphore, #tpu.memory_space<semaphore_mem>> -> memref<!tpu.dma_semaphore, #tpu.memory_space<semaphore_mem>>
    %dma_start3A_357 = arith.constant 0 : i32
    %dma_start3A_358 = tpu.memref_slice %arg5[%multiple_of3A_346, %dma_start3A_357] : memref<204800x64xf32, #tpu.memory_space<hbm>> -> memref<128x64xf32, #tpu.memory_space<hbm>>
    %dma_start3A_359 = arith.constant 0 : i32
    %dma_start3A_360 = arith.constant 0 : i32
    %dma_start3A_361 = tpu.memref_slice %arg7[%dma_start3A_347, %dma_start3A_359, %dma_start3A_360] : memref<5x128x64xf32, #tpu.memory_space<vmem>> -> memref<1x128x64xf32, #tpu.memory_space<vmem>>
    %dma_start3A_362 = tpu.memref_squeeze %dma_start3A_361 : memref<1x128x64xf32, #tpu.memory_space<vmem>> -> memref<128x64xf32, #tpu.memory_space<vmem>>
    tpu.enqueue_dma source(%dma_start3A_362 : memref<128x64xf32, #tpu.memory_space<vmem>>) target(%dma_start3A_358 : memref<128x64xf32, #tpu.memory_space<hbm>>) target_semaphore(%dma_start3A_356 : memref<!tpu.dma_semaphore, #tpu.memory_space<semaphore_mem>>)
    %dma_wait3A_363 = arith.constant 2 : i32
    %dma_wait3A_364 = arith.constant 2 : i32
    %dma_wait3A_365 = arith.constant 0 : i32
    %dma_wait3A_366 = arith.constant 0 : i32
    %dma_wait3A_367 = tpu.memref_slice %arg7[%dma_wait3A_363, %dma_wait3A_365, %dma_wait3A_366] : memref<5x128x64xf32, #tpu.memory_space<vmem>> -> memref<1x128x64xf32, #tpu.memory_space<vmem>>
    %dma_wait3A_368 = tpu.memref_squeeze %dma_wait3A_367 : memref<1x128x64xf32, #tpu.memory_space<vmem>> -> memref<128x64xf32, #tpu.memory_space<vmem>>
    %dma_wait3A_369 = arith.constant 0 : i32
    %dma_wait3A_370 = arith.constant 0 : i32
    %dma_wait3A_371 = tpu.memref_slice %arg5[%dma_wait3A_369, %dma_wait3A_370] : memref<204800x64xf32, #tpu.memory_space<hbm>> -> memref<128x64xf32, #tpu.memory_space<hbm>>
    %dma_wait3A_372 = tpu.memref_slice %arg11[%dma_wait3A_364] : memref<5x!tpu.dma_semaphore, #tpu.memory_space<semaphore_mem>> -> memref<1x!tpu.dma_semaphore, #tpu.memory_space<semaphore_mem>>
    %dma_wait3A_373 = tpu.memref_squeeze %dma_wait3A_372 : memref<1x!tpu.dma_semaphore, #tpu.memory_space<semaphore_mem>> -> memref<!tpu.dma_semaphore, #tpu.memory_space<semaphore_mem>>
    %dma_wait3A_374 = arith.constant 0 : i32
    %dma_wait3A_375 = arith.constant 0 : i32
    %dma_wait3A_376 = tpu.memref_slice %arg5[%dma_wait3A_374, %dma_wait3A_375] : memref<204800x64xf32, #tpu.memory_space<hbm>> -> memref<128x64xf32, #tpu.memory_space<hbm>>
    %dma_wait3A_377 = arith.constant 0 : i32
    %dma_wait3A_378 = arith.constant 0 : i32
    %dma_wait3A_379 = tpu.memref_slice %arg7[%dma_wait3A_363, %dma_wait3A_377, %dma_wait3A_378] : memref<5x128x64xf32, #tpu.memory_space<vmem>> -> memref<1x128x64xf32, #tpu.memory_space<vmem>>
    %dma_wait3A_380 = tpu.memref_squeeze %dma_wait3A_379 : memref<1x128x64xf32, #tpu.memory_space<vmem>> -> memref<128x64xf32, #tpu.memory_space<vmem>>
    tpu.wait_dma2 semaphore(%dma_wait3A_373 : memref<!tpu.dma_semaphore, #tpu.memory_space<semaphore_mem>>) src(%dma_wait3A_380 : memref<128x64xf32, #tpu.memory_space<vmem>>) dst(%dma_wait3A_376 : memref<128x64xf32, #tpu.memory_space<hbm>>)
    %dma_wait3A_381 = arith.constant 3 : i32
    %dma_wait3A_382 = arith.constant 3 : i32
    %dma_wait3A_383 = arith.constant 0 : i32
    %dma_wait3A_384 = arith.constant 0 : i32
    %dma_wait3A_385 = tpu.memref_slice %arg7[%dma_wait3A_381, %dma_wait3A_383, %dma_wait3A_384] : memref<5x128x64xf32, #tpu.memory_space<vmem>> -> memref<1x128x64xf32, #tpu.memory_space<vmem>>
    %dma_wait3A_386 = tpu.memref_squeeze %dma_wait3A_385 : memref<1x128x64xf32, #tpu.memory_space<vmem>> -> memref<128x64xf32, #tpu.memory_space<vmem>>
    %dma_wait3A_387 = arith.constant 0 : i32
    %dma_wait3A_388 = arith.constant 0 : i32
    %dma_wait3A_389 = tpu.memref_slice %arg3[%dma_wait3A_387, %dma_wait3A_388] : memref<1000000x64xf32, #tpu.memory_space<hbm>> -> memref<128x64xf32, #tpu.memory_space<hbm>>
    %dma_wait3A_390 = tpu.memref_slice %arg9[%dma_wait3A_382] : memref<5x!tpu.dma_semaphore, #tpu.memory_space<semaphore_mem>> -> memref<1x!tpu.dma_semaphore, #tpu.memory_space<semaphore_mem>>
    %dma_wait3A_391 = tpu.memref_squeeze %dma_wait3A_390 : memref<1x!tpu.dma_semaphore, #tpu.memory_space<semaphore_mem>> -> memref<!tpu.dma_semaphore, #tpu.memory_space<semaphore_mem>>
    %dma_wait3A_392 = arith.constant 0 : i32
    %dma_wait3A_393 = arith.constant 0 : i32
    %dma_wait3A_394 = tpu.memref_slice %arg7[%dma_wait3A_381, %dma_wait3A_392, %dma_wait3A_393] : memref<5x128x64xf32, #tpu.memory_space<vmem>> -> memref<1x128x64xf32, #tpu.memory_space<vmem>>
    %dma_wait3A_395 = tpu.memref_squeeze %dma_wait3A_394 : memref<1x128x64xf32, #tpu.memory_space<vmem>> -> memref<128x64xf32, #tpu.memory_space<vmem>>
    %dma_wait3A_396 = arith.constant 0 : i32
    %dma_wait3A_397 = arith.constant 0 : i32
    %dma_wait3A_398 = tpu.memref_slice %arg3[%dma_wait3A_396, %dma_wait3A_397] : memref<1000000x64xf32, #tpu.memory_space<hbm>> -> memref<128x64xf32, #tpu.memory_space<hbm>>
    tpu.wait_dma2 semaphore(%dma_wait3A_391 : memref<!tpu.dma_semaphore, #tpu.memory_space<semaphore_mem>>) src(%dma_wait3A_398 : memref<128x64xf32, #tpu.memory_space<hbm>>) dst(%dma_wait3A_395 : memref<128x64xf32, #tpu.memory_space<vmem>>)
    %dma_wait3A_399 = arith.constant 3 : i32
    %dma_wait3A_400 = arith.constant 3 : i32
    %dma_wait3A_401 = arith.constant 0 : i32
    %dma_wait3A_402 = tpu.memref_slice %arg8[%dma_wait3A_399, %dma_wait3A_401] : memref<5x8192xf32, #tpu.memory_space<vmem>> -> memref<1x8192xf32, #tpu.memory_space<vmem>>
    %dma_wait3A_403 = tpu.memref_squeeze %dma_wait3A_402 : memref<1x8192xf32, #tpu.memory_space<vmem>> -> memref<8192xf32, #tpu.memory_space<vmem>>
    %dma_wait3A_404 = arith.constant 0 : i32
    %dma_wait3A_405 = tpu.memref_slice %arg4[%dma_wait3A_404] : memref<13107200xf32, #tpu.memory_space<hbm>> -> memref<8192xf32, #tpu.memory_space<hbm>>
    %dma_wait3A_406 = tpu.memref_slice %arg10[%dma_wait3A_400] : memref<5x!tpu.dma_semaphore, #tpu.memory_space<semaphore_mem>> -> memref<1x!tpu.dma_semaphore, #tpu.memory_space<semaphore_mem>>
    %dma_wait3A_407 = tpu.memref_squeeze %dma_wait3A_406 : memref<1x!tpu.dma_semaphore, #tpu.memory_space<semaphore_mem>> -> memref<!tpu.dma_semaphore, #tpu.memory_space<semaphore_mem>>
    %dma_wait3A_408 = arith.constant 0 : i32
    %dma_wait3A_409 = tpu.memref_slice %arg8[%dma_wait3A_399, %dma_wait3A_408] : memref<5x8192xf32, #tpu.memory_space<vmem>> -> memref<1x8192xf32, #tpu.memory_space<vmem>>
    %dma_wait3A_410 = tpu.memref_squeeze %dma_wait3A_409 : memref<1x8192xf32, #tpu.memory_space<vmem>> -> memref<8192xf32, #tpu.memory_space<vmem>>
    %dma_wait3A_411 = arith.constant 0 : i32
    %dma_wait3A_412 = tpu.memref_slice %arg4[%dma_wait3A_411] : memref<13107200xf32, #tpu.memory_space<hbm>> -> memref<8192xf32, #tpu.memory_space<hbm>>
    tpu.wait_dma2 semaphore(%dma_wait3A_407 : memref<!tpu.dma_semaphore, #tpu.memory_space<semaphore_mem>>) src(%dma_wait3A_412 : memref<8192xf32, #tpu.memory_space<hbm>>) dst(%dma_wait3A_410 : memref<8192xf32, #tpu.memory_space<vmem>>)
    %scan3A_413 = arith.constant 0 : i32
    %scan3A_414 = arith.constant 128 : i32
    %scan3A_415 = arith.addi %scan3A_413, %scan3A_414 : i32
    %scan3A_416 = arith.constant 4 : i32
    scf.for %scan3A_529 = %scan3A_413 to %scan3A_415 step %scan3A_416  : i32 {
      %mul3A_530 = arith.constant 1 : i32
      %mul3A_531 = arith.muli %scan3A_529, %mul3A_530 : i32
      %add3A_532 = arith.constant 0 : i32
      %add3A_533 = arith.addi %add3A_532, %mul3A_531 : i32
      %mul3A_534 = arith.constant 64 : i32
      %mul3A_535 = arith.muli %add3A_533, %mul3A_534 : i32
      %add3A_536 = arith.constant 0 : i32
      %add3A_537 = arith.addi %mul3A_535, %add3A_536 : i32
      %multiple_of3A_538 = tpu.assume_multiple %add3A_537, 16 : i32
      %get3A = arith.constant 3 : i32
      %get3A_539 = arith.index_cast %get3A : i32 to index
      %get3A_540 = arith.index_cast %add3A_533 : i32 to index
      %get3A_541 = arith.constant 0 : index
      %get3A_542 = tpu.vector_load %arg7[%get3A_539, %get3A_540, %get3A_541] {strides = array<i32>} : memref<5x128x64xf32, #tpu.memory_space<vmem>>, vector<16xf32>,
      %get3A_543 = arith.constant 3 : i32
      %get3A_544 = arith.index_cast %get3A_543 : i32 to index
      %get3A_545 = arith.index_cast %multiple_of3A_538 : i32 to index
      %get3A_546 = tpu.vector_load %arg8[%get3A_544, %get3A_545] {strides = array<i32>} : memref<5x8192xf32, #tpu.memory_space<vmem>>, vector<16xf32>,
      %add3A_547 = arith.addf %get3A_542, %get3A_546 : vector<16xf32>
      %swap3A = arith.constant 3 : i32
      %swap3A_548 = arith.index_cast %swap3A : i32 to index
      %swap3A_549 = arith.index_cast %add3A_533 : i32 to index
      %swap3A_550 = arith.constant 0 : index
      %swap3A_551 = tpu.vector_load %arg7[%swap3A_548, %swap3A_549, %swap3A_550] {strides = array<i32>} : memref<5x128x64xf32, #tpu.memory_space<vmem>>, vector<16xf32>,
      tpu.vector_store %arg7[%swap3A_548, %swap3A_549, %swap3A_550], %add3A_547 {strides = array<i32>} : memref<5x128x64xf32, #tpu.memory_space<vmem>>, vector<16xf32>,
      %mul3A_552 = arith.constant 64 : i32
      %mul3A_553 = arith.muli %add3A_533, %mul3A_552 : i32
      %add3A_554 = arith.constant 16 : i32
      %add3A_555 = arith.addi %mul3A_553, %add3A_554 : i32
      %multiple_of3A_556 = tpu.assume_multiple %add3A_555, 16 : i32
      %get3A_557 = arith.constant 3 : i32
      %get3A_558 = arith.index_cast %get3A_557 : i32 to index
      %get3A_559 = arith.index_cast %add3A_533 : i32 to index
      %get3A_560 = arith.constant 16 : index
      %get3A_561 = tpu.vector_load %arg7[%get3A_558, %get3A_559, %get3A_560] {strides = array<i32>} : memref<5x128x64xf32, #tpu.memory_space<vmem>>, vector<16xf32>,
      %get3A_562 = arith.constant 3 : i32
      %get3A_563 = arith.index_cast %get3A_562 : i32 to index
      %get3A_564 = arith.index_cast %multiple_of3A_556 : i32 to index
      %get3A_565 = tpu.vector_load %arg8[%get3A_563, %get3A_564] {strides = array<i32>} : memref<5x8192xf32, #tpu.memory_space<vmem>>, vector<16xf32>,
      %add3A_566 = arith.addf %get3A_561, %get3A_565 : vector<16xf32>
      %swap3A_567 = arith.constant 3 : i32
      %swap3A_568 = arith.index_cast %swap3A_567 : i32 to index
      %swap3A_569 = arith.index_cast %add3A_533 : i32 to index
      %swap3A_570 = arith.constant 16 : index
      %swap3A_571 = tpu.vector_load %arg7[%swap3A_568, %swap3A_569, %swap3A_570] {strides = array<i32>} : memref<5x128x64xf32, #tpu.memory_space<vmem>>, vector<16xf32>,
      tpu.vector_store %arg7[%swap3A_568, %swap3A_569, %swap3A_570], %add3A_566 {strides = array<i32>} : memref<5x128x64xf32, #tpu.memory_space<vmem>>, vector<16xf32>,
      %mul3A_572 = arith.constant 64 : i32
      %mul3A_573 = arith.muli %add3A_533, %mul3A_572 : i32
      %add3A_574 = arith.constant 32 : i32
      %add3A_575 = arith.addi %mul3A_573, %add3A_574 : i32
      %multiple_of3A_576 = tpu.assume_multiple %add3A_575, 16 : i32
      %get3A_577 = arith.constant 3 : i32
      %get3A_578 = arith.index_cast %get3A_577 : i32 to index
      %get3A_579 = arith.index_cast %add3A_533 : i32 to index
      %get3A_580 = arith.constant 32 : index
      %get3A_581 = tpu.vector_load %arg7[%get3A_578, %get3A_579, %get3A_580] {strides = array<i32>} : memref<5x128x64xf32, #tpu.memory_space<vmem>>, vector<16xf32>,
      %get3A_582 = arith.constant 3 : i32
      %get3A_583 = arith.index_cast %get3A_582 : i32 to index
      %get3A_584 = arith.index_cast %multiple_of3A_576 : i32 to index
      %get3A_585 = tpu.vector_load %arg8[%get3A_583, %get3A_584] {strides = array<i32>} : memref<5x8192xf32, #tpu.memory_space<vmem>>, vector<16xf32>,
      %add3A_586 = arith.addf %get3A_581, %get3A_585 : vector<16xf32>
      %swap3A_587 = arith.constant 3 : i32
      %swap3A_588 = arith.index_cast %swap3A_587 : i32 to index
      %swap3A_589 = arith.index_cast %add3A_533 : i32 to index
      %swap3A_590 = arith.constant 32 : index
      %swap3A_591 = tpu.vector_load %arg7[%swap3A_588, %swap3A_589, %swap3A_590] {strides = array<i32>} : memref<5x128x64xf32, #tpu.memory_space<vmem>>, vector<16xf32>,
      tpu.vector_store %arg7[%swap3A_588, %swap3A_589, %swap3A_590], %add3A_586 {strides = array<i32>} : memref<5x128x64xf32, #tpu.memory_space<vmem>>, vector<16xf32>,
      %mul3A_592 = arith.constant 64 : i32
      %mul3A_593 = arith.muli %add3A_533, %mul3A_592 : i32
      %add3A_594 = arith.constant 48 : i32
      %add3A_595 = arith.addi %mul3A_593, %add3A_594 : i32
      %multiple_of3A_596 = tpu.assume_multiple %add3A_595, 16 : i32
      %get3A_597 = arith.constant 3 : i32
      %get3A_598 = arith.index_cast %get3A_597 : i32 to index
      %get3A_599 = arith.index_cast %add3A_533 : i32 to index
      %get3A_600 = arith.constant 48 : index
      %get3A_601 = tpu.vector_load %arg7[%get3A_598, %get3A_599, %get3A_600] {strides = array<i32>} : memref<5x128x64xf32, #tpu.memory_space<vmem>>, vector<16xf32>,
      %get3A_602 = arith.constant 3 : i32
      %get3A_603 = arith.index_cast %get3A_602 : i32 to index
      %get3A_604 = arith.index_cast %multiple_of3A_596 : i32 to index
      %get3A_605 = tpu.vector_load %arg8[%get3A_603, %get3A_604] {strides = array<i32>} : memref<5x8192xf32, #tpu.memory_space<vmem>>, vector<16xf32>,
      %add3A_606 = arith.addf %get3A_601, %get3A_605 : vector<16xf32>
      %swap3A_607 = arith.constant 3 : i32
      %swap3A_608 = arith.index_cast %swap3A_607 : i32 to index
      %swap3A_609 = arith.index_cast %add3A_533 : i32 to index
      %swap3A_610 = arith.constant 48 : index
      %swap3A_611 = tpu.vector_load %arg7[%swap3A_608, %swap3A_609, %swap3A_610] {strides = array<i32>} : memref<5x128x64xf32, #tpu.memory_space<vmem>>, vector<16xf32>,
      tpu.vector_store %arg7[%swap3A_608, %swap3A_609, %swap3A_610], %add3A_606 {strides = array<i32>} : memref<5x128x64xf32, #tpu.memory_space<vmem>>, vector<16xf32>,
      %scan3A_612 = arith.constant 1 : i32
      %scan3A_613 = arith.addi %scan3A_529, %scan3A_612 : i32
      %mul3A_614 = arith.constant 1 : i32
      %mul3A_615 = arith.muli %scan3A_613, %mul3A_614 : i32
      %add3A_616 = arith.constant 0 : i32
      %add3A_617 = arith.addi %add3A_616, %mul3A_615 : i32
      %mul3A_618 = arith.constant 64 : i32
      %mul3A_619 = arith.muli %add3A_617, %mul3A_618 : i32
      %add3A_620 = arith.constant 0 : i32
      %add3A_621 = arith.addi %mul3A_619, %add3A_620 : i32
      %multiple_of3A_622 = tpu.assume_multiple %add3A_621, 16 : i32
      %get3A_623 = arith.constant 3 : i32
      %get3A_624 = arith.index_cast %get3A_623 : i32 to index
      %get3A_625 = arith.index_cast %add3A_617 : i32 to index
      %get3A_626 = arith.constant 0 : index
      %get3A_627 = tpu.vector_load %arg7[%get3A_624, %get3A_625, %get3A_626] {strides = array<i32>} : memref<5x128x64xf32, #tpu.memory_space<vmem>>, vector<16xf32>,
      %get3A_628 = arith.constant 3 : i32
      %get3A_629 = arith.index_cast %get3A_628 : i32 to index
      %get3A_630 = arith.index_cast %multiple_of3A_622 : i32 to index
      %get3A_631 = tpu.vector_load %arg8[%get3A_629, %get3A_630] {strides = array<i32>} : memref<5x8192xf32, #tpu.memory_space<vmem>>, vector<16xf32>,
      %add3A_632 = arith.addf %get3A_627, %get3A_631 : vector<16xf32>
      %swap3A_633 = arith.constant 3 : i32
      %swap3A_634 = arith.index_cast %swap3A_633 : i32 to index
      %swap3A_635 = arith.index_cast %add3A_617 : i32 to index
      %swap3A_636 = arith.constant 0 : index
      %swap3A_637 = tpu.vector_load %arg7[%swap3A_634, %swap3A_635, %swap3A_636] {strides = array<i32>} : memref<5x128x64xf32, #tpu.memory_space<vmem>>, vector<16xf32>,
      tpu.vector_store %arg7[%swap3A_634, %swap3A_635, %swap3A_636], %add3A_632 {strides = array<i32>} : memref<5x128x64xf32, #tpu.memory_space<vmem>>, vector<16xf32>,
      %mul3A_638 = arith.constant 64 : i32
      %mul3A_639 = arith.muli %add3A_617, %mul3A_638 : i32
      %add3A_640 = arith.constant 16 : i32
      %add3A_641 = arith.addi %mul3A_639, %add3A_640 : i32
      %multiple_of3A_642 = tpu.assume_multiple %add3A_641, 16 : i32
      %get3A_643 = arith.constant 3 : i32
      %get3A_644 = arith.index_cast %get3A_643 : i32 to index
      %get3A_645 = arith.index_cast %add3A_617 : i32 to index
      %get3A_646 = arith.constant 16 : index
      %get3A_647 = tpu.vector_load %arg7[%get3A_644, %get3A_645, %get3A_646] {strides = array<i32>} : memref<5x128x64xf32, #tpu.memory_space<vmem>>, vector<16xf32>,
      %get3A_648 = arith.constant 3 : i32
      %get3A_649 = arith.index_cast %get3A_648 : i32 to index
      %get3A_650 = arith.index_cast %multiple_of3A_642 : i32 to index
      %get3A_651 = tpu.vector_load %arg8[%get3A_649, %get3A_650] {strides = array<i32>} : memref<5x8192xf32, #tpu.memory_space<vmem>>, vector<16xf32>,
      %add3A_652 = arith.addf %get3A_647, %get3A_651 : vector<16xf32>
      %swap3A_653 = arith.constant 3 : i32
      %swap3A_654 = arith.index_cast %swap3A_653 : i32 to index
      %swap3A_655 = arith.index_cast %add3A_617 : i32 to index
      %swap3A_656 = arith.constant 16 : index
      %swap3A_657 = tpu.vector_load %arg7[%swap3A_654, %swap3A_655, %swap3A_656] {strides = array<i32>} : memref<5x128x64xf32, #tpu.memory_space<vmem>>, vector<16xf32>,
      tpu.vector_store %arg7[%swap3A_654, %swap3A_655, %swap3A_656], %add3A_652 {strides = array<i32>} : memref<5x128x64xf32, #tpu.memory_space<vmem>>, vector<16xf32>,
      %mul3A_658 = arith.constant 64 : i32
      %mul3A_659 = arith.muli %add3A_617, %mul3A_658 : i32
      %add3A_660 = arith.constant 32 : i32
      %add3A_661 = arith.addi %mul3A_659, %add3A_660 : i32
      %multiple_of3A_662 = tpu.assume_multiple %add3A_661, 16 : i32
      %get3A_663 = arith.constant 3 : i32
      %get3A_664 = arith.index_cast %get3A_663 : i32 to index
      %get3A_665 = arith.index_cast %add3A_617 : i32 to index
      %get3A_666 = arith.constant 32 : index
      %get3A_667 = tpu.vector_load %arg7[%get3A_664, %get3A_665, %get3A_666] {strides = array<i32>} : memref<5x128x64xf32, #tpu.memory_space<vmem>>, vector<16xf32>,
      %get3A_668 = arith.constant 3 : i32
      %get3A_669 = arith.index_cast %get3A_668 : i32 to index
      %get3A_670 = arith.index_cast %multiple_of3A_662 : i32 to index
      %get3A_671 = tpu.vector_load %arg8[%get3A_669, %get3A_670] {strides = array<i32>} : memref<5x8192xf32, #tpu.memory_space<vmem>>, vector<16xf32>,
      %add3A_672 = arith.addf %get3A_667, %get3A_671 : vector<16xf32>
      %swap3A_673 = arith.constant 3 : i32
      %swap3A_674 = arith.index_cast %swap3A_673 : i32 to index
      %swap3A_675 = arith.index_cast %add3A_617 : i32 to index
      %swap3A_676 = arith.constant 32 : index
      %swap3A_677 = tpu.vector_load %arg7[%swap3A_674, %swap3A_675, %swap3A_676] {strides = array<i32>} : memref<5x128x64xf32, #tpu.memory_space<vmem>>, vector<16xf32>,
      tpu.vector_store %arg7[%swap3A_674, %swap3A_675, %swap3A_676], %add3A_672 {strides = array<i32>} : memref<5x128x64xf32, #tpu.memory_space<vmem>>, vector<16xf32>,
      %mul3A_678 = arith.constant 64 : i32
      %mul3A_679 = arith.muli %add3A_617, %mul3A_678 : i32
      %add3A_680 = arith.constant 48 : i32
      %add3A_681 = arith.addi %mul3A_679, %add3A_680 : i32
      %multiple_of3A_682 = tpu.assume_multiple %add3A_681, 16 : i32
      %get3A_683 = arith.constant 3 : i32
      %get3A_684 = arith.index_cast %get3A_683 : i32 to index
      %get3A_685 = arith.index_cast %add3A_617 : i32 to index
      %get3A_686 = arith.constant 48 : index
      %get3A_687 = tpu.vector_load %arg7[%get3A_684, %get3A_685, %get3A_686] {strides = array<i32>} : memref<5x128x64xf32, #tpu.memory_space<vmem>>, vector<16xf32>,
      %get3A_688 = arith.constant 3 : i32
      %get3A_689 = arith.index_cast %get3A_688 : i32 to index
      %get3A_690 = arith.index_cast %multiple_of3A_682 : i32 to index
      %get3A_691 = tpu.vector_load %arg8[%get3A_689, %get3A_690] {strides = array<i32>} : memref<5x8192xf32, #tpu.memory_space<vmem>>, vector<16xf32>,
      %add3A_692 = arith.addf %get3A_687, %get3A_691 : vector<16xf32>
      %swap3A_693 = arith.constant 3 : i32
      %swap3A_694 = arith.index_cast %swap3A_693 : i32 to index
      %swap3A_695 = arith.index_cast %add3A_617 : i32 to index
      %swap3A_696 = arith.constant 48 : index
      %swap3A_697 = tpu.vector_load %arg7[%swap3A_694, %swap3A_695, %swap3A_696] {strides = array<i32>} : memref<5x128x64xf32, #tpu.memory_space<vmem>>, vector<16xf32>,
      tpu.vector_store %arg7[%swap3A_694, %swap3A_695, %swap3A_696], %add3A_692 {strides = array<i32>} : memref<5x128x64xf32, #tpu.memory_space<vmem>>, vector<16xf32>,
      %scan3A_698 = arith.constant 2 : i32
      %scan3A_699 = arith.addi %scan3A_529, %scan3A_698 : i32
      %mul3A_700 = arith.constant 1 : i32
      %mul3A_701 = arith.muli %scan3A_699, %mul3A_700 : i32
      %add3A_702 = arith.constant 0 : i32
      %add3A_703 = arith.addi %add3A_702, %mul3A_701 : i32
      %mul3A_704 = arith.constant 64 : i32
      %mul3A_705 = arith.muli %add3A_703, %mul3A_704 : i32
      %add3A_706 = arith.constant 0 : i32
      %add3A_707 = arith.addi %mul3A_705, %add3A_706 : i32
      %multiple_of3A_708 = tpu.assume_multiple %add3A_707, 16 : i32
      %get3A_709 = arith.constant 3 : i32
      %get3A_710 = arith.index_cast %get3A_709 : i32 to index
      %get3A_711 = arith.index_cast %add3A_703 : i32 to index
      %get3A_712 = arith.constant 0 : index
      %get3A_713 = tpu.vector_load %arg7[%get3A_710, %get3A_711, %get3A_712] {strides = array<i32>} : memref<5x128x64xf32, #tpu.memory_space<vmem>>, vector<16xf32>,
      %get3A_714 = arith.constant 3 : i32
      %get3A_715 = arith.index_cast %get3A_714 : i32 to index
      %get3A_716 = arith.index_cast %multiple_of3A_708 : i32 to index
      %get3A_717 = tpu.vector_load %arg8[%get3A_715, %get3A_716] {strides = array<i32>} : memref<5x8192xf32, #tpu.memory_space<vmem>>, vector<16xf32>,
      %add3A_718 = arith.addf %get3A_713, %get3A_717 : vector<16xf32>
      %swap3A_719 = arith.constant 3 : i32
      %swap3A_720 = arith.index_cast %swap3A_719 : i32 to index
      %swap3A_721 = arith.index_cast %add3A_703 : i32 to index
      %swap3A_722 = arith.constant 0 : index
      %swap3A_723 = tpu.vector_load %arg7[%swap3A_720, %swap3A_721, %swap3A_722] {strides = array<i32>} : memref<5x128x64xf32, #tpu.memory_space<vmem>>, vector<16xf32>,
      tpu.vector_store %arg7[%swap3A_720, %swap3A_721, %swap3A_722], %add3A_718 {strides = array<i32>} : memref<5x128x64xf32, #tpu.memory_space<vmem>>, vector<16xf32>,
      %mul3A_724 = arith.constant 64 : i32
      %mul3A_725 = arith.muli %add3A_703, %mul3A_724 : i32
      %add3A_726 = arith.constant 16 : i32
      %add3A_727 = arith.addi %mul3A_725, %add3A_726 : i32
      %multiple_of3A_728 = tpu.assume_multiple %add3A_727, 16 : i32
      %get3A_729 = arith.constant 3 : i32
      %get3A_730 = arith.index_cast %get3A_729 : i32 to index
      %get3A_731 = arith.index_cast %add3A_703 : i32 to index
      %get3A_732 = arith.constant 16 : index
      %get3A_733 = tpu.vector_load %arg7[%get3A_730, %get3A_731, %get3A_732] {strides = array<i32>} : memref<5x128x64xf32, #tpu.memory_space<vmem>>, vector<16xf32>,
      %get3A_734 = arith.constant 3 : i32
      %get3A_735 = arith.index_cast %get3A_734 : i32 to index
      %get3A_736 = arith.index_cast %multiple_of3A_728 : i32 to index
      %get3A_737 = tpu.vector_load %arg8[%get3A_735, %get3A_736] {strides = array<i32>} : memref<5x8192xf32, #tpu.memory_space<vmem>>, vector<16xf32>,
      %add3A_738 = arith.addf %get3A_733, %get3A_737 : vector<16xf32>
      %swap3A_739 = arith.constant 3 : i32
      %swap3A_740 = arith.index_cast %swap3A_739 : i32 to index
      %swap3A_741 = arith.index_cast %add3A_703 : i32 to index
      %swap3A_742 = arith.constant 16 : index
      %swap3A_743 = tpu.vector_load %arg7[%swap3A_740, %swap3A_741, %swap3A_742] {strides = array<i32>} : memref<5x128x64xf32, #tpu.memory_space<vmem>>, vector<16xf32>,
      tpu.vector_store %arg7[%swap3A_740, %swap3A_741, %swap3A_742], %add3A_738 {strides = array<i32>} : memref<5x128x64xf32, #tpu.memory_space<vmem>>, vector<16xf32>,
      %mul3A_744 = arith.constant 64 : i32
      %mul3A_745 = arith.muli %add3A_703, %mul3A_744 : i32
      %add3A_746 = arith.constant 32 : i32
      %add3A_747 = arith.addi %mul3A_745, %add3A_746 : i32
      %multiple_of3A_748 = tpu.assume_multiple %add3A_747, 16 : i32
      %get3A_749 = arith.constant 3 : i32
      %get3A_750 = arith.index_cast %get3A_749 : i32 to index
      %get3A_751 = arith.index_cast %add3A_703 : i32 to index
      %get3A_752 = arith.constant 32 : index
      %get3A_753 = tpu.vector_load %arg7[%get3A_750, %get3A_751, %get3A_752] {strides = array<i32>} : memref<5x128x64xf32, #tpu.memory_space<vmem>>, vector<16xf32>,
      %get3A_754 = arith.constant 3 : i32
      %get3A_755 = arith.index_cast %get3A_754 : i32 to index
      %get3A_756 = arith.index_cast %multiple_of3A_748 : i32 to index
      %get3A_757 = tpu.vector_load %arg8[%get3A_755, %get3A_756] {strides = array<i32>} : memref<5x8192xf32, #tpu.memory_space<vmem>>, vector<16xf32>,
      %add3A_758 = arith.addf %get3A_753, %get3A_757 : vector<16xf32>
      %swap3A_759 = arith.constant 3 : i32
      %swap3A_760 = arith.index_cast %swap3A_759 : i32 to index
      %swap3A_761 = arith.index_cast %add3A_703 : i32 to index
      %swap3A_762 = arith.constant 32 : index
      %swap3A_763 = tpu.vector_load %arg7[%swap3A_760, %swap3A_761, %swap3A_762] {strides = array<i32>} : memref<5x128x64xf32, #tpu.memory_space<vmem>>, vector<16xf32>,
      tpu.vector_store %arg7[%swap3A_760, %swap3A_761, %swap3A_762], %add3A_758 {strides = array<i32>} : memref<5x128x64xf32, #tpu.memory_space<vmem>>, vector<16xf32>,
      %mul3A_764 = arith.constant 64 : i32
      %mul3A_765 = arith.muli %add3A_703, %mul3A_764 : i32
      %add3A_766 = arith.constant 48 : i32
      %add3A_767 = arith.addi %mul3A_765, %add3A_766 : i32
      %multiple_of3A_768 = tpu.assume_multiple %add3A_767, 16 : i32
      %get3A_769 = arith.constant 3 : i32
      %get3A_770 = arith.index_cast %get3A_769 : i32 to index
      %get3A_771 = arith.index_cast %add3A_703 : i32 to index
      %get3A_772 = arith.constant 48 : index
      %get3A_773 = tpu.vector_load %arg7[%get3A_770, %get3A_771, %get3A_772] {strides = array<i32>} : memref<5x128x64xf32, #tpu.memory_space<vmem>>, vector<16xf32>,
      %get3A_774 = arith.constant 3 : i32
      %get3A_775 = arith.index_cast %get3A_774 : i32 to index
      %get3A_776 = arith.index_cast %multiple_of3A_768 : i32 to index
      %get3A_777 = tpu.vector_load %arg8[%get3A_775, %get3A_776] {strides = array<i32>} : memref<5x8192xf32, #tpu.memory_space<vmem>>, vector<16xf32>,
      %add3A_778 = arith.addf %get3A_773, %get3A_777 : vector<16xf32>
      %swap3A_779 = arith.constant 3 : i32
      %swap3A_780 = arith.index_cast %swap3A_779 : i32 to index
      %swap3A_781 = arith.index_cast %add3A_703 : i32 to index
      %swap3A_782 = arith.constant 48 : index
      %swap3A_783 = tpu.vector_load %arg7[%swap3A_780, %swap3A_781, %swap3A_782] {strides = array<i32>} : memref<5x128x64xf32, #tpu.memory_space<vmem>>, vector<16xf32>,
      tpu.vector_store %arg7[%swap3A_780, %swap3A_781, %swap3A_782], %add3A_778 {strides = array<i32>} : memref<5x128x64xf32, #tpu.memory_space<vmem>>, vector<16xf32>,
      %scan3A_784 = arith.constant 3 : i32
      %scan3A_785 = arith.addi %scan3A_529, %scan3A_784 : i32
      %mul3A_786 = arith.constant 1 : i32
      %mul3A_787 = arith.muli %scan3A_785, %mul3A_786 : i32
      %add3A_788 = arith.constant 0 : i32
      %add3A_789 = arith.addi %add3A_788, %mul3A_787 : i32
      %mul3A_790 = arith.constant 64 : i32
      %mul3A_791 = arith.muli %add3A_789, %mul3A_790 : i32
      %add3A_792 = arith.constant 0 : i32
      %add3A_793 = arith.addi %mul3A_791, %add3A_792 : i32
      %multiple_of3A_794 = tpu.assume_multiple %add3A_793, 16 : i32
      %get3A_795 = arith.constant 3 : i32
      %get3A_796 = arith.index_cast %get3A_795 : i32 to index
      %get3A_797 = arith.index_cast %add3A_789 : i32 to index
      %get3A_798 = arith.constant 0 : index
      %get3A_799 = tpu.vector_load %arg7[%get3A_796, %get3A_797, %get3A_798] {strides = array<i32>} : memref<5x128x64xf32, #tpu.memory_space<vmem>>, vector<16xf32>,
      %get3A_800 = arith.constant 3 : i32
      %get3A_801 = arith.index_cast %get3A_800 : i32 to index
      %get3A_802 = arith.index_cast %multiple_of3A_794 : i32 to index
      %get3A_803 = tpu.vector_load %arg8[%get3A_801, %get3A_802] {strides = array<i32>} : memref<5x8192xf32, #tpu.memory_space<vmem>>, vector<16xf32>,
      %add3A_804 = arith.addf %get3A_799, %get3A_803 : vector<16xf32>
      %swap3A_805 = arith.constant 3 : i32
      %swap3A_806 = arith.index_cast %swap3A_805 : i32 to index
      %swap3A_807 = arith.index_cast %add3A_789 : i32 to index
      %swap3A_808 = arith.constant 0 : index
      %swap3A_809 = tpu.vector_load %arg7[%swap3A_806, %swap3A_807, %swap3A_808] {strides = array<i32>} : memref<5x128x64xf32, #tpu.memory_space<vmem>>, vector<16xf32>,
      tpu.vector_store %arg7[%swap3A_806, %swap3A_807, %swap3A_808], %add3A_804 {strides = array<i32>} : memref<5x128x64xf32, #tpu.memory_space<vmem>>, vector<16xf32>,
      %mul3A_810 = arith.constant 64 : i32
      %mul3A_811 = arith.muli %add3A_789, %mul3A_810 : i32
      %add3A_812 = arith.constant 16 : i32
      %add3A_813 = arith.addi %mul3A_811, %add3A_812 : i32
      %multiple_of3A_814 = tpu.assume_multiple %add3A_813, 16 : i32
      %get3A_815 = arith.constant 3 : i32
      %get3A_816 = arith.index_cast %get3A_815 : i32 to index
      %get3A_817 = arith.index_cast %add3A_789 : i32 to index
      %get3A_818 = arith.constant 16 : index
      %get3A_819 = tpu.vector_load %arg7[%get3A_816, %get3A_817, %get3A_818] {strides = array<i32>} : memref<5x128x64xf32, #tpu.memory_space<vmem>>, vector<16xf32>,
      %get3A_820 = arith.constant 3 : i32
      %get3A_821 = arith.index_cast %get3A_820 : i32 to index
      %get3A_822 = arith.index_cast %multiple_of3A_814 : i32 to index
      %get3A_823 = tpu.vector_load %arg8[%get3A_821, %get3A_822] {strides = array<i32>} : memref<5x8192xf32, #tpu.memory_space<vmem>>, vector<16xf32>,
      %add3A_824 = arith.addf %get3A_819, %get3A_823 : vector<16xf32>
      %swap3A_825 = arith.constant 3 : i32
      %swap3A_826 = arith.index_cast %swap3A_825 : i32 to index
      %swap3A_827 = arith.index_cast %add3A_789 : i32 to index
      %swap3A_828 = arith.constant 16 : index
      %swap3A_829 = tpu.vector_load %arg7[%swap3A_826, %swap3A_827, %swap3A_828] {strides = array<i32>} : memref<5x128x64xf32, #tpu.memory_space<vmem>>, vector<16xf32>,
      tpu.vector_store %arg7[%swap3A_826, %swap3A_827, %swap3A_828], %add3A_824 {strides = array<i32>} : memref<5x128x64xf32, #tpu.memory_space<vmem>>, vector<16xf32>,
      %mul3A_830 = arith.constant 64 : i32
      %mul3A_831 = arith.muli %add3A_789, %mul3A_830 : i32
      %add3A_832 = arith.constant 32 : i32
      %add3A_833 = arith.addi %mul3A_831, %add3A_832 : i32
      %multiple_of3A_834 = tpu.assume_multiple %add3A_833, 16 : i32
      %get3A_835 = arith.constant 3 : i32
      %get3A_836 = arith.index_cast %get3A_835 : i32 to index
      %get3A_837 = arith.index_cast %add3A_789 : i32 to index
      %get3A_838 = arith.constant 32 : index
      %get3A_839 = tpu.vector_load %arg7[%get3A_836, %get3A_837, %get3A_838] {strides = array<i32>} : memref<5x128x64xf32, #tpu.memory_space<vmem>>, vector<16xf32>,
      %get3A_840 = arith.constant 3 : i32
      %get3A_841 = arith.index_cast %get3A_840 : i32 to index
      %get3A_842 = arith.index_cast %multiple_of3A_834 : i32 to index
      %get3A_843 = tpu.vector_load %arg8[%get3A_841, %get3A_842] {strides = array<i32>} : memref<5x8192xf32, #tpu.memory_space<vmem>>, vector<16xf32>,
      %add3A_844 = arith.addf %get3A_839, %get3A_843 : vector<16xf32>
      %swap3A_845 = arith.constant 3 : i32
      %swap3A_846 = arith.index_cast %swap3A_845 : i32 to index
      %swap3A_847 = arith.index_cast %add3A_789 : i32 to index
      %swap3A_848 = arith.constant 32 : index
      %swap3A_849 = tpu.vector_load %arg7[%swap3A_846, %swap3A_847, %swap3A_848] {strides = array<i32>} : memref<5x128x64xf32, #tpu.memory_space<vmem>>, vector<16xf32>,
      tpu.vector_store %arg7[%swap3A_846, %swap3A_847, %swap3A_848], %add3A_844 {strides = array<i32>} : memref<5x128x64xf32, #tpu.memory_space<vmem>>, vector<16xf32>,
      %mul3A_850 = arith.constant 64 : i32
      %mul3A_851 = arith.muli %add3A_789, %mul3A_850 : i32
      %add3A_852 = arith.constant 48 : i32
      %add3A_853 = arith.addi %mul3A_851, %add3A_852 : i32
      %multiple_of3A_854 = tpu.assume_multiple %add3A_853, 16 : i32
      %get3A_855 = arith.constant 3 : i32
      %get3A_856 = arith.index_cast %get3A_855 : i32 to index
      %get3A_857 = arith.index_cast %add3A_789 : i32 to index
      %get3A_858 = arith.constant 48 : index
      %get3A_859 = tpu.vector_load %arg7[%get3A_856, %get3A_857, %get3A_858] {strides = array<i32>} : memref<5x128x64xf32, #tpu.memory_space<vmem>>, vector<16xf32>,
      %get3A_860 = arith.constant 3 : i32
      %get3A_861 = arith.index_cast %get3A_860 : i32 to index
      %get3A_862 = arith.index_cast %multiple_of3A_854 : i32 to index
      %get3A_863 = tpu.vector_load %arg8[%get3A_861, %get3A_862] {strides = array<i32>} : memref<5x8192xf32, #tpu.memory_space<vmem>>, vector<16xf32>,
      %add3A_864 = arith.addf %get3A_859, %get3A_863 : vector<16xf32>
      %swap3A_865 = arith.constant 3 : i32
      %swap3A_866 = arith.index_cast %swap3A_865 : i32 to index
      %swap3A_867 = arith.index_cast %add3A_789 : i32 to index
      %swap3A_868 = arith.constant 48 : index
      %swap3A_869 = tpu.vector_load %arg7[%swap3A_866, %swap3A_867, %swap3A_868] {strides = array<i32>} : memref<5x128x64xf32, #tpu.memory_space<vmem>>, vector<16xf32>,
      tpu.vector_store %arg7[%swap3A_866, %swap3A_867, %swap3A_868], %add3A_864 {strides = array<i32>} : memref<5x128x64xf32, #tpu.memory_space<vmem>>, vector<16xf32>,
    }
    %scan3A_417 = arith.constant 128 : i32
    %add3A_418 = arith.constant 6144 : i32
    %add3A_419 = arith.addi %mul3A_2, %add3A_418 : i32
    %multiple_of3A_420 = tpu.assume_multiple %add3A_419, 8 : i32
    %dma_start3A_421 = arith.constant 3 : i32
    %dma_start3A_422 = arith.constant 3 : i32
    %dma_start3A_423 = arith.constant 0 : i32
    %dma_start3A_424 = arith.constant 0 : i32
    %dma_start3A_425 = tpu.memref_slice %arg7[%dma_start3A_421, %dma_start3A_423, %dma_start3A_424] : memref<5x128x64xf32, #tpu.memory_space<vmem>> -> memref<1x128x64xf32, #tpu.memory_space<vmem>>
    %dma_start3A_426 = tpu.memref_squeeze %dma_start3A_425 : memref<1x128x64xf32, #tpu.memory_space<vmem>> -> memref<128x64xf32, #tpu.memory_space<vmem>>
    %dma_start3A_427 = arith.constant 0 : i32
    %dma_start3A_428 = tpu.memref_slice %arg5[%multiple_of3A_420, %dma_start3A_427] : memref<204800x64xf32, #tpu.memory_space<hbm>> -> memref<128x64xf32, #tpu.memory_space<hbm>>
    %dma_start3A_429 = tpu.memref_slice %arg11[%dma_start3A_422] : memref<5x!tpu.dma_semaphore, #tpu.memory_space<semaphore_mem>> -> memref<1x!tpu.dma_semaphore, #tpu.memory_space<semaphore_mem>>
    %dma_start3A_430 = tpu.memref_squeeze %dma_start3A_429 : memref<1x!tpu.dma_semaphore, #tpu.memory_space<semaphore_mem>> -> memref<!tpu.dma_semaphore, #tpu.memory_space<semaphore_mem>>
    %dma_start3A_431 = arith.constant 0 : i32
    %dma_start3A_432 = tpu.memref_slice %arg5[%multiple_of3A_420, %dma_start3A_431] : memref<204800x64xf32, #tpu.memory_space<hbm>> -> memref<128x64xf32, #tpu.memory_space<hbm>>
    %dma_start3A_433 = arith.constant 0 : i32
    %dma_start3A_434 = arith.constant 0 : i32
    %dma_start3A_435 = tpu.memref_slice %arg7[%dma_start3A_421, %dma_start3A_433, %dma_start3A_434] : memref<5x128x64xf32, #tpu.memory_space<vmem>> -> memref<1x128x64xf32, #tpu.memory_space<vmem>>
    %dma_start3A_436 = tpu.memref_squeeze %dma_start3A_435 : memref<1x128x64xf32, #tpu.memory_space<vmem>> -> memref<128x64xf32, #tpu.memory_space<vmem>>
    tpu.enqueue_dma source(%dma_start3A_436 : memref<128x64xf32, #tpu.memory_space<vmem>>) target(%dma_start3A_432 : memref<128x64xf32, #tpu.memory_space<hbm>>) target_semaphore(%dma_start3A_430 : memref<!tpu.dma_semaphore, #tpu.memory_space<semaphore_mem>>)
    %dma_wait3A_437 = arith.constant 3 : i32
    %dma_wait3A_438 = arith.constant 3 : i32
    %dma_wait3A_439 = arith.constant 0 : i32
    %dma_wait3A_440 = arith.constant 0 : i32
    %dma_wait3A_441 = tpu.memref_slice %arg7[%dma_wait3A_437, %dma_wait3A_439, %dma_wait3A_440] : memref<5x128x64xf32, #tpu.memory_space<vmem>> -> memref<1x128x64xf32, #tpu.memory_space<vmem>>
    %dma_wait3A_442 = tpu.memref_squeeze %dma_wait3A_441 : memref<1x128x64xf32, #tpu.memory_space<vmem>> -> memref<128x64xf32, #tpu.memory_space<vmem>>
    %dma_wait3A_443 = arith.constant 0 : i32
    %dma_wait3A_444 = arith.constant 0 : i32
    %dma_wait3A_445 = tpu.memref_slice %arg5[%dma_wait3A_443, %dma_wait3A_444] : memref<204800x64xf32, #tpu.memory_space<hbm>> -> memref<128x64xf32, #tpu.memory_space<hbm>>
    %dma_wait3A_446 = tpu.memref_slice %arg11[%dma_wait3A_438] : memref<5x!tpu.dma_semaphore, #tpu.memory_space<semaphore_mem>> -> memref<1x!tpu.dma_semaphore, #tpu.memory_space<semaphore_mem>>
    %dma_wait3A_447 = tpu.memref_squeeze %dma_wait3A_446 : memref<1x!tpu.dma_semaphore, #tpu.memory_space<semaphore_mem>> -> memref<!tpu.dma_semaphore, #tpu.memory_space<semaphore_mem>>
    %dma_wait3A_448 = arith.constant 0 : i32
    %dma_wait3A_449 = arith.constant 0 : i32
    %dma_wait3A_450 = tpu.memref_slice %arg5[%dma_wait3A_448, %dma_wait3A_449] : memref<204800x64xf32, #tpu.memory_space<hbm>> -> memref<128x64xf32, #tpu.memory_space<hbm>>
    %dma_wait3A_451 = arith.constant 0 : i32
    %dma_wait3A_452 = arith.constant 0 : i32
    %dma_wait3A_453 = tpu.memref_slice %arg7[%dma_wait3A_437, %dma_wait3A_451, %dma_wait3A_452] : memref<5x128x64xf32, #tpu.memory_space<vmem>> -> memref<1x128x64xf32, #tpu.memory_space<vmem>>
    %dma_wait3A_454 = tpu.memref_squeeze %dma_wait3A_453 : memref<1x128x64xf32, #tpu.memory_space<vmem>> -> memref<128x64xf32, #tpu.memory_space<vmem>>
    tpu.wait_dma2 semaphore(%dma_wait3A_447 : memref<!tpu.dma_semaphore, #tpu.memory_space<semaphore_mem>>) src(%dma_wait3A_454 : memref<128x64xf32, #tpu.memory_space<vmem>>) dst(%dma_wait3A_450 : memref<128x64xf32, #tpu.memory_space<hbm>>)
    %dma_wait3A_455 = arith.constant 4 : i32
    %dma_wait3A_456 = arith.constant 4 : i32
    %dma_wait3A_457 = arith.constant 0 : i32
    %dma_wait3A_458 = arith.constant 0 : i32
    %dma_wait3A_459 = tpu.memref_slice %arg7[%dma_wait3A_455, %dma_wait3A_457, %dma_wait3A_458] : memref<5x128x64xf32, #tpu.memory_space<vmem>> -> memref<1x128x64xf32, #tpu.memory_space<vmem>>
    %dma_wait3A_460 = tpu.memref_squeeze %dma_wait3A_459 : memref<1x128x64xf32, #tpu.memory_space<vmem>> -> memref<128x64xf32, #tpu.memory_space<vmem>>
    %dma_wait3A_461 = arith.constant 0 : i32
    %dma_wait3A_462 = arith.constant 0 : i32
    %dma_wait3A_463 = tpu.memref_slice %arg3[%dma_wait3A_461, %dma_wait3A_462] : memref<1000000x64xf32, #tpu.memory_space<hbm>> -> memref<128x64xf32, #tpu.memory_space<hbm>>
    %dma_wait3A_464 = tpu.memref_slice %arg9[%dma_wait3A_456] : memref<5x!tpu.dma_semaphore, #tpu.memory_space<semaphore_mem>> -> memref<1x!tpu.dma_semaphore, #tpu.memory_space<semaphore_mem>>
    %dma_wait3A_465 = tpu.memref_squeeze %dma_wait3A_464 : memref<1x!tpu.dma_semaphore, #tpu.memory_space<semaphore_mem>> -> memref<!tpu.dma_semaphore, #tpu.memory_space<semaphore_mem>>
    %dma_wait3A_466 = arith.constant 0 : i32
    %dma_wait3A_467 = arith.constant 0 : i32
    %dma_wait3A_468 = tpu.memref_slice %arg7[%dma_wait3A_455, %dma_wait3A_466, %dma_wait3A_467] : memref<5x128x64xf32, #tpu.memory_space<vmem>> -> memref<1x128x64xf32, #tpu.memory_space<vmem>>
    %dma_wait3A_469 = tpu.memref_squeeze %dma_wait3A_468 : memref<1x128x64xf32, #tpu.memory_space<vmem>> -> memref<128x64xf32, #tpu.memory_space<vmem>>
    %dma_wait3A_470 = arith.constant 0 : i32
    %dma_wait3A_471 = arith.constant 0 : i32
    %dma_wait3A_472 = tpu.memref_slice %arg3[%dma_wait3A_470, %dma_wait3A_471] : memref<1000000x64xf32, #tpu.memory_space<hbm>> -> memref<128x64xf32, #tpu.memory_space<hbm>>
    tpu.wait_dma2 semaphore(%dma_wait3A_465 : memref<!tpu.dma_semaphore, #tpu.memory_space<semaphore_mem>>) src(%dma_wait3A_472 : memref<128x64xf32, #tpu.memory_space<hbm>>) dst(%dma_wait3A_469 : memref<128x64xf32, #tpu.memory_space<vmem>>)
    %dma_wait3A_473 = arith.constant 4 : i32
    %dma_wait3A_474 = arith.constant 4 : i32
    %dma_wait3A_475 = arith.constant 0 : i32
    %dma_wait3A_476 = tpu.memref_slice %arg8[%dma_wait3A_473, %dma_wait3A_475] : memref<5x8192xf32, #tpu.memory_space<vmem>> -> memref<1x8192xf32, #tpu.memory_space<vmem>>
    %dma_wait3A_477 = tpu.memref_squeeze %dma_wait3A_476 : memref<1x8192xf32, #tpu.memory_space<vmem>> -> memref<8192xf32, #tpu.memory_space<vmem>>
    %dma_wait3A_478 = arith.constant 0 : i32
    %dma_wait3A_479 = tpu.memref_slice %arg4[%dma_wait3A_478] : memref<13107200xf32, #tpu.memory_space<hbm>> -> memref<8192xf32, #tpu.memory_space<hbm>>
    %dma_wait3A_480 = tpu.memref_slice %arg10[%dma_wait3A_474] : memref<5x!tpu.dma_semaphore, #tpu.memory_space<semaphore_mem>> -> memref<1x!tpu.dma_semaphore, #tpu.memory_space<semaphore_mem>>
    %dma_wait3A_481 = tpu.memref_squeeze %dma_wait3A_480 : memref<1x!tpu.dma_semaphore, #tpu.memory_space<semaphore_mem>> -> memref<!tpu.dma_semaphore, #tpu.memory_space<semaphore_mem>>
    %dma_wait3A_482 = arith.constant 0 : i32
    %dma_wait3A_483 = tpu.memref_slice %arg8[%dma_wait3A_473, %dma_wait3A_482] : memref<5x8192xf32, #tpu.memory_space<vmem>> -> memref<1x8192xf32, #tpu.memory_space<vmem>>
    %dma_wait3A_484 = tpu.memref_squeeze %dma_wait3A_483 : memref<1x8192xf32, #tpu.memory_space<vmem>> -> memref<8192xf32, #tpu.memory_space<vmem>>
    %dma_wait3A_485 = arith.constant 0 : i32
    %dma_wait3A_486 = tpu.memref_slice %arg4[%dma_wait3A_485] : memref<13107200xf32, #tpu.memory_space<hbm>> -> memref<8192xf32, #tpu.memory_space<hbm>>
    tpu.wait_dma2 semaphore(%dma_wait3A_481 : memref<!tpu.dma_semaphore, #tpu.memory_space<semaphore_mem>>) src(%dma_wait3A_486 : memref<8192xf32, #tpu.memory_space<hbm>>) dst(%dma_wait3A_484 : memref<8192xf32, #tpu.memory_space<vmem>>)
    %scan3A_487 = arith.constant 0 : i32
    %scan3A_488 = arith.constant 128 : i32
    %scan3A_489 = arith.addi %scan3A_487, %scan3A_488 : i32
    %scan3A_490 = arith.constant 4 : i32
    scf.for %scan3A_529 = %scan3A_487 to %scan3A_489 step %scan3A_490  : i32 {
      %mul3A_530 = arith.constant 1 : i32
      %mul3A_531 = arith.muli %scan3A_529, %mul3A_530 : i32
      %add3A_532 = arith.constant 0 : i32
      %add3A_533 = arith.addi %add3A_532, %mul3A_531 : i32
      %mul3A_534 = arith.constant 64 : i32
      %mul3A_535 = arith.muli %add3A_533, %mul3A_534 : i32
      %add3A_536 = arith.constant 0 : i32
      %add3A_537 = arith.addi %mul3A_535, %add3A_536 : i32
      %multiple_of3A_538 = tpu.assume_multiple %add3A_537, 16 : i32
      %get3A = arith.constant 4 : i32
      %get3A_539 = arith.index_cast %get3A : i32 to index
      %get3A_540 = arith.index_cast %add3A_533 : i32 to index
      %get3A_541 = arith.constant 0 : index
      %get3A_542 = tpu.vector_load %arg7[%get3A_539, %get3A_540, %get3A_541] {strides = array<i32>} : memref<5x128x64xf32, #tpu.memory_space<vmem>>, vector<16xf32>,
      %get3A_543 = arith.constant 4 : i32
      %get3A_544 = arith.index_cast %get3A_543 : i32 to index
      %get3A_545 = arith.index_cast %multiple_of3A_538 : i32 to index
      %get3A_546 = tpu.vector_load %arg8[%get3A_544, %get3A_545] {strides = array<i32>} : memref<5x8192xf32, #tpu.memory_space<vmem>>, vector<16xf32>,
      %add3A_547 = arith.addf %get3A_542, %get3A_546 : vector<16xf32>
      %swap3A = arith.constant 4 : i32
      %swap3A_548 = arith.index_cast %swap3A : i32 to index
      %swap3A_549 = arith.index_cast %add3A_533 : i32 to index
      %swap3A_550 = arith.constant 0 : index
      %swap3A_551 = tpu.vector_load %arg7[%swap3A_548, %swap3A_549, %swap3A_550] {strides = array<i32>} : memref<5x128x64xf32, #tpu.memory_space<vmem>>, vector<16xf32>,
      tpu.vector_store %arg7[%swap3A_548, %swap3A_549, %swap3A_550], %add3A_547 {strides = array<i32>} : memref<5x128x64xf32, #tpu.memory_space<vmem>>, vector<16xf32>,
      %mul3A_552 = arith.constant 64 : i32
      %mul3A_553 = arith.muli %add3A_533, %mul3A_552 : i32
      %add3A_554 = arith.constant 16 : i32
      %add3A_555 = arith.addi %mul3A_553, %add3A_554 : i32
      %multiple_of3A_556 = tpu.assume_multiple %add3A_555, 16 : i32
      %get3A_557 = arith.constant 4 : i32
      %get3A_558 = arith.index_cast %get3A_557 : i32 to index
      %get3A_559 = arith.index_cast %add3A_533 : i32 to index
      %get3A_560 = arith.constant 16 : index
      %get3A_561 = tpu.vector_load %arg7[%get3A_558, %get3A_559, %get3A_560] {strides = array<i32>} : memref<5x128x64xf32, #tpu.memory_space<vmem>>, vector<16xf32>,
      %get3A_562 = arith.constant 4 : i32
      %get3A_563 = arith.index_cast %get3A_562 : i32 to index
      %get3A_564 = arith.index_cast %multiple_of3A_556 : i32 to index
      %get3A_565 = tpu.vector_load %arg8[%get3A_563, %get3A_564] {strides = array<i32>} : memref<5x8192xf32, #tpu.memory_space<vmem>>, vector<16xf32>,
      %add3A_566 = arith.addf %get3A_561, %get3A_565 : vector<16xf32>
      %swap3A_567 = arith.constant 4 : i32
      %swap3A_568 = arith.index_cast %swap3A_567 : i32 to index
      %swap3A_569 = arith.index_cast %add3A_533 : i32 to index
      %swap3A_570 = arith.constant 16 : index
      %swap3A_571 = tpu.vector_load %arg7[%swap3A_568, %swap3A_569, %swap3A_570] {strides = array<i32>} : memref<5x128x64xf32, #tpu.memory_space<vmem>>, vector<16xf32>,
      tpu.vector_store %arg7[%swap3A_568, %swap3A_569, %swap3A_570], %add3A_566 {strides = array<i32>} : memref<5x128x64xf32, #tpu.memory_space<vmem>>, vector<16xf32>,
      %mul3A_572 = arith.constant 64 : i32
      %mul3A_573 = arith.muli %add3A_533, %mul3A_572 : i32
      %add3A_574 = arith.constant 32 : i32
      %add3A_575 = arith.addi %mul3A_573, %add3A_574 : i32
      %multiple_of3A_576 = tpu.assume_multiple %add3A_575, 16 : i32
      %get3A_577 = arith.constant 4 : i32
      %get3A_578 = arith.index_cast %get3A_577 : i32 to index
      %get3A_579 = arith.index_cast %add3A_533 : i32 to index
      %get3A_580 = arith.constant 32 : index
      %get3A_581 = tpu.vector_load %arg7[%get3A_578, %get3A_579, %get3A_580] {strides = array<i32>} : memref<5x128x64xf32, #tpu.memory_space<vmem>>, vector<16xf32>,
      %get3A_582 = arith.constant 4 : i32
      %get3A_583 = arith.index_cast %get3A_582 : i32 to index
      %get3A_584 = arith.index_cast %multiple_of3A_576 : i32 to index
      %get3A_585 = tpu.vector_load %arg8[%get3A_583, %get3A_584] {strides = array<i32>} : memref<5x8192xf32, #tpu.memory_space<vmem>>, vector<16xf32>,
      %add3A_586 = arith.addf %get3A_581, %get3A_585 : vector<16xf32>
      %swap3A_587 = arith.constant 4 : i32
      %swap3A_588 = arith.index_cast %swap3A_587 : i32 to index
      %swap3A_589 = arith.index_cast %add3A_533 : i32 to index
      %swap3A_590 = arith.constant 32 : index
      %swap3A_591 = tpu.vector_load %arg7[%swap3A_588, %swap3A_589, %swap3A_590] {strides = array<i32>} : memref<5x128x64xf32, #tpu.memory_space<vmem>>, vector<16xf32>,
      tpu.vector_store %arg7[%swap3A_588, %swap3A_589, %swap3A_590], %add3A_586 {strides = array<i32>} : memref<5x128x64xf32, #tpu.memory_space<vmem>>, vector<16xf32>,
      %mul3A_592 = arith.constant 64 : i32
      %mul3A_593 = arith.muli %add3A_533, %mul3A_592 : i32
      %add3A_594 = arith.constant 48 : i32
      %add3A_595 = arith.addi %mul3A_593, %add3A_594 : i32
      %multiple_of3A_596 = tpu.assume_multiple %add3A_595, 16 : i32
      %get3A_597 = arith.constant 4 : i32
      %get3A_598 = arith.index_cast %get3A_597 : i32 to index
      %get3A_599 = arith.index_cast %add3A_533 : i32 to index
      %get3A_600 = arith.constant 48 : index
      %get3A_601 = tpu.vector_load %arg7[%get3A_598, %get3A_599, %get3A_600] {strides = array<i32>} : memref<5x128x64xf32, #tpu.memory_space<vmem>>, vector<16xf32>,
      %get3A_602 = arith.constant 4 : i32
      %get3A_603 = arith.index_cast %get3A_602 : i32 to index
      %get3A_604 = arith.index_cast %multiple_of3A_596 : i32 to index
      %get3A_605 = tpu.vector_load %arg8[%get3A_603, %get3A_604] {strides = array<i32>} : memref<5x8192xf32, #tpu.memory_space<vmem>>, vector<16xf32>,
      %add3A_606 = arith.addf %get3A_601, %get3A_605 : vector<16xf32>
      %swap3A_607 = arith.constant 4 : i32
      %swap3A_608 = arith.index_cast %swap3A_607 : i32 to index
      %swap3A_609 = arith.index_cast %add3A_533 : i32 to index
      %swap3A_610 = arith.constant 48 : index
      %swap3A_611 = tpu.vector_load %arg7[%swap3A_608, %swap3A_609, %swap3A_610] {strides = array<i32>} : memref<5x128x64xf32, #tpu.memory_space<vmem>>, vector<16xf32>,
      tpu.vector_store %arg7[%swap3A_608, %swap3A_609, %swap3A_610], %add3A_606 {strides = array<i32>} : memref<5x128x64xf32, #tpu.memory_space<vmem>>, vector<16xf32>,
      %scan3A_612 = arith.constant 1 : i32
      %scan3A_613 = arith.addi %scan3A_529, %scan3A_612 : i32
      %mul3A_614 = arith.constant 1 : i32
      %mul3A_615 = arith.muli %scan3A_613, %mul3A_614 : i32
      %add3A_616 = arith.constant 0 : i32
      %add3A_617 = arith.addi %add3A_616, %mul3A_615 : i32
      %mul3A_618 = arith.constant 64 : i32
      %mul3A_619 = arith.muli %add3A_617, %mul3A_618 : i32
      %add3A_620 = arith.constant 0 : i32
      %add3A_621 = arith.addi %mul3A_619, %add3A_620 : i32
      %multiple_of3A_622 = tpu.assume_multiple %add3A_621, 16 : i32
      %get3A_623 = arith.constant 4 : i32
      %get3A_624 = arith.index_cast %get3A_623 : i32 to index
      %get3A_625 = arith.index_cast %add3A_617 : i32 to index
      %get3A_626 = arith.constant 0 : index
      %get3A_627 = tpu.vector_load %arg7[%get3A_624, %get3A_625, %get3A_626] {strides = array<i32>} : memref<5x128x64xf32, #tpu.memory_space<vmem>>, vector<16xf32>,
      %get3A_628 = arith.constant 4 : i32
      %get3A_629 = arith.index_cast %get3A_628 : i32 to index
      %get3A_630 = arith.index_cast %multiple_of3A_622 : i32 to index
      %get3A_631 = tpu.vector_load %arg8[%get3A_629, %get3A_630] {strides = array<i32>} : memref<5x8192xf32, #tpu.memory_space<vmem>>, vector<16xf32>,
      %add3A_632 = arith.addf %get3A_627, %get3A_631 : vector<16xf32>
      %swap3A_633 = arith.constant 4 : i32
      %swap3A_634 = arith.index_cast %swap3A_633 : i32 to index
      %swap3A_635 = arith.index_cast %add3A_617 : i32 to index
      %swap3A_636 = arith.constant 0 : index
      %swap3A_637 = tpu.vector_load %arg7[%swap3A_634, %swap3A_635, %swap3A_636] {strides = array<i32>} : memref<5x128x64xf32, #tpu.memory_space<vmem>>, vector<16xf32>,
      tpu.vector_store %arg7[%swap3A_634, %swap3A_635, %swap3A_636], %add3A_632 {strides = array<i32>} : memref<5x128x64xf32, #tpu.memory_space<vmem>>, vector<16xf32>,
      %mul3A_638 = arith.constant 64 : i32
      %mul3A_639 = arith.muli %add3A_617, %mul3A_638 : i32
      %add3A_640 = arith.constant 16 : i32
      %add3A_641 = arith.addi %mul3A_639, %add3A_640 : i32
      %multiple_of3A_642 = tpu.assume_multiple %add3A_641, 16 : i32
      %get3A_643 = arith.constant 4 : i32
      %get3A_644 = arith.index_cast %get3A_643 : i32 to index
      %get3A_645 = arith.index_cast %add3A_617 : i32 to index
      %get3A_646 = arith.constant 16 : index
      %get3A_647 = tpu.vector_load %arg7[%get3A_644, %get3A_645, %get3A_646] {strides = array<i32>} : memref<5x128x64xf32, #tpu.memory_space<vmem>>, vector<16xf32>,
      %get3A_648 = arith.constant 4 : i32
      %get3A_649 = arith.index_cast %get3A_648 : i32 to index
      %get3A_650 = arith.index_cast %multiple_of3A_642 : i32 to index
      %get3A_651 = tpu.vector_load %arg8[%get3A_649, %get3A_650] {strides = array<i32>} : memref<5x8192xf32, #tpu.memory_space<vmem>>, vector<16xf32>,
      %add3A_652 = arith.addf %get3A_647, %get3A_651 : vector<16xf32>
      %swap3A_653 = arith.constant 4 : i32
      %swap3A_654 = arith.index_cast %swap3A_653 : i32 to index
      %swap3A_655 = arith.index_cast %add3A_617 : i32 to index
      %swap3A_656 = arith.constant 16 : index
      %swap3A_657 = tpu.vector_load %arg7[%swap3A_654, %swap3A_655, %swap3A_656] {strides = array<i32>} : memref<5x128x64xf32, #tpu.memory_space<vmem>>, vector<16xf32>,
      tpu.vector_store %arg7[%swap3A_654, %swap3A_655, %swap3A_656], %add3A_652 {strides = array<i32>} : memref<5x128x64xf32, #tpu.memory_space<vmem>>, vector<16xf32>,
      %mul3A_658 = arith.constant 64 : i32
      %mul3A_659 = arith.muli %add3A_617, %mul3A_658 : i32
      %add3A_660 = arith.constant 32 : i32
      %add3A_661 = arith.addi %mul3A_659, %add3A_660 : i32
      %multiple_of3A_662 = tpu.assume_multiple %add3A_661, 16 : i32
      %get3A_663 = arith.constant 4 : i32
      %get3A_664 = arith.index_cast %get3A_663 : i32 to index
      %get3A_665 = arith.index_cast %add3A_617 : i32 to index
      %get3A_666 = arith.constant 32 : index
      %get3A_667 = tpu.vector_load %arg7[%get3A_664, %get3A_665, %get3A_666] {strides = array<i32>} : memref<5x128x64xf32, #tpu.memory_space<vmem>>, vector<16xf32>,
      %get3A_668 = arith.constant 4 : i32
      %get3A_669 = arith.index_cast %get3A_668 : i32 to index
      %get3A_670 = arith.index_cast %multiple_of3A_662 : i32 to index
      %get3A_671 = tpu.vector_load %arg8[%get3A_669, %get3A_670] {strides = array<i32>} : memref<5x8192xf32, #tpu.memory_space<vmem>>, vector<16xf32>,
      %add3A_672 = arith.addf %get3A_667, %get3A_671 : vector<16xf32>
      %swap3A_673 = arith.constant 4 : i32
      %swap3A_674 = arith.index_cast %swap3A_673 : i32 to index
      %swap3A_675 = arith.index_cast %add3A_617 : i32 to index
      %swap3A_676 = arith.constant 32 : index
      %swap3A_677 = tpu.vector_load %arg7[%swap3A_674, %swap3A_675, %swap3A_676] {strides = array<i32>} : memref<5x128x64xf32, #tpu.memory_space<vmem>>, vector<16xf32>,
      tpu.vector_store %arg7[%swap3A_674, %swap3A_675, %swap3A_676], %add3A_672 {strides = array<i32>} : memref<5x128x64xf32, #tpu.memory_space<vmem>>, vector<16xf32>,
      %mul3A_678 = arith.constant 64 : i32
      %mul3A_679 = arith.muli %add3A_617, %mul3A_678 : i32
      %add3A_680 = arith.constant 48 : i32
      %add3A_681 = arith.addi %mul3A_679, %add3A_680 : i32
      %multiple_of3A_682 = tpu.assume_multiple %add3A_681, 16 : i32
      %get3A_683 = arith.constant 4 : i32
      %get3A_684 = arith.index_cast %get3A_683 : i32 to index
      %get3A_685 = arith.index_cast %add3A_617 : i32 to index
      %get3A_686 = arith.constant 48 : index
      %get3A_687 = tpu.vector_load %arg7[%get3A_684, %get3A_685, %get3A_686] {strides = array<i32>} : memref<5x128x64xf32, #tpu.memory_space<vmem>>, vector<16xf32>,
      %get3A_688 = arith.constant 4 : i32
      %get3A_689 = arith.index_cast %get3A_688 : i32 to index
      %get3A_690 = arith.index_cast %multiple_of3A_682 : i32 to index
      %get3A_691 = tpu.vector_load %arg8[%get3A_689, %get3A_690] {strides = array<i32>} : memref<5x8192xf32, #tpu.memory_space<vmem>>, vector<16xf32>,
      %add3A_692 = arith.addf %get3A_687, %get3A_691 : vector<16xf32>
      %swap3A_693 = arith.constant 4 : i32
      %swap3A_694 = arith.index_cast %swap3A_693 : i32 to index
      %swap3A_695 = arith.index_cast %add3A_617 : i32 to index
      %swap3A_696 = arith.constant 48 : index
      %swap3A_697 = tpu.vector_load %arg7[%swap3A_694, %swap3A_695, %swap3A_696] {strides = array<i32>} : memref<5x128x64xf32, #tpu.memory_space<vmem>>, vector<16xf32>,
      tpu.vector_store %arg7[%swap3A_694, %swap3A_695, %swap3A_696], %add3A_692 {strides = array<i32>} : memref<5x128x64xf32, #tpu.memory_space<vmem>>, vector<16xf32>,
      %scan3A_698 = arith.constant 2 : i32
      %scan3A_699 = arith.addi %scan3A_529, %scan3A_698 : i32
      %mul3A_700 = arith.constant 1 : i32
      %mul3A_701 = arith.muli %scan3A_699, %mul3A_700 : i32
      %add3A_702 = arith.constant 0 : i32
      %add3A_703 = arith.addi %add3A_702, %mul3A_701 : i32
      %mul3A_704 = arith.constant 64 : i32
      %mul3A_705 = arith.muli %add3A_703, %mul3A_704 : i32
      %add3A_706 = arith.constant 0 : i32
      %add3A_707 = arith.addi %mul3A_705, %add3A_706 : i32
      %multiple_of3A_708 = tpu.assume_multiple %add3A_707, 16 : i32
      %get3A_709 = arith.constant 4 : i32
      %get3A_710 = arith.index_cast %get3A_709 : i32 to index
      %get3A_711 = arith.index_cast %add3A_703 : i32 to index
      %get3A_712 = arith.constant 0 : index
      %get3A_713 = tpu.vector_load %arg7[%get3A_710, %get3A_711, %get3A_712] {strides = array<i32>} : memref<5x128x64xf32, #tpu.memory_space<vmem>>, vector<16xf32>,
      %get3A_714 = arith.constant 4 : i32
      %get3A_715 = arith.index_cast %get3A_714 : i32 to index
      %get3A_716 = arith.index_cast %multiple_of3A_708 : i32 to index
      %get3A_717 = tpu.vector_load %arg8[%get3A_715, %get3A_716] {strides = array<i32>} : memref<5x8192xf32, #tpu.memory_space<vmem>>, vector<16xf32>,
      %add3A_718 = arith.addf %get3A_713, %get3A_717 : vector<16xf32>
      %swap3A_719 = arith.constant 4 : i32
      %swap3A_720 = arith.index_cast %swap3A_719 : i32 to index
      %swap3A_721 = arith.index_cast %add3A_703 : i32 to index
      %swap3A_722 = arith.constant 0 : index
      %swap3A_723 = tpu.vector_load %arg7[%swap3A_720, %swap3A_721, %swap3A_722] {strides = array<i32>} : memref<5x128x64xf32, #tpu.memory_space<vmem>>, vector<16xf32>,
      tpu.vector_store %arg7[%swap3A_720, %swap3A_721, %swap3A_722], %add3A_718 {strides = array<i32>} : memref<5x128x64xf32, #tpu.memory_space<vmem>>, vector<16xf32>,
      %mul3A_724 = arith.constant 64 : i32
      %mul3A_725 = arith.muli %add3A_703, %mul3A_724 : i32
      %add3A_726 = arith.constant 16 : i32
      %add3A_727 = arith.addi %mul3A_725, %add3A_726 : i32
      %multiple_of3A_728 = tpu.assume_multiple %add3A_727, 16 : i32
      %get3A_729 = arith.constant 4 : i32
      %get3A_730 = arith.index_cast %get3A_729 : i32 to index
      %get3A_731 = arith.index_cast %add3A_703 : i32 to index
      %get3A_732 = arith.constant 16 : index
      %get3A_733 = tpu.vector_load %arg7[%get3A_730, %get3A_731, %get3A_732] {strides = array<i32>} : memref<5x128x64xf32, #tpu.memory_space<vmem>>, vector<16xf32>,
      %get3A_734 = arith.constant 4 : i32
      %get3A_735 = arith.index_cast %get3A_734 : i32 to index
      %get3A_736 = arith.index_cast %multiple_of3A_728 : i32 to index
      %get3A_737 = tpu.vector_load %arg8[%get3A_735, %get3A_736] {strides = array<i32>} : memref<5x8192xf32, #tpu.memory_space<vmem>>, vector<16xf32>,
      %add3A_738 = arith.addf %get3A_733, %get3A_737 : vector<16xf32>
      %swap3A_739 = arith.constant 4 : i32
      %swap3A_740 = arith.index_cast %swap3A_739 : i32 to index
      %swap3A_741 = arith.index_cast %add3A_703 : i32 to index
      %swap3A_742 = arith.constant 16 : index
      %swap3A_743 = tpu.vector_load %arg7[%swap3A_740, %swap3A_741, %swap3A_742] {strides = array<i32>} : memref<5x128x64xf32, #tpu.memory_space<vmem>>, vector<16xf32>,
      tpu.vector_store %arg7[%swap3A_740, %swap3A_741, %swap3A_742], %add3A_738 {strides = array<i32>} : memref<5x128x64xf32, #tpu.memory_space<vmem>>, vector<16xf32>,
      %mul3A_744 = arith.constant 64 : i32
      %mul3A_745 = arith.muli %add3A_703, %mul3A_744 : i32
      %add3A_746 = arith.constant 32 : i32
      %add3A_747 = arith.addi %mul3A_745, %add3A_746 : i32
      %multiple_of3A_748 = tpu.assume_multiple %add3A_747, 16 : i32
      %get3A_749 = arith.constant 4 : i32
      %get3A_750 = arith.index_cast %get3A_749 : i32 to index
      %get3A_751 = arith.index_cast %add3A_703 : i32 to index
      %get3A_752 = arith.constant 32 : index
      %get3A_753 = tpu.vector_load %arg7[%get3A_750, %get3A_751, %get3A_752] {strides = array<i32>} : memref<5x128x64xf32, #tpu.memory_space<vmem>>, vector<16xf32>,
      %get3A_754 = arith.constant 4 : i32
      %get3A_755 = arith.index_cast %get3A_754 : i32 to index
      %get3A_756 = arith.index_cast %multiple_of3A_748 : i32 to index
      %get3A_757 = tpu.vector_load %arg8[%get3A_755, %get3A_756] {strides = array<i32>} : memref<5x8192xf32, #tpu.memory_space<vmem>>, vector<16xf32>,
      %add3A_758 = arith.addf %get3A_753, %get3A_757 : vector<16xf32>
      %swap3A_759 = arith.constant 4 : i32
      %swap3A_760 = arith.index_cast %swap3A_759 : i32 to index
      %swap3A_761 = arith.index_cast %add3A_703 : i32 to index
      %swap3A_762 = arith.constant 32 : index
      %swap3A_763 = tpu.vector_load %arg7[%swap3A_760, %swap3A_761, %swap3A_762] {strides = array<i32>} : memref<5x128x64xf32, #tpu.memory_space<vmem>>, vector<16xf32>,
      tpu.vector_store %arg7[%swap3A_760, %swap3A_761, %swap3A_762], %add3A_758 {strides = array<i32>} : memref<5x128x64xf32, #tpu.memory_space<vmem>>, vector<16xf32>,
      %mul3A_764 = arith.constant 64 : i32
      %mul3A_765 = arith.muli %add3A_703, %mul3A_764 : i32
      %add3A_766 = arith.constant 48 : i32
      %add3A_767 = arith.addi %mul3A_765, %add3A_766 : i32
      %multiple_of3A_768 = tpu.assume_multiple %add3A_767, 16 : i32
      %get3A_769 = arith.constant 4 : i32
      %get3A_770 = arith.index_cast %get3A_769 : i32 to index
      %get3A_771 = arith.index_cast %add3A_703 : i32 to index
      %get3A_772 = arith.constant 48 : index
      %get3A_773 = tpu.vector_load %arg7[%get3A_770, %get3A_771, %get3A_772] {strides = array<i32>} : memref<5x128x64xf32, #tpu.memory_space<vmem>>, vector<16xf32>,
      %get3A_774 = arith.constant 4 : i32
      %get3A_775 = arith.index_cast %get3A_774 : i32 to index
      %get3A_776 = arith.index_cast %multiple_of3A_768 : i32 to index
      %get3A_777 = tpu.vector_load %arg8[%get3A_775, %get3A_776] {strides = array<i32>} : memref<5x8192xf32, #tpu.memory_space<vmem>>, vector<16xf32>,
      %add3A_778 = arith.addf %get3A_773, %get3A_777 : vector<16xf32>
      %swap3A_779 = arith.constant 4 : i32
      %swap3A_780 = arith.index_cast %swap3A_779 : i32 to index
      %swap3A_781 = arith.index_cast %add3A_703 : i32 to index
      %swap3A_782 = arith.constant 48 : index
      %swap3A_783 = tpu.vector_load %arg7[%swap3A_780, %swap3A_781, %swap3A_782] {strides = array<i32>} : memref<5x128x64xf32, #tpu.memory_space<vmem>>, vector<16xf32>,
      tpu.vector_store %arg7[%swap3A_780, %swap3A_781, %swap3A_782], %add3A_778 {strides = array<i32>} : memref<5x128x64xf32, #tpu.memory_space<vmem>>, vector<16xf32>,
      %scan3A_784 = arith.constant 3 : i32
      %scan3A_785 = arith.addi %scan3A_529, %scan3A_784 : i32
      %mul3A_786 = arith.constant 1 : i32
      %mul3A_787 = arith.muli %scan3A_785, %mul3A_786 : i32
      %add3A_788 = arith.constant 0 : i32
      %add3A_789 = arith.addi %add3A_788, %mul3A_787 : i32
      %mul3A_790 = arith.constant 64 : i32
      %mul3A_791 = arith.muli %add3A_789, %mul3A_790 : i32
      %add3A_792 = arith.constant 0 : i32
      %add3A_793 = arith.addi %mul3A_791, %add3A_792 : i32
      %multiple_of3A_794 = tpu.assume_multiple %add3A_793, 16 : i32
      %get3A_795 = arith.constant 4 : i32
      %get3A_796 = arith.index_cast %get3A_795 : i32 to index
      %get3A_797 = arith.index_cast %add3A_789 : i32 to index
      %get3A_798 = arith.constant 0 : index
      %get3A_799 = tpu.vector_load %arg7[%get3A_796, %get3A_797, %get3A_798] {strides = array<i32>} : memref<5x128x64xf32, #tpu.memory_space<vmem>>, vector<16xf32>,
      %get3A_800 = arith.constant 4 : i32
      %get3A_801 = arith.index_cast %get3A_800 : i32 to index
      %get3A_802 = arith.index_cast %multiple_of3A_794 : i32 to index
      %get3A_803 = tpu.vector_load %arg8[%get3A_801, %get3A_802] {strides = array<i32>} : memref<5x8192xf32, #tpu.memory_space<vmem>>, vector<16xf32>,
      %add3A_804 = arith.addf %get3A_799, %get3A_803 : vector<16xf32>
      %swap3A_805 = arith.constant 4 : i32
      %swap3A_806 = arith.index_cast %swap3A_805 : i32 to index
      %swap3A_807 = arith.index_cast %add3A_789 : i32 to index
      %swap3A_808 = arith.constant 0 : index
      %swap3A_809 = tpu.vector_load %arg7[%swap3A_806, %swap3A_807, %swap3A_808] {strides = array<i32>} : memref<5x128x64xf32, #tpu.memory_space<vmem>>, vector<16xf32>,
      tpu.vector_store %arg7[%swap3A_806, %swap3A_807, %swap3A_808], %add3A_804 {strides = array<i32>} : memref<5x128x64xf32, #tpu.memory_space<vmem>>, vector<16xf32>,
      %mul3A_810 = arith.constant 64 : i32
      %mul3A_811 = arith.muli %add3A_789, %mul3A_810 : i32
      %add3A_812 = arith.constant 16 : i32
      %add3A_813 = arith.addi %mul3A_811, %add3A_812 : i32
      %multiple_of3A_814 = tpu.assume_multiple %add3A_813, 16 : i32
      %get3A_815 = arith.constant 4 : i32
      %get3A_816 = arith.index_cast %get3A_815 : i32 to index
      %get3A_817 = arith.index_cast %add3A_789 : i32 to index
      %get3A_818 = arith.constant 16 : index
      %get3A_819 = tpu.vector_load %arg7[%get3A_816, %get3A_817, %get3A_818] {strides = array<i32>} : memref<5x128x64xf32, #tpu.memory_space<vmem>>, vector<16xf32>,
      %get3A_820 = arith.constant 4 : i32
      %get3A_821 = arith.index_cast %get3A_820 : i32 to index
      %get3A_822 = arith.index_cast %multiple_of3A_814 : i32 to index
      %get3A_823 = tpu.vector_load %arg8[%get3A_821, %get3A_822] {strides = array<i32>} : memref<5x8192xf32, #tpu.memory_space<vmem>>, vector<16xf32>,
      %add3A_824 = arith.addf %get3A_819, %get3A_823 : vector<16xf32>
      %swap3A_825 = arith.constant 4 : i32
      %swap3A_826 = arith.index_cast %swap3A_825 : i32 to index
      %swap3A_827 = arith.index_cast %add3A_789 : i32 to index
      %swap3A_828 = arith.constant 16 : index
      %swap3A_829 = tpu.vector_load %arg7[%swap3A_826, %swap3A_827, %swap3A_828] {strides = array<i32>} : memref<5x128x64xf32, #tpu.memory_space<vmem>>, vector<16xf32>,
      tpu.vector_store %arg7[%swap3A_826, %swap3A_827, %swap3A_828], %add3A_824 {strides = array<i32>} : memref<5x128x64xf32, #tpu.memory_space<vmem>>, vector<16xf32>,
      %mul3A_830 = arith.constant 64 : i32
      %mul3A_831 = arith.muli %add3A_789, %mul3A_830 : i32
      %add3A_832 = arith.constant 32 : i32
      %add3A_833 = arith.addi %mul3A_831, %add3A_832 : i32
      %multiple_of3A_834 = tpu.assume_multiple %add3A_833, 16 : i32
      %get3A_835 = arith.constant 4 : i32
      %get3A_836 = arith.index_cast %get3A_835 : i32 to index
      %get3A_837 = arith.index_cast %add3A_789 : i32 to index
      %get3A_838 = arith.constant 32 : index
      %get3A_839 = tpu.vector_load %arg7[%get3A_836, %get3A_837, %get3A_838] {strides = array<i32>} : memref<5x128x64xf32, #tpu.memory_space<vmem>>, vector<16xf32>,
      %get3A_840 = arith.constant 4 : i32
      %get3A_841 = arith.index_cast %get3A_840 : i32 to index
      %get3A_842 = arith.index_cast %multiple_of3A_834 : i32 to index
      %get3A_843 = tpu.vector_load %arg8[%get3A_841, %get3A_842] {strides = array<i32>} : memref<5x8192xf32, #tpu.memory_space<vmem>>, vector<16xf32>,
      %add3A_844 = arith.addf %get3A_839, %get3A_843 : vector<16xf32>
      %swap3A_845 = arith.constant 4 : i32
      %swap3A_846 = arith.index_cast %swap3A_845 : i32 to index
      %swap3A_847 = arith.index_cast %add3A_789 : i32 to index
      %swap3A_848 = arith.constant 32 : index
      %swap3A_849 = tpu.vector_load %arg7[%swap3A_846, %swap3A_847, %swap3A_848] {strides = array<i32>} : memref<5x128x64xf32, #tpu.memory_space<vmem>>, vector<16xf32>,
      tpu.vector_store %arg7[%swap3A_846, %swap3A_847, %swap3A_848], %add3A_844 {strides = array<i32>} : memref<5x128x64xf32, #tpu.memory_space<vmem>>, vector<16xf32>,
      %mul3A_850 = arith.constant 64 : i32
      %mul3A_851 = arith.muli %add3A_789, %mul3A_850 : i32
      %add3A_852 = arith.constant 48 : i32
      %add3A_853 = arith.addi %mul3A_851, %add3A_852 : i32
      %multiple_of3A_854 = tpu.assume_multiple %add3A_853, 16 : i32
      %get3A_855 = arith.constant 4 : i32
      %get3A_856 = arith.index_cast %get3A_855 : i32 to index
      %get3A_857 = arith.index_cast %add3A_789 : i32 to index
      %get3A_858 = arith.constant 48 : index
      %get3A_859 = tpu.vector_load %arg7[%get3A_856, %get3A_857, %get3A_858] {strides = array<i32>} : memref<5x128x64xf32, #tpu.memory_space<vmem>>, vector<16xf32>,
      %get3A_860 = arith.constant 4 : i32
      %get3A_861 = arith.index_cast %get3A_860 : i32 to index
      %get3A_862 = arith.index_cast %multiple_of3A_854 : i32 to index
      %get3A_863 = tpu.vector_load %arg8[%get3A_861, %get3A_862] {strides = array<i32>} : memref<5x8192xf32, #tpu.memory_space<vmem>>, vector<16xf32>,
      %add3A_864 = arith.addf %get3A_859, %get3A_863 : vector<16xf32>
      %swap3A_865 = arith.constant 4 : i32
      %swap3A_866 = arith.index_cast %swap3A_865 : i32 to index
      %swap3A_867 = arith.index_cast %add3A_789 : i32 to index
      %swap3A_868 = arith.constant 48 : index
      %swap3A_869 = tpu.vector_load %arg7[%swap3A_866, %swap3A_867, %swap3A_868] {strides = array<i32>} : memref<5x128x64xf32, #tpu.memory_space<vmem>>, vector<16xf32>,
      tpu.vector_store %arg7[%swap3A_866, %swap3A_867, %swap3A_868], %add3A_864 {strides = array<i32>} : memref<5x128x64xf32, #tpu.memory_space<vmem>>, vector<16xf32>,
    }
    %scan3A_491 = arith.constant 128 : i32
    %add3A_492 = arith.constant 6272 : i32
    %add3A_493 = arith.addi %mul3A_2, %add3A_492 : i32
    %multiple_of3A_494 = tpu.assume_multiple %add3A_493, 8 : i32
    %dma_start3A_495 = arith.constant 4 : i32
    %dma_start3A_496 = arith.constant 4 : i32
    %dma_start3A_497 = arith.constant 0 : i32
    %dma_start3A_498 = arith.constant 0 : i32
    %dma_start3A_499 = tpu.memref_slice %arg7[%dma_start3A_495, %dma_start3A_497, %dma_start3A_498] : memref<5x128x64xf32, #tpu.memory_space<vmem>> -> memref<1x128x64xf32, #tpu.memory_space<vmem>>
    %dma_start3A_500 = tpu.memref_squeeze %dma_start3A_499 : memref<1x128x64xf32, #tpu.memory_space<vmem>> -> memref<128x64xf32, #tpu.memory_space<vmem>>
    %dma_start3A_501 = arith.constant 0 : i32
    %dma_start3A_502 = tpu.memref_slice %arg5[%multiple_of3A_494, %dma_start3A_501] : memref<204800x64xf32, #tpu.memory_space<hbm>> -> memref<128x64xf32, #tpu.memory_space<hbm>>
    %dma_start3A_503 = tpu.memref_slice %arg11[%dma_start3A_496] : memref<5x!tpu.dma_semaphore, #tpu.memory_space<semaphore_mem>> -> memref<1x!tpu.dma_semaphore, #tpu.memory_space<semaphore_mem>>
    %dma_start3A_504 = tpu.memref_squeeze %dma_start3A_503 : memref<1x!tpu.dma_semaphore, #tpu.memory_space<semaphore_mem>> -> memref<!tpu.dma_semaphore, #tpu.memory_space<semaphore_mem>>
    %dma_start3A_505 = arith.constant 0 : i32
    %dma_start3A_506 = tpu.memref_slice %arg5[%multiple_of3A_494, %dma_start3A_505] : memref<204800x64xf32, #tpu.memory_space<hbm>> -> memref<128x64xf32, #tpu.memory_space<hbm>>
    %dma_start3A_507 = arith.constant 0 : i32
    %dma_start3A_508 = arith.constant 0 : i32
    %dma_start3A_509 = tpu.memref_slice %arg7[%dma_start3A_495, %dma_start3A_507, %dma_start3A_508] : memref<5x128x64xf32, #tpu.memory_space<vmem>> -> memref<1x128x64xf32, #tpu.memory_space<vmem>>
    %dma_start3A_510 = tpu.memref_squeeze %dma_start3A_509 : memref<1x128x64xf32, #tpu.memory_space<vmem>> -> memref<128x64xf32, #tpu.memory_space<vmem>>
    tpu.enqueue_dma source(%dma_start3A_510 : memref<128x64xf32, #tpu.memory_space<vmem>>) target(%dma_start3A_506 : memref<128x64xf32, #tpu.memory_space<hbm>>) target_semaphore(%dma_start3A_504 : memref<!tpu.dma_semaphore, #tpu.memory_space<semaphore_mem>>)
    %dma_wait3A_511 = arith.constant 4 : i32
    %dma_wait3A_512 = arith.constant 4 : i32
    %dma_wait3A_513 = arith.constant 0 : i32
    %dma_wait3A_514 = arith.constant 0 : i32
    %dma_wait3A_515 = tpu.memref_slice %arg7[%dma_wait3A_511, %dma_wait3A_513, %dma_wait3A_514] : memref<5x128x64xf32, #tpu.memory_space<vmem>> -> memref<1x128x64xf32, #tpu.memory_space<vmem>>
    %dma_wait3A_516 = tpu.memref_squeeze %dma_wait3A_515 : memref<1x128x64xf32, #tpu.memory_space<vmem>> -> memref<128x64xf32, #tpu.memory_space<vmem>>
    %dma_wait3A_517 = arith.constant 0 : i32
    %dma_wait3A_518 = arith.constant 0 : i32
    %dma_wait3A_519 = tpu.memref_slice %arg5[%dma_wait3A_517, %dma_wait3A_518] : memref<204800x64xf32, #tpu.memory_space<hbm>> -> memref<128x64xf32, #tpu.memory_space<hbm>>
    %dma_wait3A_520 = tpu.memref_slice %arg11[%dma_wait3A_512] : memref<5x!tpu.dma_semaphore, #tpu.memory_space<semaphore_mem>> -> memref<1x!tpu.dma_semaphore, #tpu.memory_space<semaphore_mem>>
    %dma_wait3A_521 = tpu.memref_squeeze %dma_wait3A_520 : memref<1x!tpu.dma_semaphore, #tpu.memory_space<semaphore_mem>> -> memref<!tpu.dma_semaphore, #tpu.memory_space<semaphore_mem>>
    %dma_wait3A_522 = arith.constant 0 : i32
    %dma_wait3A_523 = arith.constant 0 : i32
    %dma_wait3A_524 = tpu.memref_slice %arg5[%dma_wait3A_522, %dma_wait3A_523] : memref<204800x64xf32, #tpu.memory_space<hbm>> -> memref<128x64xf32, #tpu.memory_space<hbm>>
    %dma_wait3A_525 = arith.constant 0 : i32
    %dma_wait3A_526 = arith.constant 0 : i32
    %dma_wait3A_527 = tpu.memref_slice %arg7[%dma_wait3A_511, %dma_wait3A_525, %dma_wait3A_526] : memref<5x128x64xf32, #tpu.memory_space<vmem>> -> memref<1x128x64xf32, #tpu.memory_space<vmem>>
    %dma_wait3A_528 = tpu.memref_squeeze %dma_wait3A_527 : memref<1x128x64xf32, #tpu.memory_space<vmem>> -> memref<128x64xf32, #tpu.memory_space<vmem>>
    tpu.wait_dma2 semaphore(%dma_wait3A_521 : memref<!tpu.dma_semaphore, #tpu.memory_space<semaphore_mem>>) src(%dma_wait3A_528 : memref<128x64xf32, #tpu.memory_space<vmem>>) dst(%dma_wait3A_524 : memref<128x64xf32, #tpu.memory_space<hbm>>)
    return
  }
}

module attributes {stable_mosaic.version = 14 : i64} {
  func.func @_noise_body(%arg0: i32, %arg1: memref<2048x128xf32, #tpu.memory_space<vmem>>) attributes {dimension_semantics = [#tpu.dimension_semantics<arbitrary>], iteration_bounds = array<i64: 50>, scalar_prefetch = 0 : i64, scratch_operands = 0 : i64, tpu.core_type = #tpu.core_type<tc>, window_params = [{transform_indices = @transform_0, window_bounds = array<i64: 2048, 128>}]} {
    %mul3A = arith.constant 262144 : i32
    %mul3A_0 = arith.muli %arg0, %mul3A : i32
    %iota3A = tpu.iota {dimensions = array<i32: 0>} : vector<2048x128xi32>
    %iota3A_1 = tpu.iota {dimensions = array<i32: 1>} : vector<2048x128xi32>
    %mul3A_2 = arith.constant 128 : i32
    %mul3A_3 = vector.broadcast %mul3A_2 : i32 to vector<2048x128xi32>
    %mul3A_4 = arith.muli %iota3A, %mul3A_3 : vector<2048x128xi32>
    %add3A = vector.broadcast %mul3A_0 : i32 to vector<2048x128xi32>
    %add3A_5 = arith.addi %add3A, %mul3A_4 : vector<2048x128xi32>
    %add3A_6 = arith.addi %add3A_5, %iota3A_1 : vector<2048x128xi32>
    %broadcast_in_dim3A = arith.constant 0 : i32
    %broadcast_in_dim3A_7 = vector.broadcast %broadcast_in_dim3A : i32 to vector<2048x128xi32>
    %add3A_8 = arith.constant 42 : i32
    %add3A_9 = vector.broadcast %add3A_8 : i32 to vector<2048x128xi32>
    %add3A_10 = arith.addi %add3A_6, %add3A_9 : vector<2048x128xi32>
    %add3A_11 = arith.addi %broadcast_in_dim3A_7, %add3A_10 : vector<2048x128xi32>
    %shift_left3A = arith.constant 13 : i32
    %shift_left3A_12 = vector.broadcast %shift_left3A : i32 to vector<2048x128xi32>
    %shift_left3A_13 = arith.shli %add3A_10, %shift_left3A_12 : vector<2048x128xi32>
    %shift_right_logical3A = arith.constant 19 : i32
    %shift_right_logical3A_14 = vector.broadcast %shift_right_logical3A : i32 to vector<2048x128xi32>
    %shift_right_logical3A_15 = arith.shrui %add3A_10, %shift_right_logical3A_14 : vector<2048x128xi32>
    %or3A = arith.ori %shift_left3A_13, %shift_right_logical3A_15 : vector<2048x128xi32>
    %xor3A = arith.xori %or3A, %add3A_11 : vector<2048x128xi32>
    %add3A_16 = arith.addi %add3A_11, %xor3A : vector<2048x128xi32>
    %shift_left3A_17 = arith.constant 15 : i32
    %shift_left3A_18 = vector.broadcast %shift_left3A_17 : i32 to vector<2048x128xi32>
    %shift_left3A_19 = arith.shli %xor3A, %shift_left3A_18 : vector<2048x128xi32>
    %shift_right_logical3A_20 = arith.constant 17 : i32
    %shift_right_logical3A_21 = vector.broadcast %shift_right_logical3A_20 : i32 to vector<2048x128xi32>
    %shift_right_logical3A_22 = arith.shrui %xor3A, %shift_right_logical3A_21 : vector<2048x128xi32>
    %or3A_23 = arith.ori %shift_left3A_19, %shift_right_logical3A_22 : vector<2048x128xi32>
    %xor3A_24 = arith.xori %or3A_23, %add3A_16 : vector<2048x128xi32>
    %add3A_25 = arith.addi %add3A_16, %xor3A_24 : vector<2048x128xi32>
    %shift_left3A_26 = arith.constant 26 : i32
    %shift_left3A_27 = vector.broadcast %shift_left3A_26 : i32 to vector<2048x128xi32>
    %shift_left3A_28 = arith.shli %xor3A_24, %shift_left3A_27 : vector<2048x128xi32>
    %shift_right_logical3A_29 = arith.constant 6 : i32
    %shift_right_logical3A_30 = vector.broadcast %shift_right_logical3A_29 : i32 to vector<2048x128xi32>
    %shift_right_logical3A_31 = arith.shrui %xor3A_24, %shift_right_logical3A_30 : vector<2048x128xi32>
    %or3A_32 = arith.ori %shift_left3A_28, %shift_right_logical3A_31 : vector<2048x128xi32>
    %xor3A_33 = arith.xori %or3A_32, %add3A_25 : vector<2048x128xi32>
    %add3A_34 = arith.addi %add3A_25, %xor3A_33 : vector<2048x128xi32>
    %shift_left3A_35 = arith.constant 6 : i32
    %shift_left3A_36 = vector.broadcast %shift_left3A_35 : i32 to vector<2048x128xi32>
    %shift_left3A_37 = arith.shli %xor3A_33, %shift_left3A_36 : vector<2048x128xi32>
    %shift_right_logical3A_38 = arith.constant 26 : i32
    %shift_right_logical3A_39 = vector.broadcast %shift_right_logical3A_38 : i32 to vector<2048x128xi32>
    %shift_right_logical3A_40 = arith.shrui %xor3A_33, %shift_right_logical3A_39 : vector<2048x128xi32>
    %or3A_41 = arith.ori %shift_left3A_37, %shift_right_logical3A_40 : vector<2048x128xi32>
    %xor3A_42 = arith.xori %or3A_41, %add3A_34 : vector<2048x128xi32>
    %add3A_43 = arith.constant 42 : i32
    %add3A_44 = vector.broadcast %add3A_43 : i32 to vector<2048x128xi32>
    %add3A_45 = arith.addi %add3A_34, %add3A_44 : vector<2048x128xi32>
    %add3A_46 = arith.constant 466689009 : i32
    %add3A_47 = vector.broadcast %add3A_46 : i32 to vector<2048x128xi32>
    %add3A_48 = arith.addi %xor3A_42, %add3A_47 : vector<2048x128xi32>
    %add3A_49 = arith.addi %add3A_45, %add3A_48 : vector<2048x128xi32>
    %shift_left3A_50 = arith.constant 17 : i32
    %shift_left3A_51 = vector.broadcast %shift_left3A_50 : i32 to vector<2048x128xi32>
    %shift_left3A_52 = arith.shli %add3A_48, %shift_left3A_51 : vector<2048x128xi32>
    %shift_right_logical3A_53 = arith.constant 15 : i32
    %shift_right_logical3A_54 = vector.broadcast %shift_right_logical3A_53 : i32 to vector<2048x128xi32>
    %shift_right_logical3A_55 = arith.shrui %add3A_48, %shift_right_logical3A_54 : vector<2048x128xi32>
    %or3A_56 = arith.ori %shift_left3A_52, %shift_right_logical3A_55 : vector<2048x128xi32>
    %xor3A_57 = arith.xori %or3A_56, %add3A_49 : vector<2048x128xi32>
    %add3A_58 = arith.addi %add3A_49, %xor3A_57 : vector<2048x128xi32>
    %shift_left3A_59 = arith.constant 29 : i32
    %shift_left3A_60 = vector.broadcast %shift_left3A_59 : i32 to vector<2048x128xi32>
    %shift_left3A_61 = arith.shli %xor3A_57, %shift_left3A_60 : vector<2048x128xi32>
    %shift_right_logical3A_62 = arith.constant 3 : i32
    %shift_right_logical3A_63 = vector.broadcast %shift_right_logical3A_62 : i32 to vector<2048x128xi32>
    %shift_right_logical3A_64 = arith.shrui %xor3A_57, %shift_right_logical3A_63 : vector<2048x128xi32>
    %or3A_65 = arith.ori %shift_left3A_61, %shift_right_logical3A_64 : vector<2048x128xi32>
    %xor3A_66 = arith.xori %or3A_65, %add3A_58 : vector<2048x128xi32>
    %add3A_67 = arith.addi %add3A_58, %xor3A_66 : vector<2048x128xi32>
    %shift_left3A_68 = arith.constant 16 : i32
    %shift_left3A_69 = vector.broadcast %shift_left3A_68 : i32 to vector<2048x128xi32>
    %shift_left3A_70 = arith.shli %xor3A_66, %shift_left3A_69 : vector<2048x128xi32>
    %shift_right_logical3A_71 = arith.constant 16 : i32
    %shift_right_logical3A_72 = vector.broadcast %shift_right_logical3A_71 : i32 to vector<2048x128xi32>
    %shift_right_logical3A_73 = arith.shrui %xor3A_66, %shift_right_logical3A_72 : vector<2048x128xi32>
    %or3A_74 = arith.ori %shift_left3A_70, %shift_right_logical3A_73 : vector<2048x128xi32>
    %xor3A_75 = arith.xori %or3A_74, %add3A_67 : vector<2048x128xi32>
    %add3A_76 = arith.addi %add3A_67, %xor3A_75 : vector<2048x128xi32>
    %shift_left3A_77 = arith.constant 24 : i32
    %shift_left3A_78 = vector.broadcast %shift_left3A_77 : i32 to vector<2048x128xi32>
    %shift_left3A_79 = arith.shli %xor3A_75, %shift_left3A_78 : vector<2048x128xi32>
    %shift_right_logical3A_80 = arith.constant 8 : i32
    %shift_right_logical3A_81 = vector.broadcast %shift_right_logical3A_80 : i32 to vector<2048x128xi32>
    %shift_right_logical3A_82 = arith.shrui %xor3A_75, %shift_right_logical3A_81 : vector<2048x128xi32>
    %or3A_83 = arith.ori %shift_left3A_79, %shift_right_logical3A_82 : vector<2048x128xi32>
    %xor3A_84 = arith.xori %or3A_83, %add3A_76 : vector<2048x128xi32>
    %add3A_85 = arith.constant 466689008 : i32
    %add3A_86 = vector.broadcast %add3A_85 : i32 to vector<2048x128xi32>
    %add3A_87 = arith.addi %add3A_76, %add3A_86 : vector<2048x128xi32>
    %add3A_88 = arith.constant 2 : i32
    %add3A_89 = vector.broadcast %add3A_88 : i32 to vector<2048x128xi32>
    %add3A_90 = arith.addi %xor3A_84, %add3A_89 : vector<2048x128xi32>
    %add3A_91 = arith.addi %add3A_87, %add3A_90 : vector<2048x128xi32>
    %shift_left3A_92 = arith.constant 13 : i32
    %shift_left3A_93 = vector.broadcast %shift_left3A_92 : i32 to vector<2048x128xi32>
    %shift_left3A_94 = arith.shli %add3A_90, %shift_left3A_93 : vector<2048x128xi32>
    %shift_right_logical3A_95 = arith.constant 19 : i32
    %shift_right_logical3A_96 = vector.broadcast %shift_right_logical3A_95 : i32 to vector<2048x128xi32>
    %shift_right_logical3A_97 = arith.shrui %add3A_90, %shift_right_logical3A_96 : vector<2048x128xi32>
    %or3A_98 = arith.ori %shift_left3A_94, %shift_right_logical3A_97 : vector<2048x128xi32>
    %xor3A_99 = arith.xori %or3A_98, %add3A_91 : vector<2048x128xi32>
    %add3A_100 = arith.addi %add3A_91, %xor3A_99 : vector<2048x128xi32>
    %shift_left3A_101 = arith.constant 15 : i32
    %shift_left3A_102 = vector.broadcast %shift_left3A_101 : i32 to vector<2048x128xi32>
    %shift_left3A_103 = arith.shli %xor3A_99, %shift_left3A_102 : vector<2048x128xi32>
    %shift_right_logical3A_104 = arith.constant 17 : i32
    %shift_right_logical3A_105 = vector.broadcast %shift_right_logical3A_104 : i32 to vector<2048x128xi32>
    %shift_right_logical3A_106 = arith.shrui %xor3A_99, %shift_right_logical3A_105 : vector<2048x128xi32>
    %or3A_107 = arith.ori %shift_left3A_103, %shift_right_logical3A_106 : vector<2048x128xi32>
    %xor3A_108 = arith.xori %or3A_107, %add3A_100 : vector<2048x128xi32>
    %add3A_109 = arith.addi %add3A_100, %xor3A_108 : vector<2048x128xi32>
    %shift_left3A_110 = arith.constant 26 : i32
    %shift_left3A_111 = vector.broadcast %shift_left3A_110 : i32 to vector<2048x128xi32>
    %shift_left3A_112 = arith.shli %xor3A_108, %shift_left3A_111 : vector<2048x128xi32>
    %shift_right_logical3A_113 = arith.constant 6 : i32
    %shift_right_logical3A_114 = vector.broadcast %shift_right_logical3A_113 : i32 to vector<2048x128xi32>
    %shift_right_logical3A_115 = arith.shrui %xor3A_108, %shift_right_logical3A_114 : vector<2048x128xi32>
    %or3A_116 = arith.ori %shift_left3A_112, %shift_right_logical3A_115 : vector<2048x128xi32>
    %xor3A_117 = arith.xori %or3A_116, %add3A_109 : vector<2048x128xi32>
    %add3A_118 = arith.addi %add3A_109, %xor3A_117 : vector<2048x128xi32>
    %shift_left3A_119 = arith.constant 6 : i32
    %shift_left3A_120 = vector.broadcast %shift_left3A_119 : i32 to vector<2048x128xi32>
    %shift_left3A_121 = arith.shli %xor3A_117, %shift_left3A_120 : vector<2048x128xi32>
    %shift_right_logical3A_122 = arith.constant 26 : i32
    %shift_right_logical3A_123 = vector.broadcast %shift_right_logical3A_122 : i32 to vector<2048x128xi32>
    %shift_right_logical3A_124 = arith.shrui %xor3A_117, %shift_right_logical3A_123 : vector<2048x128xi32>
    %or3A_125 = arith.ori %shift_left3A_121, %shift_right_logical3A_124 : vector<2048x128xi32>
    %xor3A_126 = arith.xori %or3A_125, %add3A_118 : vector<2048x128xi32>
    %add3A_127 = arith.constant 0 : i32
    %add3A_128 = vector.broadcast %add3A_127 : i32 to vector<2048x128xi32>
    %add3A_129 = arith.addi %add3A_118, %add3A_128 : vector<2048x128xi32>
    %add3A_130 = arith.constant 45 : i32
    %add3A_131 = vector.broadcast %add3A_130 : i32 to vector<2048x128xi32>
    %add3A_132 = arith.addi %xor3A_126, %add3A_131 : vector<2048x128xi32>
    %add3A_133 = arith.addi %add3A_129, %add3A_132 : vector<2048x128xi32>
    %shift_left3A_134 = arith.constant 17 : i32
    %shift_left3A_135 = vector.broadcast %shift_left3A_134 : i32 to vector<2048x128xi32>
    %shift_left3A_136 = arith.shli %add3A_132, %shift_left3A_135 : vector<2048x128xi32>
    %shift_right_logical3A_137 = arith.constant 15 : i32
    %shift_right_logical3A_138 = vector.broadcast %shift_right_logical3A_137 : i32 to vector<2048x128xi32>
    %shift_right_logical3A_139 = arith.shrui %add3A_132, %shift_right_logical3A_138 : vector<2048x128xi32>
    %or3A_140 = arith.ori %shift_left3A_136, %shift_right_logical3A_139 : vector<2048x128xi32>
    %xor3A_141 = arith.xori %or3A_140, %add3A_133 : vector<2048x128xi32>
    %add3A_142 = arith.addi %add3A_133, %xor3A_141 : vector<2048x128xi32>
    %shift_left3A_143 = arith.constant 29 : i32
    %shift_left3A_144 = vector.broadcast %shift_left3A_143 : i32 to vector<2048x128xi32>
    %shift_left3A_145 = arith.shli %xor3A_141, %shift_left3A_144 : vector<2048x128xi32>
    %shift_right_logical3A_146 = arith.constant 3 : i32
    %shift_right_logical3A_147 = vector.broadcast %shift_right_logical3A_146 : i32 to vector<2048x128xi32>
    %shift_right_logical3A_148 = arith.shrui %xor3A_141, %shift_right_logical3A_147 : vector<2048x128xi32>
    %or3A_149 = arith.ori %shift_left3A_145, %shift_right_logical3A_148 : vector<2048x128xi32>
    %xor3A_150 = arith.xori %or3A_149, %add3A_142 : vector<2048x128xi32>
    %add3A_151 = arith.addi %add3A_142, %xor3A_150 : vector<2048x128xi32>
    %shift_left3A_152 = arith.constant 16 : i32
    %shift_left3A_153 = vector.broadcast %shift_left3A_152 : i32 to vector<2048x128xi32>
    %shift_left3A_154 = arith.shli %xor3A_150, %shift_left3A_153 : vector<2048x128xi32>
    %shift_right_logical3A_155 = arith.constant 16 : i32
    %shift_right_logical3A_156 = vector.broadcast %shift_right_logical3A_155 : i32 to vector<2048x128xi32>
    %shift_right_logical3A_157 = arith.shrui %xor3A_150, %shift_right_logical3A_156 : vector<2048x128xi32>
    %or3A_158 = arith.ori %shift_left3A_154, %shift_right_logical3A_157 : vector<2048x128xi32>
    %xor3A_159 = arith.xori %or3A_158, %add3A_151 : vector<2048x128xi32>
    %add3A_160 = arith.addi %add3A_151, %xor3A_159 : vector<2048x128xi32>
    %shift_left3A_161 = arith.constant 24 : i32
    %shift_left3A_162 = vector.broadcast %shift_left3A_161 : i32 to vector<2048x128xi32>
    %shift_left3A_163 = arith.shli %xor3A_159, %shift_left3A_162 : vector<2048x128xi32>
    %shift_right_logical3A_164 = arith.constant 8 : i32
    %shift_right_logical3A_165 = vector.broadcast %shift_right_logical3A_164 : i32 to vector<2048x128xi32>
    %shift_right_logical3A_166 = arith.shrui %xor3A_159, %shift_right_logical3A_165 : vector<2048x128xi32>
    %or3A_167 = arith.ori %shift_left3A_163, %shift_right_logical3A_166 : vector<2048x128xi32>
    %xor3A_168 = arith.xori %or3A_167, %add3A_160 : vector<2048x128xi32>
    %add3A_169 = arith.constant 42 : i32
    %add3A_170 = vector.broadcast %add3A_169 : i32 to vector<2048x128xi32>
    %add3A_171 = arith.addi %add3A_160, %add3A_170 : vector<2048x128xi32>
    %add3A_172 = arith.constant 466689012 : i32
    %add3A_173 = vector.broadcast %add3A_172 : i32 to vector<2048x128xi32>
    %add3A_174 = arith.addi %xor3A_168, %add3A_173 : vector<2048x128xi32>
    %add3A_175 = arith.addi %add3A_171, %add3A_174 : vector<2048x128xi32>
    %shift_left3A_176 = arith.constant 13 : i32
    %shift_left3A_177 = vector.broadcast %shift_left3A_176 : i32 to vector<2048x128xi32>
    %shift_left3A_178 = arith.shli %add3A_174, %shift_left3A_177 : vector<2048x128xi32>
    %shift_right_logical3A_179 = arith.constant 19 : i32
    %shift_right_logical3A_180 = vector.broadcast %shift_right_logical3A_179 : i32 to vector<2048x128xi32>
    %shift_right_logical3A_181 = arith.shrui %add3A_174, %shift_right_logical3A_180 : vector<2048x128xi32>
    %or3A_182 = arith.ori %shift_left3A_178, %shift_right_logical3A_181 : vector<2048x128xi32>
    %xor3A_183 = arith.xori %or3A_182, %add3A_175 : vector<2048x128xi32>
    %add3A_184 = arith.addi %add3A_175, %xor3A_183 : vector<2048x128xi32>
    %shift_left3A_185 = arith.constant 15 : i32
    %shift_left3A_186 = vector.broadcast %shift_left3A_185 : i32 to vector<2048x128xi32>
    %shift_left3A_187 = arith.shli %xor3A_183, %shift_left3A_186 : vector<2048x128xi32>
    %shift_right_logical3A_188 = arith.constant 17 : i32
    %shift_right_logical3A_189 = vector.broadcast %shift_right_logical3A_188 : i32 to vector<2048x128xi32>
    %shift_right_logical3A_190 = arith.shrui %xor3A_183, %shift_right_logical3A_189 : vector<2048x128xi32>
    %or3A_191 = arith.ori %shift_left3A_187, %shift_right_logical3A_190 : vector<2048x128xi32>
    %xor3A_192 = arith.xori %or3A_191, %add3A_184 : vector<2048x128xi32>
    %add3A_193 = arith.addi %add3A_184, %xor3A_192 : vector<2048x128xi32>
    %shift_left3A_194 = arith.constant 26 : i32
    %shift_left3A_195 = vector.broadcast %shift_left3A_194 : i32 to vector<2048x128xi32>
    %shift_left3A_196 = arith.shli %xor3A_192, %shift_left3A_195 : vector<2048x128xi32>
    %shift_right_logical3A_197 = arith.constant 6 : i32
    %shift_right_logical3A_198 = vector.broadcast %shift_right_logical3A_197 : i32 to vector<2048x128xi32>
    %shift_right_logical3A_199 = arith.shrui %xor3A_192, %shift_right_logical3A_198 : vector<2048x128xi32>
    %or3A_200 = arith.ori %shift_left3A_196, %shift_right_logical3A_199 : vector<2048x128xi32>
    %xor3A_201 = arith.xori %or3A_200, %add3A_193 : vector<2048x128xi32>
    %add3A_202 = arith.addi %add3A_193, %xor3A_201 : vector<2048x128xi32>
    %shift_left3A_203 = arith.constant 6 : i32
    %shift_left3A_204 = vector.broadcast %shift_left3A_203 : i32 to vector<2048x128xi32>
    %shift_left3A_205 = arith.shli %xor3A_201, %shift_left3A_204 : vector<2048x128xi32>
    %shift_right_logical3A_206 = arith.constant 26 : i32
    %shift_right_logical3A_207 = vector.broadcast %shift_right_logical3A_206 : i32 to vector<2048x128xi32>
    %shift_right_logical3A_208 = arith.shrui %xor3A_201, %shift_right_logical3A_207 : vector<2048x128xi32>
    %or3A_209 = arith.ori %shift_left3A_205, %shift_right_logical3A_208 : vector<2048x128xi32>
    %xor3A_210 = arith.xori %or3A_209, %add3A_202 : vector<2048x128xi32>
    %add3A_211 = arith.constant 466689008 : i32
    %add3A_212 = vector.broadcast %add3A_211 : i32 to vector<2048x128xi32>
    %add3A_213 = arith.addi %add3A_202, %add3A_212 : vector<2048x128xi32>
    %add3A_214 = arith.constant 5 : i32
    %add3A_215 = vector.broadcast %add3A_214 : i32 to vector<2048x128xi32>
    %add3A_216 = arith.addi %xor3A_210, %add3A_215 : vector<2048x128xi32>
    %xor3A_217 = arith.xori %add3A_213, %add3A_216 : vector<2048x128xi32>
    %shift_right_logical3A_218 = arith.constant 9 : i32
    %shift_right_logical3A_219 = vector.broadcast %shift_right_logical3A_218 : i32 to vector<2048x128xi32>
    %shift_right_logical3A_220 = arith.shrui %xor3A_217, %shift_right_logical3A_219 : vector<2048x128xi32>
    %or3A_221 = arith.constant 1065353216 : i32
    %or3A_222 = vector.broadcast %or3A_221 : i32 to vector<2048x128xi32>
    %or3A_223 = arith.ori %shift_right_logical3A_220, %or3A_222 : vector<2048x128xi32>
    %bitcast_convert_type3A = tpu.bitcast %or3A_223 : vector<2048x128xi32> -> vector<2048x128xf32>
    %sub3A = arith.constant 1.000000e+00 : f32
    %sub3A_224 = vector.broadcast %sub3A : f32 to vector<2048x128xf32>
    %sub3A_225 = arith.subf %bitcast_convert_type3A, %sub3A_224 : vector<2048x128xf32>
    %mul3A_226 = arith.constant 0.707106769 : f32
    %mul3A_227 = vector.broadcast %mul3A_226 : f32 to vector<2048x128xf32>
    %mul3A_228 = arith.mulf %sub3A_225, %mul3A_227 : vector<2048x128xf32>
    %add3A_229 = arith.constant -0.353553385 : f32
    %add3A_230 = vector.broadcast %add3A_229 : f32 to vector<2048x128xf32>
    %add3A_231 = arith.addf %mul3A_228, %add3A_230 : vector<2048x128xf32>
    %swap3A = arith.constant 0 : index
    %swap3A_232 = arith.constant 0 : index
    %swap3A_233 = vector.load %arg1[%swap3A, %swap3A_232] : memref<2048x128xf32, #tpu.memory_space<vmem>>, vector<2048x128xf32>
    tpu.vector_store %arg1[%swap3A, %swap3A_232], %add3A_231 {strides = array<i32>} : memref<2048x128xf32, #tpu.memory_space<vmem>>, vector<2048x128xf32>,
    return
  }
  func.func @transform_0(%arg0: i32) -> (i32, i32) {
    %c0_i32 = arith.constant 0 : i32
    %c0_i32_0 = arith.constant 0 : i32
    return %arg0, %c0_i32 : i32, i32
  }
}

</mosaic_0001>

<sc_bundles>
// kernel: kernel.4.cloned.1.call-start
scs
__scs_entry_jumppad:
0x0: {  	(pc) =	sbr.rel $0x88, $3  }
0x1: {  	(tag) =	ssettag $0x0;
	lr =	simm.s32 $0x1  }
0x2: {  	[smem:$0x3F9F] =	sst lr;
	_ =	strace $0xD0000000  }
0x3: {  	_ = 	snop  }
0x4: {  	_ = 	snop  }
0x5: {  	_ = 	snop  }
0x6: {  	_ = 	snop  }
0x7: {  	_ = 	snop  }
__scs_overlays_trampoline_lowered:
0x8: {  	[smem:$0x3FAE] =	sst s0  }
0x9: {  	[smem:$0x3FAF] =	sst s1  }
0xa: {  	[smem:$0x3FB0] =	sst s2  }
0xb: {  	[smem:$0x3FB1] =	sst s3  }
0xc: {  	[smem:$0x3FB2] =	sst s4  }
0xd: {  	[smem:$0x3FB3] =	sst s5  }
0xe: {  	[smem:$0x3FB4] =	sst s6  }
0xf: {  	[smem:$0x3FB5] =	sst s7  }
0x10: {  	[smem:$0x3FB6] =	sst s8  }
0x11: {  	[smem:$0x3FB7] =	sst s9;
	s0 =	simm.s32 @!p0 $0x0  }
0x12: {  	s1 =	sld [smem:$0x3F9D];
	s0 =	simm.s32 @p0 $0x1  }
0x13: {  	[smem:$0x3FB8] =	sst s0;
	s0 =	simm.s32 @!p1 $0x0  }
0x14: {  	s2 =	sld [smem:$0x3F9C];
	s0 =	simm.s32 @p1 $0x1  }
0x15: {  	[smem:$0x3FB9] =	sst s0;
	s0 =	simm.s32 @!p2 $0x0  }
0x16: {  	s3 =	sld [smem:$0x3FDB];
	s0 =	simm.s32 @p2 $0x1  }
0x17: {  	s4 =	simm.s32 $0x1BF5;
	[smem:$0x3FBB] =	sst s0  }
0x18: {  	s0 =	sld [smem:$0x3F9E];
	_ =	swait.ge [sflag:s4], $0x0  }
0x19: {  	s7 =	sld [smem:$0x3F9F]  }
0x1a: {  	s8 =	sadd.s32 $0xFFFFE003, lr  }
0x1b: {  	s9 =	sadd.s32 $0xFFFFFEF7, lr;
	s5 =	simm.s32 $0xFFFFFFFF;
	p2 =	slt.u32 s8, $0xFFFFF086  }
0x1c: {  	p1 =	slt.u32 s9, $0xF7A;
	s5 =	simm.s32 @!p2 $0x0  }
0x1d: {  	s5 =	simm.s32 @p1 $0x1;
	p0 =	seq.s32 s7, s2  }
0x1e: {  	s7 =	smul.u32 @!p0 $0xF7A, s2;
	p2 =	seq.s32 @!p0 s5, $0x0  }
0x1f: {  	s9 =	smul.u32 $0xF7A, s1;
	s8 =	simm.s32 @!p0 $0x1BF5;
	p2 =	por !p2, p0  }
0x20: {  	[sflag:s8] =	ssyncset.s32 @!p0 $0xFFFFF086;
	s6 =	sadd.s32 @!p0 s3, s7;
	s7 =	simm.s32 @!p0 $0x108  }
0x21: {  	s3 =	sadd.s32 s3, s9;
	s6 =	sadd.s32 @!p0 $0x88, s6;
	s7 =	simm.s32 @p2 $0x1082  }
0x22: {  	[simem:s7], [sflag:s8] =	dma.local @!p0 [hbm:s6], $0xF7A  }
0x23: {  	s9 =	sor.u32 $0xD0000000, s2;
	s6 =	simm.s32 $0x108;
	_ =	swait.ge @!p0 [sflag:s8], $0x0  }
0x24: {  	s3 =	sadd.s32 $0x88, s3;
	s6 =	simm.s32 @!p1 $0x1082;
	[sflag:s4] =	ssyncset.s32 $0xFFFFF086  }
0x25: {  	[simem:s6], [sflag:s4] =	dma.local [hbm:s3], $0xF7A  }
0x26: {  	[smem:$0x3F9F] =	sst s1;
	(tag) =	ssettag s2;
	_ =	strace s9  }
0x27: {  	s1 =	sld [smem:$0x3FAF]  }
0x28: {  	s2 =	sld [smem:$0x3FB0]  }
0x29: {  	s4 =	sld [smem:$0x3FB2]  }
0x2a: {  	p0 =	seq.s32 s5, $0x0;
	s5 =	sld [smem:$0x3FB3]  }
0x2b: {  	s6 =	sld [smem:$0x3FB4]  }
0x2c: {  	s7 =	sld [smem:$0x3FB5]  }
0x2d: {  	s3 =	simm.s32 $0x108;
	s8 =	sld [smem:$0x3FB6]  }
0x2e: {  	s3 =	simm.s32 @!p0 $0x1082;
	s9 =	sld [smem:$0x3FB7]  }
0x2f: {  	lr =	sadd.s32 s0, s3;
	s0 =	sld [smem:$0x3FAE]  }
0x30: {  	s3 =	sld [smem:$0x3FB1]  }
0x31: {  	[smem:$0x3FBA] =	sst s10  }
0x32: {  	s10 =	sld [smem:$0x3FB8];
	_ =	sdelay $0x3  }
0x33: {  	p0 =	seq.s32 s10, $0x1;
	s10 =	sld [smem:$0x3FBA];
	_ =	sdelay $0x3  }
0x34: {  	[smem:$0x3FBA] =	sst s10  }
0x35: {  	s10 =	sld [smem:$0x3FB9];
	_ =	sdelay $0x3  }
0x36: {  	p1 =	seq.s32 s10, $0x1;
	s10 =	sld [smem:$0x3FBA];
	_ =	sdelay $0x3  }
0x37: {  	[smem:$0x3FBA] =	sst s10  }
0x38: {  	s10 =	sld [smem:$0x3FBB]  }
0x39: {  	_ = 	snop;
	(pc) =	sbr.ind lr, $3  }
0x3a: {  	_ = 	snop  }
0x3b: {  	_ = 	snop  }
0x3c: {  	p2 =	seq.s32 s10, $0x1;
	s10 =	sld [smem:$0x3FBA]  }
0x3d: {  	_ =	shalt  }
0x3e: {  	_ =	shalt  }
0x3f: {  	_ =	shalt  }
0x40: {  	_ =	shalt  }
0x41: {  	_ =	shalt  }
0x42: {  	_ =	shalt  }
0x43: {  	_ =	shalt  }
0x44: {  	_ =	shalt  }
0x45: {  	_ =	shalt  }
0x46: {  	_ =	shalt  }
0x47: {  	_ =	shalt  }
0x48: {  	_ =	shalt  }
0x49: {  	_ =	shalt  }
0x4a: {  	_ =	shalt  }
0x4b: {  	_ =	shalt  }
0x4c: {  	_ =	shalt  }
0x4d: {  	_ =	shalt  }
0x4e: {  	_ =	shalt  }
0x4f: {  	_ =	shalt  }
0x50: {  	_ =	shalt  }
0x51: {  	_ =	shalt  }
0x52: {  	_ =	shalt  }
0x53: {  	_ =	shalt  }
0x54: {  	_ =	shalt  }
0x55: {  	_ =	shalt  }
0x56: {  	_ =	shalt  }
0x57: {  	_ =	shalt  }
0x58: {  	_ =	shalt  }
0x59: {  	_ =	shalt  }
0x5a: {  	_ =	shalt  }
0x5b: {  	_ =	shalt  }
0x5c: {  	_ =	shalt  }
0x5d: {  	_ =	shalt  }
0x5e: {  	_ =	shalt  }
0x5f: {  	_ =	shalt  }
0x60: {  	_ =	shalt  }
0x61: {  	_ =	shalt  }
0x62: {  	_ =	shalt  }
0x63: {  	_ =	shalt  }
0x64: {  	_ =	shalt  }
0x65: {  	_ =	shalt  }
0x66: {  	_ =	shalt  }
0x67: {  	_ =	shalt  }
0x68: {  	_ =	shalt  }
0x69: {  	_ =	shalt  }
0x6a: {  	_ =	shalt  }
0x6b: {  	_ =	shalt  }
0x6c: {  	_ =	shalt  }
0x6d: {  	_ =	shalt  }
0x6e: {  	_ =	shalt  }
0x6f: {  	_ =	shalt  }
0x70: {  	_ =	shalt  }
0x71: {  	_ =	shalt  }
0x72: {  	_ =	shalt  }
0x73: {  	_ =	shalt  }
0x74: {  	_ =	shalt  }
0x75: {  	_ =	shalt  }
0x76: {  	_ =	shalt  }
0x77: {  	_ =	shalt  }
0x78: {  	_ =	shalt  }
0x79: {  	_ =	shalt  }
0x7a: {  	_ =	shalt  }
0x7b: {  	_ =	shalt  }
0x7c: {  	_ =	shalt  }
0x7d: {  	_ =	shalt  }
0x7e: {  	_ =	shalt  }
0x7f: {  	_ =	shalt  }
0x80: {  	_ =	shalt  }
0x81: {  	_ =	shalt  }
0x82: {  	_ =	shalt  }
0x83: {  	_ =	shalt  }
0x84: {  	_ =	shalt  }
0x85: {  	_ =	shalt  }
0x86: {  	_ =	shalt  }
0x87: {  	_ =	shalt  }
.Lfunc_end0:
.L_simem_size_0:
called_computation.1_lowered:
.L_overlay_start_0:
0x88: {  	s2 =	sld [smem:$0x3FD9]  }
0x89: {  	s3 =	sld [smem:$0x3FFE];
	_ =	sdelay $0x1  }
0x8a: {  	s1 =	srdreg.scid  }
0x8b: {  	s0 =	sand.u32 $0x1, s1  }
0x8c: {  	s17 =	sshll.u32 s0, $0xA;
	s2 =	sadd.s32 s3, s2  }
0x8d: {  	s2 =	sadd.s32 s2, s17  }
0x8e: {  	[smem:$0x3FC6] =	sst s2  }
0x8f: {  	_ = 	snop  }
0x90: {  	s2 =	sld [smem:$0x3FD0];
	(tm) =	ssettm $0x1  }
0x91: {  	s18 =	sld [smem:$0x3FFB];
	_ =	sdelay $0x3  }
0x92: {  	_ =	strace s18  }
0x93: {  	s3 =	sld [smem:$0x3FFC];
	_ =	sdelay $0x3  }
0x94: {  	_ =	strace s3  }
0x95: {  	s3 =	sld [smem:$0x3FFD];
	_ =	sdelay $0x3  }
0x96: {  	_ =	strace s3  }
0x97: {  	_ =	strace $0x8FFFFFFF  }
0x98: {  	s19 =	sld [smem:$0x3FDB];
	_ =	sdelay $0x1  }
0x99: {  	s4 =	simm.s32 $_scs_section_size  }
0x9a: {  	s5 =	simm.s32 $_size__tile_overlayer_lowered;
	s6 =	simm.s32 $_tile_overlayer_lowered  }
0x9b: {  	s22 =	simm.s32 $0x1BFF;
	s21 =	sshll.u32 s6, $0x1;
	s3 =	sadd.s32 s4, s19  }
0x9c: {  	s7 =	simm.s32 $0x0;
	s20 =	sshll.u32 s5, $0x1;
	s5 =	sadd.s32 s21, s3  }
0x9d: {  	[timem:s7], [sflag:s22] =	dma.local [hbm:s5], s20  }
0x9e: {  	_ =	swait.ge [sflag:s22], s20  }
0x9f: {  	s4 =	ssub.s32 $0x0, s20;
	[sflag:s22] =	ssyncset.done $0x0  }
0xa0: {  	[sflag:s22] =	ssyncadd.s32 s4;
	_ =	sdelay $0x1  }
0xa1: {  	s23 =	simm.s32 $0x1B8B  }
0xa2: {  	_ =	swait.ge [sflag:s23], $0x1  }
0xa3: {  	[sflag:s23] =	ssyncset.done $0x0  }
0xa4: {  	s25 =	simm.s32 $0x1B8E;
	s24 =	sld [smem:$0x3FFE];
	[sflag:s23] =	ssyncadd.s32 $0xFFFFFFFF  }
0xa5: {  	s26 =	simm.s32 $execute0_lowered;
	[smem:$0x3FD2] =	sst s25  }
0xa6: {  	s5 =	sshll.u32 s26, $0x1;
	_ =	strace $0x80000046;
	[dreg:$0x1] =	wrdreg $0xFFFFFFFF  }
0xa7: {  	s28 =	simm.s32 $_size_execute0_lowered;
	s3 =	sadd.s32 s3, s5;
	[dreg:$0x0] =	wrdreg $0x0  }
0xa8: {  	s5 =	sshll.u32 s28, $0x1;
	[dreg:$0x2] =	wrdreg s3  }
0xa9: {  	[dreg:$0x3] =	wrdreg s5  }
0xaa: {  	[dreg:$0x4] =	wrdreg $0xC0  }
0xab: {  	_ =	task [dreg:s7], $0x5FFFF  }
0xac: {  	[dreg:$0x1] =	wrdreg $0xFFFFFFFF  }
0xad: {  	[dreg:$0x0] =	wrdreg $0x60  }
0xae: {  	[dreg:$0x2] =	wrdreg s24  }
0xaf: {  	[dreg:$0x3] =	wrdreg s2  }
0xb0: {  	[dreg:$0x4] =	wrdreg $0x9  }
0xb1: {  	_ =	task.clear_ibuf [dreg:s7], $0x5FFFF;
	_ =	strace $0x90000046  }
0xb2: {  	s29 =	simm.s32 $0x9;
	_ =	strace $0x80000048  }
0xb3: {  	_ =	swait.ge [sflag:s29], $0x1  }
0xb4: {  	[sflag:s29] =	ssyncadd.s32 $0xFFFFFFFF  }
0xb5: {  	_ =	strace $0x90000048  }
0xb6: {  	_ =	sfence  }
0xb7: {  	s30 =	sld [smem:$0x0];
	_ =	sdelay $0x2  }
0xb8: {  	s31 =	sshll.u32 s1, $0xD;
	s1 =	sshrl.u32 s1, $0x2  }
0xb9: {  	s3 =	sand.u32 $0x4000, s31;
	s1 =	sadd.s32 s1, s30  }
0xba: {  	s0 =	sor.u32 s3, s0;
	s1 =	sshll.u32 s1, $0x11  }
0xbb: {  	s0 =	sor.u32 s1, s0  }
0xbc: {  	s0 =	sadd.s32 $0x8F2B, s0  }
0xbd: {  	[sflag:s0] =	ssyncadd.remote.s32 $0x1  }
0xbe: {  	_ =	sfence.sel $0xFFFF  }
0xbf: {  	[dreg:$0x0] =	wrdreg $0xFFFFFFFF;
	(pc) =	sbr.abs _section_cstart, $3  }
0xc0: {  	[dreg:$0x1] =	wrdreg $0xFFFFFFFF  }
0xc1: {  	_ =	task.clear_ibuf [dreg:s7], $0x2FFFF;
	_ =	strace $0x9FFFFFFF  }
0xc2: {  	(tm) =	ssettm $0x7FFFFFFF  }
0xc3: {  	_ =	shalt  }
tec
execute0_lowered:
.L_overlay_start_1:
0x0: {  	(tag) =	ssettag $0x1  }
0x1: {  	s0 =	srdreg.scid;
	s2 =	stileid.u32  }
0x2: {  	s1 =	rddreg [dreg:$0x0];
	s28 =	simm.s32 $0x1900;
	s31 =	simm.s32 $0x3900  }
0x3: {  	s30 =	simm.s32 $0x5900;
	s10 =	simm.s32 $0x1;
	s11 =	simm.s32 $0x6  }
0x4: {  	s12 =	simm.s32 $0xB;
	s0 =	sand.u32 $0x1, s0;
	s3 =	sshll.u32 s2, $0x1  }
0x5: {  	s29 =	simm.s32 $0x5;
	s13 =	simm.s32 $0x0;
	s5 =	sor.u32 s0, s3  }
0x6: {  	s2 =	rddreg [dreg:$0x1];
	s3 =	simm.s32 $0x0;
	s4 =	smul.u32 $0x1900, s5  }
0x7: {  	s0 =	ssub.s32 $0x2, s0;
	[smem:$0x7FF] =	sst s3;
	s7 =	smul.u32 $0xC800, s5  }
0x8: {  	s9 =	smul.u32 $0x64000, s5;
	s5 =	sadd.s32 $0xF42E00, s1;
	s14 =	sshrl.u32 s0, $0x1  }
0x9: {  	_ =	strace $0x80000047;
	s0 =	ssub.s32 s0, s14;
	s7 =	sadd.s32 s2, s7  }
0xa: {  	s6 =	sshrl.u32 s4, $0x3;
	s19 =	sor.u32 $0x80, s4;
	[dreg:$0x3] =	wrdreg s7  }
0xb: {  	s15 =	sshrl.u32 s9, $0x3;
	s20 =	sadd.s32 $0x100, s4;
	[dreg:$0x9] =	wrdreg s19  }
0xc: {  	s21 =	sadd.s32 $0x180, s4;
	s22 =	sadd.s32 $0x200, s4;
	[dreg:$0xa] =	wrdreg s20  }
0xd: {  	s0 =	smax.u32 s0, $0x1;
	s8 =	sadd.s32 s6, s1;
	[dreg:$0xb] =	wrdreg s21  }
0xe: {  	s6 =	sadd.s32 $0x6E00, s1;
	s7 =	sadd.s32 $0x400, s7;
	[dreg:$0xc] =	wrdreg s22  }
0xf: {  	s16 =	sadd.s32 s2, s15;
	[dreg:$0x12] =	wrdreg s0;
	s19 =	simm.s32 $0xC  }
0x10: {  	s20 =	simm.s32 $0x3;
	s8 =	sadd.s32 $0xA00, s8;
	[dreg:$0x5] =	wrdreg s7  }
0x11: {  	s21 =	simm.s32 $0x8;
	s17 =	sadd.s32 $0x800, s16;
	[dreg:$0x4] =	wrdreg s8  }
0x12: {  	s22 =	simm.s32 $0xD;
	s18 =	sadd.s32 $0xC00, s16;
	[dreg:$0x6] =	wrdreg s17  }
0x13: {  	s7 =	sadd.s32 $0x1000, s16;
	s1 =	sadd.s32 s6, s15;
	[dreg:$0x7] =	wrdreg s18  }
0x14: {  	s0 =	simm.s32 $0xF;
	[dreg:$0x8] =	wrdreg s7;
	s23 =	sadd.s32 $0xB400, s1  }
0x15: {  	s16 =	simm.s32 $0x9900;
	s24 =	sadd.s32 $0xB800, s1;
	[dreg:$0xd] =	wrdreg s23  }
0x16: {  	s25 =	sadd.s32 $0xBC00, s1;
	s26 =	sadd.s32 $0xC000, s1;
	[dreg:$0xe] =	wrdreg s24  }
0x17: {  	s1 =	sadd.s32 $0xC400, s1;
	s8 =	simm.s32 $0x7900;
	[dreg:$0xf] =	wrdreg s25  }
0x18: {  	s17 =	simm.s32 $0x2;
	s18 =	simm.s32 $0x7;
	[dreg:$0x10] =	wrdreg s26  }
0x19: {  	s7 =	simm.s32 $0x4;
	[dreg:$0x11] =	wrdreg s1;
	s24 =	simm.s32 $0x80  }
0x1a: {  	s23 =	simm.s32 $0x9;
	s26 =	simm.s32 $0xE;
	s1 =	simm.s32 $0xA  }
.LBB2_1:
0x1b: {  	[dreg:$0x13] =	wrdreg s13  }
0x1c: {  	s9 =	rddreg [dreg:$0x4];
	s25 =	simm.s32 $0x10  }
0x1d: {  	[tilespmem:s3], [sflag:$0x10] =	stream.linear.gather [hbm4b:s9+s3], $0x1900, $0x38;
	[tilespmem:$0x15900] =	vst v63  }
0x1e: {  	_ =	swait.ge [sflag:s25], $0x1900  }
0x1f: {  	[sflag:s25] =	ssyncset.done $0x0  }
0x20: {  	[sflag:s25] =	ssyncadd.s32 $0xFFFFE700  }
0x21: {  	[tilespmem:s28], [sflag:$0x1] =	stream.indirect.gather [hbm4b:s5+s24], $0x40, s3, s24, $0xb8;
	[tilespmem:$0x15900] =	vst v63  }
0x22: {  	s14 =	simm.s32 $0xB900;
	s13 =	rddreg [dreg:$0x3]  }
0x23: {  	[tilespmem:s14], [sflag:$0x6] =	stream.linear.gather [hbm4b:s13+s3], $0x2000, $0x38;
	[tilespmem:$0x15900] =	vst v63  }
0x24: {  	_ = 	snop  }
0x25: {  	[tilespmem:s31], [sflag:$0x2] =	stream.indirect.gather [hbm4b:s5+s24], $0x40, s24, s24, $0xb8;
	[tilespmem:$0x15900] =	vst v63  }
0x26: {  	s15 =	rddreg [dreg:$0x5];
	s25 =	simm.s32 $0xD900  }
0x27: {  	[tilespmem:s25], [sflag:$0x7] =	stream.linear.gather [hbm4b:s15+s3], $0x2000, $0x38;
	[tilespmem:$0x15900] =	vst v63  }
0x28: {  	s28 =	simm.s32 $0x100  }
0x29: {  	[tilespmem:s30], [sflag:$0x3] =	stream.indirect.gather [hbm4b:s5+s24], $0x40, s28, s24, $0xb8;
	[tilespmem:$0x15900] =	vst v63  }
0x2a: {  	s31 =	simm.s32 $0xF900;
	s30 =	rddreg [dreg:$0x6]  }
0x2b: {  	[tilespmem:s31], [sflag:$0x8] =	stream.linear.gather [hbm4b:s30+s3], $0x2000, $0x38;
	[tilespmem:$0x15900] =	vst v63  }
0x2c: {  	s14 =	simm.s32 $0x180  }
0x2d: {  	[tilespmem:s8], [sflag:$0x4] =	stream.indirect.gather [hbm4b:s5+s24], $0x40, s14, s24, $0xb8;
	[tilespmem:$0x15900] =	vst v63  }
0x2e: {  	s15 =	rddreg [dreg:$0x7];
	s25 =	simm.s32 $0x11900  }
0x2f: {  	[tilespmem:s25], [sflag:$0x9] =	stream.linear.gather [hbm4b:s15+s3], $0x2000, $0x38;
	[tilespmem:$0x15900] =	vst v63  }
0x30: {  	s28 =	simm.s32 $0x200  }
0x31: {  	[tilespmem:s16], [sflag:$0x5] =	stream.indirect.gather [hbm4b:s5+s24], $0x40, s28, s24, $0xb8;
	[tilespmem:$0x15900] =	vst v63  }
0x32: {  	s9 =	simm.s32 $0x0;
	s30 =	rddreg [dreg:$0x8];
	s31 =	simm.s32 $0x13900  }
0x33: {  	[tilespmem:s31], [sflag:$0xA] =	stream.linear.gather [hbm4b:s30+s3], $0x2000, $0x38;
	[tilespmem:$0x15900] =	vst v63  }
.LBB2_2:
0x34: {  	_ =	swait.ge [sflag:s10], $0x2000  }
0x35: {  	[sflag:s10] =	ssyncset.done $0x0  }
0x36: {  	[sflag:s10] =	ssyncadd.s32 $0xFFFFE000  }
0x37: {  	_ =	swait.ge [sflag:s11], $0x2000  }
0x38: {  	[sflag:s11] =	ssyncset.done $0x0  }
0x39: {  	s14 =	simm.s32 $0x1980;
	[sflag:s11] =	ssyncadd.s32 $0xFFFFE000  }
0x3a: {  	s13 =	simm.s32 $0xB980;
	v0 =	vld [tilespmem:s14+$0xFFFFFF80]  }
0x3b: {  	v1 =	vld [tilespmem:s13+$0xFFFFFF80];
	_ =	sdelay $0x4  }
0x3c: {  	v0 =	vadd.f32 v1, v0;
	_ =	sdelay $0x1  }
0x3d: {  	[tilespmem:s14+$0xFFFFFF80] =	vst v0;
	v0 =	vld [tilespmem:s14+$0xFFFFFF90]  }
0x3e: {  	v1 =	vld [tilespmem:s13+$0xFFFFFF90];
	_ =	sdelay $0x4  }
0x3f: {  	v0 =	vadd.f32 v1, v0;
	_ =	sdelay $0x1  }
0x40: {  	[tilespmem:s14+$0xFFFFFF90] =	vst v0;
	v0 =	vld [tilespmem:s14+$0xFFFFFFA0]  }
0x41: {  	v1 =	vld [tilespmem:s13+$0xFFFFFFA0];
	_ =	sdelay $0x4  }
0x42: {  	v0 =	vadd.f32 v1, v0;
	_ =	sdelay $0x1  }
0x43: {  	[tilespmem:s14+$0xFFFFFFA0] =	vst v0;
	v0 =	vld [tilespmem:s14+$0xFFFFFFB0]  }
0x44: {  	v1 =	vld [tilespmem:s13+$0xFFFFFFB0];
	_ =	sdelay $0x4  }
0x45: {  	v0 =	vadd.f32 v1, v0;
	_ =	sdelay $0x1  }
0x46: {  	[tilespmem:s14+$0xFFFFFFB0] =	vst v0;
	v0 =	vld [tilespmem:s14+$0xFFFFFFC0]  }
0x47: {  	v1 =	vld [tilespmem:s13+$0xFFFFFFC0];
	_ =	sdelay $0x4  }
0x48: {  	v0 =	vadd.f32 v1, v0;
	_ =	sdelay $0x1  }
0x49: {  	[tilespmem:s14+$0xFFFFFFC0] =	vst v0;
	v0 =	vld [tilespmem:s14+$0xFFFFFFD0]  }
0x4a: {  	v1 =	vld [tilespmem:s13+$0xFFFFFFD0];
	_ =	sdelay $0x4  }
0x4b: {  	v0 =	vadd.f32 v1, v0;
	_ =	sdelay $0x1  }
0x4c: {  	[tilespmem:s14+$0xFFFFFFD0] =	vst v0;
	v0 =	vld [tilespmem:s14+$0xFFFFFFE0]  }
0x4d: {  	v1 =	vld [tilespmem:s13+$0xFFFFFFE0];
	_ =	sdelay $0x4  }
0x4e: {  	v0 =	vadd.f32 v1, v0;
	_ =	sdelay $0x1  }
0x4f: {  	[tilespmem:s14+$0xFFFFFFE0] =	vst v0;
	v0 =	vld [tilespmem:s14+$0xFFFFFFF0]  }
0x50: {  	v1 =	vld [tilespmem:s13+$0xFFFFFFF0];
	_ =	sdelay $0x4  }
0x51: {  	v0 =	vadd.f32 v1, v0;
	_ =	sdelay $0x1  }
0x52: {  	[tilespmem:s14+$0xFFFFFFF0] =	vst v0;
	v0 =	vld [tilespmem:s14+$0x0]  }
0x53: {  	v1 =	vld [tilespmem:s13+$0x0];
	_ =	sdelay $0x4  }
0x54: {  	v0 =	vadd.f32 v1, v0;
	_ =	sdelay $0x1  }
0x55: {  	[tilespmem:s14+$0x0] =	vst v0;
	v0 =	vld [tilespmem:s14+$0x10]  }
0x56: {  	v1 =	vld [tilespmem:s13+$0x10];
	_ =	sdelay $0x4  }
0x57: {  	v0 =	vadd.f32 v1, v0;
	_ =	sdelay $0x1  }
0x58: {  	[tilespmem:s14+$0x10] =	vst v0;
	v0 =	vld [tilespmem:s14+$0x20]  }
0x59: {  	v1 =	vld [tilespmem:s13+$0x20];
	_ =	sdelay $0x4  }
0x5a: {  	v0 =	vadd.f32 v1, v0;
	_ =	sdelay $0x1  }
0x5b: {  	[tilespmem:s14+$0x20] =	vst v0;
	v0 =	vld [tilespmem:s14+$0x30]  }
0x5c: {  	v1 =	vld [tilespmem:s13+$0x30];
	_ =	sdelay $0x4  }
0x5d: {  	v0 =	vadd.f32 v1, v0;
	_ =	sdelay $0x1  }
0x5e: {  	[tilespmem:s14+$0x30] =	vst v0;
	v0 =	vld [tilespmem:s14+$0x40]  }
0x5f: {  	v1 =	vld [tilespmem:s13+$0x40];
	_ =	sdelay $0x4  }
0x60: {  	v0 =	vadd.f32 v1, v0;
	_ =	sdelay $0x1  }
0x61: {  	[tilespmem:s14+$0x40] =	vst v0;
	v0 =	vld [tilespmem:s14+$0x50]  }
0x62: {  	v1 =	vld [tilespmem:s13+$0x50];
	_ =	sdelay $0x4  }
0x63: {  	v0 =	vadd.f32 v1, v0;
	_ =	sdelay $0x1  }
0x64: {  	[tilespmem:s14+$0x50] =	vst v0;
	v0 =	vld [tilespmem:s14+$0x60]  }
0x65: {  	v1 =	vld [tilespmem:s13+$0x60];
	_ =	sdelay $0x4  }
0x66: {  	v0 =	vadd.f32 v1, v0;
	_ =	sdelay $0x1  }
0x67: {  	[tilespmem:s14+$0x60] =	vst v0;
	v0 =	vld [tilespmem:s14+$0x70]  }
0x68: {  	v1 =	vld [tilespmem:s13+$0x70];
	_ =	sdelay $0x4  }
0x69: {  	v0 =	vadd.f32 v1, v0  }
0x6a: {  	s15 =	simm.s32 $0x0;
	s16 =	simm.s32 $0x1A80  }
.LBB2_3:
0x6b: {  	v1 =	vld [tilespmem:s16+$0xFFFFFF80];
	[tilespmem:s14+$0x70] =	vst v0;
	s13 =	sadd.s32 $0x100, s13;
	s14 =	smov.u32 s16  }
0x6c: {  	s15 =	sadd.s32 $0x4, s15;
	v0 =	vld [tilespmem:s13+$0xFFFFFF80]  }
0x6d: {  	p0 =	slt.u32 s15, $0x7C;
	_ =	sdelay $0x3  }
0x6e: {  	v0 =	vadd.f32 v0, v1;
	_ =	sdelay $0x1  }
0x6f: {  	[tilespmem:s16+$0xFFFFFF80] =	vst v0;
	v0 =	vld [tilespmem:s16+$0xFFFFFF90]  }
0x70: {  	v1 =	vld [tilespmem:s13+$0xFFFFFF90];
	_ =	sdelay $0x4  }
0x71: {  	v0 =	vadd.f32 v1, v0;
	_ =	sdelay $0x1  }
0x72: {  	[tilespmem:s16+$0xFFFFFF90] =	vst v0;
	v0 =	vld [tilespmem:s16+$0xFFFFFFA0]  }
0x73: {  	v1 =	vld [tilespmem:s13+$0xFFFFFFA0];
	_ =	sdelay $0x4  }
0x74: {  	v0 =	vadd.f32 v1, v0;
	_ =	sdelay $0x1  }
0x75: {  	[tilespmem:s16+$0xFFFFFFA0] =	vst v0;
	v0 =	vld [tilespmem:s16+$0xFFFFFFB0]  }
0x76: {  	v1 =	vld [tilespmem:s13+$0xFFFFFFB0];
	_ =	sdelay $0x4  }
0x77: {  	v0 =	vadd.f32 v1, v0;
	_ =	sdelay $0x1  }
0x78: {  	[tilespmem:s16+$0xFFFFFFB0] =	vst v0;
	v0 =	vld [tilespmem:s16+$0xFFFFFFC0]  }
0x79: {  	v1 =	vld [tilespmem:s13+$0xFFFFFFC0];
	_ =	sdelay $0x4  }
0x7a: {  	v0 =	vadd.f32 v1, v0;
	_ =	sdelay $0x1  }
0x7b: {  	[tilespmem:s16+$0xFFFFFFC0] =	vst v0;
	v0 =	vld [tilespmem:s16+$0xFFFFFFD0]  }
0x7c: {  	v1 =	vld [tilespmem:s13+$0xFFFFFFD0];
	_ =	sdelay $0x4  }
0x7d: {  	v0 =	vadd.f32 v1, v0;
	_ =	sdelay $0x1  }
0x7e: {  	[tilespmem:s16+$0xFFFFFFD0] =	vst v0;
	v0 =	vld [tilespmem:s16+$0xFFFFFFE0]  }
0x7f: {  	v1 =	vld [tilespmem:s13+$0xFFFFFFE0];
	_ =	sdelay $0x4  }
0x80: {  	v0 =	vadd.f32 v1, v0;
	_ =	sdelay $0x1  }
0x81: {  	[tilespmem:s16+$0xFFFFFFE0] =	vst v0;
	v0 =	vld [tilespmem:s16+$0xFFFFFFF0]  }
0x82: {  	v1 =	vld [tilespmem:s13+$0xFFFFFFF0];
	_ =	sdelay $0x4  }
0x83: {  	v0 =	vadd.f32 v1, v0;
	_ =	sdelay $0x1  }
0x84: {  	[tilespmem:s16+$0xFFFFFFF0] =	vst v0;
	v0 =	vld [tilespmem:s16+$0x0]  }
0x85: {  	v1 =	vld [tilespmem:s13+$0x0];
	_ =	sdelay $0x4  }
0x86: {  	v0 =	vadd.f32 v1, v0;
	_ =	sdelay $0x1  }
0x87: {  	[tilespmem:s16+$0x0] =	vst v0;
	v0 =	vld [tilespmem:s16+$0x10]  }
0x88: {  	v1 =	vld [tilespmem:s13+$0x10];
	_ =	sdelay $0x4  }
0x89: {  	v0 =	vadd.f32 v1, v0;
	_ =	sdelay $0x1  }
0x8a: {  	[tilespmem:s16+$0x10] =	vst v0;
	v0 =	vld [tilespmem:s16+$0x20]  }
0x8b: {  	v1 =	vld [tilespmem:s13+$0x20];
	_ =	sdelay $0x4  }
0x8c: {  	v0 =	vadd.f32 v1, v0;
	_ =	sdelay $0x1  }
0x8d: {  	[tilespmem:s16+$0x20] =	vst v0;
	v0 =	vld [tilespmem:s16+$0x30]  }
0x8e: {  	v1 =	vld [tilespmem:s13+$0x30];
	_ =	sdelay $0x4  }
0x8f: {  	v0 =	vadd.f32 v1, v0;
	_ =	sdelay $0x1  }
0x90: {  	[tilespmem:s16+$0x30] =	vst v0;
	v0 =	vld [tilespmem:s16+$0x40]  }
0x91: {  	v1 =	vld [tilespmem:s13+$0x40];
	_ =	sdelay $0x4  }
0x92: {  	v0 =	vadd.f32 v1, v0;
	_ =	sdelay $0x1  }
0x93: {  	[tilespmem:s16+$0x40] =	vst v0;
	v0 =	vld [tilespmem:s16+$0x50]  }
0x94: {  	v1 =	vld [tilespmem:s13+$0x50];
	_ =	sdelay $0x4  }
0x95: {  	v0 =	vadd.f32 v1, v0;
	_ =	sdelay $0x1  }
0x96: {  	[tilespmem:s16+$0x50] =	vst v0;
	v0 =	vld [tilespmem:s16+$0x60]  }
0x97: {  	v1 =	vld [tilespmem:s13+$0x60];
	_ =	sdelay $0x4  }
0x98: {  	v0 =	vadd.f32 v1, v0;
	_ =	sdelay $0x1  }
0x99: {  	[tilespmem:s16+$0x60] =	vst v0;
	v0 =	vld [tilespmem:s16+$0x70]  }
0x9a: {  	v1 =	vld [tilespmem:s13+$0x70];
	_ =	sdelay $0x1  }
.Ltmp0:
0x9b: {  	(pc) =	sbr.rel @p0 .LBB2_3-.Ltmp0, $3  }
0x9c: {  	_ =	sdelay $0x1  }
0x9d: {  	v0 =	vadd.f32 v1, v0  }
0x9e: {  	s16 =	sadd.s32 $0x100, s16  }
0x9f: {  	s13 =	smul.u32 $0x280, s9;
	_ =	sdelay $0x1  }
0xa0: {  	s15 =	sadd.s32 s4, s13  }
0xa1: {  	s15 =	sshll.u32 s15, $0x3  }
0xa2: {  	[tilespmem:s14+$0x70] =	vst v0;
	s25 =	simm.s32 $0x1900;
	s30 =	sadd.s32 $0x280, s13;
	s16 =	sadd.s32 s6, s15  }
0xa3: {  	[hbm4b:s16+s3] =	stream.linear.scatter [tilespmem:s25], [sflag:$0xB], $0x2000, $0x38;
	[tilespmem:$0x15900] =	vst v63  }
0xa4: {  	s14 =	sadd.s32 s4, s30;
	_ =	swait.ge [sflag:s12], $0x2000  }
0xa5: {  	s14 =	sshll.u32 s14, $0x3;
	[sflag:s12] =	ssyncset.done $0x0  }
0xa6: {  	s14 =	sand.u32 $0x1FFFFC00, s14;
	[sflag:s12] =	ssyncadd.s32 $0xFFFFE000  }
0xa7: {  	[tilespmem:s25], [sflag:$0x1] =	stream.indirect.gather [hbm4b:s5+s24], $0x40, s30, s24, $0xb8;
	[tilespmem:$0x15900] =	vst v63  }
0xa8: {  	s31 =	simm.s32 $0xB900;
	s14 =	sadd.s32 s2, s14  }
0xa9: {  	[tilespmem:s31], [sflag:$0x6] =	stream.linear.gather [hbm4b:s14+s3], $0x2000, $0x38;
	[tilespmem:$0x15900] =	vst v63  }
0xaa: {  	_ =	swait.ge [sflag:s17], $0x2000  }
0xab: {  	[sflag:s17] =	ssyncset.done $0x0  }
0xac: {  	[sflag:s17] =	ssyncadd.s32 $0xFFFFE000  }
0xad: {  	_ =	swait.ge [sflag:s18], $0x2000  }
0xae: {  	[sflag:s18] =	ssyncset.done $0x0  }
0xaf: {  	s14 =	simm.s32 $0x39F0;
	[sflag:s18] =	ssyncadd.s32 $0xFFFFE000  }
0xb0: {  	s15 =	simm.s32 $0xD9F0;
	v0 =	vld [tilespmem:s14+$0xFFFFFF10]  }
0xb1: {  	v1 =	vld [tilespmem:s15+$0xFFFFFF10];
	_ =	sdelay $0x4  }
0xb2: {  	v0 =	vadd.f32 v1, v0;
	_ =	sdelay $0x1  }
0xb3: {  	[tilespmem:s14+$0xFFFFFF10] =	vst v0;
	v0 =	vld [tilespmem:s14+$0xFFFFFF20]  }
0xb4: {  	v1 =	vld [tilespmem:s15+$0xFFFFFF20];
	_ =	sdelay $0x4  }
0xb5: {  	v0 =	vadd.f32 v1, v0;
	_ =	sdelay $0x1  }
0xb6: {  	[tilespmem:s14+$0xFFFFFF20] =	vst v0;
	v0 =	vld [tilespmem:s14+$0xFFFFFF30]  }
0xb7: {  	v1 =	vld [tilespmem:s15+$0xFFFFFF30];
	_ =	sdelay $0x4  }
0xb8: {  	v0 =	vadd.f32 v1, v0;
	_ =	sdelay $0x1  }
0xb9: {  	[tilespmem:s14+$0xFFFFFF30] =	vst v0;
	v0 =	vld [tilespmem:s14+$0xFFFFFF40]  }
0xba: {  	v1 =	vld [tilespmem:s15+$0xFFFFFF40];
	_ =	sdelay $0x4  }
0xbb: {  	v0 =	vadd.f32 v1, v0;
	_ =	sdelay $0x1  }
0xbc: {  	[tilespmem:s14+$0xFFFFFF40] =	vst v0;
	v0 =	vld [tilespmem:s14+$0xFFFFFF50]  }
0xbd: {  	v1 =	vld [tilespmem:s15+$0xFFFFFF50];
	_ =	sdelay $0x4  }
0xbe: {  	v0 =	vadd.f32 v1, v0;
	_ =	sdelay $0x1  }
0xbf: {  	[tilespmem:s14+$0xFFFFFF50] =	vst v0;
	v0 =	vld [tilespmem:s14+$0xFFFFFF60]  }
0xc0: {  	v1 =	vld [tilespmem:s15+$0xFFFFFF60];
	_ =	sdelay $0x4  }
0xc1: {  	v0 =	vadd.f32 v1, v0;
	_ =	sdelay $0x1  }
0xc2: {  	[tilespmem:s14+$0xFFFFFF60] =	vst v0;
	v0 =	vld [tilespmem:s14+$0xFFFFFF70]  }
0xc3: {  	v1 =	vld [tilespmem:s15+$0xFFFFFF70];
	_ =	sdelay $0x4  }
0xc4: {  	v0 =	vadd.f32 v1, v0;
	_ =	sdelay $0x1  }
0xc5: {  	[tilespmem:s14+$0xFFFFFF70] =	vst v0;
	v0 =	vld [tilespmem:s14+$0xFFFFFF80]  }
0xc6: {  	v1 =	vld [tilespmem:s15+$0xFFFFFF80];
	_ =	sdelay $0x4  }
0xc7: {  	v0 =	vadd.f32 v1, v0;
	_ =	sdelay $0x1  }
0xc8: {  	[tilespmem:s14+$0xFFFFFF80] =	vst v0;
	v0 =	vld [tilespmem:s14+$0xFFFFFF90]  }
0xc9: {  	v1 =	vld [tilespmem:s15+$0xFFFFFF90];
	_ =	sdelay $0x4  }
0xca: {  	v0 =	vadd.f32 v1, v0;
	_ =	sdelay $0x1  }
0xcb: {  	[tilespmem:s14+$0xFFFFFF90] =	vst v0;
	v0 =	vld [tilespmem:s14+$0xFFFFFFA0]  }
0xcc: {  	v1 =	vld [tilespmem:s15+$0xFFFFFFA0];
	_ =	sdelay $0x4  }
0xcd: {  	v0 =	vadd.f32 v1, v0;
	_ =	sdelay $0x1  }
0xce: {  	[tilespmem:s14+$0xFFFFFFA0] =	vst v0;
	v0 =	vld [tilespmem:s14+$0xFFFFFFB0]  }
0xcf: {  	v1 =	vld [tilespmem:s15+$0xFFFFFFB0];
	_ =	sdelay $0x4  }
0xd0: {  	v0 =	vadd.f32 v1, v0;
	_ =	sdelay $0x1  }
0xd1: {  	[tilespmem:s14+$0xFFFFFFB0] =	vst v0;
	v0 =	vld [tilespmem:s14+$0xFFFFFFC0]  }
0xd2: {  	v1 =	vld [tilespmem:s15+$0xFFFFFFC0];
	_ =	sdelay $0x4  }
0xd3: {  	v0 =	vadd.f32 v1, v0;
	_ =	sdelay $0x1  }
0xd4: {  	[tilespmem:s14+$0xFFFFFFC0] =	vst v0;
	v0 =	vld [tilespmem:s14+$0xFFFFFFD0]  }
0xd5: {  	v1 =	vld [tilespmem:s15+$0xFFFFFFD0];
	_ =	sdelay $0x4  }
0xd6: {  	v0 =	vadd.f32 v1, v0;
	_ =	sdelay $0x1  }
0xd7: {  	[tilespmem:s14+$0xFFFFFFD0] =	vst v0;
	v0 =	vld [tilespmem:s14+$0xFFFFFFE0]  }
0xd8: {  	v1 =	vld [tilespmem:s15+$0xFFFFFFE0];
	_ =	sdelay $0x4  }
0xd9: {  	v0 =	vadd.f32 v1, v0;
	_ =	sdelay $0x1  }
0xda: {  	[tilespmem:s14+$0xFFFFFFE0] =	vst v0;
	v0 =	vld [tilespmem:s14+$0xFFFFFFF0]  }
0xdb: {  	v1 =	vld [tilespmem:s15+$0xFFFFFFF0];
	_ =	sdelay $0x4  }
0xdc: {  	v0 =	vadd.f32 v1, v0;
	_ =	sdelay $0x1  }
0xdd: {  	[tilespmem:s14+$0xFFFFFFF0] =	vst v0;
	v0 =	vld [tilespmem:s14+$0x0]  }
0xde: {  	v1 =	vld [tilespmem:s15+$0x0];
	_ =	sdelay $0x4  }
0xdf: {  	v0 =	vadd.f32 v1, v0  }
0xe0: {  	s28 =	simm.s32 $0x1900;
	s16 =	simm.s32 $0x0;
	s25 =	simm.s32 $0x3AF0  }
.LBB2_5:
0xe1: {  	v1 =	vld [tilespmem:s25+$0xFFFFFF10];
	[tilespmem:s14+$0x0] =	vst v0;
	s15 =	sadd.s32 $0x100, s15;
	s14 =	smov.u32 s25  }
0xe2: {  	s16 =	sadd.s32 $0x4, s16;
	v0 =	vld [tilespmem:s15+$0xFFFFFF10]  }
0xe3: {  	p0 =	slt.u32 s16, $0x7C;
	_ =	sdelay $0x3  }
0xe4: {  	v0 =	vadd.f32 v0, v1;
	_ =	sdelay $0x1  }
0xe5: {  	[tilespmem:s25+$0xFFFFFF10] =	vst v0;
	v0 =	vld [tilespmem:s25+$0xFFFFFF20]  }
0xe6: {  	v1 =	vld [tilespmem:s15+$0xFFFFFF20];
	_ =	sdelay $0x4  }
0xe7: {  	v0 =	vadd.f32 v1, v0;
	_ =	sdelay $0x1  }
0xe8: {  	[tilespmem:s25+$0xFFFFFF20] =	vst v0;
	v0 =	vld [tilespmem:s25+$0xFFFFFF30]  }
0xe9: {  	v1 =	vld [tilespmem:s15+$0xFFFFFF30];
	_ =	sdelay $0x4  }
0xea: {  	v0 =	vadd.f32 v1, v0;
	_ =	sdelay $0x1  }
0xeb: {  	[tilespmem:s25+$0xFFFFFF30] =	vst v0;
	v0 =	vld [tilespmem:s25+$0xFFFFFF40]  }
0xec: {  	v1 =	vld [tilespmem:s15+$0xFFFFFF40];
	_ =	sdelay $0x4  }
0xed: {  	v0 =	vadd.f32 v1, v0;
	_ =	sdelay $0x1  }
0xee: {  	[tilespmem:s25+$0xFFFFFF40] =	vst v0;
	v0 =	vld [tilespmem:s25+$0xFFFFFF50]  }
0xef: {  	v1 =	vld [tilespmem:s15+$0xFFFFFF50];
	_ =	sdelay $0x4  }
0xf0: {  	v0 =	vadd.f32 v1, v0;
	_ =	sdelay $0x1  }
0xf1: {  	[tilespmem:s25+$0xFFFFFF50] =	vst v0;
	v0 =	vld [tilespmem:s25+$0xFFFFFF60]  }
0xf2: {  	v1 =	vld [tilespmem:s15+$0xFFFFFF60];
	_ =	sdelay $0x4  }
0xf3: {  	v0 =	vadd.f32 v1, v0;
	_ =	sdelay $0x1  }
0xf4: {  	[tilespmem:s25+$0xFFFFFF60] =	vst v0;
	v0 =	vld [tilespmem:s25+$0xFFFFFF70]  }
0xf5: {  	v1 =	vld [tilespmem:s15+$0xFFFFFF70];
	_ =	sdelay $0x4  }
0xf6: {  	v0 =	vadd.f32 v1, v0;
	_ =	sdelay $0x1  }
0xf7: {  	[tilespmem:s25+$0xFFFFFF70] =	vst v0;
	v0 =	vld [tilespmem:s25+$0xFFFFFF80]  }
0xf8: {  	v1 =	vld [tilespmem:s15+$0xFFFFFF80];
	_ =	sdelay $0x4  }
0xf9: {  	v0 =	vadd.f32 v1, v0;
	_ =	sdelay $0x1  }
0xfa: {  	[tilespmem:s25+$0xFFFFFF80] =	vst v0;
	v0 =	vld [tilespmem:s25+$0xFFFFFF90]  }
0xfb: {  	v1 =	vld [tilespmem:s15+$0xFFFFFF90];
	_ =	sdelay $0x4  }
0xfc: {  	v0 =	vadd.f32 v1, v0;
	_ =	sdelay $0x1  }
0xfd: {  	[tilespmem:s25+$0xFFFFFF90] =	vst v0;
	v0 =	vld [tilespmem:s25+$0xFFFFFFA0]  }
0xfe: {  	v1 =	vld [tilespmem:s15+$0xFFFFFFA0];
	_ =	sdelay $0x4  }
0xff: {  	v0 =	vadd.f32 v1, v0;
	_ =	sdelay $0x1  }
0x100: {  	[tilespmem:s25+$0xFFFFFFA0] =	vst v0;
	v0 =	vld [tilespmem:s25+$0xFFFFFFB0]  }
0x101: {  	v1 =	vld [tilespmem:s15+$0xFFFFFFB0];
	_ =	sdelay $0x4  }
0x102: {  	v0 =	vadd.f32 v1, v0;
	_ =	sdelay $0x1  }
0x103: {  	[tilespmem:s25+$0xFFFFFFB0] =	vst v0;
	v0 =	vld [tilespmem:s25+$0xFFFFFFC0]  }
0x104: {  	v1 =	vld [tilespmem:s15+$0xFFFFFFC0];
	_ =	sdelay $0x4  }
0x105: {  	v0 =	vadd.f32 v1, v0;
	_ =	sdelay $0x1  }
0x106: {  	[tilespmem:s25+$0xFFFFFFC0] =	vst v0;
	v0 =	vld [tilespmem:s25+$0xFFFFFFD0]  }
0x107: {  	v1 =	vld [tilespmem:s15+$0xFFFFFFD0];
	_ =	sdelay $0x4  }
0x108: {  	v0 =	vadd.f32 v1, v0;
	_ =	sdelay $0x1  }
0x109: {  	[tilespmem:s25+$0xFFFFFFD0] =	vst v0;
	v0 =	vld [tilespmem:s25+$0xFFFFFFE0]  }
0x10a: {  	v1 =	vld [tilespmem:s15+$0xFFFFFFE0];
	_ =	sdelay $0x4  }
0x10b: {  	v0 =	vadd.f32 v1, v0;
	_ =	sdelay $0x1  }
0x10c: {  	[tilespmem:s25+$0xFFFFFFE0] =	vst v0;
	v0 =	vld [tilespmem:s25+$0xFFFFFFF0]  }
0x10d: {  	v1 =	vld [tilespmem:s15+$0xFFFFFFF0];
	_ =	sdelay $0x4  }
0x10e: {  	v0 =	vadd.f32 v1, v0;
	_ =	sdelay $0x1  }
0x10f: {  	[tilespmem:s25+$0xFFFFFFF0] =	vst v0;
	v0 =	vld [tilespmem:s25+$0x0]  }
0x110: {  	v1 =	vld [tilespmem:s15+$0x0];
	_ =	sdelay $0x1  }
.Ltmp1:
0x111: {  	(pc) =	sbr.rel @p0 .LBB2_5-.Ltmp1, $3  }
0x112: {  	_ =	sdelay $0x1  }
0x113: {  	v0 =	vadd.f32 v1, v0  }
0x114: {  	s25 =	sadd.s32 $0x100, s25  }
0x115: {  	s15 =	rddreg [dreg:$0x9]  }
0x116: {  	s15 =	sadd.s32 s13, s15  }
0x117: {  	s15 =	sshll.u32 s15, $0x3  }
0x118: {  	s8 =	simm.s32 $0x0;
	s15 =	sand.u32 $0x1FFFFC00, s15  }
0x119: {  	[tilespmem:s14+$0x0] =	vst v0;
	s16 =	simm.s32 $0x3900;
	s25 =	sadd.s32 $0x300, s13;
	s30 =	sadd.s32 s6, s15  }
0x11a: {  	[hbm4b:s30+s8] =	stream.linear.scatter [tilespmem:s16], [sflag:$0xC], $0x2000, $0x38;
	[tilespmem:$0x15900] =	vst v63  }
0x11b: {  	s14 =	sadd.s32 s4, s25;
	_ =	swait.ge [sflag:s19], $0x2000  }
0x11c: {  	s14 =	sshll.u32 s14, $0x3;
	[sflag:s19] =	ssyncset.done $0x0  }
0x11d: {  	s14 =	sand.u32 $0x1FFFFC00, s14;
	[sflag:s19] =	ssyncadd.s32 $0xFFFFE000  }
0x11e: {  	[tilespmem:s16], [sflag:$0x2] =	stream.indirect.gather [hbm4b:s5+s24], $0x40, s25, s24, $0xb8;
	[tilespmem:$0x15900] =	vst v63  }
0x11f: {  	s14 =	sadd.s32 s2, s14;
	s30 =	simm.s32 $0xD900  }
0x120: {  	[tilespmem:s30], [sflag:$0x7] =	stream.linear.gather [hbm4b:s14+s8], $0x2000, $0x38;
	[tilespmem:$0x15900] =	vst v63  }
0x121: {  	_ =	swait.ge [sflag:s20], $0x2000  }
0x122: {  	[sflag:s20] =	ssyncset.done $0x0  }
0x123: {  	[sflag:s20] =	ssyncadd.s32 $0xFFFFE000  }
0x124: {  	_ =	swait.ge [sflag:s21], $0x2000  }
0x125: {  	[sflag:s21] =	ssyncset.done $0x0  }
0x126: {  	s14 =	simm.s32 $0x0;
	[sflag:s21] =	ssyncadd.s32 $0xFFFFE000  }
0x127: {  	v8 =	vld [tilespmem:s14+$0xF900]  }
0x128: {  	v3 =	vld [tilespmem:s14+$0xF9F0]  }
0x129: {  	v5 =	vld [tilespmem:s14+$0x59F0]  }
0x12a: {  	v0 =	vld [tilespmem:s14+$0xF9E0]  }
0x12b: {  	v1 =	vld [tilespmem:s14+$0x59D0]  }
0x12c: {  	v2 =	vld [tilespmem:s14+$0xF9D0]  }
0x12d: {  	v4 =	vld [tilespmem:s14+$0x59C0]  }
0x12e: {  	v9 =	vld [tilespmem:s14+$0xF9B0]  }
0x12f: {  	v11 =	vld [tilespmem:s14+$0x59B0]  }
0x130: {  	v12 =	vld [tilespmem:s14+$0x5900]  }
0x131: {  	v6 =	vld [tilespmem:s14+$0xF990]  }
0x132: {  	v10 =	vld [tilespmem:s14+$0x5990]  }
0x133: {  	v7 =	vld [tilespmem:s14+$0xF980]  }
0x134: {  	v13 =	vld [tilespmem:s14+$0x5980]  }
0x135: {  	v14 =	vld [tilespmem:s14+$0x5970]  }
0x136: {  	v15 =	vld [tilespmem:s14+$0x5950]  }
0x137: {  	v16 =	vld [tilespmem:s14+$0xF960]  }
0x138: {  	v17 =	vld [tilespmem:s14+$0xF950]  }
0x139: {  	v18 =	vld [tilespmem:s14+$0x5960];
	v5 =	vadd.f32 v3, v5  }
0x13a: {  	v19 =	vld [tilespmem:s14+$0xF940]  }
0x13b: {  	[tilespmem:s14+$0x59F0] =	vst v5;
	v5 =	vld [tilespmem:s14+$0xF970]  }
0x13c: {  	v20 =	vld [tilespmem:s14+$0x5940]  }
0x13d: {  	v3 =	vld [tilespmem:s14+$0x59A0];
	v13 =	vadd.f32 v7, v13  }
0x13e: {  	v7 =	vld [tilespmem:s14+$0xF930]  }
0x13f: {  	v12 =	vadd.f32 v8, v12;
	v8 =	vld [tilespmem:s14+$0xF9A0];
	[tilespmem:s14+$0x5980] =	vst v13;
	v13 =	vadd.f32 v6, v10  }
0x140: {  	v63 =	vadd.f32 v9, v11;
	v11 =	vld [tilespmem:s14+$0x5910];
	v14 =	vadd.f32 v5, v14  }
0x141: {  	v10 =	vld [tilespmem:s14+$0x5930];
	[tilespmem:s14+$0x5990] =	vst v13  }
0x142: {  	v13 =	vld [tilespmem:s14+$0xF9C0];
	[tilespmem:s14+$0x5970] =	vst v14;
	v14 =	vadd.f32 v16, v18  }
0x143: {  	v6 =	vld [tilespmem:s14+$0xF910];
	[tilespmem:s14+$0x5900] =	vst v12  }
0x144: {  	v12 =	vld [tilespmem:s14+$0x59E0];
	[tilespmem:s14+$0x5960] =	vst v14;
	v14 =	vadd.f32 v19, v20  }
0x145: {  	s31 =	simm.s32 $0x3900;
	s15 =	simm.s32 $0x0;
	s16 =	simm.s32 $0x400;
	v9 =	vadd.f32 v17, v15;
	[tilespmem:s14+$0x59B0] =	vst v63;
	v5 =	vld [tilespmem:s14+$0xF920]  }
.LBB2_7:
0x146: {  	s25 =	sshra.s32 s16, $0x2;
	s15 =	sadd.s32 $0x4, s15;
	v15 =	vld [tilespmem:s14+$0x5920];
	v7 =	vadd.f32 v7, v10;
	[tilespmem:s14+$0x5940] =	vst v14  }
0x147: {  	v1 =	vadd.f32 v2, v1;
	v14 =	vld [tilespmem:s25+$0xF900];
	p0 =	slt.u32 s15, $0x7C;
	v4 =	vadd.f32 v13, v4  }
0x148: {  	v10 =	vld [tilespmem:s25+$0xF9F0];
	[tilespmem:s14+$0x5930] =	vst v7;
	v3 =	vadd.f32 v8, v3  }
0x149: {  	v7 =	vld [tilespmem:s25+$0x59F0];
	[tilespmem:s14+$0x59C0] =	vst v4;
	v2 =	vadd.f32 v0, v12  }
0x14a: {  	v0 =	vld [tilespmem:s25+$0xF9E0];
	v6 =	vadd.f32 v6, v11;
	[tilespmem:s14+$0x59D0] =	vst v1  }
0x14b: {  	v1 =	vld [tilespmem:s25+$0x59D0];
	[tilespmem:s14+$0x59E0] =	vst v2  }
0x14c: {  	v5 =	vadd.f32 v5, v15;
	v2 =	vld [tilespmem:s25+$0xF9D0];
	[tilespmem:s14+$0x5950] =	vst v9  }
0x14d: {  	v4 =	vld [tilespmem:s25+$0x59C0];
	[tilespmem:s14+$0x5910] =	vst v6  }
0x14e: {  	v9 =	vld [tilespmem:s25+$0xF9B0];
	v6 =	vadd.f32 v10, v7;
	[tilespmem:s14+$0x5920] =	vst v5  }
0x14f: {  	v11 =	vld [tilespmem:s25+$0x59B0];
	[tilespmem:s14+$0x59A0] =	vst v3;
	s14 =	smov.u32 s25  }
0x150: {  	v3 =	vld [tilespmem:s14+$0x59A0];
	[tilespmem:s14+$0x59F0] =	vst v6  }
0x151: {  	v8 =	vld [tilespmem:s14+$0x5900]  }
0x152: {  	v6 =	vld [tilespmem:s14+$0xF990]  }
0x153: {  	v10 =	vld [tilespmem:s14+$0x5990]  }
0x154: {  	v5 =	vld [tilespmem:s14+$0xF980]  }
0x155: {  	v7 =	vld [tilespmem:s14+$0x5980]  }
0x156: {  	v12 =	vld [tilespmem:s14+$0xF970]  }
0x157: {  	v13 =	vld [tilespmem:s14+$0x5970]  }
0x158: {  	v15 =	vld [tilespmem:s14+$0x5950]  }
0x159: {  	v16 =	vld [tilespmem:s14+$0xF960]  }
0x15a: {  	v17 =	vld [tilespmem:s14+$0xF950]  }
0x15b: {  	v18 =	vld [tilespmem:s14+$0x5960]  }
0x15c: {  	v19 =	vld [tilespmem:s14+$0xF940];
	v12 =	vadd.f32 v12, v13  }
0x15d: {  	v20 =	vadd.f32 v5, v7;
	v13 =	vld [tilespmem:s14+$0x5940]  }
0x15e: {  	v5 =	vld [tilespmem:s14+$0xF920];
	[tilespmem:s14+$0x5970] =	vst v12  }
0x15f: {  	v12 =	vadd.f32 v6, v10;
	v7 =	vld [tilespmem:s14+$0xF930];
	[tilespmem:s14+$0x5980] =	vst v20  }
0x160: {  	v10 =	vld [tilespmem:s14+$0x5930];
	v16 =	vadd.f32 v16, v18  }
.Ltmp2:
0x161: {  	v6 =	vld [tilespmem:s14+$0xF910];
	[tilespmem:s14+$0x5990] =	vst v12;
	(pc) =	sbr.rel @p0 .LBB2_7-.Ltmp2, $4  }
0x162: {  	v12 =	vadd.f32 v14, v8;
	v14 =	vadd.f32 v19, v13;
	[tilespmem:s14+$0x5960] =	vst v16;
	v13 =	vld [tilespmem:s14+$0xF9C0]  }
0x163: {  	v16 =	vadd.f32 v9, v11;
	v8 =	vld [tilespmem:s14+$0xF9A0]  }
0x164: {  	[tilespmem:s14+$0x5900] =	vst v12;
	v12 =	vld [tilespmem:s14+$0x59E0]  }
0x165: {  	s16 =	sadd.s32 $0x400, s16;
	v9 =	vadd.f32 v17, v15;
	v11 =	vld [tilespmem:s14+$0x5910];
	[tilespmem:s14+$0x59B0] =	vst v16  }
0x166: {  	v7 =	vadd.f32 v7, v10;
	[tilespmem:s14+$0x5940] =	vst v14  }
0x167: {  	v15 =	vld [tilespmem:s14+$0x5920];
	v1 =	vadd.f32 v2, v1;
	[tilespmem:s14+$0x5950] =	vst v9  }
0x168: {  	v4 =	vadd.f32 v13, v4;
	[tilespmem:s14+$0x5930] =	vst v7  }
0x169: {  	[tilespmem:s14+$0x59D0] =	vst v1;
	v2 =	vadd.f32 v8, v3  }
0x16a: {  	s15 =	rddreg [dreg:$0xa];
	[tilespmem:s14+$0x59C0] =	vst v4;
	v0 =	vadd.f32 v0, v12  }
0x16b: {  	s15 =	sadd.s32 s13, s15;
	v1 =	vadd.f32 v6, v11;
	[tilespmem:s14+$0x59A0] =	vst v2  }
0x16c: {  	s15 =	sshll.u32 s15, $0x3;
	[tilespmem:s14+$0x59E0] =	vst v0;
	v0 =	vadd.f32 v5, v15  }
0x16d: {  	s16 =	simm.s32 $0x5900;
	s15 =	sand.u32 $0x1FFFFC00, s15;
	[tilespmem:s14+$0x5910] =	vst v1  }
0x16e: {  	s8 =	sadd.s32 $0x380, s13;
	s25 =	sadd.s32 s6, s15;
	s15 =	simm.s32 $0x0;
	[tilespmem:s14+$0x5920] =	vst v0  }
0x16f: {  	[hbm4b:s25+s15] =	stream.linear.scatter [tilespmem:s16], [sflag:$0xD], $0x2000, $0x38;
	[tilespmem:$0x15900] =	vst v63  }
0x170: {  	s14 =	sadd.s32 s4, s8;
	_ =	swait.ge [sflag:s22], $0x2000  }
0x171: {  	s14 =	sshll.u32 s14, $0x3;
	[sflag:s22] =	ssyncset.done $0x0  }
0x172: {  	s14 =	sand.u32 $0x1FFFFC00, s14;
	[sflag:s22] =	ssyncadd.s32 $0xFFFFE000  }
0x173: {  	[tilespmem:s16], [sflag:$0x3] =	stream.indirect.gather [hbm4b:s5+s24], $0x40, s8, s24, $0xb8;
	[tilespmem:$0x15900] =	vst v63  }
0x174: {  	s25 =	simm.s32 $0xF900;
	s14 =	sadd.s32 s2, s14  }
0x175: {  	[tilespmem:s25], [sflag:$0x8] =	stream.linear.gather [hbm4b:s14+s15], $0x2000, $0x38;
	[tilespmem:$0x15900] =	vst v63  }
0x176: {  	_ =	swait.ge [sflag:s7], $0x2000  }
0x177: {  	[sflag:s7] =	ssyncset.done $0x0  }
0x178: {  	[sflag:s7] =	ssyncadd.s32 $0xFFFFE000  }
0x179: {  	_ =	swait.ge [sflag:s23], $0x2000  }
0x17a: {  	[sflag:s23] =	ssyncset.done $0x0  }
0x17b: {  	s14 =	simm.s32 $0x0;
	[sflag:s23] =	ssyncadd.s32 $0xFFFFE000  }
0x17c: {  	v8 =	vld [tilespmem:s14+$0x11900]  }
0x17d: {  	v3 =	vld [tilespmem:s14+$0x119F0]  }
0x17e: {  	v5 =	vld [tilespmem:s14+$0x79F0]  }
0x17f: {  	v0 =	vld [tilespmem:s14+$0x119E0]  }
0x180: {  	v1 =	vld [tilespmem:s14+$0x79D0]  }
0x181: {  	v2 =	vld [tilespmem:s14+$0x119D0]  }
0x182: {  	v4 =	vld [tilespmem:s14+$0x79C0]  }
0x183: {  	v9 =	vld [tilespmem:s14+$0x119B0]  }
0x184: {  	v11 =	vld [tilespmem:s14+$0x79B0]  }
0x185: {  	v12 =	vld [tilespmem:s14+$0x7900]  }
0x186: {  	v6 =	vld [tilespmem:s14+$0x11990]  }
0x187: {  	v10 =	vld [tilespmem:s14+$0x7990]  }
0x188: {  	v7 =	vld [tilespmem:s14+$0x11980]  }
0x189: {  	v13 =	vld [tilespmem:s14+$0x7980]  }
0x18a: {  	v14 =	vld [tilespmem:s14+$0x7970]  }
0x18b: {  	v15 =	vld [tilespmem:s14+$0x7950]  }
0x18c: {  	v16 =	vld [tilespmem:s14+$0x11960]  }
0x18d: {  	v17 =	vld [tilespmem:s14+$0x11950]  }
0x18e: {  	v18 =	vld [tilespmem:s14+$0x7960];
	v5 =	vadd.f32 v3, v5  }
0x18f: {  	v19 =	vld [tilespmem:s14+$0x11940]  }
0x190: {  	[tilespmem:s14+$0x79F0] =	vst v5;
	v5 =	vld [tilespmem:s14+$0x11970]  }
0x191: {  	v20 =	vld [tilespmem:s14+$0x7940]  }
0x192: {  	v3 =	vld [tilespmem:s14+$0x79A0];
	v13 =	vadd.f32 v7, v13  }
0x193: {  	v7 =	vld [tilespmem:s14+$0x11930]  }
0x194: {  	v12 =	vadd.f32 v8, v12;
	v8 =	vld [tilespmem:s14+$0x119A0];
	[tilespmem:s14+$0x7980] =	vst v13;
	v13 =	vadd.f32 v6, v10  }
0x195: {  	v63 =	vadd.f32 v9, v11;
	v11 =	vld [tilespmem:s14+$0x7910];
	v14 =	vadd.f32 v5, v14  }
0x196: {  	v10 =	vld [tilespmem:s14+$0x7930];
	[tilespmem:s14+$0x7990] =	vst v13  }
0x197: {  	v13 =	vld [tilespmem:s14+$0x119C0];
	[tilespmem:s14+$0x7970] =	vst v14;
	v14 =	vadd.f32 v16, v18  }
0x198: {  	v6 =	vld [tilespmem:s14+$0x11910];
	[tilespmem:s14+$0x7900] =	vst v12  }
0x199: {  	v12 =	vld [tilespmem:s14+$0x79E0];
	[tilespmem:s14+$0x7960] =	vst v14;
	v14 =	vadd.f32 v19, v20  }
0x19a: {  	s30 =	simm.s32 $0x5900;
	s16 =	simm.s32 $0x400;
	s15 =	simm.s32 $0x0;
	v9 =	vadd.f32 v17, v15;
	[tilespmem:s14+$0x79B0] =	vst v63;
	v5 =	vld [tilespmem:s14+$0x11920]  }
.LBB2_9:
0x19b: {  	s25 =	sshra.s32 s16, $0x2;
	s15 =	sadd.s32 $0x4, s15;
	v15 =	vld [tilespmem:s14+$0x7920];
	v7 =	vadd.f32 v7, v10;
	[tilespmem:s14+$0x7940] =	vst v14  }
0x19c: {  	v1 =	vadd.f32 v2, v1;
	v14 =	vld [tilespmem:s25+$0x11900];
	p0 =	slt.u32 s15, $0x7C;
	v4 =	vadd.f32 v13, v4  }
0x19d: {  	v10 =	vld [tilespmem:s25+$0x119F0];
	[tilespmem:s14+$0x7930] =	vst v7;
	v3 =	vadd.f32 v8, v3  }
0x19e: {  	v7 =	vld [tilespmem:s25+$0x79F0];
	[tilespmem:s14+$0x79C0] =	vst v4;
	v2 =	vadd.f32 v0, v12  }
0x19f: {  	v0 =	vld [tilespmem:s25+$0x119E0];
	v6 =	vadd.f32 v6, v11;
	[tilespmem:s14+$0x79D0] =	vst v1  }
0x1a0: {  	v1 =	vld [tilespmem:s25+$0x79D0];
	[tilespmem:s14+$0x79E0] =	vst v2  }
0x1a1: {  	v5 =	vadd.f32 v5, v15;
	v2 =	vld [tilespmem:s25+$0x119D0];
	[tilespmem:s14+$0x7950] =	vst v9  }
0x1a2: {  	v4 =	vld [tilespmem:s25+$0x79C0];
	[tilespmem:s14+$0x7910] =	vst v6  }
0x1a3: {  	v9 =	vld [tilespmem:s25+$0x119B0];
	v6 =	vadd.f32 v10, v7;
	[tilespmem:s14+$0x7920] =	vst v5  }
0x1a4: {  	v11 =	vld [tilespmem:s25+$0x79B0];
	[tilespmem:s14+$0x79A0] =	vst v3;
	s14 =	smov.u32 s25  }
0x1a5: {  	v3 =	vld [tilespmem:s14+$0x79A0];
	[tilespmem:s14+$0x79F0] =	vst v6  }
0x1a6: {  	v8 =	vld [tilespmem:s14+$0x7900]  }
0x1a7: {  	v6 =	vld [tilespmem:s14+$0x11990]  }
0x1a8: {  	v10 =	vld [tilespmem:s14+$0x7990]  }
0x1a9: {  	v5 =	vld [tilespmem:s14+$0x11980]  }
0x1aa: {  	v7 =	vld [tilespmem:s14+$0x7980]  }
0x1ab: {  	v12 =	vld [tilespmem:s14+$0x11970]  }
0x1ac: {  	v13 =	vld [tilespmem:s14+$0x7970]  }
0x1ad: {  	v15 =	vld [tilespmem:s14+$0x7950]  }
0x1ae: {  	v16 =	vld [tilespmem:s14+$0x11960]  }
0x1af: {  	v17 =	vld [tilespmem:s14+$0x11950]  }
0x1b0: {  	v18 =	vld [tilespmem:s14+$0x7960]  }
0x1b1: {  	v19 =	vld [tilespmem:s14+$0x11940];
	v12 =	vadd.f32 v12, v13  }
0x1b2: {  	v20 =	vadd.f32 v5, v7;
	v13 =	vld [tilespmem:s14+$0x7940]  }
0x1b3: {  	v5 =	vld [tilespmem:s14+$0x11920];
	[tilespmem:s14+$0x7970] =	vst v12  }
0x1b4: {  	v12 =	vadd.f32 v6, v10;
	v7 =	vld [tilespmem:s14+$0x11930];
	[tilespmem:s14+$0x7980] =	vst v20  }
0x1b5: {  	v10 =	vld [tilespmem:s14+$0x7930];
	v16 =	vadd.f32 v16, v18  }
.Ltmp3:
0x1b6: {  	v6 =	vld [tilespmem:s14+$0x11910];
	[tilespmem:s14+$0x7990] =	vst v12;
	(pc) =	sbr.rel @p0 .LBB2_9-.Ltmp3, $4  }
0x1b7: {  	v12 =	vadd.f32 v14, v8;
	v14 =	vadd.f32 v19, v13;
	[tilespmem:s14+$0x7960] =	vst v16;
	v13 =	vld [tilespmem:s14+$0x119C0]  }
0x1b8: {  	v16 =	vadd.f32 v9, v11;
	v8 =	vld [tilespmem:s14+$0x119A0]  }
0x1b9: {  	[tilespmem:s14+$0x7900] =	vst v12;
	v12 =	vld [tilespmem:s14+$0x79E0]  }
0x1ba: {  	s16 =	sadd.s32 $0x400, s16;
	v9 =	vadd.f32 v17, v15;
	v11 =	vld [tilespmem:s14+$0x7910];
	[tilespmem:s14+$0x79B0] =	vst v16  }
0x1bb: {  	v7 =	vadd.f32 v7, v10;
	[tilespmem:s14+$0x7940] =	vst v14  }
0x1bc: {  	v15 =	vld [tilespmem:s14+$0x7920];
	v1 =	vadd.f32 v2, v1;
	[tilespmem:s14+$0x7950] =	vst v9  }
0x1bd: {  	v4 =	vadd.f32 v13, v4;
	[tilespmem:s14+$0x7930] =	vst v7  }
0x1be: {  	[tilespmem:s14+$0x79D0] =	vst v1;
	v2 =	vadd.f32 v8, v3  }
0x1bf: {  	s15 =	rddreg [dreg:$0xb];
	[tilespmem:s14+$0x79C0] =	vst v4;
	v0 =	vadd.f32 v0, v12  }
0x1c0: {  	s15 =	sadd.s32 s13, s15;
	v1 =	vadd.f32 v6, v11;
	[tilespmem:s14+$0x79A0] =	vst v2  }
0x1c1: {  	s15 =	sshll.u32 s15, $0x3;
	[tilespmem:s14+$0x79E0] =	vst v0;
	v0 =	vadd.f32 v5, v15  }
0x1c2: {  	s16 =	simm.s32 $0x7900;
	s15 =	sand.u32 $0x1FFFFC00, s15;
	[tilespmem:s14+$0x7910] =	vst v1  }
0x1c3: {  	s25 =	sadd.s32 $0x400, s13;
	s8 =	sadd.s32 s6, s15;
	s15 =	simm.s32 $0x0;
	[tilespmem:s14+$0x7920] =	vst v0  }
0x1c4: {  	[hbm4b:s8+s15] =	stream.linear.scatter [tilespmem:s16], [sflag:$0xE], $0x2000, $0x38;
	[tilespmem:$0x15900] =	vst v63  }
0x1c5: {  	s14 =	sadd.s32 s4, s25;
	_ =	swait.ge [sflag:s26], $0x2000  }
0x1c6: {  	s14 =	sshll.u32 s14, $0x3;
	[sflag:s26] =	ssyncset.done $0x0  }
0x1c7: {  	s14 =	sand.u32 $0x1FFFFC00, s14;
	[sflag:s26] =	ssyncadd.s32 $0xFFFFE000  }
0x1c8: {  	[tilespmem:s16], [sflag:$0x4] =	stream.indirect.gather [hbm4b:s5+s24], $0x40, s25, s24, $0xb8;
	[tilespmem:$0x15900] =	vst v63  }
0x1c9: {  	s14 =	sadd.s32 s2, s14;
	s25 =	simm.s32 $0x11900  }
0x1ca: {  	[tilespmem:s25], [sflag:$0x9] =	stream.linear.gather [hbm4b:s14+s15], $0x2000, $0x38;
	[tilespmem:$0x15900] =	vst v63  }
0x1cb: {  	_ =	swait.ge [sflag:s29], $0x2000  }
0x1cc: {  	[sflag:s29] =	ssyncset.done $0x0  }
0x1cd: {  	[sflag:s29] =	ssyncadd.s32 $0xFFFFE000  }
0x1ce: {  	_ =	swait.ge [sflag:s1], $0x2000  }
0x1cf: {  	[sflag:s1] =	ssyncset.done $0x0  }
0x1d0: {  	s14 =	simm.s32 $0x0;
	[sflag:s1] =	ssyncadd.s32 $0xFFFFE000  }
0x1d1: {  	v8 =	vld [tilespmem:s14+$0x13900]  }
0x1d2: {  	v3 =	vld [tilespmem:s14+$0x139F0]  }
0x1d3: {  	v5 =	vld [tilespmem:s14+$0x99F0]  }
0x1d4: {  	v0 =	vld [tilespmem:s14+$0x139E0]  }
0x1d5: {  	v1 =	vld [tilespmem:s14+$0x99D0]  }
0x1d6: {  	v2 =	vld [tilespmem:s14+$0x139D0]  }
0x1d7: {  	v4 =	vld [tilespmem:s14+$0x99C0]  }
0x1d8: {  	v9 =	vld [tilespmem:s14+$0x139B0]  }
0x1d9: {  	v11 =	vld [tilespmem:s14+$0x99B0]  }
0x1da: {  	v12 =	vld [tilespmem:s14+$0x9900]  }
0x1db: {  	v6 =	vld [tilespmem:s14+$0x13990]  }
0x1dc: {  	v10 =	vld [tilespmem:s14+$0x9990]  }
0x1dd: {  	v7 =	vld [tilespmem:s14+$0x13980]  }
0x1de: {  	v13 =	vld [tilespmem:s14+$0x9980]  }
0x1df: {  	v14 =	vld [tilespmem:s14+$0x9970]  }
0x1e0: {  	v15 =	vld [tilespmem:s14+$0x9950]  }
0x1e1: {  	v16 =	vld [tilespmem:s14+$0x13960]  }
0x1e2: {  	v17 =	vld [tilespmem:s14+$0x13950]  }
0x1e3: {  	v18 =	vld [tilespmem:s14+$0x9960];
	v5 =	vadd.f32 v3, v5  }
0x1e4: {  	v19 =	vld [tilespmem:s14+$0x13940]  }
0x1e5: {  	[tilespmem:s14+$0x99F0] =	vst v5;
	v5 =	vld [tilespmem:s14+$0x13970]  }
0x1e6: {  	v20 =	vld [tilespmem:s14+$0x9940]  }
0x1e7: {  	v3 =	vld [tilespmem:s14+$0x99A0];
	v13 =	vadd.f32 v7, v13  }
0x1e8: {  	v7 =	vld [tilespmem:s14+$0x13930]  }
0x1e9: {  	v12 =	vadd.f32 v8, v12;
	v8 =	vld [tilespmem:s14+$0x139A0];
	[tilespmem:s14+$0x9980] =	vst v13;
	v13 =	vadd.f32 v6, v10  }
0x1ea: {  	v63 =	vadd.f32 v9, v11;
	v11 =	vld [tilespmem:s14+$0x9910];
	v14 =	vadd.f32 v5, v14  }
0x1eb: {  	v10 =	vld [tilespmem:s14+$0x9930];
	[tilespmem:s14+$0x9990] =	vst v13  }
0x1ec: {  	v13 =	vld [tilespmem:s14+$0x139C0];
	[tilespmem:s14+$0x9970] =	vst v14;
	v14 =	vadd.f32 v16, v18  }
0x1ed: {  	v6 =	vld [tilespmem:s14+$0x13910];
	[tilespmem:s14+$0x9900] =	vst v12  }
0x1ee: {  	v12 =	vld [tilespmem:s14+$0x99E0];
	[tilespmem:s14+$0x9960] =	vst v14;
	v14 =	vadd.f32 v19, v20  }
0x1ef: {  	s8 =	simm.s32 $0x7900;
	s16 =	simm.s32 $0x400;
	s15 =	simm.s32 $0x0;
	v9 =	vadd.f32 v17, v15;
	[tilespmem:s14+$0x99B0] =	vst v63;
	v5 =	vld [tilespmem:s14+$0x13920]  }
.LBB2_11:
0x1f0: {  	s25 =	sshra.s32 s16, $0x2;
	s15 =	sadd.s32 $0x4, s15;
	v15 =	vld [tilespmem:s14+$0x9920];
	v7 =	vadd.f32 v7, v10;
	[tilespmem:s14+$0x9940] =	vst v14  }
0x1f1: {  	v1 =	vadd.f32 v2, v1;
	v14 =	vld [tilespmem:s25+$0x13900];
	p0 =	slt.u32 s15, $0x7C;
	v4 =	vadd.f32 v13, v4  }
0x1f2: {  	v10 =	vld [tilespmem:s25+$0x139F0];
	[tilespmem:s14+$0x9930] =	vst v7;
	v3 =	vadd.f32 v8, v3  }
0x1f3: {  	v7 =	vld [tilespmem:s25+$0x99F0];
	[tilespmem:s14+$0x99C0] =	vst v4;
	v2 =	vadd.f32 v0, v12  }
0x1f4: {  	v0 =	vld [tilespmem:s25+$0x139E0];
	v6 =	vadd.f32 v6, v11;
	[tilespmem:s14+$0x99D0] =	vst v1  }
0x1f5: {  	v1 =	vld [tilespmem:s25+$0x99D0];
	[tilespmem:s14+$0x99E0] =	vst v2  }
0x1f6: {  	v5 =	vadd.f32 v5, v15;
	v2 =	vld [tilespmem:s25+$0x139D0];
	[tilespmem:s14+$0x9950] =	vst v9  }
0x1f7: {  	v4 =	vld [tilespmem:s25+$0x99C0];
	[tilespmem:s14+$0x9910] =	vst v6  }
0x1f8: {  	v9 =	vld [tilespmem:s25+$0x139B0];
	v6 =	vadd.f32 v10, v7;
	[tilespmem:s14+$0x9920] =	vst v5  }
0x1f9: {  	v11 =	vld [tilespmem:s25+$0x99B0];
	[tilespmem:s14+$0x99A0] =	vst v3;
	s14 =	smov.u32 s25  }
0x1fa: {  	v3 =	vld [tilespmem:s14+$0x99A0];
	[tilespmem:s14+$0x99F0] =	vst v6  }
0x1fb: {  	v8 =	vld [tilespmem:s14+$0x9900]  }
0x1fc: {  	v6 =	vld [tilespmem:s14+$0x13990]  }
0x1fd: {  	v10 =	vld [tilespmem:s14+$0x9990]  }
0x1fe: {  	v5 =	vld [tilespmem:s14+$0x13980]  }
0x1ff: {  	v7 =	vld [tilespmem:s14+$0x9980]  }
0x200: {  	v12 =	vld [tilespmem:s14+$0x13970]  }
0x201: {  	v13 =	vld [tilespmem:s14+$0x9970]  }
0x202: {  	v15 =	vld [tilespmem:s14+$0x9950]  }
0x203: {  	v16 =	vld [tilespmem:s14+$0x13960]  }
0x204: {  	v17 =	vld [tilespmem:s14+$0x13950]  }
0x205: {  	v18 =	vld [tilespmem:s14+$0x9960]  }
0x206: {  	v19 =	vld [tilespmem:s14+$0x13940];
	v12 =	vadd.f32 v12, v13  }
0x207: {  	v20 =	vadd.f32 v5, v7;
	v13 =	vld [tilespmem:s14+$0x9940]  }
0x208: {  	v5 =	vld [tilespmem:s14+$0x13920];
	[tilespmem:s14+$0x9970] =	vst v12  }
0x209: {  	v12 =	vadd.f32 v6, v10;
	v7 =	vld [tilespmem:s14+$0x13930];
	[tilespmem:s14+$0x9980] =	vst v20  }
0x20a: {  	v10 =	vld [tilespmem:s14+$0x9930];
	v16 =	vadd.f32 v16, v18  }
.Ltmp4:
0x20b: {  	v6 =	vld [tilespmem:s14+$0x13910];
	[tilespmem:s14+$0x9990] =	vst v12;
	(pc) =	sbr.rel @p0 .LBB2_11-.Ltmp4, $4  }
0x20c: {  	v12 =	vadd.f32 v14, v8;
	v14 =	vadd.f32 v19, v13;
	[tilespmem:s14+$0x9960] =	vst v16;
	v13 =	vld [tilespmem:s14+$0x139C0]  }
0x20d: {  	v16 =	vadd.f32 v9, v11;
	v8 =	vld [tilespmem:s14+$0x139A0]  }
0x20e: {  	[tilespmem:s14+$0x9900] =	vst v12;
	v12 =	vld [tilespmem:s14+$0x99E0]  }
0x20f: {  	s16 =	sadd.s32 $0x400, s16;
	v9 =	vadd.f32 v17, v15;
	v11 =	vld [tilespmem:s14+$0x9910];
	[tilespmem:s14+$0x99B0] =	vst v16  }
0x210: {  	v7 =	vadd.f32 v7, v10;
	[tilespmem:s14+$0x9940] =	vst v14  }
0x211: {  	v15 =	vld [tilespmem:s14+$0x9920];
	v1 =	vadd.f32 v2, v1;
	[tilespmem:s14+$0x9950] =	vst v9  }
0x212: {  	v4 =	vadd.f32 v13, v4;
	[tilespmem:s14+$0x9930] =	vst v7  }
0x213: {  	[tilespmem:s14+$0x99D0] =	vst v1;
	v63 =	vadd.f32 v8, v3  }
0x214: {  	s15 =	rddreg [dreg:$0xc];
	[tilespmem:s14+$0x99C0] =	vst v4;
	v0 =	vadd.f32 v0, v12  }
0x215: {  	s15 =	sadd.s32 s13, s15;
	v61 =	vadd.f32 v6, v11;
	[tilespmem:s14+$0x99A0] =	vst v63  }
0x216: {  	s15 =	sshll.u32 s15, $0x3;
	[tilespmem:s14+$0x99E0] =	vst v0;
	v62 =	vadd.f32 v5, v15  }
0x217: {  	s16 =	simm.s32 $0x9900;
	s15 =	sand.u32 $0x1FFFFC00, s15;
	[tilespmem:s14+$0x9910] =	vst v61  }
0x218: {  	s9 =	sadd.s32 $0x1, s9;
	s25 =	sadd.s32 s6, s15;
	s15 =	sadd.s32 $0x480, s13;
	[tilespmem:s14+$0x9920] =	vst v62  }
0x219: {  	[hbm4b:s25+s3] =	stream.linear.scatter [tilespmem:s16], [sflag:$0xF], $0x2000, $0x38;
	[tilespmem:$0x15900] =	vst v63  }
0x21a: {  	p0 =	sne.s32 s9, $0x9;
	s13 =	sadd.s32 s4, s15;
	_ =	swait.ge [sflag:s0], $0x2000  }
.Ltmp5:
0x21b: {  	s13 =	sshll.u32 s13, $0x3;
	[sflag:s0] =	ssyncset.done $0x0;
	(pc) =	sbr.rel @p0 .LBB2_2-.Ltmp5, $4  }
0x21c: {  	s13 =	sand.u32 $0x1FFFFC00, s13;
	[sflag:s0] =	ssyncadd.s32 $0xFFFFE000  }
0x21d: {  	[tilespmem:s16], [sflag:$0x5] =	stream.indirect.gather [hbm4b:s5+s24], $0x40, s15, s24, $0xb8;
	[tilespmem:$0x15900] =	vst v63  }
0x21e: {  	s13 =	sadd.s32 s2, s13;
	s25 =	simm.s32 $0x13900  }
0x21f: {  	[tilespmem:s25], [sflag:$0xA] =	stream.linear.gather [hbm4b:s13+s3], $0x2000, $0x38;
	[tilespmem:$0x15900] =	vst v63  }
0x220: {  	_ =	swait.ge [sflag:s10], $0x2000  }
0x221: {  	[sflag:s10] =	ssyncset.done $0x0  }
0x222: {  	[sflag:s10] =	ssyncadd.s32 $0xFFFFE000  }
0x223: {  	_ =	swait.ge [sflag:s11], $0x2000  }
0x224: {  	[sflag:s11] =	ssyncset.done $0x0  }
0x225: {  	s9 =	simm.s32 $0x1980;
	[sflag:s11] =	ssyncadd.s32 $0xFFFFE000  }
0x226: {  	s13 =	simm.s32 $0xB980;
	v0 =	vld [tilespmem:s9+$0xFFFFFF80]  }
0x227: {  	v1 =	vld [tilespmem:s13+$0xFFFFFF80];
	_ =	sdelay $0x4  }
0x228: {  	v0 =	vadd.f32 v1, v0;
	_ =	sdelay $0x1  }
0x229: {  	[tilespmem:s9+$0xFFFFFF80] =	vst v0;
	v0 =	vld [tilespmem:s9+$0xFFFFFF90]  }
0x22a: {  	v1 =	vld [tilespmem:s13+$0xFFFFFF90];
	_ =	sdelay $0x4  }
0x22b: {  	v0 =	vadd.f32 v1, v0;
	_ =	sdelay $0x1  }
0x22c: {  	[tilespmem:s9+$0xFFFFFF90] =	vst v0;
	v0 =	vld [tilespmem:s9+$0xFFFFFFA0]  }
0x22d: {  	v1 =	vld [tilespmem:s13+$0xFFFFFFA0];
	_ =	sdelay $0x4  }
0x22e: {  	v0 =	vadd.f32 v1, v0;
	_ =	sdelay $0x1  }
0x22f: {  	[tilespmem:s9+$0xFFFFFFA0] =	vst v0;
	v0 =	vld [tilespmem:s9+$0xFFFFFFB0]  }
0x230: {  	v1 =	vld [tilespmem:s13+$0xFFFFFFB0];
	_ =	sdelay $0x4  }
0x231: {  	v0 =	vadd.f32 v1, v0;
	_ =	sdelay $0x1  }
0x232: {  	[tilespmem:s9+$0xFFFFFFB0] =	vst v0;
	v0 =	vld [tilespmem:s9+$0xFFFFFFC0]  }
0x233: {  	v1 =	vld [tilespmem:s13+$0xFFFFFFC0];
	_ =	sdelay $0x4  }
0x234: {  	v0 =	vadd.f32 v1, v0;
	_ =	sdelay $0x1  }
0x235: {  	[tilespmem:s9+$0xFFFFFFC0] =	vst v0;
	v0 =	vld [tilespmem:s9+$0xFFFFFFD0]  }
0x236: {  	v1 =	vld [tilespmem:s13+$0xFFFFFFD0];
	_ =	sdelay $0x4  }
0x237: {  	v0 =	vadd.f32 v1, v0;
	_ =	sdelay $0x1  }
0x238: {  	[tilespmem:s9+$0xFFFFFFD0] =	vst v0;
	v0 =	vld [tilespmem:s9+$0xFFFFFFE0]  }
0x239: {  	v1 =	vld [tilespmem:s13+$0xFFFFFFE0];
	_ =	sdelay $0x4  }
0x23a: {  	v0 =	vadd.f32 v1, v0;
	_ =	sdelay $0x1  }
0x23b: {  	[tilespmem:s9+$0xFFFFFFE0] =	vst v0;
	v0 =	vld [tilespmem:s9+$0xFFFFFFF0]  }
0x23c: {  	v1 =	vld [tilespmem:s13+$0xFFFFFFF0];
	_ =	sdelay $0x4  }
0x23d: {  	v0 =	vadd.f32 v1, v0;
	_ =	sdelay $0x1  }
0x23e: {  	[tilespmem:s9+$0xFFFFFFF0] =	vst v0;
	v0 =	vld [tilespmem:s9+$0x0]  }
0x23f: {  	v1 =	vld [tilespmem:s13+$0x0];
	_ =	sdelay $0x4  }
0x240: {  	v0 =	vadd.f32 v1, v0;
	_ =	sdelay $0x1  }
0x241: {  	[tilespmem:s9+$0x0] =	vst v0;
	v0 =	vld [tilespmem:s9+$0x10]  }
0x242: {  	v1 =	vld [tilespmem:s13+$0x10];
	_ =	sdelay $0x4  }
0x243: {  	v0 =	vadd.f32 v1, v0;
	_ =	sdelay $0x1  }
0x244: {  	[tilespmem:s9+$0x10] =	vst v0;
	v0 =	vld [tilespmem:s9+$0x20]  }
0x245: {  	v1 =	vld [tilespmem:s13+$0x20];
	_ =	sdelay $0x4  }
0x246: {  	v0 =	vadd.f32 v1, v0;
	_ =	sdelay $0x1  }
0x247: {  	[tilespmem:s9+$0x20] =	vst v0;
	v0 =	vld [tilespmem:s9+$0x30]  }
0x248: {  	v1 =	vld [tilespmem:s13+$0x30];
	_ =	sdelay $0x4  }
0x249: {  	v0 =	vadd.f32 v1, v0;
	_ =	sdelay $0x1  }
0x24a: {  	[tilespmem:s9+$0x30] =	vst v0;
	v0 =	vld [tilespmem:s9+$0x40]  }
0x24b: {  	v1 =	vld [tilespmem:s13+$0x40];
	_ =	sdelay $0x4  }
0x24c: {  	v0 =	vadd.f32 v1, v0;
	_ =	sdelay $0x1  }
0x24d: {  	[tilespmem:s9+$0x40] =	vst v0;
	v0 =	vld [tilespmem:s9+$0x50]  }
0x24e: {  	v1 =	vld [tilespmem:s13+$0x50];
	_ =	sdelay $0x4  }
0x24f: {  	v0 =	vadd.f32 v1, v0;
	_ =	sdelay $0x1  }
0x250: {  	[tilespmem:s9+$0x50] =	vst v0;
	v0 =	vld [tilespmem:s9+$0x60]  }
0x251: {  	v1 =	vld [tilespmem:s13+$0x60];
	_ =	sdelay $0x4  }
0x252: {  	v0 =	vadd.f32 v1, v0;
	_ =	sdelay $0x1  }
0x253: {  	[tilespmem:s9+$0x60] =	vst v0;
	v0 =	vld [tilespmem:s9+$0x70]  }
0x254: {  	v1 =	vld [tilespmem:s13+$0x70];
	_ =	sdelay $0x4  }
0x255: {  	v0 =	vadd.f32 v1, v0  }
0x256: {  	s14 =	simm.s32 $0x0;
	s15 =	simm.s32 $0x1A80  }
.LBB2_14:
0x257: {  	v1 =	vld [tilespmem:s15+$0xFFFFFF80];
	[tilespmem:s9+$0x70] =	vst v0;
	s13 =	sadd.s32 $0x100, s13;
	s9 =	smov.u32 s15  }
0x258: {  	s14 =	sadd.s32 $0x4, s14;
	v0 =	vld [tilespmem:s13+$0xFFFFFF80]  }
0x259: {  	p0 =	slt.u32 s14, $0x7C;
	_ =	sdelay $0x3  }
0x25a: {  	v0 =	vadd.f32 v0, v1;
	_ =	sdelay $0x1  }
0x25b: {  	[tilespmem:s15+$0xFFFFFF80] =	vst v0;
	v0 =	vld [tilespmem:s15+$0xFFFFFF90]  }
0x25c: {  	v1 =	vld [tilespmem:s13+$0xFFFFFF90];
	_ =	sdelay $0x4  }
0x25d: {  	v0 =	vadd.f32 v1, v0;
	_ =	sdelay $0x1  }
0x25e: {  	[tilespmem:s15+$0xFFFFFF90] =	vst v0;
	v0 =	vld [tilespmem:s15+$0xFFFFFFA0]  }
0x25f: {  	v1 =	vld [tilespmem:s13+$0xFFFFFFA0];
	_ =	sdelay $0x4  }
0x260: {  	v0 =	vadd.f32 v1, v0;
	_ =	sdelay $0x1  }
0x261: {  	[tilespmem:s15+$0xFFFFFFA0] =	vst v0;
	v0 =	vld [tilespmem:s15+$0xFFFFFFB0]  }
0x262: {  	v1 =	vld [tilespmem:s13+$0xFFFFFFB0];
	_ =	sdelay $0x4  }
0x263: {  	v0 =	vadd.f32 v1, v0;
	_ =	sdelay $0x1  }
0x264: {  	[tilespmem:s15+$0xFFFFFFB0] =	vst v0;
	v0 =	vld [tilespmem:s15+$0xFFFFFFC0]  }
0x265: {  	v1 =	vld [tilespmem:s13+$0xFFFFFFC0];
	_ =	sdelay $0x4  }
0x266: {  	v0 =	vadd.f32 v1, v0;
	_ =	sdelay $0x1  }
0x267: {  	[tilespmem:s15+$0xFFFFFFC0] =	vst v0;
	v0 =	vld [tilespmem:s15+$0xFFFFFFD0]  }
0x268: {  	v1 =	vld [tilespmem:s13+$0xFFFFFFD0];
	_ =	sdelay $0x4  }
0x269: {  	v0 =	vadd.f32 v1, v0;
	_ =	sdelay $0x1  }
0x26a: {  	[tilespmem:s15+$0xFFFFFFD0] =	vst v0;
	v0 =	vld [tilespmem:s15+$0xFFFFFFE0]  }
0x26b: {  	v1 =	vld [tilespmem:s13+$0xFFFFFFE0];
	_ =	sdelay $0x4  }
0x26c: {  	v0 =	vadd.f32 v1, v0;
	_ =	sdelay $0x1  }
0x26d: {  	[tilespmem:s15+$0xFFFFFFE0] =	vst v0;
	v0 =	vld [tilespmem:s15+$0xFFFFFFF0]  }
0x26e: {  	v1 =	vld [tilespmem:s13+$0xFFFFFFF0];
	_ =	sdelay $0x4  }
0x26f: {  	v0 =	vadd.f32 v1, v0;
	_ =	sdelay $0x1  }
0x270: {  	[tilespmem:s15+$0xFFFFFFF0] =	vst v0;
	v0 =	vld [tilespmem:s15+$0x0]  }
0x271: {  	v1 =	vld [tilespmem:s13+$0x0];
	_ =	sdelay $0x4  }
0x272: {  	v0 =	vadd.f32 v1, v0;
	_ =	sdelay $0x1  }
0x273: {  	[tilespmem:s15+$0x0] =	vst v0;
	v0 =	vld [tilespmem:s15+$0x10]  }
0x274: {  	v1 =	vld [tilespmem:s13+$0x10];
	_ =	sdelay $0x4  }
0x275: {  	v0 =	vadd.f32 v1, v0;
	_ =	sdelay $0x1  }
0x276: {  	[tilespmem:s15+$0x10] =	vst v0;
	v0 =	vld [tilespmem:s15+$0x20]  }
0x277: {  	v1 =	vld [tilespmem:s13+$0x20];
	_ =	sdelay $0x4  }
0x278: {  	v0 =	vadd.f32 v1, v0;
	_ =	sdelay $0x1  }
0x279: {  	[tilespmem:s15+$0x20] =	vst v0;
	v0 =	vld [tilespmem:s15+$0x30]  }
0x27a: {  	v1 =	vld [tilespmem:s13+$0x30];
	_ =	sdelay $0x4  }
0x27b: {  	v0 =	vadd.f32 v1, v0;
	_ =	sdelay $0x1  }
0x27c: {  	[tilespmem:s15+$0x30] =	vst v0;
	v0 =	vld [tilespmem:s15+$0x40]  }
0x27d: {  	v1 =	vld [tilespmem:s13+$0x40];
	_ =	sdelay $0x4  }
0x27e: {  	v0 =	vadd.f32 v1, v0;
	_ =	sdelay $0x1  }
0x27f: {  	[tilespmem:s15+$0x40] =	vst v0;
	v0 =	vld [tilespmem:s15+$0x50]  }
0x280: {  	v1 =	vld [tilespmem:s13+$0x50];
	_ =	sdelay $0x4  }
0x281: {  	v0 =	vadd.f32 v1, v0;
	_ =	sdelay $0x1  }
0x282: {  	[tilespmem:s15+$0x50] =	vst v0;
	v0 =	vld [tilespmem:s15+$0x60]  }
0x283: {  	v1 =	vld [tilespmem:s13+$0x60];
	_ =	sdelay $0x4  }
0x284: {  	v0 =	vadd.f32 v1, v0;
	_ =	sdelay $0x1  }
0x285: {  	[tilespmem:s15+$0x60] =	vst v0;
	v0 =	vld [tilespmem:s15+$0x70]  }
0x286: {  	v1 =	vld [tilespmem:s13+$0x70];
	_ =	sdelay $0x1  }
.Ltmp6:
0x287: {  	(pc) =	sbr.rel @p0 .LBB2_14-.Ltmp6, $3  }
0x288: {  	_ =	sdelay $0x1  }
0x289: {  	v0 =	vadd.f32 v1, v0  }
0x28a: {  	s15 =	sadd.s32 $0x100, s15  }
0x28b: {  	[tilespmem:s9+$0x70] =	vst v0;
	s25 =	rddreg [dreg:$0xd]  }
0x28c: {  	[hbm4b:s25+s3] =	stream.linear.scatter [tilespmem:s28], [sflag:$0xB], $0x2000, $0x38;
	[tilespmem:$0x15900] =	vst v63  }
0x28d: {  	_ =	swait.ge [sflag:s12], $0x2000  }
0x28e: {  	[sflag:s12] =	ssyncset.done $0x0  }
0x28f: {  	[sflag:s12] =	ssyncadd.s32 $0xFFFFE000  }
0x290: {  	_ =	swait.ge [sflag:s17], $0x2000  }
0x291: {  	[sflag:s17] =	ssyncset.done $0x0  }
0x292: {  	[sflag:s17] =	ssyncadd.s32 $0xFFFFE000  }
0x293: {  	_ =	swait.ge [sflag:s18], $0x2000  }
0x294: {  	[sflag:s18] =	ssyncset.done $0x0  }
0x295: {  	s9 =	simm.s32 $0x39F0;
	[sflag:s18] =	ssyncadd.s32 $0xFFFFE000  }
0x296: {  	s13 =	simm.s32 $0xD9F0;
	v0 =	vld [tilespmem:s9+$0xFFFFFF10]  }
0x297: {  	v1 =	vld [tilespmem:s13+$0xFFFFFF10];
	_ =	sdelay $0x4  }
0x298: {  	v0 =	vadd.f32 v1, v0;
	_ =	sdelay $0x1  }
0x299: {  	[tilespmem:s9+$0xFFFFFF10] =	vst v0;
	v0 =	vld [tilespmem:s9+$0xFFFFFF20]  }
0x29a: {  	v1 =	vld [tilespmem:s13+$0xFFFFFF20];
	_ =	sdelay $0x4  }
0x29b: {  	v0 =	vadd.f32 v1, v0;
	_ =	sdelay $0x1  }
0x29c: {  	[tilespmem:s9+$0xFFFFFF20] =	vst v0;
	v0 =	vld [tilespmem:s9+$0xFFFFFF30]  }
0x29d: {  	v1 =	vld [tilespmem:s13+$0xFFFFFF30];
	_ =	sdelay $0x4  }
0x29e: {  	v0 =	vadd.f32 v1, v0;
	_ =	sdelay $0x1  }
0x29f: {  	[tilespmem:s9+$0xFFFFFF30] =	vst v0;
	v0 =	vld [tilespmem:s9+$0xFFFFFF40]  }
0x2a0: {  	v1 =	vld [tilespmem:s13+$0xFFFFFF40];
	_ =	sdelay $0x4  }
0x2a1: {  	v0 =	vadd.f32 v1, v0;
	_ =	sdelay $0x1  }
0x2a2: {  	[tilespmem:s9+$0xFFFFFF40] =	vst v0;
	v0 =	vld [tilespmem:s9+$0xFFFFFF50]  }
0x2a3: {  	v1 =	vld [tilespmem:s13+$0xFFFFFF50];
	_ =	sdelay $0x4  }
0x2a4: {  	v0 =	vadd.f32 v1, v0;
	_ =	sdelay $0x1  }
0x2a5: {  	[tilespmem:s9+$0xFFFFFF50] =	vst v0;
	v0 =	vld [tilespmem:s9+$0xFFFFFF60]  }
0x2a6: {  	v1 =	vld [tilespmem:s13+$0xFFFFFF60];
	_ =	sdelay $0x4  }
0x2a7: {  	v0 =	vadd.f32 v1, v0;
	_ =	sdelay $0x1  }
0x2a8: {  	[tilespmem:s9+$0xFFFFFF60] =	vst v0;
	v0 =	vld [tilespmem:s9+$0xFFFFFF70]  }
0x2a9: {  	v1 =	vld [tilespmem:s13+$0xFFFFFF70];
	_ =	sdelay $0x4  }
0x2aa: {  	v0 =	vadd.f32 v1, v0;
	_ =	sdelay $0x1  }
0x2ab: {  	[tilespmem:s9+$0xFFFFFF70] =	vst v0;
	v0 =	vld [tilespmem:s9+$0xFFFFFF80]  }
0x2ac: {  	v1 =	vld [tilespmem:s13+$0xFFFFFF80];
	_ =	sdelay $0x4  }
0x2ad: {  	v0 =	vadd.f32 v1, v0;
	_ =	sdelay $0x1  }
0x2ae: {  	[tilespmem:s9+$0xFFFFFF80] =	vst v0;
	v0 =	vld [tilespmem:s9+$0xFFFFFF90]  }
0x2af: {  	v1 =	vld [tilespmem:s13+$0xFFFFFF90];
	_ =	sdelay $0x4  }
0x2b0: {  	v0 =	vadd.f32 v1, v0;
	_ =	sdelay $0x1  }
0x2b1: {  	[tilespmem:s9+$0xFFFFFF90] =	vst v0;
	v0 =	vld [tilespmem:s9+$0xFFFFFFA0]  }
0x2b2: {  	v1 =	vld [tilespmem:s13+$0xFFFFFFA0];
	_ =	sdelay $0x4  }
0x2b3: {  	v0 =	vadd.f32 v1, v0;
	_ =	sdelay $0x1  }
0x2b4: {  	[tilespmem:s9+$0xFFFFFFA0] =	vst v0;
	v0 =	vld [tilespmem:s9+$0xFFFFFFB0]  }
0x2b5: {  	v1 =	vld [tilespmem:s13+$0xFFFFFFB0];
	_ =	sdelay $0x4  }
0x2b6: {  	v0 =	vadd.f32 v1, v0;
	_ =	sdelay $0x1  }
0x2b7: {  	[tilespmem:s9+$0xFFFFFFB0] =	vst v0;
	v0 =	vld [tilespmem:s9+$0xFFFFFFC0]  }
0x2b8: {  	v1 =	vld [tilespmem:s13+$0xFFFFFFC0];
	_ =	sdelay $0x4  }
0x2b9: {  	v0 =	vadd.f32 v1, v0;
	_ =	sdelay $0x1  }
0x2ba: {  	[tilespmem:s9+$0xFFFFFFC0] =	vst v0;
	v0 =	vld [tilespmem:s9+$0xFFFFFFD0]  }
0x2bb: {  	v1 =	vld [tilespmem:s13+$0xFFFFFFD0];
	_ =	sdelay $0x4  }
0x2bc: {  	v0 =	vadd.f32 v1, v0;
	_ =	sdelay $0x1  }
0x2bd: {  	[tilespmem:s9+$0xFFFFFFD0] =	vst v0;
	v0 =	vld [tilespmem:s9+$0xFFFFFFE0]  }
0x2be: {  	v1 =	vld [tilespmem:s13+$0xFFFFFFE0];
	_ =	sdelay $0x4  }
0x2bf: {  	v0 =	vadd.f32 v1, v0;
	_ =	sdelay $0x1  }
0x2c0: {  	[tilespmem:s9+$0xFFFFFFE0] =	vst v0;
	v0 =	vld [tilespmem:s9+$0xFFFFFFF0]  }
0x2c1: {  	v1 =	vld [tilespmem:s13+$0xFFFFFFF0];
	_ =	sdelay $0x4  }
0x2c2: {  	v0 =	vadd.f32 v1, v0;
	_ =	sdelay $0x1  }
0x2c3: {  	[tilespmem:s9+$0xFFFFFFF0] =	vst v0;
	v0 =	vld [tilespmem:s9+$0x0]  }
0x2c4: {  	v1 =	vld [tilespmem:s13+$0x0];
	_ =	sdelay $0x4  }
0x2c5: {  	v0 =	vadd.f32 v1, v0  }
0x2c6: {  	s14 =	simm.s32 $0x0;
	s15 =	simm.s32 $0x3AF0  }
.LBB2_16:
0x2c7: {  	v1 =	vld [tilespmem:s15+$0xFFFFFF10];
	[tilespmem:s9+$0x0] =	vst v0;
	s13 =	sadd.s32 $0x100, s13;
	s9 =	smov.u32 s15  }
0x2c8: {  	s14 =	sadd.s32 $0x4, s14;
	v0 =	vld [tilespmem:s13+$0xFFFFFF10]  }
0x2c9: {  	p0 =	slt.u32 s14, $0x7C;
	_ =	sdelay $0x3  }
0x2ca: {  	v0 =	vadd.f32 v0, v1;
	_ =	sdelay $0x1  }
0x2cb: {  	[tilespmem:s15+$0xFFFFFF10] =	vst v0;
	v0 =	vld [tilespmem:s15+$0xFFFFFF20]  }
0x2cc: {  	v1 =	vld [tilespmem:s13+$0xFFFFFF20];
	_ =	sdelay $0x4  }
0x2cd: {  	v0 =	vadd.f32 v1, v0;
	_ =	sdelay $0x1  }
0x2ce: {  	[tilespmem:s15+$0xFFFFFF20] =	vst v0;
	v0 =	vld [tilespmem:s15+$0xFFFFFF30]  }
0x2cf: {  	v1 =	vld [tilespmem:s13+$0xFFFFFF30];
	_ =	sdelay $0x4  }
0x2d0: {  	v0 =	vadd.f32 v1, v0;
	_ =	sdelay $0x1  }
0x2d1: {  	[tilespmem:s15+$0xFFFFFF30] =	vst v0;
	v0 =	vld [tilespmem:s15+$0xFFFFFF40]  }
0x2d2: {  	v1 =	vld [tilespmem:s13+$0xFFFFFF40];
	_ =	sdelay $0x4  }
0x2d3: {  	v0 =	vadd.f32 v1, v0;
	_ =	sdelay $0x1  }
0x2d4: {  	[tilespmem:s15+$0xFFFFFF40] =	vst v0;
	v0 =	vld [tilespmem:s15+$0xFFFFFF50]  }
0x2d5: {  	v1 =	vld [tilespmem:s13+$0xFFFFFF50];
	_ =	sdelay $0x4  }
0x2d6: {  	v0 =	vadd.f32 v1, v0;
	_ =	sdelay $0x1  }
0x2d7: {  	[tilespmem:s15+$0xFFFFFF50] =	vst v0;
	v0 =	vld [tilespmem:s15+$0xFFFFFF60]  }
0x2d8: {  	v1 =	vld [tilespmem:s13+$0xFFFFFF60];
	_ =	sdelay $0x4  }
0x2d9: {  	v0 =	vadd.f32 v1, v0;
	_ =	sdelay $0x1  }
0x2da: {  	[tilespmem:s15+$0xFFFFFF60] =	vst v0;
	v0 =	vld [tilespmem:s15+$0xFFFFFF70]  }
0x2db: {  	v1 =	vld [tilespmem:s13+$0xFFFFFF70];
	_ =	sdelay $0x4  }
0x2dc: {  	v0 =	vadd.f32 v1, v0;
	_ =	sdelay $0x1  }
0x2dd: {  	[tilespmem:s15+$0xFFFFFF70] =	vst v0;
	v0 =	vld [tilespmem:s15+$0xFFFFFF80]  }
0x2de: {  	v1 =	vld [tilespmem:s13+$0xFFFFFF80];
	_ =	sdelay $0x4  }
0x2df: {  	v0 =	vadd.f32 v1, v0;
	_ =	sdelay $0x1  }
0x2e0: {  	[tilespmem:s15+$0xFFFFFF80] =	vst v0;
	v0 =	vld [tilespmem:s15+$0xFFFFFF90]  }
0x2e1: {  	v1 =	vld [tilespmem:s13+$0xFFFFFF90];
	_ =	sdelay $0x4  }
0x2e2: {  	v0 =	vadd.f32 v1, v0;
	_ =	sdelay $0x1  }
0x2e3: {  	[tilespmem:s15+$0xFFFFFF90] =	vst v0;
	v0 =	vld [tilespmem:s15+$0xFFFFFFA0]  }
0x2e4: {  	v1 =	vld [tilespmem:s13+$0xFFFFFFA0];
	_ =	sdelay $0x4  }
0x2e5: {  	v0 =	vadd.f32 v1, v0;
	_ =	sdelay $0x1  }
0x2e6: {  	[tilespmem:s15+$0xFFFFFFA0] =	vst v0;
	v0 =	vld [tilespmem:s15+$0xFFFFFFB0]  }
0x2e7: {  	v1 =	vld [tilespmem:s13+$0xFFFFFFB0];
	_ =	sdelay $0x4  }
0x2e8: {  	v0 =	vadd.f32 v1, v0;
	_ =	sdelay $0x1  }
0x2e9: {  	[tilespmem:s15+$0xFFFFFFB0] =	vst v0;
	v0 =	vld [tilespmem:s15+$0xFFFFFFC0]  }
0x2ea: {  	v1 =	vld [tilespmem:s13+$0xFFFFFFC0];
	_ =	sdelay $0x4  }
0x2eb: {  	v0 =	vadd.f32 v1, v0;
	_ =	sdelay $0x1  }
0x2ec: {  	[tilespmem:s15+$0xFFFFFFC0] =	vst v0;
	v0 =	vld [tilespmem:s15+$0xFFFFFFD0]  }
0x2ed: {  	v1 =	vld [tilespmem:s13+$0xFFFFFFD0];
	_ =	sdelay $0x4  }
0x2ee: {  	v0 =	vadd.f32 v1, v0;
	_ =	sdelay $0x1  }
0x2ef: {  	[tilespmem:s15+$0xFFFFFFD0] =	vst v0;
	v0 =	vld [tilespmem:s15+$0xFFFFFFE0]  }
0x2f0: {  	v1 =	vld [tilespmem:s13+$0xFFFFFFE0];
	_ =	sdelay $0x4  }
0x2f1: {  	v0 =	vadd.f32 v1, v0;
	_ =	sdelay $0x1  }
0x2f2: {  	[tilespmem:s15+$0xFFFFFFE0] =	vst v0;
	v0 =	vld [tilespmem:s15+$0xFFFFFFF0]  }
0x2f3: {  	v1 =	vld [tilespmem:s13+$0xFFFFFFF0];
	_ =	sdelay $0x4  }
0x2f4: {  	v0 =	vadd.f32 v1, v0;
	_ =	sdelay $0x1  }
0x2f5: {  	[tilespmem:s15+$0xFFFFFFF0] =	vst v0;
	v0 =	vld [tilespmem:s15+$0x0]  }
0x2f6: {  	v1 =	vld [tilespmem:s13+$0x0];
	_ =	sdelay $0x1  }
.Ltmp7:
0x2f7: {  	(pc) =	sbr.rel @p0 .LBB2_16-.Ltmp7, $3  }
0x2f8: {  	_ =	sdelay $0x1  }
0x2f9: {  	v0 =	vadd.f32 v1, v0  }
0x2fa: {  	s15 =	sadd.s32 $0x100, s15  }
0x2fb: {  	[tilespmem:s9+$0x0] =	vst v0;
	s25 =	simm.s32 $0x0;
	s13 =	rddreg [dreg:$0xe]  }
0x2fc: {  	[hbm4b:s13+s25] =	stream.linear.scatter [tilespmem:s31], [sflag:$0xC], $0x2000, $0x38;
	[tilespmem:$0x15900] =	vst v63  }
0x2fd: {  	_ =	swait.ge [sflag:s19], $0x2000  }
0x2fe: {  	[sflag:s19] =	ssyncset.done $0x0  }
0x2ff: {  	[sflag:s19] =	ssyncadd.s32 $0xFFFFE000  }
0x300: {  	_ =	swait.ge [sflag:s20], $0x2000  }
0x301: {  	[sflag:s20] =	ssyncset.done $0x0  }
0x302: {  	[sflag:s20] =	ssyncadd.s32 $0xFFFFE000  }
0x303: {  	_ =	swait.ge [sflag:s21], $0x2000  }
0x304: {  	[sflag:s21] =	ssyncset.done $0x0  }
0x305: {  	s9 =	simm.s32 $0x0;
	[sflag:s21] =	ssyncadd.s32 $0xFFFFE000  }
0x306: {  	v8 =	vld [tilespmem:s9+$0xF900]  }
0x307: {  	v4 =	vld [tilespmem:s9+$0xF9F0]  }
0x308: {  	v5 =	vld [tilespmem:s9+$0x59F0]  }
0x309: {  	v0 =	vld [tilespmem:s9+$0xF9E0]  }
0x30a: {  	v1 =	vld [tilespmem:s9+$0x59D0]  }
0x30b: {  	v2 =	vld [tilespmem:s9+$0xF9D0]  }
0x30c: {  	v3 =	vld [tilespmem:s9+$0x59C0]  }
0x30d: {  	v9 =	vld [tilespmem:s9+$0xF9B0]  }
0x30e: {  	v11 =	vld [tilespmem:s9+$0x59B0]  }
0x30f: {  	v12 =	vld [tilespmem:s9+$0x5900]  }
0x310: {  	v6 =	vld [tilespmem:s9+$0xF990]  }
0x311: {  	v10 =	vld [tilespmem:s9+$0x5990]  }
0x312: {  	v7 =	vld [tilespmem:s9+$0xF980]  }
0x313: {  	v13 =	vld [tilespmem:s9+$0x5980]  }
0x314: {  	v14 =	vld [tilespmem:s9+$0x5970]  }
0x315: {  	v15 =	vld [tilespmem:s9+$0x5950]  }
0x316: {  	v16 =	vld [tilespmem:s9+$0xF960]  }
0x317: {  	v17 =	vld [tilespmem:s9+$0xF950]  }
0x318: {  	v18 =	vld [tilespmem:s9+$0x5960];
	v5 =	vadd.f32 v4, v5  }
0x319: {  	v19 =	vld [tilespmem:s9+$0xF940]  }
0x31a: {  	[tilespmem:s9+$0x59F0] =	vst v5;
	v5 =	vld [tilespmem:s9+$0xF970]  }
0x31b: {  	v20 =	vld [tilespmem:s9+$0x5940]  }
0x31c: {  	v4 =	vld [tilespmem:s9+$0x59A0];
	v13 =	vadd.f32 v7, v13  }
0x31d: {  	v7 =	vld [tilespmem:s9+$0xF930]  }
0x31e: {  	v12 =	vadd.f32 v8, v12;
	v8 =	vld [tilespmem:s9+$0xF9A0];
	[tilespmem:s9+$0x5980] =	vst v13;
	v13 =	vadd.f32 v6, v10  }
0x31f: {  	v63 =	vadd.f32 v9, v11;
	v11 =	vld [tilespmem:s9+$0x5910];
	v14 =	vadd.f32 v5, v14  }
0x320: {  	v10 =	vld [tilespmem:s9+$0x5930];
	[tilespmem:s9+$0x5990] =	vst v13  }
0x321: {  	v13 =	vld [tilespmem:s9+$0xF9C0];
	[tilespmem:s9+$0x5970] =	vst v14;
	v14 =	vadd.f32 v16, v18  }
0x322: {  	v6 =	vld [tilespmem:s9+$0xF910];
	[tilespmem:s9+$0x5900] =	vst v12  }
0x323: {  	v12 =	vld [tilespmem:s9+$0x59E0];
	[tilespmem:s9+$0x5960] =	vst v14;
	v14 =	vadd.f32 v19, v20  }
0x324: {  	s14 =	simm.s32 $0x400;
	s13 =	simm.s32 $0x0;
	v9 =	vadd.f32 v17, v15;
	[tilespmem:s9+$0x59B0] =	vst v63;
	v5 =	vld [tilespmem:s9+$0xF920]  }
.LBB2_18:
0x325: {  	s15 =	sshra.s32 s14, $0x2;
	s13 =	sadd.s32 $0x4, s13;
	v15 =	vld [tilespmem:s9+$0x5920];
	v7 =	vadd.f32 v7, v10;
	[tilespmem:s9+$0x5940] =	vst v14  }
0x326: {  	v1 =	vadd.f32 v2, v1;
	v14 =	vld [tilespmem:s15+$0xF900];
	p0 =	slt.u32 s13, $0x7C;
	v3 =	vadd.f32 v13, v3  }
0x327: {  	v10 =	vld [tilespmem:s15+$0xF9F0];
	[tilespmem:s9+$0x5930] =	vst v7;
	v4 =	vadd.f32 v8, v4  }
0x328: {  	v7 =	vld [tilespmem:s15+$0x59F0];
	[tilespmem:s9+$0x59C0] =	vst v3;
	v2 =	vadd.f32 v0, v12  }
0x329: {  	v0 =	vld [tilespmem:s15+$0xF9E0];
	v6 =	vadd.f32 v6, v11;
	[tilespmem:s9+$0x59D0] =	vst v1  }
0x32a: {  	v1 =	vld [tilespmem:s15+$0x59D0];
	[tilespmem:s9+$0x59E0] =	vst v2  }
0x32b: {  	v5 =	vadd.f32 v5, v15;
	v2 =	vld [tilespmem:s15+$0xF9D0];
	[tilespmem:s9+$0x5950] =	vst v9  }
0x32c: {  	v3 =	vld [tilespmem:s15+$0x59C0];
	[tilespmem:s9+$0x5910] =	vst v6  }
0x32d: {  	v9 =	vld [tilespmem:s15+$0xF9B0];
	v6 =	vadd.f32 v10, v7;
	[tilespmem:s9+$0x5920] =	vst v5  }
0x32e: {  	v11 =	vld [tilespmem:s15+$0x59B0];
	[tilespmem:s9+$0x59A0] =	vst v4;
	s9 =	smov.u32 s15  }
0x32f: {  	v4 =	vld [tilespmem:s9+$0x59A0];
	[tilespmem:s9+$0x59F0] =	vst v6  }
0x330: {  	v8 =	vld [tilespmem:s9+$0x5900]  }
0x331: {  	v6 =	vld [tilespmem:s9+$0xF990]  }
0x332: {  	v10 =	vld [tilespmem:s9+$0x5990]  }
0x333: {  	v5 =	vld [tilespmem:s9+$0xF980]  }
0x334: {  	v7 =	vld [tilespmem:s9+$0x5980]  }
0x335: {  	v12 =	vld [tilespmem:s9+$0xF970]  }
0x336: {  	v13 =	vld [tilespmem:s9+$0x5970]  }
0x337: {  	v15 =	vld [tilespmem:s9+$0x5950]  }
0x338: {  	v16 =	vld [tilespmem:s9+$0xF960]  }
0x339: {  	v17 =	vld [tilespmem:s9+$0xF950]  }
0x33a: {  	v18 =	vld [tilespmem:s9+$0x5960]  }
0x33b: {  	v19 =	vld [tilespmem:s9+$0xF940];
	v12 =	vadd.f32 v12, v13  }
0x33c: {  	v20 =	vadd.f32 v5, v7;
	v13 =	vld [tilespmem:s9+$0x5940]  }
0x33d: {  	v5 =	vld [tilespmem:s9+$0xF920];
	[tilespmem:s9+$0x5970] =	vst v12  }
0x33e: {  	v12 =	vadd.f32 v6, v10;
	v7 =	vld [tilespmem:s9+$0xF930];
	[tilespmem:s9+$0x5980] =	vst v20  }
0x33f: {  	v10 =	vld [tilespmem:s9+$0x5930];
	v16 =	vadd.f32 v16, v18  }
.Ltmp8:
0x340: {  	v6 =	vld [tilespmem:s9+$0xF910];
	[tilespmem:s9+$0x5990] =	vst v12;
	(pc) =	sbr.rel @p0 .LBB2_18-.Ltmp8, $4  }
0x341: {  	v12 =	vadd.f32 v14, v8;
	v14 =	vadd.f32 v19, v13;
	[tilespmem:s9+$0x5960] =	vst v16;
	v13 =	vld [tilespmem:s9+$0xF9C0]  }
0x342: {  	v16 =	vadd.f32 v9, v11;
	v8 =	vld [tilespmem:s9+$0xF9A0]  }
0x343: {  	[tilespmem:s9+$0x5900] =	vst v12;
	v12 =	vld [tilespmem:s9+$0x59E0]  }
0x344: {  	s14 =	sadd.s32 $0x400, s14;
	v9 =	vadd.f32 v17, v15;
	v11 =	vld [tilespmem:s9+$0x5910];
	[tilespmem:s9+$0x59B0] =	vst v16  }
0x345: {  	v7 =	vadd.f32 v7, v10;
	[tilespmem:s9+$0x5940] =	vst v14  }
0x346: {  	v15 =	vld [tilespmem:s9+$0x5920];
	v1 =	vadd.f32 v2, v1;
	[tilespmem:s9+$0x5950] =	vst v9  }
0x347: {  	v3 =	vadd.f32 v13, v3;
	[tilespmem:s9+$0x5930] =	vst v7  }
0x348: {  	[tilespmem:s9+$0x59D0] =	vst v1;
	v2 =	vadd.f32 v8, v4  }
0x349: {  	[tilespmem:s9+$0x59C0] =	vst v3;
	v0 =	vadd.f32 v0, v12  }
0x34a: {  	v1 =	vadd.f32 v6, v11;
	[tilespmem:s9+$0x59A0] =	vst v2  }
0x34b: {  	[tilespmem:s9+$0x59E0] =	vst v0;
	v0 =	vadd.f32 v5, v15  }
0x34c: {  	[tilespmem:s9+$0x5910] =	vst v1  }
0x34d: {  	s25 =	simm.s32 $0x0;
	s13 =	rddreg [dreg:$0xf];
	[tilespmem:s9+$0x5920] =	vst v0  }
0x34e: {  	[hbm4b:s13+s25] =	stream.linear.scatter [tilespmem:s30], [sflag:$0xD], $0x2000, $0x38;
	[tilespmem:$0x15900] =	vst v63  }
0x34f: {  	_ =	swait.ge [sflag:s22], $0x2000  }
0x350: {  	[sflag:s22] =	ssyncset.done $0x0  }
0x351: {  	[sflag:s22] =	ssyncadd.s32 $0xFFFFE000  }
0x352: {  	_ =	swait.ge [sflag:s7], $0x2000  }
0x353: {  	[sflag:s7] =	ssyncset.done $0x0  }
0x354: {  	[sflag:s7] =	ssyncadd.s32 $0xFFFFE000  }
0x355: {  	_ =	swait.ge [sflag:s23], $0x2000  }
0x356: {  	[sflag:s23] =	ssyncset.done $0x0  }
0x357: {  	s9 =	simm.s32 $0x0;
	[sflag:s23] =	ssyncadd.s32 $0xFFFFE000  }
0x358: {  	v8 =	vld [tilespmem:s9+$0x11900]  }
0x359: {  	v4 =	vld [tilespmem:s9+$0x119F0]  }
0x35a: {  	v5 =	vld [tilespmem:s9+$0x79F0]  }
0x35b: {  	v0 =	vld [tilespmem:s9+$0x119E0]  }
0x35c: {  	v1 =	vld [tilespmem:s9+$0x79D0]  }
0x35d: {  	v2 =	vld [tilespmem:s9+$0x119D0]  }
0x35e: {  	v3 =	vld [tilespmem:s9+$0x79C0]  }
0x35f: {  	v9 =	vld [tilespmem:s9+$0x119B0]  }
0x360: {  	v11 =	vld [tilespmem:s9+$0x79B0]  }
0x361: {  	v12 =	vld [tilespmem:s9+$0x7900]  }
0x362: {  	v6 =	vld [tilespmem:s9+$0x11990]  }
0x363: {  	v10 =	vld [tilespmem:s9+$0x7990]  }
0x364: {  	v7 =	vld [tilespmem:s9+$0x11980]  }
0x365: {  	v13 =	vld [tilespmem:s9+$0x7980]  }
0x366: {  	v14 =	vld [tilespmem:s9+$0x7970]  }
0x367: {  	v15 =	vld [tilespmem:s9+$0x7950]  }
0x368: {  	v16 =	vld [tilespmem:s9+$0x11960]  }
0x369: {  	v17 =	vld [tilespmem:s9+$0x11950]  }
0x36a: {  	v18 =	vld [tilespmem:s9+$0x7960];
	v5 =	vadd.f32 v4, v5  }
0x36b: {  	v19 =	vld [tilespmem:s9+$0x11940]  }
0x36c: {  	[tilespmem:s9+$0x79F0] =	vst v5;
	v5 =	vld [tilespmem:s9+$0x11970]  }
0x36d: {  	v20 =	vld [tilespmem:s9+$0x7940]  }
0x36e: {  	v4 =	vld [tilespmem:s9+$0x79A0];
	v13 =	vadd.f32 v7, v13  }
0x36f: {  	v7 =	vld [tilespmem:s9+$0x11930]  }
0x370: {  	v12 =	vadd.f32 v8, v12;
	v8 =	vld [tilespmem:s9+$0x119A0];
	[tilespmem:s9+$0x7980] =	vst v13;
	v13 =	vadd.f32 v6, v10  }
0x371: {  	v63 =	vadd.f32 v9, v11;
	v11 =	vld [tilespmem:s9+$0x7910];
	v14 =	vadd.f32 v5, v14  }
0x372: {  	v10 =	vld [tilespmem:s9+$0x7930];
	[tilespmem:s9+$0x7990] =	vst v13  }
0x373: {  	v13 =	vld [tilespmem:s9+$0x119C0];
	[tilespmem:s9+$0x7970] =	vst v14;
	v14 =	vadd.f32 v16, v18  }
0x374: {  	v6 =	vld [tilespmem:s9+$0x11910];
	[tilespmem:s9+$0x7900] =	vst v12  }
0x375: {  	v12 =	vld [tilespmem:s9+$0x79E0];
	[tilespmem:s9+$0x7960] =	vst v14;
	v14 =	vadd.f32 v19, v20  }
0x376: {  	s14 =	simm.s32 $0x400;
	s13 =	simm.s32 $0x0;
	v9 =	vadd.f32 v17, v15;
	[tilespmem:s9+$0x79B0] =	vst v63;
	v5 =	vld [tilespmem:s9+$0x11920]  }
.LBB2_20:
0x377: {  	s15 =	sshra.s32 s14, $0x2;
	s13 =	sadd.s32 $0x4, s13;
	v15 =	vld [tilespmem:s9+$0x7920];
	v7 =	vadd.f32 v7, v10;
	[tilespmem:s9+$0x7940] =	vst v14  }
0x378: {  	v1 =	vadd.f32 v2, v1;
	v14 =	vld [tilespmem:s15+$0x11900];
	p0 =	slt.u32 s13, $0x7C;
	v3 =	vadd.f32 v13, v3  }
0x379: {  	v10 =	vld [tilespmem:s15+$0x119F0];
	[tilespmem:s9+$0x7930] =	vst v7;
	v4 =	vadd.f32 v8, v4  }
0x37a: {  	v7 =	vld [tilespmem:s15+$0x79F0];
	[tilespmem:s9+$0x79C0] =	vst v3;
	v2 =	vadd.f32 v0, v12  }
0x37b: {  	v0 =	vld [tilespmem:s15+$0x119E0];
	v6 =	vadd.f32 v6, v11;
	[tilespmem:s9+$0x79D0] =	vst v1  }
0x37c: {  	v1 =	vld [tilespmem:s15+$0x79D0];
	[tilespmem:s9+$0x79E0] =	vst v2  }
0x37d: {  	v5 =	vadd.f32 v5, v15;
	v2 =	vld [tilespmem:s15+$0x119D0];
	[tilespmem:s9+$0x7950] =	vst v9  }
0x37e: {  	v3 =	vld [tilespmem:s15+$0x79C0];
	[tilespmem:s9+$0x7910] =	vst v6  }
0x37f: {  	v9 =	vld [tilespmem:s15+$0x119B0];
	v6 =	vadd.f32 v10, v7;
	[tilespmem:s9+$0x7920] =	vst v5  }
0x380: {  	v11 =	vld [tilespmem:s15+$0x79B0];
	[tilespmem:s9+$0x79A0] =	vst v4;
	s9 =	smov.u32 s15  }
0x381: {  	v4 =	vld [tilespmem:s9+$0x79A0];
	[tilespmem:s9+$0x79F0] =	vst v6  }
0x382: {  	v8 =	vld [tilespmem:s9+$0x7900]  }
0x383: {  	v6 =	vld [tilespmem:s9+$0x11990]  }
0x384: {  	v10 =	vld [tilespmem:s9+$0x7990]  }
0x385: {  	v5 =	vld [tilespmem:s9+$0x11980]  }
0x386: {  	v7 =	vld [tilespmem:s9+$0x7980]  }
0x387: {  	v12 =	vld [tilespmem:s9+$0x11970]  }
0x388: {  	v13 =	vld [tilespmem:s9+$0x7970]  }
0x389: {  	v15 =	vld [tilespmem:s9+$0x7950]  }
0x38a: {  	v16 =	vld [tilespmem:s9+$0x11960]  }
0x38b: {  	v17 =	vld [tilespmem:s9+$0x11950]  }
0x38c: {  	v18 =	vld [tilespmem:s9+$0x7960]  }
0x38d: {  	v19 =	vld [tilespmem:s9+$0x11940];
	v12 =	vadd.f32 v12, v13  }
0x38e: {  	v20 =	vadd.f32 v5, v7;
	v13 =	vld [tilespmem:s9+$0x7940]  }
0x38f: {  	v5 =	vld [tilespmem:s9+$0x11920];
	[tilespmem:s9+$0x7970] =	vst v12  }
0x390: {  	v12 =	vadd.f32 v6, v10;
	v7 =	vld [tilespmem:s9+$0x11930];
	[tilespmem:s9+$0x7980] =	vst v20  }
0x391: {  	v10 =	vld [tilespmem:s9+$0x7930];
	v16 =	vadd.f32 v16, v18  }
.Ltmp9:
0x392: {  	v6 =	vld [tilespmem:s9+$0x11910];
	[tilespmem:s9+$0x7990] =	vst v12;
	(pc) =	sbr.rel @p0 .LBB2_20-.Ltmp9, $4  }
0x393: {  	v12 =	vadd.f32 v14, v8;
	v14 =	vadd.f32 v19, v13;
	[tilespmem:s9+$0x7960] =	vst v16;
	v13 =	vld [tilespmem:s9+$0x119C0]  }
0x394: {  	v16 =	vadd.f32 v9, v11;
	v8 =	vld [tilespmem:s9+$0x119A0]  }
0x395: {  	[tilespmem:s9+$0x7900] =	vst v12;
	v12 =	vld [tilespmem:s9+$0x79E0]  }
0x396: {  	s14 =	sadd.s32 $0x400, s14;
	v9 =	vadd.f32 v17, v15;
	v11 =	vld [tilespmem:s9+$0x7910];
	[tilespmem:s9+$0x79B0] =	vst v16  }
0x397: {  	v7 =	vadd.f32 v7, v10;
	[tilespmem:s9+$0x7940] =	vst v14  }
0x398: {  	v15 =	vld [tilespmem:s9+$0x7920];
	v1 =	vadd.f32 v2, v1;
	[tilespmem:s9+$0x7950] =	vst v9  }
0x399: {  	v3 =	vadd.f32 v13, v3;
	[tilespmem:s9+$0x7930] =	vst v7  }
0x39a: {  	[tilespmem:s9+$0x79D0] =	vst v1;
	v2 =	vadd.f32 v8, v4  }
0x39b: {  	[tilespmem:s9+$0x79C0] =	vst v3;
	v0 =	vadd.f32 v0, v12  }
0x39c: {  	v1 =	vadd.f32 v6, v11;
	[tilespmem:s9+$0x79A0] =	vst v2  }
0x39d: {  	[tilespmem:s9+$0x79E0] =	vst v0;
	v0 =	vadd.f32 v5, v15  }
0x39e: {  	[tilespmem:s9+$0x7910] =	vst v1  }
0x39f: {  	s25 =	simm.s32 $0x0;
	s13 =	rddreg [dreg:$0x10];
	[tilespmem:s9+$0x7920] =	vst v0  }
0x3a0: {  	[hbm4b:s13+s25] =	stream.linear.scatter [tilespmem:s8], [sflag:$0xE], $0x2000, $0x38;
	[tilespmem:$0x15900] =	vst v63  }
0x3a1: {  	_ =	swait.ge [sflag:s26], $0x2000  }
0x3a2: {  	[sflag:s26] =	ssyncset.done $0x0  }
0x3a3: {  	[sflag:s26] =	ssyncadd.s32 $0xFFFFE000  }
0x3a4: {  	_ =	swait.ge [sflag:s29], $0x2000  }
0x3a5: {  	[sflag:s29] =	ssyncset.done $0x0  }
0x3a6: {  	[sflag:s29] =	ssyncadd.s32 $0xFFFFE000  }
0x3a7: {  	_ =	swait.ge [sflag:s1], $0x2000  }
0x3a8: {  	[sflag:s1] =	ssyncset.done $0x0  }
0x3a9: {  	s9 =	simm.s32 $0x0;
	[sflag:s1] =	ssyncadd.s32 $0xFFFFE000  }
0x3aa: {  	v8 =	vld [tilespmem:s9+$0x13900]  }
0x3ab: {  	v4 =	vld [tilespmem:s9+$0x139F0]  }
0x3ac: {  	v5 =	vld [tilespmem:s9+$0x99F0]  }
0x3ad: {  	v0 =	vld [tilespmem:s9+$0x139E0]  }
0x3ae: {  	v1 =	vld [tilespmem:s9+$0x99D0]  }
0x3af: {  	v2 =	vld [tilespmem:s9+$0x139D0]  }
0x3b0: {  	v3 =	vld [tilespmem:s9+$0x99C0]  }
0x3b1: {  	v9 =	vld [tilespmem:s9+$0x139B0]  }
0x3b2: {  	v11 =	vld [tilespmem:s9+$0x99B0]  }
0x3b3: {  	v12 =	vld [tilespmem:s9+$0x9900]  }
0x3b4: {  	v6 =	vld [tilespmem:s9+$0x13990]  }
0x3b5: {  	v10 =	vld [tilespmem:s9+$0x9990]  }
0x3b6: {  	v7 =	vld [tilespmem:s9+$0x13980]  }
0x3b7: {  	v13 =	vld [tilespmem:s9+$0x9980]  }
0x3b8: {  	v14 =	vld [tilespmem:s9+$0x9970]  }
0x3b9: {  	v15 =	vld [tilespmem:s9+$0x9950]  }
0x3ba: {  	v16 =	vld [tilespmem:s9+$0x13960]  }
0x3bb: {  	v17 =	vld [tilespmem:s9+$0x13950]  }
0x3bc: {  	v18 =	vld [tilespmem:s9+$0x9960];
	v5 =	vadd.f32 v4, v5  }
0x3bd: {  	v19 =	vld [tilespmem:s9+$0x13940]  }
0x3be: {  	[tilespmem:s9+$0x99F0] =	vst v5;
	v5 =	vld [tilespmem:s9+$0x13970]  }
0x3bf: {  	v20 =	vld [tilespmem:s9+$0x9940]  }
0x3c0: {  	v4 =	vld [tilespmem:s9+$0x99A0];
	v13 =	vadd.f32 v7, v13  }
0x3c1: {  	v7 =	vld [tilespmem:s9+$0x13930]  }
0x3c2: {  	v12 =	vadd.f32 v8, v12;
	v8 =	vld [tilespmem:s9+$0x139A0];
	[tilespmem:s9+$0x9980] =	vst v13;
	v13 =	vadd.f32 v6, v10  }
0x3c3: {  	v63 =	vadd.f32 v9, v11;
	v11 =	vld [tilespmem:s9+$0x9910];
	v14 =	vadd.f32 v5, v14  }
0x3c4: {  	v10 =	vld [tilespmem:s9+$0x9930];
	[tilespmem:s9+$0x9990] =	vst v13  }
0x3c5: {  	v13 =	vld [tilespmem:s9+$0x139C0];
	[tilespmem:s9+$0x9970] =	vst v14;
	v14 =	vadd.f32 v16, v18  }
0x3c6: {  	v6 =	vld [tilespmem:s9+$0x13910];
	[tilespmem:s9+$0x9900] =	vst v12  }
0x3c7: {  	v12 =	vld [tilespmem:s9+$0x99E0];
	[tilespmem:s9+$0x9960] =	vst v14;
	v14 =	vadd.f32 v19, v20  }
0x3c8: {  	s14 =	simm.s32 $0x400;
	s13 =	simm.s32 $0x0;
	v9 =	vadd.f32 v17, v15;
	[tilespmem:s9+$0x99B0] =	vst v63;
	v5 =	vld [tilespmem:s9+$0x13920]  }
.LBB2_22:
0x3c9: {  	s15 =	sshra.s32 s14, $0x2;
	s13 =	sadd.s32 $0x4, s13;
	v15 =	vld [tilespmem:s9+$0x9920];
	v7 =	vadd.f32 v7, v10;
	[tilespmem:s9+$0x9940] =	vst v14  }
0x3ca: {  	v1 =	vadd.f32 v2, v1;
	v14 =	vld [tilespmem:s15+$0x13900];
	p0 =	slt.u32 s13, $0x7C;
	v3 =	vadd.f32 v13, v3  }
0x3cb: {  	v10 =	vld [tilespmem:s15+$0x139F0];
	[tilespmem:s9+$0x9930] =	vst v7;
	v4 =	vadd.f32 v8, v4  }
0x3cc: {  	v7 =	vld [tilespmem:s15+$0x99F0];
	[tilespmem:s9+$0x99C0] =	vst v3;
	v2 =	vadd.f32 v0, v12  }
0x3cd: {  	v0 =	vld [tilespmem:s15+$0x139E0];
	v6 =	vadd.f32 v6, v11;
	[tilespmem:s9+$0x99D0] =	vst v1  }
0x3ce: {  	v1 =	vld [tilespmem:s15+$0x99D0];
	[tilespmem:s9+$0x99E0] =	vst v2  }
0x3cf: {  	v5 =	vadd.f32 v5, v15;
	v2 =	vld [tilespmem:s15+$0x139D0];
	[tilespmem:s9+$0x9950] =	vst v9  }
0x3d0: {  	v3 =	vld [tilespmem:s15+$0x99C0];
	[tilespmem:s9+$0x9910] =	vst v6  }
0x3d1: {  	v9 =	vld [tilespmem:s15+$0x139B0];
	v6 =	vadd.f32 v10, v7;
	[tilespmem:s9+$0x9920] =	vst v5  }
0x3d2: {  	v11 =	vld [tilespmem:s15+$0x99B0];
	[tilespmem:s9+$0x99A0] =	vst v4;
	s9 =	smov.u32 s15  }
0x3d3: {  	v4 =	vld [tilespmem:s9+$0x99A0];
	[tilespmem:s9+$0x99F0] =	vst v6  }
0x3d4: {  	v8 =	vld [tilespmem:s9+$0x9900]  }
0x3d5: {  	v6 =	vld [tilespmem:s9+$0x13990]  }
0x3d6: {  	v10 =	vld [tilespmem:s9+$0x9990]  }
0x3d7: {  	v5 =	vld [tilespmem:s9+$0x13980]  }
0x3d8: {  	v7 =	vld [tilespmem:s9+$0x9980]  }
0x3d9: {  	v12 =	vld [tilespmem:s9+$0x13970]  }
0x3da: {  	v13 =	vld [tilespmem:s9+$0x9970]  }
0x3db: {  	v15 =	vld [tilespmem:s9+$0x9950]  }
0x3dc: {  	v16 =	vld [tilespmem:s9+$0x13960]  }
0x3dd: {  	v17 =	vld [tilespmem:s9+$0x13950]  }
0x3de: {  	v18 =	vld [tilespmem:s9+$0x9960]  }
0x3df: {  	v19 =	vld [tilespmem:s9+$0x13940];
	v12 =	vadd.f32 v12, v13  }
0x3e0: {  	v20 =	vadd.f32 v5, v7;
	v13 =	vld [tilespmem:s9+$0x9940]  }
0x3e1: {  	v5 =	vld [tilespmem:s9+$0x13920];
	[tilespmem:s9+$0x9970] =	vst v12  }
0x3e2: {  	v12 =	vadd.f32 v6, v10;
	v7 =	vld [tilespmem:s9+$0x13930];
	[tilespmem:s9+$0x9980] =	vst v20  }
0x3e3: {  	v10 =	vld [tilespmem:s9+$0x9930];
	v16 =	vadd.f32 v16, v18  }
.Ltmp10:
0x3e4: {  	v6 =	vld [tilespmem:s9+$0x13910];
	[tilespmem:s9+$0x9990] =	vst v12;
	(pc) =	sbr.rel @p0 .LBB2_22-.Ltmp10, $4  }
0x3e5: {  	v12 =	vadd.f32 v14, v8;
	v14 =	vadd.f32 v19, v13;
	[tilespmem:s9+$0x9960] =	vst v16;
	v13 =	vld [tilespmem:s9+$0x139C0]  }
0x3e6: {  	v16 =	vadd.f32 v9, v11;
	v8 =	vld [tilespmem:s9+$0x139A0]  }
0x3e7: {  	[tilespmem:s9+$0x9900] =	vst v12;
	v12 =	vld [tilespmem:s9+$0x99E0]  }
0x3e8: {  	s14 =	sadd.s32 $0x400, s14;
	v9 =	vadd.f32 v17, v15;
	v11 =	vld [tilespmem:s9+$0x9910];
	[tilespmem:s9+$0x99B0] =	vst v16  }
0x3e9: {  	v7 =	vadd.f32 v7, v10;
	[tilespmem:s9+$0x9940] =	vst v14  }
0x3ea: {  	v15 =	vld [tilespmem:s9+$0x9920];
	v1 =	vadd.f32 v2, v1;
	[tilespmem:s9+$0x9950] =	vst v9  }
0x3eb: {  	v3 =	vadd.f32 v13, v3;
	[tilespmem:s9+$0x9930] =	vst v7  }
0x3ec: {  	[tilespmem:s9+$0x99D0] =	vst v1;
	v63 =	vadd.f32 v8, v4  }
0x3ed: {  	[tilespmem:s9+$0x99C0] =	vst v3;
	v0 =	vadd.f32 v0, v12  }
0x3ee: {  	v61 =	vadd.f32 v6, v11;
	[tilespmem:s9+$0x99A0] =	vst v63  }
0x3ef: {  	[tilespmem:s9+$0x99E0] =	vst v0;
	v62 =	vadd.f32 v5, v15  }
0x3f0: {  	[tilespmem:s9+$0x9910] =	vst v61  }
0x3f1: {  	s15 =	rddreg [dreg:$0x11];
	[tilespmem:s9+$0x9920] =	vst v62  }
0x3f2: {  	[hbm4b:s15+s3] =	stream.linear.scatter [tilespmem:s16], [sflag:$0xF], $0x2000, $0x38;
	[tilespmem:$0x15900] =	vst v63  }
0x3f3: {  	_ =	swait.ge [sflag:s0], $0x2000  }
0x3f4: {  	s13 =	rddreg [dreg:$0x13]  }
0x3f5: {  	s25 =	rddreg [dreg:$0x12];
	s13 =	sadd.s32 $0x1, s13  }
0x3f6: {  	p0 =	sne.s32 s13, s25  }
.Ltmp11:
0x3f7: {  	_ = 	snop;
	(pc) =	sbr.rel @p0 .LBB2_1-.Ltmp11, $3  }
0x3f8: {  	_ =	sdelay $0x1  }
0x3f9: {  	[sflag:s0] =	ssyncset.done $0x0  }
0x3fa: {  	[sflag:s0] =	ssyncadd.s32 $0xFFFFE000  }
0x3fb: {  	_ =	sfence.sel $0x180000  }
0x3fc: {  	[bflag:$0x0] =	sbarrier.arrive $0xFFFF  }
0x3fd: {  	_ =	strace $0x90000047  }
0x3fe: {  	s0 =	stileid.u32;
	[bflag:$0x2] =	sbarrier.arrive $0xFFFF  }
0x3ff: {  	p0 =	sne.s32 s0, $0x0;
	s0 =	rddreg [dreg:$0x2]  }
0x400: {  	s0 =	sadd.s32 @!p0 $0x100000, s0  }
0x401: {  	[sflag:s0] =	ssyncadd.tile.s32 @!p0 $0x1;
	_ =	shalt  }
.Lfunc_end2:
_tile_overlayer_lowered:
.L_overlay_start_2:
0x402: {  	(tag) =	ssettag $0x2  }
0x403: {  	s0 =	rddreg [dreg:$0x0];
	s2 =	stileid.u32  }
0x404: {  	s1 =	rddreg [dreg:$0x1];
	p0 =	sne.s32 s2, $0x0  }
0x405: {  	s3 =	rddreg [dreg:$0x2];
	[bflag:$0x3] =	sbarrier.arrive $0xFFFF;
	s2 =	simm.s32 @!p0 $0x1C10  }
0x406: {  	[timem:s3], [sflag:s2] =	dma.local @!p0 [hbm:s0], s1  }
0x407: {  	s0 =	simm.s32 @!p0 $0x10  }
0x408: {  	_ =	swait.ge @!p0 [sflag:s0], s1  }
0x409: {  	s1 =	ssub.s32 @!p0 $0x0, s1;
	[sflag:s0] =	ssyncset.done @!p0 $0x0  }
0x40a: {  	[sflag:s0] =	ssyncadd.s32 @!p0 s1  }
0x40b: {  	[bflag:$0x3] =	sbarrier.arrive $0xFFFF  }
0x40c: {  	_ =	shalt  }

// kernel: sparse-core-data-format-call.cloned.1.call-start
scs
called_computation_lowered:
.L_overlay_start_0:
0x0: {  	s2 =	sld [smem:$0x3FD9]  }
0x1: {  	s3 =	sld [smem:$0x3FFE];
	_ =	sdelay $0x1  }
0x2: {  	s1 =	srdreg.scid  }
0x3: {  	s0 =	sand.u32 $0x1, s1  }
0x4: {  	s18 =	sshll.u32 s0, $0xA;
	s2 =	sadd.s32 s3, s2  }
0x5: {  	s2 =	sadd.s32 s2, s18  }
0x6: {  	[smem:$0x3FC6] =	sst s2  }
0x7: {  	_ = 	snop  }
0x8: {  	s2 =	sld [smem:$0x3FD0];
	(tm) =	ssettm $0x1  }
0x9: {  	s19 =	sld [smem:$0x3FFB];
	_ =	sdelay $0x3  }
0xa: {  	_ =	strace s19  }
0xb: {  	s3 =	sld [smem:$0x3FFC];
	_ =	sdelay $0x3  }
0xc: {  	_ =	strace s3  }
0xd: {  	s3 =	sld [smem:$0x3FFD];
	_ =	sdelay $0x3  }
0xe: {  	_ =	strace s3  }
0xf: {  	_ =	strace $0x8FFFFFFF  }
0x10: {  	s20 =	sld [smem:$0x3FDB];
	_ =	sdelay $0x1  }
0x11: {  	s4 =	simm.s32 $_scs_section_size  }
0x12: {  	s5 =	simm.s32 $_size__tile_overlayer_lowered;
	s6 =	simm.s32 $_tile_overlayer_lowered  }
0x13: {  	s23 =	simm.s32 $0x1BFF;
	s22 =	sshll.u32 s6, $0x1;
	s3 =	sadd.s32 s4, s20  }
0x14: {  	s7 =	simm.s32 $0x0;
	s21 =	sshll.u32 s5, $0x1;
	s5 =	sadd.s32 s22, s3  }
0x15: {  	[timem:s7], [sflag:s23] =	dma.local [hbm:s5], s21  }
0x16: {  	_ =	swait.ge [sflag:s23], s21  }
0x17: {  	s4 =	ssub.s32 $0x0, s21;
	[sflag:s23] =	ssyncset.done $0x0  }
0x18: {  	[sflag:s23] =	ssyncadd.s32 s4;
	_ =	sdelay $0x1  }
0x19: {  	s24 =	simm.s32 $0x1B8B  }
0x1a: {  	_ =	swait.ge [sflag:s24], $0x1  }
0x1b: {  	[sflag:s24] =	ssyncset.done $0x0  }
0x1c: {  	s26 =	simm.s32 $0x1B8E;
	s25 =	sld [smem:$0x3FFE];
	[sflag:s24] =	ssyncadd.s32 $0xFFFFFFFF  }
0x1d: {  	s27 =	simm.s32 $execute0_lowered;
	[smem:$0x3FD2] =	sst s26  }
0x1e: {  	s5 =	sshll.u32 s27, $0x1;
	_ =	strace $0x80000049;
	[dreg:$0x1] =	wrdreg $0xFFFFFFFF  }
0x1f: {  	s28 =	simm.s32 $_size_execute0_lowered;
	s3 =	sadd.s32 s3, s5;
	[dreg:$0x0] =	wrdreg $0x0  }
0x20: {  	s5 =	sshll.u32 s28, $0x1;
	[dreg:$0x2] =	wrdreg s3  }
0x21: {  	[dreg:$0x3] =	wrdreg s5  }
0x22: {  	[dreg:$0x4] =	wrdreg $0xC0  }
0x23: {  	_ =	task [dreg:s7], $0x5FFFF  }
0x24: {  	[dreg:$0x1] =	wrdreg $0xFFFFFFFF  }
0x25: {  	[dreg:$0x0] =	wrdreg $0x60  }
0x26: {  	[dreg:$0x2] =	wrdreg s25  }
0x27: {  	[dreg:$0x3] =	wrdreg s2  }
0x28: {  	[dreg:$0x4] =	wrdreg $0x9  }
0x29: {  	_ =	task.clear_ibuf [dreg:s7], $0x5FFFF;
	_ =	strace $0x90000049  }
0x2a: {  	s29 =	simm.s32 $0x9;
	_ =	strace $0x8000004B  }
0x2b: {  	_ =	swait.ge [sflag:s29], $0x1  }
0x2c: {  	[sflag:s29] =	ssyncadd.s32 $0xFFFFFFFF  }
0x2d: {  	_ =	strace $0x9000004B  }
0x2e: {  	_ =	sfence  }
0x2f: {  	s30 =	sld [smem:$0x0];
	_ =	sdelay $0x2  }
0x30: {  	s31 =	sshll.u32 s1, $0xD;
	s1 =	sshrl.u32 s1, $0x2  }
0x31: {  	s3 =	sand.u32 $0x4000, s31;
	s1 =	sadd.s32 s1, s30  }
0x32: {  	s0 =	sor.u32 s3, s0;
	s1 =	sshll.u32 s1, $0x11  }
0x33: {  	s0 =	sor.u32 s1, s0  }
0x34: {  	s0 =	sadd.s32 $0x8F2B, s0  }
0x35: {  	[sflag:s0] =	ssyncadd.remote.s32 $0x1  }
0x36: {  	_ =	sfence.sel $0xFFFF  }
0x37: {  	[dreg:$0x0] =	wrdreg $0xFFFFFFFF;
	(pc) =	sbr.abs _section_cstart, $3  }
0x38: {  	[dreg:$0x1] =	wrdreg $0xFFFFFFFF  }
0x39: {  	_ =	task.clear_ibuf [dreg:s7], $0x2FFFF;
	_ =	strace $0x9FFFFFFF  }
0x3a: {  	(tm) =	ssettm $0x7FFFFFFF  }
0x3b: {  	_ =	shalt  }
tec
execute0_lowered:
.L_overlay_start_1:
0x0: {  	(tag) =	ssettag $0x1  }
0x1: {  	s0 =	stileid.u32;
	s6 =	rddreg [dreg:$0x0]  }
0x2: {  	s2 =	rddreg [dreg:$0x1];
	s5 =	srdreg.scid  }
0x3: {  	s31 =	simm.s32 $0x2;
	s13 =	simm.s32 $0x0;
	s1 =	sshll.u32 s0, $0x7  }
0x4: {  	s14 =	simm.s32 $0x0;
	s12 =	simm.s32 $0x0;
	s3 =	sand.u32 $0x380, s1  }
0x5: {  	s5 =	sshll.u32 s5, $0x4;
	s6 =	sadd.s32 $0x196E00, s6;
	s4 =	ssub.s32 $0x400, s3  }
0x6: {  	s1 =	rddreg [dreg:$0x2];
	_ =	strace $0x8000004A;
	s7 =	sand.u32 $0x380, s4  }
0x7: {  	s5 =	sand.u32 $0x10, s5;
	p0 =	sne.s32 s7, $0x0;
	s7 =	simm.s32 $0x1  }
.Ltmp0:
0x8: {  	s8 =	sshrl.u32 s4, $0xA;
	s7 =	simm.s32 @!p0 $0x0;
	(pc) =	sbr.rel .LBB1_1-.Ltmp0, $4  }
0x9: {  	s9 =	sor.u32 s0, s5;
	s4 =	simm.s32 $0x1;
	s30 =	sadd.s32 s7, s8  }
0xa: {  	s11 =	smov.u32 s3;
	[sflag:s4] =	ssyncpa.u1 $0x0;
	s5 =	smul.u32 $0x32, s30  }
0xb: {  	[sflag:s31] =	ssyncpa.u1 $0x0;
	p0 =	por $0x0, $0x0;
	s7 =	sshrl.u32 s9, $0x3  }
0xc: {  	s9 =	simm.s32 $0x2000;
	s10 =	smov.u32 s7;
	s8 =	sor.u32 $0x1, s5  }
.LBB1_4:
0xd: {  	s17 =	sand.u32 $0x1F80, s14;
	s13 =	sshll.u32 s13, $0xD  }
0xe: {  	[tilespmem:s16+$0x810 ss:$0x81] =	vst.msk $0xffff, v2;
	s18 =	sshrl.u32 s14, $0x3;
	s31 =	sand.u32 $0x7, s14;
	s17 =	sadd.s32 s2, s17  }
0xf: {  	[tilespmem:s16+$0x1020 ss:$0x81] =	vst.msk $0xffff, v0;
	s18 =	sand.u32 $0xF, s18;
	s14 =	sshll.u32 s31, $0x12;
	s13 =	sadd.s32 s13, s17  }
0x10: {  	[tilespmem:s16+$0x0 ss:$0x81] =	vst.msk $0xffff, v1;
	s14 =	sor.u32 $0x400, s14;
	s13 =	sadd.s32 s18, s13  }
0x11: {  	[hbm4b:s13+s14] =	stream.strided.scatter [tilespmem:s15], [sflag:$0x2], $0x2000, s9, s14, $0x20;
	[tilespmem:$0x8080] =	vst v63  }
.LBB1_5:
0x12: {  	s15 =	sadd.s32 $0x4, s10  }
0x13: {  	s13 =	sadd.s32 $0x400, s11;
	s17 =	smov.u32 s11;
	p2 =	sgt.s32 s15, $0xC7  }
0x14: {  	s17 =	smov.u32 @p2 s13  }
0x15: {  	s15 =	smov.u32 @p2 s7;
	p2 =	sgt.s32 s17, $0x3FF  }
0x16: {  	s17 =	smov.u32 @p2 s3;
	p2 =	sne.s32 s12, s8  }
.Ltmp1:
0x17: {  	p1 =	slt.u32 s12, $0x2;
	(pc) =	sbr.rel @!p2 .LBB1_6-.Ltmp1, $4  }
0x18: {  	s16 =	simm.s32 @!p1 $0x2  }
0x19: {  	s14 =	smov.u32 s11;
	p0 =	por !p0, !p0;
	_ =	swait.ge @!p1 [sflag:s16], $0x2000  }
0x1a: {  	s13 =	smov.u32 s10;
	[sflag:s16] =	ssyncset.done @!p1 $0x0;
	s10 =	smov.u32 s15  }
0x1b: {  	s12 =	sadd.s32 $0x1, s12;
	[sflag:s16] =	ssyncadd.s32 @!p1 $0xFFFFE000;
	s11 =	smov.u32 s17  }
.LBB1_1:
0x1c: {  	p1 =	sge.u32 s12, s5  }
0x1d: {  	s15 =	sand.u32 @!p1 $0x1FFFFFF, s10  }
0x1e: {  	s16 =	smulhi.u32 @!p1 $0x147AE15, s15;
	_ =	sdelay $0x1  }
0x1f: {  	s16 =	smul.u32 @!p1 $0xC8, s16  }
0x20: {  	s17 =	sxor.u32 @!p1 $0xFFFFFFFF, s12;
	s18 =	smul.u32 @!p1 $0xC80, s11  }
0x21: {  	s31 =	sadd.s32 $0xFFFFFFFF, s12;
	s17 =	sshll.u32 @!p1 s17, $0xD;
	s15 =	ssub.s32 @!p1 s15, s16  }
0x22: {  	s16 =	sand.u32 @!p1 $0x2000, s17;
	s17 =	sadd.s32 @!p1 s6, s18;
	s15 =	sshll.u32 @!p1 s15, $0x4  }
0x23: {  	s18 =	simm.s32 @!p1 $0x6400;
	s15 =	sadd.s32 @!p1 s15, s17;
	s17 =	simm.s32 @!p1 $0x40  }
0x24: {  	[tilespmem:s16], [sflag:$0x1] =	stream.strided.gather @!p1 [hbm4b:s15+s17], $0x2000, s18, s17, $0x38;
	[tilespmem:$0x8080] =	vst v63  }
0x25: {  	p1 =	sge.u32 s31, s5  }
.Ltmp2:
0x26: {  	_ = 	snop;
	(pc) =	sbr.rel @p1 .LBB1_5-.Ltmp2, $1  }
0x27: {  	_ =	sdelay $0x3  }
0x28: {  	s15 =	simm.s32 $0x1  }
0x29: {  	_ =	swait.ge [sflag:s4], $0x2000;
	s15 =	simm.s32 @!p0 $0x0  }
0x2a: {  	[sflag:s4] =	ssyncset.done $0x0;
	s16 =	sshll.u32 s15, $0xD  }
0x2b: {  	[sflag:s4] =	ssyncadd.s32 $0xFFFFE000;
	s19 =	sor.u32 $0x20, s16  }
0x2c: {  	s15 =	smul.u32 $0x8100, s15;
	v3 =	vld [tilespmem:s19+$0x10]  }
0x2d: {  	s30 =	sand.u32 $0x1, s12;
	v2 =	vld [tilespmem:s19+$0xFFFFFFF0]  }
0x2e: {  	s16 =	smul.u32 $0x8100, s30;
	s15 =	sshrl.u32 s15, $0x2;
	v0 =	vld [tilespmem:s19+$0x0]  }
0x2f: {  	v1 =	vld [tilespmem:s19+$0xFFFFFFE0];
	s17 =	sor.u32 $0x4000, s15  }
0x30: {  	s31 =	sshrl.u32 s16, $0x2;
	s16 =	sadd.s32 $0x0, s17  }
0x31: {  	s18 =	simm.s32 $0x4;
	s19 =	sadd.s32 $0x40, s19;
	s15 =	sor.u32 $0x4000, s31;
	[tilespmem:s16+$0x1830 ss:$0x81] =	vst.msk $0xffff, v3  }
.LBB1_3:
0x32: {  	v3 =	vld [tilespmem:s19+$0x10];
	p1 =	sne.s32 s18, $0x1FC;
	[tilespmem:s16+$0x810 ss:$0x81] =	vst.msk $0xffff, v2;
	s20 =	smov.u32 s18;
	s18 =	sadd.s32 $0x4, s18  }
.Ltmp3:
0x33: {  	v2 =	vld [tilespmem:s19+$0xFFFFFFF0];
	[tilespmem:s16+$0x1020 ss:$0x81] =	vst.msk $0xffff, v0;
	(pc) =	sbr.rel @p1 .LBB1_3-.Ltmp3, $4  }
0x34: {  	v0 =	vld [tilespmem:s19+$0x0];
	[tilespmem:s16+$0x0 ss:$0x81] =	vst.msk $0xffff, v1  }
0x35: {  	s16 =	sshra.s32 s20, $0x2;
	v1 =	vld [tilespmem:s19+$0xFFFFFFE0]  }
0x36: {  	s16 =	sadd.s32 s16, s17  }
0x37: {  	s19 =	sadd.s32 $0x40, s19;
	[tilespmem:s16+$0x1830 ss:$0x81] =	vst.msk $0xffff, v3  }
.Ltmp4:
0x38: {  	_ = 	snop;
	(pc) =	sbr.rel .LBB1_4-.Ltmp4, $1  }
0x39: {  	_ =	sdelay $0x3  }
.LBB1_6:
0x3a: {  	_ =	sfence.sel $0x180000  }
0x3b: {  	s2 =	simm.s32 $0x1;
	[bflag:$0x0] =	sbarrier.arrive $0xFFFF  }
0x3c: {  	s31 =	simm.s32 $0x2;
	[sflag:s2] =	ssyncpa.u1 $0x1  }
0x3d: {  	[sflag:s31] =	ssyncpa.u1 $0x1  }
0x3e: {  	p0 =	sne.s32 s0, $0x0;
	_ =	strace $0x9000004A  }
0x3f: {  	s0 =	sadd.s32 @!p0 $0x100000, s1;
	[bflag:$0x2] =	sbarrier.arrive $0xFFFF  }
0x40: {  	[sflag:s0] =	ssyncadd.tile.s32 @!p0 $0x1;
	_ =	shalt  }
.Lfunc_end1:
_tile_overlayer_lowered:
.L_overlay_start_2:
0x41: {  	(tag) =	ssettag $0x2  }
0x42: {  	s0 =	rddreg [dreg:$0x0];
	s2 =	stileid.u32  }
0x43: {  	s1 =	rddreg [dreg:$0x1];
	p0 =	sne.s32 s2, $0x0  }
0x44: {  	s3 =	rddreg [dreg:$0x2];
	[bflag:$0x3] =	sbarrier.arrive $0xFFFF;
	s2 =	simm.s32 @!p0 $0x1C01  }
0x45: {  	[timem:s3], [sflag:s2] =	dma.local @!p0 [hbm:s0], s1  }
0x46: {  	s0 =	simm.s32 @!p0 $0x1  }
0x47: {  	_ =	swait.ge @!p0 [sflag:s0], s1  }
0x48: {  	s1 =	ssub.s32 @!p0 $0x0, s1;
	[sflag:s0] =	ssyncset.done @!p0 $0x0  }
0x49: {  	[sflag:s0] =	ssyncadd.s32 @!p0 s1  }
0x4a: {  	[bflag:$0x3] =	sbarrier.arrive $0xFFFF  }
0x4b: {  	_ =	shalt  }

</sc_bundles>
